<compile_context>
chip_gen: v7x
topology: tpu7x:2x2x1
jax: 0.10.2.dev20260603
libtpu: 0.0.44.dev20260713+nightly
codegen_flags: <defaults>
</compile_context>

<pallas_src>
import functools

import jax
import jax.numpy as jnp
from jax import lax
from jax.experimental import pallas as pl
from jax.experimental.pallas import tpu as pltpu
from jax.experimental.pallas import tpu_sc as plsc

VOCAB = 1000000
D = 32
SCALE = D ** 0.5

NC = 2
NS = 16
NW = NC * NS

N_BATCH = 16384
N_SLOT = 50
C = 128
N_PER_W = N_BATCH // NW
CPS = N_PER_W // C
CHUNKS = N_SLOT * CPS

TB = 64
NBLK = VOCAB // TB
BLK_BASE = NBLK // NW
BLK_REM = NBLK - BLK_BASE * NW


DNB = 4


def _detile_body(tt_hbm, out_hbm, *rest):
    in_b = rest[0:DNB]
    rm_b = rest[DNB:2 * DNB]
    s_in = rest[2 * DNB:3 * DNB]
    s_out = rest[3 * DNB:4 * DNB]

    wid = lax.axis_index("s") * NC + lax.axis_index("c")
    start = wid * BLK_BASE + jnp.minimum(wid, BLK_REM)
    count = BLK_BASE + (wid < BLK_REM).astype(jnp.int32)
    lanes = lax.iota(jnp.int32, 16)

    def issue_in(blk, p):
        n0 = blk * TB
        for k in range(4):
            pltpu.make_async_copy(
                tt_hbm.at[pl.ds(8 * k, 8), pl.ds(n0, TB)],
                in_b[p].at[pl.ds(8 * k, 8), pl.ds(0, TB)], s_in[p]).start()

    def wait_in(p):
        for k in range(4):
            pltpu.make_async_copy(
                tt_hbm.at[pl.ds(0, 8), pl.ds(0, TB)],
                in_b[p].at[pl.ds(8 * k, 8), pl.ds(0, TB)], s_in[p]).wait()

    def out_desc(blk, p):
        return pltpu.make_async_copy(
            rm_b[p], out_hbm.at[pl.ds(blk * TB * D, TB * D)], s_out[p])

    for p in range(DNB):
        @pl.when(p < count)
        def _prime():
            issue_in(start + p, p)

    def blk_fn(i, carry):
        for p in range(DNB):
            idx = i * DNB + p

            @pl.when(idx < count)
            def _do():
                blk = start + idx
                wait_in(p)

                @pl.when(idx >= DNB)
                def _wait_out():
                    out_desc(blk, p).wait()

                def g_fn(g, carry2):
                    perm = (lanes + g) & 15
                    for f0 in range(0, D, 16):
                        for bt in range(TB // 16):
                            tvec = bt * 16 + lanes
                            fvec = f0 + perm
                            v = plsc.load_gather(in_b[p], [fvec, tvec])
                            plsc.store_scatter(
                                rm_b[p], [tvec * D + fvec], v * SCALE)
                    return carry2

                lax.fori_loop(0, 16, g_fn, 0, unroll=2)

                out_desc(blk, p).start()

                @pl.when(idx + DNB < count)
                def _refill():
                    issue_in(blk + DNB, p)

        return carry

    lax.fori_loop(0, (BLK_BASE + DNB) // DNB, blk_fn, 0)

    for p in range(DNB):
        @pl.when(count >= DNB - p)
        def _drain():
            out_desc(start, p).wait()


def _body(idx_hbm, table_hbm, out_hbm, idx_v, *rest):
    rows_b = rest[0:CPS]
    trans_b = rest[CPS:2 * CPS]
    sem_in = rest[2 * CPS:3 * CPS]
    sem_out = rest[3 * CPS:4 * CPS]

    wid = lax.axis_index("s") * NC + lax.axis_index("c")
    n_base = wid * N_PER_W
    pltpu.sync_copy(idx_hbm.at[wid], idx_v)

    lanes = lax.iota(jnp.int32, 16)

    for c in range(CPS):
        pltpu.make_async_copy(
            table_hbm.at[idx_v.at[c]], rows_b[c], sem_in[c]).start()

    def slot_fn(s, carry):
        for c in range(CPS):
            j = s * CPS + c
            pltpu.make_async_copy(
                table_hbm.at[idx_v.at[j]], rows_b[c], sem_in[c]).wait()
            tcol = (n_base + c * C) // C
            out_desc = [
                pltpu.make_async_copy(
                    trans_b[c].at[pl.ds(8 * k, 8), pl.ds(0, C)],
                    out_hbm.at[4 * s + k, tcol], sem_out[c])
                for k in range(4)]

            @pl.when(s > 0)
            def _wait_prev():
                for k in range(4):
                    out_desc[k].wait()

            def row_fn(r, carry2):
                rcol = jnp.full((16,), 0, jnp.int32) + r
                for f0 in range(0, D, 16):
                    v = rows_b[c][r, pl.ds(f0, 16)]
                    plsc.store_scatter(trans_b[c], [lanes + f0, rcol], v)
                return carry2

            lax.fori_loop(0, C, row_fn, 0, unroll=8)

            @pl.when(s + 1 < N_SLOT)
            def _refill():
                jn = jnp.minimum(j + CPS, CHUNKS - 1)
                pltpu.make_async_copy(
                    table_hbm.at[idx_v.at[jn]], rows_b[c], sem_in[c]).start()

            for k in range(4):
                out_desc[k].start()
        return carry

    lax.fori_loop(0, N_SLOT, slot_fn, 0)

    for c in range(CPS):
        for k in range(4):
            pltpu.make_async_copy(
                trans_b[c].at[pl.ds(8 * k, 8), pl.ds(0, C)],
                out_hbm.at[4 * (N_SLOT - 1) + k, (n_base + c * C) // C],
                sem_out[c]).wait()


@functools.partial(jax.jit, static_argnums=())
def _detile(tt):
    mesh = plsc.VectorSubcoreMesh(core_axis_name="c", subcore_axis_name="s")
    scratch = [pltpu.VMEM((D, 2 * TB), jnp.float32) for _ in range(DNB)]
    scratch += [pltpu.VMEM((TB * D,), jnp.float32) for _ in range(DNB)]
    scratch += [pltpu.SemaphoreType.DMA for _ in range(2 * DNB)]
    k = pl.kernel(
        _detile_body,
        out_type=jax.ShapeDtypeStruct((VOCAB * D,), jnp.float32),
        mesh=mesh,
        scratch_types=scratch,
        compiler_params=pltpu.CompilerParams(
            use_tc_tiling_on_sc=True, needs_layout_passes=False),
    )
    return k(tt)


@functools.partial(jax.jit, static_argnums=())
def _lookup(idx, table):
    mesh = plsc.VectorSubcoreMesh(core_axis_name="c", subcore_axis_name="s")
    scratch = [pltpu.VMEM((CHUNKS, C), jnp.int32)]
    scratch += [pltpu.VMEM((C, D), jnp.float32) for _ in range(CPS)]
    scratch += [pltpu.VMEM((D, C + 1), jnp.float32) for _ in range(CPS)]
    scratch += [pltpu.SemaphoreType.DMA for _ in range(2 * CPS)]
    k = pl.kernel(
        _body,
        out_type=jax.ShapeDtypeStruct(
            (N_SLOT * D // 8, N_BATCH // C, 8, C), jnp.float32),
        mesh=mesh,
        scratch_types=scratch,
        compiler_params=pltpu.CompilerParams(
            use_tc_tiling_on_sc=False, needs_layout_passes=False),
    )
    return k(idx, table)


def kernel(inputs, embeddings):
    idx = (inputs.astype(jnp.int32).T
           .reshape(N_SLOT, NW, CPS, C)
           .transpose(1, 0, 2, 3)
           .reshape(NW, CHUNKS, C))
    table = _detile(embeddings.T).reshape(VOCAB, D)
    out = _lookup(idx, table)
    out = out.transpose(0, 2, 1, 3).reshape(N_SLOT, D, N_BATCH)
    return jnp.transpose(out, (2, 0, 1))

# --- scband reference (transcript-rebuilt; emitter-appended) ---
"""Pipeline reference for scband-embedding-721554505829 (READ-ONLY COPY).

The authoritative reference and input builder live on the scoring server;
editing this copy changes nothing except your own understanding.
"""

import jax, jax.numpy as jnp
import numpy as np

VOCAB_SIZE = 1000000
MODEL_DIM = 32

def setup_inputs(seed: int = 0) -> dict:
    key = jax.random.key(seed)
    k1, k2 = jax.random.split(key)
    inputs = jax.random.randint(k1, (16384, 50), 0, VOCAB_SIZE, dtype=jnp.int32)
    # glorot_uniform init for embeddings table
    limit = np.sqrt(6.0 / (VOCAB_SIZE + MODEL_DIM))
    embeddings = jax.random.uniform(k2, (VOCAB_SIZE, MODEL_DIM), dtype=jnp.float32, minval=-limit, maxval=limit)
    return {"inputs": inputs, "embeddings": embeddings}

def reference(inputs, embeddings):
    # cast indices to int32 (as in the keras layer)
    idx = inputs.astype(jnp.int32)
    emb = jnp.take(embeddings, idx, axis=0)
    emb = emb * (MODEL_DIM ** 0.5)
    return emb

if __name__ == "__main__":
    import jax
    _d = setup_inputs()
    print(jax.jit(kernel)(*tuple(_d.values())))

</pallas_src>

<mosaic_0001>
#map = affine_map<(d0, d1) -> (0, 0)>
#map1 = affine_map<(d0, d1) -> (0)>
module attributes {stable_mosaic.version = 14 : i64} {
  func.func @_detile_body(%arg0: i32, %arg1: i32, %arg2: memref<32x1000000xf32, #tpu.memory_space<hbm>>, %arg3: memref<32000000xf32, #tpu.memory_space<hbm>>, %arg4: memref<32x128xf32, #tpu.memory_space<vmem>>, %arg5: memref<32x128xf32, #tpu.memory_space<vmem>>, %arg6: memref<32x128xf32, #tpu.memory_space<vmem>>, %arg7: memref<32x128xf32, #tpu.memory_space<vmem>>, %arg8: memref<2048xf32, #tpu.memory_space<vmem>>, %arg9: memref<2048xf32, #tpu.memory_space<vmem>>, %arg10: memref<2048xf32, #tpu.memory_space<vmem>>, %arg11: memref<2048xf32, #tpu.memory_space<vmem>>, %arg12: memref<!tpu.dma_semaphore, #tpu.memory_space<semaphore_mem>>, %arg13: memref<!tpu.dma_semaphore, #tpu.memory_space<semaphore_mem>>, %arg14: memref<!tpu.dma_semaphore, #tpu.memory_space<semaphore_mem>>, %arg15: memref<!tpu.dma_semaphore, #tpu.memory_space<semaphore_mem>>, %arg16: memref<!tpu.dma_semaphore, #tpu.memory_space<semaphore_mem>>, %arg17: memref<!tpu.dma_semaphore, #tpu.memory_space<semaphore_mem>>, %arg18: memref<!tpu.dma_semaphore, #tpu.memory_space<semaphore_mem>>, %arg19: memref<!tpu.dma_semaphore, #tpu.memory_space<semaphore_mem>>) attributes {dimension_semantics = [#tpu.dimension_semantics<core_parallel>, #tpu.dimension_semantics<subcore_parallel>], iteration_bounds = array<i64: 2, 16>, scalar_prefetch = 0 : i64, scratch_operands = 16 : i64, tpu.core_type = #tpu.core_type<sc_vector_subcore>, window_params = [{transform_indices = #map}, {transform_indices = #map1}]} {
    %mul3A = arith.constant 2 : i32
    %mul3A_0 = arith.muli %arg1, %mul3A : i32
    %add3A = arith.addi %mul3A_0, %arg0 : i32
    %mul3A_1 = arith.constant 488 : i32
    %mul3A_2 = arith.muli %add3A, %mul3A_1 : i32
    %min3A = arith.constant 9 : i32
    %min3A_3 = arith.minsi %add3A, %min3A : i32
    %add3A_4 = arith.addi %mul3A_2, %min3A_3 : i32
    %lt3A = arith.constant 9 : i32
    %lt3A_5 = arith.cmpi slt, %add3A, %lt3A : i32
    %convert_element_type3A = arith.extui %lt3A_5 : i1 to i32
    %add3A_6 = arith.constant 488 : i32
    %add3A_7 = arith.addi %add3A_6, %convert_element_type3A : i32
    %iota3A = tpu.iota {dimensions = array<i32: 0>} : vector<16xi32>
    %gt3A = arith.constant 0 : i32
    %gt3A_8 = arith.cmpi sgt, %add3A_7, %gt3A : i32
    %convert_element_type3A_9 = arith.extui %gt3A_8 : i1 to i32
    %cond3A = arith.constant 0 : i32
    %cond3A_10 = arith.cmpi ne, %convert_element_type3A_9, %cond3A : i32
    scf.if %cond3A_10 {
      %add3A_50 = arith.constant 0 : i32
      %add3A_51 = arith.addi %add3A_4, %add3A_50 : i32
      %mul3A_52 = arith.constant 64 : i32
      %mul3A_53 = arith.muli %add3A_51, %mul3A_52 : i32
      %dma_start3A = arith.constant 0 : i32
      %dma_start3A_54 = arith.constant 0 : i32
      %dma_start3A_55 = tpu.memref_slice %arg4[%dma_start3A, %dma_start3A_54] : memref<32x128xf32, #tpu.memory_space<vmem>> -> memref<8x64xf32, #tpu.memory_space<vmem>>
      %dma_start3A_56 = arith.constant 0 : i32
      %dma_start3A_57 = tpu.memref_slice %arg2[%dma_start3A_56, %mul3A_53] : memref<32x1000000xf32, #tpu.memory_space<hbm>> -> memref<8x64xf32, #tpu.memory_space<hbm>>
      %dma_start3A_58 = arith.constant 0 : i32
      %dma_start3A_59 = arith.constant 0 : i32
      %dma_start3A_60 = tpu.memref_slice %arg4[%dma_start3A_58, %dma_start3A_59] : memref<32x128xf32, #tpu.memory_space<vmem>> -> memref<8x64xf32, #tpu.memory_space<vmem>>
      %dma_start3A_61 = arith.constant 0 : i32
      %dma_start3A_62 = tpu.memref_slice %arg2[%dma_start3A_61, %mul3A_53] : memref<32x1000000xf32, #tpu.memory_space<hbm>> -> memref<8x64xf32, #tpu.memory_space<hbm>>
      tpu.enqueue_dma source(%dma_start3A_62 : memref<8x64xf32, #tpu.memory_space<hbm>>) target(%dma_start3A_60 : memref<8x64xf32, #tpu.memory_space<vmem>>) target_semaphore(%arg12 : memref<!tpu.dma_semaphore, #tpu.memory_space<semaphore_mem>>)
      %dma_start3A_63 = arith.constant 8 : i32
      %dma_start3A_64 = arith.constant 0 : i32
      %dma_start3A_65 = tpu.memref_slice %arg4[%dma_start3A_63, %dma_start3A_64] : memref<32x128xf32, #tpu.memory_space<vmem>> -> memref<8x64xf32, #tpu.memory_space<vmem>>
      %dma_start3A_66 = arith.constant 8 : i32
      %dma_start3A_67 = tpu.memref_slice %arg2[%dma_start3A_66, %mul3A_53] : memref<32x1000000xf32, #tpu.memory_space<hbm>> -> memref<8x64xf32, #tpu.memory_space<hbm>>
      %dma_start3A_68 = arith.constant 8 : i32
      %dma_start3A_69 = arith.constant 0 : i32
      %dma_start3A_70 = tpu.memref_slice %arg4[%dma_start3A_68, %dma_start3A_69] : memref<32x128xf32, #tpu.memory_space<vmem>> -> memref<8x64xf32, #tpu.memory_space<vmem>>
      %dma_start3A_71 = arith.constant 8 : i32
      %dma_start3A_72 = tpu.memref_slice %arg2[%dma_start3A_71, %mul3A_53] : memref<32x1000000xf32, #tpu.memory_space<hbm>> -> memref<8x64xf32, #tpu.memory_space<hbm>>
      tpu.enqueue_dma source(%dma_start3A_72 : memref<8x64xf32, #tpu.memory_space<hbm>>) target(%dma_start3A_70 : memref<8x64xf32, #tpu.memory_space<vmem>>) target_semaphore(%arg12 : memref<!tpu.dma_semaphore, #tpu.memory_space<semaphore_mem>>)
      %dma_start3A_73 = arith.constant 16 : i32
      %dma_start3A_74 = arith.constant 0 : i32
      %dma_start3A_75 = tpu.memref_slice %arg4[%dma_start3A_73, %dma_start3A_74] : memref<32x128xf32, #tpu.memory_space<vmem>> -> memref<8x64xf32, #tpu.memory_space<vmem>>
      %dma_start3A_76 = arith.constant 16 : i32
      %dma_start3A_77 = tpu.memref_slice %arg2[%dma_start3A_76, %mul3A_53] : memref<32x1000000xf32, #tpu.memory_space<hbm>> -> memref<8x64xf32, #tpu.memory_space<hbm>>
      %dma_start3A_78 = arith.constant 16 : i32
      %dma_start3A_79 = arith.constant 0 : i32
      %dma_start3A_80 = tpu.memref_slice %arg4[%dma_start3A_78, %dma_start3A_79] : memref<32x128xf32, #tpu.memory_space<vmem>> -> memref<8x64xf32, #tpu.memory_space<vmem>>
      %dma_start3A_81 = arith.constant 16 : i32
      %dma_start3A_82 = tpu.memref_slice %arg2[%dma_start3A_81, %mul3A_53] : memref<32x1000000xf32, #tpu.memory_space<hbm>> -> memref<8x64xf32, #tpu.memory_space<hbm>>
      tpu.enqueue_dma source(%dma_start3A_82 : memref<8x64xf32, #tpu.memory_space<hbm>>) target(%dma_start3A_80 : memref<8x64xf32, #tpu.memory_space<vmem>>) target_semaphore(%arg12 : memref<!tpu.dma_semaphore, #tpu.memory_space<semaphore_mem>>)
      %dma_start3A_83 = arith.constant 24 : i32
      %dma_start3A_84 = arith.constant 0 : i32
      %dma_start3A_85 = tpu.memref_slice %arg4[%dma_start3A_83, %dma_start3A_84] : memref<32x128xf32, #tpu.memory_space<vmem>> -> memref<8x64xf32, #tpu.memory_space<vmem>>
      %dma_start3A_86 = arith.constant 24 : i32
      %dma_start3A_87 = tpu.memref_slice %arg2[%dma_start3A_86, %mul3A_53] : memref<32x1000000xf32, #tpu.memory_space<hbm>> -> memref<8x64xf32, #tpu.memory_space<hbm>>
      %dma_start3A_88 = arith.constant 24 : i32
      %dma_start3A_89 = arith.constant 0 : i32
      %dma_start3A_90 = tpu.memref_slice %arg4[%dma_start3A_88, %dma_start3A_89] : memref<32x128xf32, #tpu.memory_space<vmem>> -> memref<8x64xf32, #tpu.memory_space<vmem>>
      %dma_start3A_91 = arith.constant 24 : i32
      %dma_start3A_92 = tpu.memref_slice %arg2[%dma_start3A_91, %mul3A_53] : memref<32x1000000xf32, #tpu.memory_space<hbm>> -> memref<8x64xf32, #tpu.memory_space<hbm>>
      tpu.enqueue_dma source(%dma_start3A_92 : memref<8x64xf32, #tpu.memory_space<hbm>>) target(%dma_start3A_90 : memref<8x64xf32, #tpu.memory_space<vmem>>) target_semaphore(%arg12 : memref<!tpu.dma_semaphore, #tpu.memory_space<semaphore_mem>>)
    } else {
    }
    %gt3A_11 = arith.constant 1 : i32
    %gt3A_12 = arith.cmpi sgt, %add3A_7, %gt3A_11 : i32
    %convert_element_type3A_13 = arith.extui %gt3A_12 : i1 to i32
    %cond3A_14 = arith.constant 0 : i32
    %cond3A_15 = arith.cmpi ne, %convert_element_type3A_13, %cond3A_14 : i32
    scf.if %cond3A_15 {
      %add3A_50 = arith.constant 1 : i32
      %add3A_51 = arith.addi %add3A_4, %add3A_50 : i32
      %mul3A_52 = arith.constant 64 : i32
      %mul3A_53 = arith.muli %add3A_51, %mul3A_52 : i32
      %dma_start3A = arith.constant 0 : i32
      %dma_start3A_54 = arith.constant 0 : i32
      %dma_start3A_55 = tpu.memref_slice %arg5[%dma_start3A, %dma_start3A_54] : memref<32x128xf32, #tpu.memory_space<vmem>> -> memref<8x64xf32, #tpu.memory_space<vmem>>
      %dma_start3A_56 = arith.constant 0 : i32
      %dma_start3A_57 = tpu.memref_slice %arg2[%dma_start3A_56, %mul3A_53] : memref<32x1000000xf32, #tpu.memory_space<hbm>> -> memref<8x64xf32, #tpu.memory_space<hbm>>
      %dma_start3A_58 = arith.constant 0 : i32
      %dma_start3A_59 = arith.constant 0 : i32
      %dma_start3A_60 = tpu.memref_slice %arg5[%dma_start3A_58, %dma_start3A_59] : memref<32x128xf32, #tpu.memory_space<vmem>> -> memref<8x64xf32, #tpu.memory_space<vmem>>
      %dma_start3A_61 = arith.constant 0 : i32
      %dma_start3A_62 = tpu.memref_slice %arg2[%dma_start3A_61, %mul3A_53] : memref<32x1000000xf32, #tpu.memory_space<hbm>> -> memref<8x64xf32, #tpu.memory_space<hbm>>
      tpu.enqueue_dma source(%dma_start3A_62 : memref<8x64xf32, #tpu.memory_space<hbm>>) target(%dma_start3A_60 : memref<8x64xf32, #tpu.memory_space<vmem>>) target_semaphore(%arg13 : memref<!tpu.dma_semaphore, #tpu.memory_space<semaphore_mem>>)
      %dma_start3A_63 = arith.constant 8 : i32
      %dma_start3A_64 = arith.constant 0 : i32
      %dma_start3A_65 = tpu.memref_slice %arg5[%dma_start3A_63, %dma_start3A_64] : memref<32x128xf32, #tpu.memory_space<vmem>> -> memref<8x64xf32, #tpu.memory_space<vmem>>
      %dma_start3A_66 = arith.constant 8 : i32
      %dma_start3A_67 = tpu.memref_slice %arg2[%dma_start3A_66, %mul3A_53] : memref<32x1000000xf32, #tpu.memory_space<hbm>> -> memref<8x64xf32, #tpu.memory_space<hbm>>
      %dma_start3A_68 = arith.constant 8 : i32
      %dma_start3A_69 = arith.constant 0 : i32
      %dma_start3A_70 = tpu.memref_slice %arg5[%dma_start3A_68, %dma_start3A_69] : memref<32x128xf32, #tpu.memory_space<vmem>> -> memref<8x64xf32, #tpu.memory_space<vmem>>
      %dma_start3A_71 = arith.constant 8 : i32
      %dma_start3A_72 = tpu.memref_slice %arg2[%dma_start3A_71, %mul3A_53] : memref<32x1000000xf32, #tpu.memory_space<hbm>> -> memref<8x64xf32, #tpu.memory_space<hbm>>
      tpu.enqueue_dma source(%dma_start3A_72 : memref<8x64xf32, #tpu.memory_space<hbm>>) target(%dma_start3A_70 : memref<8x64xf32, #tpu.memory_space<vmem>>) target_semaphore(%arg13 : memref<!tpu.dma_semaphore, #tpu.memory_space<semaphore_mem>>)
      %dma_start3A_73 = arith.constant 16 : i32
      %dma_start3A_74 = arith.constant 0 : i32
      %dma_start3A_75 = tpu.memref_slice %arg5[%dma_start3A_73, %dma_start3A_74] : memref<32x128xf32, #tpu.memory_space<vmem>> -> memref<8x64xf32, #tpu.memory_space<vmem>>
      %dma_start3A_76 = arith.constant 16 : i32
      %dma_start3A_77 = tpu.memref_slice %arg2[%dma_start3A_76, %mul3A_53] : memref<32x1000000xf32, #tpu.memory_space<hbm>> -> memref<8x64xf32, #tpu.memory_space<hbm>>
      %dma_start3A_78 = arith.constant 16 : i32
      %dma_start3A_79 = arith.constant 0 : i32
      %dma_start3A_80 = tpu.memref_slice %arg5[%dma_start3A_78, %dma_start3A_79] : memref<32x128xf32, #tpu.memory_space<vmem>> -> memref<8x64xf32, #tpu.memory_space<vmem>>
      %dma_start3A_81 = arith.constant 16 : i32
      %dma_start3A_82 = tpu.memref_slice %arg2[%dma_start3A_81, %mul3A_53] : memref<32x1000000xf32, #tpu.memory_space<hbm>> -> memref<8x64xf32, #tpu.memory_space<hbm>>
      tpu.enqueue_dma source(%dma_start3A_82 : memref<8x64xf32, #tpu.memory_space<hbm>>) target(%dma_start3A_80 : memref<8x64xf32, #tpu.memory_space<vmem>>) target_semaphore(%arg13 : memref<!tpu.dma_semaphore, #tpu.memory_space<semaphore_mem>>)
      %dma_start3A_83 = arith.constant 24 : i32
      %dma_start3A_84 = arith.constant 0 : i32
      %dma_start3A_85 = tpu.memref_slice %arg5[%dma_start3A_83, %dma_start3A_84] : memref<32x128xf32, #tpu.memory_space<vmem>> -> memref<8x64xf32, #tpu.memory_space<vmem>>
      %dma_start3A_86 = arith.constant 24 : i32
      %dma_start3A_87 = tpu.memref_slice %arg2[%dma_start3A_86, %mul3A_53] : memref<32x1000000xf32, #tpu.memory_space<hbm>> -> memref<8x64xf32, #tpu.memory_space<hbm>>
      %dma_start3A_88 = arith.constant 24 : i32
      %dma_start3A_89 = arith.constant 0 : i32
      %dma_start3A_90 = tpu.memref_slice %arg5[%dma_start3A_88, %dma_start3A_89] : memref<32x128xf32, #tpu.memory_space<vmem>> -> memref<8x64xf32, #tpu.memory_space<vmem>>
      %dma_start3A_91 = arith.constant 24 : i32
      %dma_start3A_92 = tpu.memref_slice %arg2[%dma_start3A_91, %mul3A_53] : memref<32x1000000xf32, #tpu.memory_space<hbm>> -> memref<8x64xf32, #tpu.memory_space<hbm>>
      tpu.enqueue_dma source(%dma_start3A_92 : memref<8x64xf32, #tpu.memory_space<hbm>>) target(%dma_start3A_90 : memref<8x64xf32, #tpu.memory_space<vmem>>) target_semaphore(%arg13 : memref<!tpu.dma_semaphore, #tpu.memory_space<semaphore_mem>>)
    } else {
    }
    %gt3A_16 = arith.constant 2 : i32
    %gt3A_17 = arith.cmpi sgt, %add3A_7, %gt3A_16 : i32
    %convert_element_type3A_18 = arith.extui %gt3A_17 : i1 to i32
    %cond3A_19 = arith.constant 0 : i32
    %cond3A_20 = arith.cmpi ne, %convert_element_type3A_18, %cond3A_19 : i32
    scf.if %cond3A_20 {
      %add3A_50 = arith.constant 2 : i32
      %add3A_51 = arith.addi %add3A_4, %add3A_50 : i32
      %mul3A_52 = arith.constant 64 : i32
      %mul3A_53 = arith.muli %add3A_51, %mul3A_52 : i32
      %dma_start3A = arith.constant 0 : i32
      %dma_start3A_54 = arith.constant 0 : i32
      %dma_start3A_55 = tpu.memref_slice %arg6[%dma_start3A, %dma_start3A_54] : memref<32x128xf32, #tpu.memory_space<vmem>> -> memref<8x64xf32, #tpu.memory_space<vmem>>
      %dma_start3A_56 = arith.constant 0 : i32
      %dma_start3A_57 = tpu.memref_slice %arg2[%dma_start3A_56, %mul3A_53] : memref<32x1000000xf32, #tpu.memory_space<hbm>> -> memref<8x64xf32, #tpu.memory_space<hbm>>
      %dma_start3A_58 = arith.constant 0 : i32
      %dma_start3A_59 = arith.constant 0 : i32
      %dma_start3A_60 = tpu.memref_slice %arg6[%dma_start3A_58, %dma_start3A_59] : memref<32x128xf32, #tpu.memory_space<vmem>> -> memref<8x64xf32, #tpu.memory_space<vmem>>
      %dma_start3A_61 = arith.constant 0 : i32
      %dma_start3A_62 = tpu.memref_slice %arg2[%dma_start3A_61, %mul3A_53] : memref<32x1000000xf32, #tpu.memory_space<hbm>> -> memref<8x64xf32, #tpu.memory_space<hbm>>
      tpu.enqueue_dma source(%dma_start3A_62 : memref<8x64xf32, #tpu.memory_space<hbm>>) target(%dma_start3A_60 : memref<8x64xf32, #tpu.memory_space<vmem>>) target_semaphore(%arg14 : memref<!tpu.dma_semaphore, #tpu.memory_space<semaphore_mem>>)
      %dma_start3A_63 = arith.constant 8 : i32
      %dma_start3A_64 = arith.constant 0 : i32
      %dma_start3A_65 = tpu.memref_slice %arg6[%dma_start3A_63, %dma_start3A_64] : memref<32x128xf32, #tpu.memory_space<vmem>> -> memref<8x64xf32, #tpu.memory_space<vmem>>
      %dma_start3A_66 = arith.constant 8 : i32
      %dma_start3A_67 = tpu.memref_slice %arg2[%dma_start3A_66, %mul3A_53] : memref<32x1000000xf32, #tpu.memory_space<hbm>> -> memref<8x64xf32, #tpu.memory_space<hbm>>
      %dma_start3A_68 = arith.constant 8 : i32
      %dma_start3A_69 = arith.constant 0 : i32
      %dma_start3A_70 = tpu.memref_slice %arg6[%dma_start3A_68, %dma_start3A_69] : memref<32x128xf32, #tpu.memory_space<vmem>> -> memref<8x64xf32, #tpu.memory_space<vmem>>
      %dma_start3A_71 = arith.constant 8 : i32
      %dma_start3A_72 = tpu.memref_slice %arg2[%dma_start3A_71, %mul3A_53] : memref<32x1000000xf32, #tpu.memory_space<hbm>> -> memref<8x64xf32, #tpu.memory_space<hbm>>
      tpu.enqueue_dma source(%dma_start3A_72 : memref<8x64xf32, #tpu.memory_space<hbm>>) target(%dma_start3A_70 : memref<8x64xf32, #tpu.memory_space<vmem>>) target_semaphore(%arg14 : memref<!tpu.dma_semaphore, #tpu.memory_space<semaphore_mem>>)
      %dma_start3A_73 = arith.constant 16 : i32
      %dma_start3A_74 = arith.constant 0 : i32
      %dma_start3A_75 = tpu.memref_slice %arg6[%dma_start3A_73, %dma_start3A_74] : memref<32x128xf32, #tpu.memory_space<vmem>> -> memref<8x64xf32, #tpu.memory_space<vmem>>
      %dma_start3A_76 = arith.constant 16 : i32
      %dma_start3A_77 = tpu.memref_slice %arg2[%dma_start3A_76, %mul3A_53] : memref<32x1000000xf32, #tpu.memory_space<hbm>> -> memref<8x64xf32, #tpu.memory_space<hbm>>
      %dma_start3A_78 = arith.constant 16 : i32
      %dma_start3A_79 = arith.constant 0 : i32
      %dma_start3A_80 = tpu.memref_slice %arg6[%dma_start3A_78, %dma_start3A_79] : memref<32x128xf32, #tpu.memory_space<vmem>> -> memref<8x64xf32, #tpu.memory_space<vmem>>
      %dma_start3A_81 = arith.constant 16 : i32
      %dma_start3A_82 = tpu.memref_slice %arg2[%dma_start3A_81, %mul3A_53] : memref<32x1000000xf32, #tpu.memory_space<hbm>> -> memref<8x64xf32, #tpu.memory_space<hbm>>
      tpu.enqueue_dma source(%dma_start3A_82 : memref<8x64xf32, #tpu.memory_space<hbm>>) target(%dma_start3A_80 : memref<8x64xf32, #tpu.memory_space<vmem>>) target_semaphore(%arg14 : memref<!tpu.dma_semaphore, #tpu.memory_space<semaphore_mem>>)
      %dma_start3A_83 = arith.constant 24 : i32
      %dma_start3A_84 = arith.constant 0 : i32
      %dma_start3A_85 = tpu.memref_slice %arg6[%dma_start3A_83, %dma_start3A_84] : memref<32x128xf32, #tpu.memory_space<vmem>> -> memref<8x64xf32, #tpu.memory_space<vmem>>
      %dma_start3A_86 = arith.constant 24 : i32
      %dma_start3A_87 = tpu.memref_slice %arg2[%dma_start3A_86, %mul3A_53] : memref<32x1000000xf32, #tpu.memory_space<hbm>> -> memref<8x64xf32, #tpu.memory_space<hbm>>
      %dma_start3A_88 = arith.constant 24 : i32
      %dma_start3A_89 = arith.constant 0 : i32
      %dma_start3A_90 = tpu.memref_slice %arg6[%dma_start3A_88, %dma_start3A_89] : memref<32x128xf32, #tpu.memory_space<vmem>> -> memref<8x64xf32, #tpu.memory_space<vmem>>
      %dma_start3A_91 = arith.constant 24 : i32
      %dma_start3A_92 = tpu.memref_slice %arg2[%dma_start3A_91, %mul3A_53] : memref<32x1000000xf32, #tpu.memory_space<hbm>> -> memref<8x64xf32, #tpu.memory_space<hbm>>
      tpu.enqueue_dma source(%dma_start3A_92 : memref<8x64xf32, #tpu.memory_space<hbm>>) target(%dma_start3A_90 : memref<8x64xf32, #tpu.memory_space<vmem>>) target_semaphore(%arg14 : memref<!tpu.dma_semaphore, #tpu.memory_space<semaphore_mem>>)
    } else {
    }
    %gt3A_21 = arith.constant 3 : i32
    %gt3A_22 = arith.cmpi sgt, %add3A_7, %gt3A_21 : i32
    %convert_element_type3A_23 = arith.extui %gt3A_22 : i1 to i32
    %cond3A_24 = arith.constant 0 : i32
    %cond3A_25 = arith.cmpi ne, %convert_element_type3A_23, %cond3A_24 : i32
    scf.if %cond3A_25 {
      %add3A_50 = arith.constant 3 : i32
      %add3A_51 = arith.addi %add3A_4, %add3A_50 : i32
      %mul3A_52 = arith.constant 64 : i32
      %mul3A_53 = arith.muli %add3A_51, %mul3A_52 : i32
      %dma_start3A = arith.constant 0 : i32
      %dma_start3A_54 = arith.constant 0 : i32
      %dma_start3A_55 = tpu.memref_slice %arg7[%dma_start3A, %dma_start3A_54] : memref<32x128xf32, #tpu.memory_space<vmem>> -> memref<8x64xf32, #tpu.memory_space<vmem>>
      %dma_start3A_56 = arith.constant 0 : i32
      %dma_start3A_57 = tpu.memref_slice %arg2[%dma_start3A_56, %mul3A_53] : memref<32x1000000xf32, #tpu.memory_space<hbm>> -> memref<8x64xf32, #tpu.memory_space<hbm>>
      %dma_start3A_58 = arith.constant 0 : i32
      %dma_start3A_59 = arith.constant 0 : i32
      %dma_start3A_60 = tpu.memref_slice %arg7[%dma_start3A_58, %dma_start3A_59] : memref<32x128xf32, #tpu.memory_space<vmem>> -> memref<8x64xf32, #tpu.memory_space<vmem>>
      %dma_start3A_61 = arith.constant 0 : i32
      %dma_start3A_62 = tpu.memref_slice %arg2[%dma_start3A_61, %mul3A_53] : memref<32x1000000xf32, #tpu.memory_space<hbm>> -> memref<8x64xf32, #tpu.memory_space<hbm>>
      tpu.enqueue_dma source(%dma_start3A_62 : memref<8x64xf32, #tpu.memory_space<hbm>>) target(%dma_start3A_60 : memref<8x64xf32, #tpu.memory_space<vmem>>) target_semaphore(%arg15 : memref<!tpu.dma_semaphore, #tpu.memory_space<semaphore_mem>>)
      %dma_start3A_63 = arith.constant 8 : i32
      %dma_start3A_64 = arith.constant 0 : i32
      %dma_start3A_65 = tpu.memref_slice %arg7[%dma_start3A_63, %dma_start3A_64] : memref<32x128xf32, #tpu.memory_space<vmem>> -> memref<8x64xf32, #tpu.memory_space<vmem>>
      %dma_start3A_66 = arith.constant 8 : i32
      %dma_start3A_67 = tpu.memref_slice %arg2[%dma_start3A_66, %mul3A_53] : memref<32x1000000xf32, #tpu.memory_space<hbm>> -> memref<8x64xf32, #tpu.memory_space<hbm>>
      %dma_start3A_68 = arith.constant 8 : i32
      %dma_start3A_69 = arith.constant 0 : i32
      %dma_start3A_70 = tpu.memref_slice %arg7[%dma_start3A_68, %dma_start3A_69] : memref<32x128xf32, #tpu.memory_space<vmem>> -> memref<8x64xf32, #tpu.memory_space<vmem>>
      %dma_start3A_71 = arith.constant 8 : i32
      %dma_start3A_72 = tpu.memref_slice %arg2[%dma_start3A_71, %mul3A_53] : memref<32x1000000xf32, #tpu.memory_space<hbm>> -> memref<8x64xf32, #tpu.memory_space<hbm>>
      tpu.enqueue_dma source(%dma_start3A_72 : memref<8x64xf32, #tpu.memory_space<hbm>>) target(%dma_start3A_70 : memref<8x64xf32, #tpu.memory_space<vmem>>) target_semaphore(%arg15 : memref<!tpu.dma_semaphore, #tpu.memory_space<semaphore_mem>>)
      %dma_start3A_73 = arith.constant 16 : i32
      %dma_start3A_74 = arith.constant 0 : i32
      %dma_start3A_75 = tpu.memref_slice %arg7[%dma_start3A_73, %dma_start3A_74] : memref<32x128xf32, #tpu.memory_space<vmem>> -> memref<8x64xf32, #tpu.memory_space<vmem>>
      %dma_start3A_76 = arith.constant 16 : i32
      %dma_start3A_77 = tpu.memref_slice %arg2[%dma_start3A_76, %mul3A_53] : memref<32x1000000xf32, #tpu.memory_space<hbm>> -> memref<8x64xf32, #tpu.memory_space<hbm>>
      %dma_start3A_78 = arith.constant 16 : i32
      %dma_start3A_79 = arith.constant 0 : i32
      %dma_start3A_80 = tpu.memref_slice %arg7[%dma_start3A_78, %dma_start3A_79] : memref<32x128xf32, #tpu.memory_space<vmem>> -> memref<8x64xf32, #tpu.memory_space<vmem>>
      %dma_start3A_81 = arith.constant 16 : i32
      %dma_start3A_82 = tpu.memref_slice %arg2[%dma_start3A_81, %mul3A_53] : memref<32x1000000xf32, #tpu.memory_space<hbm>> -> memref<8x64xf32, #tpu.memory_space<hbm>>
      tpu.enqueue_dma source(%dma_start3A_82 : memref<8x64xf32, #tpu.memory_space<hbm>>) target(%dma_start3A_80 : memref<8x64xf32, #tpu.memory_space<vmem>>) target_semaphore(%arg15 : memref<!tpu.dma_semaphore, #tpu.memory_space<semaphore_mem>>)
      %dma_start3A_83 = arith.constant 24 : i32
      %dma_start3A_84 = arith.constant 0 : i32
      %dma_start3A_85 = tpu.memref_slice %arg7[%dma_start3A_83, %dma_start3A_84] : memref<32x128xf32, #tpu.memory_space<vmem>> -> memref<8x64xf32, #tpu.memory_space<vmem>>
      %dma_start3A_86 = arith.constant 24 : i32
      %dma_start3A_87 = tpu.memref_slice %arg2[%dma_start3A_86, %mul3A_53] : memref<32x1000000xf32, #tpu.memory_space<hbm>> -> memref<8x64xf32, #tpu.memory_space<hbm>>
      %dma_start3A_88 = arith.constant 24 : i32
      %dma_start3A_89 = arith.constant 0 : i32
      %dma_start3A_90 = tpu.memref_slice %arg7[%dma_start3A_88, %dma_start3A_89] : memref<32x128xf32, #tpu.memory_space<vmem>> -> memref<8x64xf32, #tpu.memory_space<vmem>>
      %dma_start3A_91 = arith.constant 24 : i32
      %dma_start3A_92 = tpu.memref_slice %arg2[%dma_start3A_91, %mul3A_53] : memref<32x1000000xf32, #tpu.memory_space<hbm>> -> memref<8x64xf32, #tpu.memory_space<hbm>>
      tpu.enqueue_dma source(%dma_start3A_92 : memref<8x64xf32, #tpu.memory_space<hbm>>) target(%dma_start3A_90 : memref<8x64xf32, #tpu.memory_space<vmem>>) target_semaphore(%arg15 : memref<!tpu.dma_semaphore, #tpu.memory_space<semaphore_mem>>)
    } else {
    }
    %scan3A = arith.constant 0 : i32
    %scan3A_26 = arith.constant 0 : i32
    %scan3A_27 = arith.constant 123 : i32
    %scan3A_28 = arith.addi %scan3A_26, %scan3A_27 : i32
    %scan3A_29 = arith.constant 1 : i32
    scf.for %scan3A_50 = %scan3A_26 to %scan3A_28 step %scan3A_29  : i32 {
      %mul3A_51 = arith.constant 4 : i32
      %mul3A_52 = arith.muli %scan3A_50, %mul3A_51 : i32
      %add3A_53 = arith.constant 0 : i32
      %add3A_54 = arith.addi %mul3A_52, %add3A_53 : i32
      %lt3A_55 = arith.cmpi slt, %add3A_54, %add3A_7 : i32
      %convert_element_type3A_56 = arith.extui %lt3A_55 : i1 to i32
      %cond3A_57 = arith.constant 0 : i32
      %cond3A_58 = arith.cmpi ne, %convert_element_type3A_56, %cond3A_57 : i32
      scf.if %cond3A_58 {
        %add3A_83 = arith.addi %add3A_4, %add3A_54 : i32
        %dma_wait3A = arith.constant 0 : i32
        %dma_wait3A_84 = arith.constant 0 : i32
        %dma_wait3A_85 = tpu.memref_slice %arg4[%dma_wait3A, %dma_wait3A_84] : memref<32x128xf32, #tpu.memory_space<vmem>> -> memref<8x64xf32, #tpu.memory_space<vmem>>
        %dma_wait3A_86 = arith.constant 0 : i32
        %dma_wait3A_87 = arith.constant 0 : i32
        %dma_wait3A_88 = tpu.memref_slice %arg2[%dma_wait3A_86, %dma_wait3A_87] : memref<32x1000000xf32, #tpu.memory_space<hbm>> -> memref<8x64xf32, #tpu.memory_space<hbm>>
        %dma_wait3A_89 = arith.constant 0 : i32
        %dma_wait3A_90 = arith.constant 0 : i32
        %dma_wait3A_91 = tpu.memref_slice %arg4[%dma_wait3A_89, %dma_wait3A_90] : memref<32x128xf32, #tpu.memory_space<vmem>> -> memref<8x64xf32, #tpu.memory_space<vmem>>
        %dma_wait3A_92 = arith.constant 0 : i32
        %dma_wait3A_93 = arith.constant 0 : i32
        %dma_wait3A_94 = tpu.memref_slice %arg2[%dma_wait3A_92, %dma_wait3A_93] : memref<32x1000000xf32, #tpu.memory_space<hbm>> -> memref<8x64xf32, #tpu.memory_space<hbm>>
        tpu.wait_dma2 semaphore(%arg12 : memref<!tpu.dma_semaphore, #tpu.memory_space<semaphore_mem>>) src(%dma_wait3A_94 : memref<8x64xf32, #tpu.memory_space<hbm>>) dst(%dma_wait3A_91 : memref<8x64xf32, #tpu.memory_space<vmem>>)
        %dma_wait3A_95 = arith.constant 8 : i32
        %dma_wait3A_96 = arith.constant 0 : i32
        %dma_wait3A_97 = tpu.memref_slice %arg4[%dma_wait3A_95, %dma_wait3A_96] : memref<32x128xf32, #tpu.memory_space<vmem>> -> memref<8x64xf32, #tpu.memory_space<vmem>>
        %dma_wait3A_98 = arith.constant 0 : i32
        %dma_wait3A_99 = arith.constant 0 : i32
        %dma_wait3A_100 = tpu.memref_slice %arg2[%dma_wait3A_98, %dma_wait3A_99] : memref<32x1000000xf32, #tpu.memory_space<hbm>> -> memref<8x64xf32, #tpu.memory_space<hbm>>
        %dma_wait3A_101 = arith.constant 8 : i32
        %dma_wait3A_102 = arith.constant 0 : i32
        %dma_wait3A_103 = tpu.memref_slice %arg4[%dma_wait3A_101, %dma_wait3A_102] : memref<32x128xf32, #tpu.memory_space<vmem>> -> memref<8x64xf32, #tpu.memory_space<vmem>>
        %dma_wait3A_104 = arith.constant 0 : i32
        %dma_wait3A_105 = arith.constant 0 : i32
        %dma_wait3A_106 = tpu.memref_slice %arg2[%dma_wait3A_104, %dma_wait3A_105] : memref<32x1000000xf32, #tpu.memory_space<hbm>> -> memref<8x64xf32, #tpu.memory_space<hbm>>
        tpu.wait_dma2 semaphore(%arg12 : memref<!tpu.dma_semaphore, #tpu.memory_space<semaphore_mem>>) src(%dma_wait3A_106 : memref<8x64xf32, #tpu.memory_space<hbm>>) dst(%dma_wait3A_103 : memref<8x64xf32, #tpu.memory_space<vmem>>)
        %dma_wait3A_107 = arith.constant 16 : i32
        %dma_wait3A_108 = arith.constant 0 : i32
        %dma_wait3A_109 = tpu.memref_slice %arg4[%dma_wait3A_107, %dma_wait3A_108] : memref<32x128xf32, #tpu.memory_space<vmem>> -> memref<8x64xf32, #tpu.memory_space<vmem>>
        %dma_wait3A_110 = arith.constant 0 : i32
        %dma_wait3A_111 = arith.constant 0 : i32
        %dma_wait3A_112 = tpu.memref_slice %arg2[%dma_wait3A_110, %dma_wait3A_111] : memref<32x1000000xf32, #tpu.memory_space<hbm>> -> memref<8x64xf32, #tpu.memory_space<hbm>>
        %dma_wait3A_113 = arith.constant 16 : i32
        %dma_wait3A_114 = arith.constant 0 : i32
        %dma_wait3A_115 = tpu.memref_slice %arg4[%dma_wait3A_113, %dma_wait3A_114] : memref<32x128xf32, #tpu.memory_space<vmem>> -> memref<8x64xf32, #tpu.memory_space<vmem>>
        %dma_wait3A_116 = arith.constant 0 : i32
        %dma_wait3A_117 = arith.constant 0 : i32
        %dma_wait3A_118 = tpu.memref_slice %arg2[%dma_wait3A_116, %dma_wait3A_117] : memref<32x1000000xf32, #tpu.memory_space<hbm>> -> memref<8x64xf32, #tpu.memory_space<hbm>>
        tpu.wait_dma2 semaphore(%arg12 : memref<!tpu.dma_semaphore, #tpu.memory_space<semaphore_mem>>) src(%dma_wait3A_118 : memref<8x64xf32, #tpu.memory_space<hbm>>) dst(%dma_wait3A_115 : memref<8x64xf32, #tpu.memory_space<vmem>>)
        %dma_wait3A_119 = arith.constant 24 : i32
        %dma_wait3A_120 = arith.constant 0 : i32
        %dma_wait3A_121 = tpu.memref_slice %arg4[%dma_wait3A_119, %dma_wait3A_120] : memref<32x128xf32, #tpu.memory_space<vmem>> -> memref<8x64xf32, #tpu.memory_space<vmem>>
        %dma_wait3A_122 = arith.constant 0 : i32
        %dma_wait3A_123 = arith.constant 0 : i32
        %dma_wait3A_124 = tpu.memref_slice %arg2[%dma_wait3A_122, %dma_wait3A_123] : memref<32x1000000xf32, #tpu.memory_space<hbm>> -> memref<8x64xf32, #tpu.memory_space<hbm>>
        %dma_wait3A_125 = arith.constant 24 : i32
        %dma_wait3A_126 = arith.constant 0 : i32
        %dma_wait3A_127 = tpu.memref_slice %arg4[%dma_wait3A_125, %dma_wait3A_126] : memref<32x128xf32, #tpu.memory_space<vmem>> -> memref<8x64xf32, #tpu.memory_space<vmem>>
        %dma_wait3A_128 = arith.constant 0 : i32
        %dma_wait3A_129 = arith.constant 0 : i32
        %dma_wait3A_130 = tpu.memref_slice %arg2[%dma_wait3A_128, %dma_wait3A_129] : memref<32x1000000xf32, #tpu.memory_space<hbm>> -> memref<8x64xf32, #tpu.memory_space<hbm>>
        tpu.wait_dma2 semaphore(%arg12 : memref<!tpu.dma_semaphore, #tpu.memory_space<semaphore_mem>>) src(%dma_wait3A_130 : memref<8x64xf32, #tpu.memory_space<hbm>>) dst(%dma_wait3A_127 : memref<8x64xf32, #tpu.memory_space<vmem>>)
        %ge3A_131 = arith.constant 4 : i32
        %ge3A_132 = arith.cmpi sge, %add3A_54, %ge3A_131 : i32
        %convert_element_type3A_133 = arith.extui %ge3A_132 : i1 to i32
        %cond3A_134 = arith.constant 0 : i32
        %cond3A_135 = arith.cmpi ne, %convert_element_type3A_133, %cond3A_134 : i32
        scf.if %cond3A_135 {
          %mul3A_153 = arith.constant 64 : i32
          %mul3A_154 = arith.muli %add3A_83, %mul3A_153 : i32
          %mul3A_155 = arith.constant 32 : i32
          %mul3A_156 = arith.muli %mul3A_154, %mul3A_155 : i32
          %dma_wait3A_157 = tpu.memref_slice %arg3[%mul3A_156] : memref<32000000xf32, #tpu.memory_space<hbm>> -> memref<2048xf32, #tpu.memory_space<hbm>>
          %dma_wait3A_158 = tpu.memref_slice %arg3[%mul3A_156] : memref<32000000xf32, #tpu.memory_space<hbm>> -> memref<2048xf32, #tpu.memory_space<hbm>>
          tpu.wait_dma2 semaphore(%arg16 : memref<!tpu.dma_semaphore, #tpu.memory_space<semaphore_mem>>) src(%arg8 : memref<2048xf32, #tpu.memory_space<vmem>>) dst(%dma_wait3A_158 : memref<2048xf32, #tpu.memory_space<hbm>>)
        } else {
        }
        %scan3A_136 = arith.constant 0 : i32
        %scan3A_137 = arith.constant 0 : i32
        %scan3A_138 = arith.constant 16 : i32
        %scan3A_139 = arith.addi %scan3A_137, %scan3A_138 : i32
        %scan3A_140 = arith.constant 2 : i32
        scf.for %scan3A_153 = %scan3A_137 to %scan3A_139 step %scan3A_140  : i32 {
          %add3A_154 = vector.broadcast %scan3A_153 : i32 to vector<16xi32>
          %add3A_155 = arith.addi %iota3A, %add3A_154 : vector<16xi32>
          %and3A = arith.constant 15 : i32
          %and3A_156 = vector.broadcast %and3A : i32 to vector<16xi32>
          %and3A_157 = arith.andi %add3A_155, %and3A_156 : vector<16xi32>
          %add3A_158 = arith.constant 0 : i32
          %add3A_159 = vector.broadcast %add3A_158 : i32 to vector<16xi32>
          %add3A_160 = arith.addi %add3A_159, %iota3A : vector<16xi32>
          %add3A_161 = arith.constant 0 : i32
          %add3A_162 = vector.broadcast %add3A_161 : i32 to vector<16xi32>
          %add3A_163 = arith.addi %add3A_162, %and3A_157 : vector<16xi32>
          %gather3A = tpu.vector_load_idx %arg4[%add3A_163, %add3A_160] : memref<32x128xf32, #tpu.memory_space<vmem>>[vector<16xi32>, vector<16xi32>], vector<16xf32>,
          %mul3A_164 = arith.constant 32 : i32
          %mul3A_165 = vector.broadcast %mul3A_164 : i32 to vector<16xi32>
          %mul3A_166 = arith.muli %add3A_160, %mul3A_165 : vector<16xi32>
          %add3A_167 = arith.addi %mul3A_166, %add3A_163 : vector<16xi32>
          %mul3A_168 = arith.constant 5.65685415 : f32
          %mul3A_169 = vector.broadcast %mul3A_168 : f32 to vector<16xf32>
          %mul3A_170 = arith.mulf %gather3A, %mul3A_169 : vector<16xf32>
          tpu.vector_store_idx %arg8[%add3A_167], %mul3A_170 : memref<2048xf32, #tpu.memory_space<vmem>>[vector<16xi32>], vector<16xf32>,
          %add3A_171 = arith.constant 16 : i32
          %add3A_172 = vector.broadcast %add3A_171 : i32 to vector<16xi32>
          %add3A_173 = arith.addi %add3A_172, %iota3A : vector<16xi32>
          %add3A_174 = arith.constant 0 : i32
          %add3A_175 = vector.broadcast %add3A_174 : i32 to vector<16xi32>
          %add3A_176 = arith.addi %add3A_175, %and3A_157 : vector<16xi32>
          %gather3A_177 = tpu.vector_load_idx %arg4[%add3A_176, %add3A_173] : memref<32x128xf32, #tpu.memory_space<vmem>>[vector<16xi32>, vector<16xi32>], vector<16xf32>,
          %mul3A_178 = arith.constant 32 : i32
          %mul3A_179 = vector.broadcast %mul3A_178 : i32 to vector<16xi32>
          %mul3A_180 = arith.muli %add3A_173, %mul3A_179 : vector<16xi32>
          %add3A_181 = arith.addi %mul3A_180, %add3A_176 : vector<16xi32>
          %mul3A_182 = arith.constant 5.65685415 : f32
          %mul3A_183 = vector.broadcast %mul3A_182 : f32 to vector<16xf32>
          %mul3A_184 = arith.mulf %gather3A_177, %mul3A_183 : vector<16xf32>
          tpu.vector_store_idx %arg8[%add3A_181], %mul3A_184 : memref<2048xf32, #tpu.memory_space<vmem>>[vector<16xi32>], vector<16xf32>,
          %add3A_185 = arith.constant 32 : i32
          %add3A_186 = vector.broadcast %add3A_185 : i32 to vector<16xi32>
          %add3A_187 = arith.addi %add3A_186, %iota3A : vector<16xi32>
          %add3A_188 = arith.constant 0 : i32
          %add3A_189 = vector.broadcast %add3A_188 : i32 to vector<16xi32>
          %add3A_190 = arith.addi %add3A_189, %and3A_157 : vector<16xi32>
          %gather3A_191 = tpu.vector_load_idx %arg4[%add3A_190, %add3A_187] : memref<32x128xf32, #tpu.memory_space<vmem>>[vector<16xi32>, vector<16xi32>], vector<16xf32>,
          %mul3A_192 = arith.constant 32 : i32
          %mul3A_193 = vector.broadcast %mul3A_192 : i32 to vector<16xi32>
          %mul3A_194 = arith.muli %add3A_187, %mul3A_193 : vector<16xi32>
          %add3A_195 = arith.addi %mul3A_194, %add3A_190 : vector<16xi32>
          %mul3A_196 = arith.constant 5.65685415 : f32
          %mul3A_197 = vector.broadcast %mul3A_196 : f32 to vector<16xf32>
          %mul3A_198 = arith.mulf %gather3A_191, %mul3A_197 : vector<16xf32>
          tpu.vector_store_idx %arg8[%add3A_195], %mul3A_198 : memref<2048xf32, #tpu.memory_space<vmem>>[vector<16xi32>], vector<16xf32>,
          %add3A_199 = arith.constant 48 : i32
          %add3A_200 = vector.broadcast %add3A_199 : i32 to vector<16xi32>
          %add3A_201 = arith.addi %add3A_200, %iota3A : vector<16xi32>
          %add3A_202 = arith.constant 0 : i32
          %add3A_203 = vector.broadcast %add3A_202 : i32 to vector<16xi32>
          %add3A_204 = arith.addi %add3A_203, %and3A_157 : vector<16xi32>
          %gather3A_205 = tpu.vector_load_idx %arg4[%add3A_204, %add3A_201] : memref<32x128xf32, #tpu.memory_space<vmem>>[vector<16xi32>, vector<16xi32>], vector<16xf32>,
          %mul3A_206 = arith.constant 32 : i32
          %mul3A_207 = vector.broadcast %mul3A_206 : i32 to vector<16xi32>
          %mul3A_208 = arith.muli %add3A_201, %mul3A_207 : vector<16xi32>
          %add3A_209 = arith.addi %mul3A_208, %add3A_204 : vector<16xi32>
          %mul3A_210 = arith.constant 5.65685415 : f32
          %mul3A_211 = vector.broadcast %mul3A_210 : f32 to vector<16xf32>
          %mul3A_212 = arith.mulf %gather3A_205, %mul3A_211 : vector<16xf32>
          tpu.vector_store_idx %arg8[%add3A_209], %mul3A_212 : memref<2048xf32, #tpu.memory_space<vmem>>[vector<16xi32>], vector<16xf32>,
          %add3A_213 = arith.constant 0 : i32
          %add3A_214 = vector.broadcast %add3A_213 : i32 to vector<16xi32>
          %add3A_215 = arith.addi %add3A_214, %iota3A : vector<16xi32>
          %add3A_216 = arith.constant 16 : i32
          %add3A_217 = vector.broadcast %add3A_216 : i32 to vector<16xi32>
          %add3A_218 = arith.addi %add3A_217, %and3A_157 : vector<16xi32>
          %gather3A_219 = tpu.vector_load_idx %arg4[%add3A_218, %add3A_215] : memref<32x128xf32, #tpu.memory_space<vmem>>[vector<16xi32>, vector<16xi32>], vector<16xf32>,
          %mul3A_220 = arith.constant 32 : i32
          %mul3A_221 = vector.broadcast %mul3A_220 : i32 to vector<16xi32>
          %mul3A_222 = arith.muli %add3A_215, %mul3A_221 : vector<16xi32>
          %add3A_223 = arith.addi %mul3A_222, %add3A_218 : vector<16xi32>
          %mul3A_224 = arith.constant 5.65685415 : f32
          %mul3A_225 = vector.broadcast %mul3A_224 : f32 to vector<16xf32>
          %mul3A_226 = arith.mulf %gather3A_219, %mul3A_225 : vector<16xf32>
          tpu.vector_store_idx %arg8[%add3A_223], %mul3A_226 : memref<2048xf32, #tpu.memory_space<vmem>>[vector<16xi32>], vector<16xf32>,
          %add3A_227 = arith.constant 16 : i32
          %add3A_228 = vector.broadcast %add3A_227 : i32 to vector<16xi32>
          %add3A_229 = arith.addi %add3A_228, %iota3A : vector<16xi32>
          %add3A_230 = arith.constant 16 : i32
          %add3A_231 = vector.broadcast %add3A_230 : i32 to vector<16xi32>
          %add3A_232 = arith.addi %add3A_231, %and3A_157 : vector<16xi32>
          %gather3A_233 = tpu.vector_load_idx %arg4[%add3A_232, %add3A_229] : memref<32x128xf32, #tpu.memory_space<vmem>>[vector<16xi32>, vector<16xi32>], vector<16xf32>,
          %mul3A_234 = arith.constant 32 : i32
          %mul3A_235 = vector.broadcast %mul3A_234 : i32 to vector<16xi32>
          %mul3A_236 = arith.muli %add3A_229, %mul3A_235 : vector<16xi32>
          %add3A_237 = arith.addi %mul3A_236, %add3A_232 : vector<16xi32>
          %mul3A_238 = arith.constant 5.65685415 : f32
          %mul3A_239 = vector.broadcast %mul3A_238 : f32 to vector<16xf32>
          %mul3A_240 = arith.mulf %gather3A_233, %mul3A_239 : vector<16xf32>
          tpu.vector_store_idx %arg8[%add3A_237], %mul3A_240 : memref<2048xf32, #tpu.memory_space<vmem>>[vector<16xi32>], vector<16xf32>,
          %add3A_241 = arith.constant 32 : i32
          %add3A_242 = vector.broadcast %add3A_241 : i32 to vector<16xi32>
          %add3A_243 = arith.addi %add3A_242, %iota3A : vector<16xi32>
          %add3A_244 = arith.constant 16 : i32
          %add3A_245 = vector.broadcast %add3A_244 : i32 to vector<16xi32>
          %add3A_246 = arith.addi %add3A_245, %and3A_157 : vector<16xi32>
          %gather3A_247 = tpu.vector_load_idx %arg4[%add3A_246, %add3A_243] : memref<32x128xf32, #tpu.memory_space<vmem>>[vector<16xi32>, vector<16xi32>], vector<16xf32>,
          %mul3A_248 = arith.constant 32 : i32
          %mul3A_249 = vector.broadcast %mul3A_248 : i32 to vector<16xi32>
          %mul3A_250 = arith.muli %add3A_243, %mul3A_249 : vector<16xi32>
          %add3A_251 = arith.addi %mul3A_250, %add3A_246 : vector<16xi32>
          %mul3A_252 = arith.constant 5.65685415 : f32
          %mul3A_253 = vector.broadcast %mul3A_252 : f32 to vector<16xf32>
          %mul3A_254 = arith.mulf %gather3A_247, %mul3A_253 : vector<16xf32>
          tpu.vector_store_idx %arg8[%add3A_251], %mul3A_254 : memref<2048xf32, #tpu.memory_space<vmem>>[vector<16xi32>], vector<16xf32>,
          %add3A_255 = arith.constant 48 : i32
          %add3A_256 = vector.broadcast %add3A_255 : i32 to vector<16xi32>
          %add3A_257 = arith.addi %add3A_256, %iota3A : vector<16xi32>
          %add3A_258 = arith.constant 16 : i32
          %add3A_259 = vector.broadcast %add3A_258 : i32 to vector<16xi32>
          %add3A_260 = arith.addi %add3A_259, %and3A_157 : vector<16xi32>
          %gather3A_261 = tpu.vector_load_idx %arg4[%add3A_260, %add3A_257] : memref<32x128xf32, #tpu.memory_space<vmem>>[vector<16xi32>, vector<16xi32>], vector<16xf32>,
          %mul3A_262 = arith.constant 32 : i32
          %mul3A_263 = vector.broadcast %mul3A_262 : i32 to vector<16xi32>
          %mul3A_264 = arith.muli %add3A_257, %mul3A_263 : vector<16xi32>
          %add3A_265 = arith.addi %mul3A_264, %add3A_260 : vector<16xi32>
          %mul3A_266 = arith.constant 5.65685415 : f32
          %mul3A_267 = vector.broadcast %mul3A_266 : f32 to vector<16xf32>
          %mul3A_268 = arith.mulf %gather3A_261, %mul3A_267 : vector<16xf32>
          tpu.vector_store_idx %arg8[%add3A_265], %mul3A_268 : memref<2048xf32, #tpu.memory_space<vmem>>[vector<16xi32>], vector<16xf32>,
          %scan3A_269 = arith.constant 1 : i32
          %scan3A_270 = arith.addi %scan3A_153, %scan3A_269 : i32
          %add3A_271 = vector.broadcast %scan3A_270 : i32 to vector<16xi32>
          %add3A_272 = arith.addi %iota3A, %add3A_271 : vector<16xi32>
          %and3A_273 = arith.constant 15 : i32
          %and3A_274 = vector.broadcast %and3A_273 : i32 to vector<16xi32>
          %and3A_275 = arith.andi %add3A_272, %and3A_274 : vector<16xi32>
          %add3A_276 = arith.constant 0 : i32
          %add3A_277 = vector.broadcast %add3A_276 : i32 to vector<16xi32>
          %add3A_278 = arith.addi %add3A_277, %iota3A : vector<16xi32>
          %add3A_279 = arith.constant 0 : i32
          %add3A_280 = vector.broadcast %add3A_279 : i32 to vector<16xi32>
          %add3A_281 = arith.addi %add3A_280, %and3A_275 : vector<16xi32>
          %gather3A_282 = tpu.vector_load_idx %arg4[%add3A_281, %add3A_278] : memref<32x128xf32, #tpu.memory_space<vmem>>[vector<16xi32>, vector<16xi32>], vector<16xf32>,
          %mul3A_283 = arith.constant 32 : i32
          %mul3A_284 = vector.broadcast %mul3A_283 : i32 to vector<16xi32>
          %mul3A_285 = arith.muli %add3A_278, %mul3A_284 : vector<16xi32>
          %add3A_286 = arith.addi %mul3A_285, %add3A_281 : vector<16xi32>
          %mul3A_287 = arith.constant 5.65685415 : f32
          %mul3A_288 = vector.broadcast %mul3A_287 : f32 to vector<16xf32>
          %mul3A_289 = arith.mulf %gather3A_282, %mul3A_288 : vector<16xf32>
          tpu.vector_store_idx %arg8[%add3A_286], %mul3A_289 : memref<2048xf32, #tpu.memory_space<vmem>>[vector<16xi32>], vector<16xf32>,
          %add3A_290 = arith.constant 16 : i32
          %add3A_291 = vector.broadcast %add3A_290 : i32 to vector<16xi32>
          %add3A_292 = arith.addi %add3A_291, %iota3A : vector<16xi32>
          %add3A_293 = arith.constant 0 : i32
          %add3A_294 = vector.broadcast %add3A_293 : i32 to vector<16xi32>
          %add3A_295 = arith.addi %add3A_294, %and3A_275 : vector<16xi32>
          %gather3A_296 = tpu.vector_load_idx %arg4[%add3A_295, %add3A_292] : memref<32x128xf32, #tpu.memory_space<vmem>>[vector<16xi32>, vector<16xi32>], vector<16xf32>,
          %mul3A_297 = arith.constant 32 : i32
          %mul3A_298 = vector.broadcast %mul3A_297 : i32 to vector<16xi32>
          %mul3A_299 = arith.muli %add3A_292, %mul3A_298 : vector<16xi32>
          %add3A_300 = arith.addi %mul3A_299, %add3A_295 : vector<16xi32>
          %mul3A_301 = arith.constant 5.65685415 : f32
          %mul3A_302 = vector.broadcast %mul3A_301 : f32 to vector<16xf32>
          %mul3A_303 = arith.mulf %gather3A_296, %mul3A_302 : vector<16xf32>
          tpu.vector_store_idx %arg8[%add3A_300], %mul3A_303 : memref<2048xf32, #tpu.memory_space<vmem>>[vector<16xi32>], vector<16xf32>,
          %add3A_304 = arith.constant 32 : i32
          %add3A_305 = vector.broadcast %add3A_304 : i32 to vector<16xi32>
          %add3A_306 = arith.addi %add3A_305, %iota3A : vector<16xi32>
          %add3A_307 = arith.constant 0 : i32
          %add3A_308 = vector.broadcast %add3A_307 : i32 to vector<16xi32>
          %add3A_309 = arith.addi %add3A_308, %and3A_275 : vector<16xi32>
          %gather3A_310 = tpu.vector_load_idx %arg4[%add3A_309, %add3A_306] : memref<32x128xf32, #tpu.memory_space<vmem>>[vector<16xi32>, vector<16xi32>], vector<16xf32>,
          %mul3A_311 = arith.constant 32 : i32
          %mul3A_312 = vector.broadcast %mul3A_311 : i32 to vector<16xi32>
          %mul3A_313 = arith.muli %add3A_306, %mul3A_312 : vector<16xi32>
          %add3A_314 = arith.addi %mul3A_313, %add3A_309 : vector<16xi32>
          %mul3A_315 = arith.constant 5.65685415 : f32
          %mul3A_316 = vector.broadcast %mul3A_315 : f32 to vector<16xf32>
          %mul3A_317 = arith.mulf %gather3A_310, %mul3A_316 : vector<16xf32>
          tpu.vector_store_idx %arg8[%add3A_314], %mul3A_317 : memref<2048xf32, #tpu.memory_space<vmem>>[vector<16xi32>], vector<16xf32>,
          %add3A_318 = arith.constant 48 : i32
          %add3A_319 = vector.broadcast %add3A_318 : i32 to vector<16xi32>
          %add3A_320 = arith.addi %add3A_319, %iota3A : vector<16xi32>
          %add3A_321 = arith.constant 0 : i32
          %add3A_322 = vector.broadcast %add3A_321 : i32 to vector<16xi32>
          %add3A_323 = arith.addi %add3A_322, %and3A_275 : vector<16xi32>
          %gather3A_324 = tpu.vector_load_idx %arg4[%add3A_323, %add3A_320] : memref<32x128xf32, #tpu.memory_space<vmem>>[vector<16xi32>, vector<16xi32>], vector<16xf32>,
          %mul3A_325 = arith.constant 32 : i32
          %mul3A_326 = vector.broadcast %mul3A_325 : i32 to vector<16xi32>
          %mul3A_327 = arith.muli %add3A_320, %mul3A_326 : vector<16xi32>
          %add3A_328 = arith.addi %mul3A_327, %add3A_323 : vector<16xi32>
          %mul3A_329 = arith.constant 5.65685415 : f32
          %mul3A_330 = vector.broadcast %mul3A_329 : f32 to vector<16xf32>
          %mul3A_331 = arith.mulf %gather3A_324, %mul3A_330 : vector<16xf32>
          tpu.vector_store_idx %arg8[%add3A_328], %mul3A_331 : memref<2048xf32, #tpu.memory_space<vmem>>[vector<16xi32>], vector<16xf32>,
          %add3A_332 = arith.constant 0 : i32
          %add3A_333 = vector.broadcast %add3A_332 : i32 to vector<16xi32>
          %add3A_334 = arith.addi %add3A_333, %iota3A : vector<16xi32>
          %add3A_335 = arith.constant 16 : i32
          %add3A_336 = vector.broadcast %add3A_335 : i32 to vector<16xi32>
          %add3A_337 = arith.addi %add3A_336, %and3A_275 : vector<16xi32>
          %gather3A_338 = tpu.vector_load_idx %arg4[%add3A_337, %add3A_334] : memref<32x128xf32, #tpu.memory_space<vmem>>[vector<16xi32>, vector<16xi32>], vector<16xf32>,
          %mul3A_339 = arith.constant 32 : i32
          %mul3A_340 = vector.broadcast %mul3A_339 : i32 to vector<16xi32>
          %mul3A_341 = arith.muli %add3A_334, %mul3A_340 : vector<16xi32>
          %add3A_342 = arith.addi %mul3A_341, %add3A_337 : vector<16xi32>
          %mul3A_343 = arith.constant 5.65685415 : f32
          %mul3A_344 = vector.broadcast %mul3A_343 : f32 to vector<16xf32>
          %mul3A_345 = arith.mulf %gather3A_338, %mul3A_344 : vector<16xf32>
          tpu.vector_store_idx %arg8[%add3A_342], %mul3A_345 : memref<2048xf32, #tpu.memory_space<vmem>>[vector<16xi32>], vector<16xf32>,
          %add3A_346 = arith.constant 16 : i32
          %add3A_347 = vector.broadcast %add3A_346 : i32 to vector<16xi32>
          %add3A_348 = arith.addi %add3A_347, %iota3A : vector<16xi32>
          %add3A_349 = arith.constant 16 : i32
          %add3A_350 = vector.broadcast %add3A_349 : i32 to vector<16xi32>
          %add3A_351 = arith.addi %add3A_350, %and3A_275 : vector<16xi32>
          %gather3A_352 = tpu.vector_load_idx %arg4[%add3A_351, %add3A_348] : memref<32x128xf32, #tpu.memory_space<vmem>>[vector<16xi32>, vector<16xi32>], vector<16xf32>,
          %mul3A_353 = arith.constant 32 : i32
          %mul3A_354 = vector.broadcast %mul3A_353 : i32 to vector<16xi32>
          %mul3A_355 = arith.muli %add3A_348, %mul3A_354 : vector<16xi32>
          %add3A_356 = arith.addi %mul3A_355, %add3A_351 : vector<16xi32>
          %mul3A_357 = arith.constant 5.65685415 : f32
          %mul3A_358 = vector.broadcast %mul3A_357 : f32 to vector<16xf32>
          %mul3A_359 = arith.mulf %gather3A_352, %mul3A_358 : vector<16xf32>
          tpu.vector_store_idx %arg8[%add3A_356], %mul3A_359 : memref<2048xf32, #tpu.memory_space<vmem>>[vector<16xi32>], vector<16xf32>,
          %add3A_360 = arith.constant 32 : i32
          %add3A_361 = vector.broadcast %add3A_360 : i32 to vector<16xi32>
          %add3A_362 = arith.addi %add3A_361, %iota3A : vector<16xi32>
          %add3A_363 = arith.constant 16 : i32
          %add3A_364 = vector.broadcast %add3A_363 : i32 to vector<16xi32>
          %add3A_365 = arith.addi %add3A_364, %and3A_275 : vector<16xi32>
          %gather3A_366 = tpu.vector_load_idx %arg4[%add3A_365, %add3A_362] : memref<32x128xf32, #tpu.memory_space<vmem>>[vector<16xi32>, vector<16xi32>], vector<16xf32>,
          %mul3A_367 = arith.constant 32 : i32
          %mul3A_368 = vector.broadcast %mul3A_367 : i32 to vector<16xi32>
          %mul3A_369 = arith.muli %add3A_362, %mul3A_368 : vector<16xi32>
          %add3A_370 = arith.addi %mul3A_369, %add3A_365 : vector<16xi32>
          %mul3A_371 = arith.constant 5.65685415 : f32
          %mul3A_372 = vector.broadcast %mul3A_371 : f32 to vector<16xf32>
          %mul3A_373 = arith.mulf %gather3A_366, %mul3A_372 : vector<16xf32>
          tpu.vector_store_idx %arg8[%add3A_370], %mul3A_373 : memref<2048xf32, #tpu.memory_space<vmem>>[vector<16xi32>], vector<16xf32>,
          %add3A_374 = arith.constant 48 : i32
          %add3A_375 = vector.broadcast %add3A_374 : i32 to vector<16xi32>
          %add3A_376 = arith.addi %add3A_375, %iota3A : vector<16xi32>
          %add3A_377 = arith.constant 16 : i32
          %add3A_378 = vector.broadcast %add3A_377 : i32 to vector<16xi32>
          %add3A_379 = arith.addi %add3A_378, %and3A_275 : vector<16xi32>
          %gather3A_380 = tpu.vector_load_idx %arg4[%add3A_379, %add3A_376] : memref<32x128xf32, #tpu.memory_space<vmem>>[vector<16xi32>, vector<16xi32>], vector<16xf32>,
          %mul3A_381 = arith.constant 32 : i32
          %mul3A_382 = vector.broadcast %mul3A_381 : i32 to vector<16xi32>
          %mul3A_383 = arith.muli %add3A_376, %mul3A_382 : vector<16xi32>
          %add3A_384 = arith.addi %mul3A_383, %add3A_379 : vector<16xi32>
          %mul3A_385 = arith.constant 5.65685415 : f32
          %mul3A_386 = vector.broadcast %mul3A_385 : f32 to vector<16xf32>
          %mul3A_387 = arith.mulf %gather3A_380, %mul3A_386 : vector<16xf32>
          tpu.vector_store_idx %arg8[%add3A_384], %mul3A_387 : memref<2048xf32, #tpu.memory_space<vmem>>[vector<16xi32>], vector<16xf32>,
        }
        %scan3A_141 = arith.constant 16 : i32
        %mul3A_142 = arith.constant 64 : i32
        %mul3A_143 = arith.muli %add3A_83, %mul3A_142 : i32
        %mul3A_144 = arith.constant 32 : i32
        %mul3A_145 = arith.muli %mul3A_143, %mul3A_144 : i32
        %dma_start3A = tpu.memref_slice %arg3[%mul3A_145] : memref<32000000xf32, #tpu.memory_space<hbm>> -> memref<2048xf32, #tpu.memory_space<hbm>>
        %dma_start3A_146 = tpu.memref_slice %arg3[%mul3A_145] : memref<32000000xf32, #tpu.memory_space<hbm>> -> memref<2048xf32, #tpu.memory_space<hbm>>
        tpu.enqueue_dma source(%arg8 : memref<2048xf32, #tpu.memory_space<vmem>>) target(%dma_start3A_146 : memref<2048xf32, #tpu.memory_space<hbm>>) target_semaphore(%arg16 : memref<!tpu.dma_semaphore, #tpu.memory_space<semaphore_mem>>)
        %add3A_147 = arith.constant 4 : i32
        %add3A_148 = arith.addi %add3A_54, %add3A_147 : i32
        %lt3A_149 = arith.cmpi slt, %add3A_148, %add3A_7 : i32
        %convert_element_type3A_150 = arith.extui %lt3A_149 : i1 to i32
        %cond3A_151 = arith.constant 0 : i32
        %cond3A_152 = arith.cmpi ne, %convert_element_type3A_150, %cond3A_151 : i32
        scf.if %cond3A_152 {
          %add3A_153 = arith.constant 4 : i32
          %add3A_154 = arith.addi %add3A_83, %add3A_153 : i32
          %mul3A_155 = arith.constant 64 : i32
          %mul3A_156 = arith.muli %add3A_154, %mul3A_155 : i32
          %dma_start3A_157 = arith.constant 0 : i32
          %dma_start3A_158 = arith.constant 0 : i32
          %dma_start3A_159 = tpu.memref_slice %arg4[%dma_start3A_157, %dma_start3A_158] : memref<32x128xf32, #tpu.memory_space<vmem>> -> memref<8x64xf32, #tpu.memory_space<vmem>>
          %dma_start3A_160 = arith.constant 0 : i32
          %dma_start3A_161 = tpu.memref_slice %arg2[%dma_start3A_160, %mul3A_156] : memref<32x1000000xf32, #tpu.memory_space<hbm>> -> memref<8x64xf32, #tpu.memory_space<hbm>>
          %dma_start3A_162 = arith.constant 0 : i32
          %dma_start3A_163 = arith.constant 0 : i32
          %dma_start3A_164 = tpu.memref_slice %arg4[%dma_start3A_162, %dma_start3A_163] : memref<32x128xf32, #tpu.memory_space<vmem>> -> memref<8x64xf32, #tpu.memory_space<vmem>>
          %dma_start3A_165 = arith.constant 0 : i32
          %dma_start3A_166 = tpu.memref_slice %arg2[%dma_start3A_165, %mul3A_156] : memref<32x1000000xf32, #tpu.memory_space<hbm>> -> memref<8x64xf32, #tpu.memory_space<hbm>>
          tpu.enqueue_dma source(%dma_start3A_166 : memref<8x64xf32, #tpu.memory_space<hbm>>) target(%dma_start3A_164 : memref<8x64xf32, #tpu.memory_space<vmem>>) target_semaphore(%arg12 : memref<!tpu.dma_semaphore, #tpu.memory_space<semaphore_mem>>)
          %dma_start3A_167 = arith.constant 8 : i32
          %dma_start3A_168 = arith.constant 0 : i32
          %dma_start3A_169 = tpu.memref_slice %arg4[%dma_start3A_167, %dma_start3A_168] : memref<32x128xf32, #tpu.memory_space<vmem>> -> memref<8x64xf32, #tpu.memory_space<vmem>>
          %dma_start3A_170 = arith.constant 8 : i32
          %dma_start3A_171 = tpu.memref_slice %arg2[%dma_start3A_170, %mul3A_156] : memref<32x1000000xf32, #tpu.memory_space<hbm>> -> memref<8x64xf32, #tpu.memory_space<hbm>>
          %dma_start3A_172 = arith.constant 8 : i32
          %dma_start3A_173 = arith.constant 0 : i32
          %dma_start3A_174 = tpu.memref_slice %arg4[%dma_start3A_172, %dma_start3A_173] : memref<32x128xf32, #tpu.memory_space<vmem>> -> memref<8x64xf32, #tpu.memory_space<vmem>>
          %dma_start3A_175 = arith.constant 8 : i32
          %dma_start3A_176 = tpu.memref_slice %arg2[%dma_start3A_175, %mul3A_156] : memref<32x1000000xf32, #tpu.memory_space<hbm>> -> memref<8x64xf32, #tpu.memory_space<hbm>>
          tpu.enqueue_dma source(%dma_start3A_176 : memref<8x64xf32, #tpu.memory_space<hbm>>) target(%dma_start3A_174 : memref<8x64xf32, #tpu.memory_space<vmem>>) target_semaphore(%arg12 : memref<!tpu.dma_semaphore, #tpu.memory_space<semaphore_mem>>)
          %dma_start3A_177 = arith.constant 16 : i32
          %dma_start3A_178 = arith.constant 0 : i32
          %dma_start3A_179 = tpu.memref_slice %arg4[%dma_start3A_177, %dma_start3A_178] : memref<32x128xf32, #tpu.memory_space<vmem>> -> memref<8x64xf32, #tpu.memory_space<vmem>>
          %dma_start3A_180 = arith.constant 16 : i32
          %dma_start3A_181 = tpu.memref_slice %arg2[%dma_start3A_180, %mul3A_156] : memref<32x1000000xf32, #tpu.memory_space<hbm>> -> memref<8x64xf32, #tpu.memory_space<hbm>>
          %dma_start3A_182 = arith.constant 16 : i32
          %dma_start3A_183 = arith.constant 0 : i32
          %dma_start3A_184 = tpu.memref_slice %arg4[%dma_start3A_182, %dma_start3A_183] : memref<32x128xf32, #tpu.memory_space<vmem>> -> memref<8x64xf32, #tpu.memory_space<vmem>>
          %dma_start3A_185 = arith.constant 16 : i32
          %dma_start3A_186 = tpu.memref_slice %arg2[%dma_start3A_185, %mul3A_156] : memref<32x1000000xf32, #tpu.memory_space<hbm>> -> memref<8x64xf32, #tpu.memory_space<hbm>>
          tpu.enqueue_dma source(%dma_start3A_186 : memref<8x64xf32, #tpu.memory_space<hbm>>) target(%dma_start3A_184 : memref<8x64xf32, #tpu.memory_space<vmem>>) target_semaphore(%arg12 : memref<!tpu.dma_semaphore, #tpu.memory_space<semaphore_mem>>)
          %dma_start3A_187 = arith.constant 24 : i32
          %dma_start3A_188 = arith.constant 0 : i32
          %dma_start3A_189 = tpu.memref_slice %arg4[%dma_start3A_187, %dma_start3A_188] : memref<32x128xf32, #tpu.memory_space<vmem>> -> memref<8x64xf32, #tpu.memory_space<vmem>>
          %dma_start3A_190 = arith.constant 24 : i32
          %dma_start3A_191 = tpu.memref_slice %arg2[%dma_start3A_190, %mul3A_156] : memref<32x1000000xf32, #tpu.memory_space<hbm>> -> memref<8x64xf32, #tpu.memory_space<hbm>>
          %dma_start3A_192 = arith.constant 24 : i32
          %dma_start3A_193 = arith.constant 0 : i32
          %dma_start3A_194 = tpu.memref_slice %arg4[%dma_start3A_192, %dma_start3A_193] : memref<32x128xf32, #tpu.memory_space<vmem>> -> memref<8x64xf32, #tpu.memory_space<vmem>>
          %dma_start3A_195 = arith.constant 24 : i32
          %dma_start3A_196 = tpu.memref_slice %arg2[%dma_start3A_195, %mul3A_156] : memref<32x1000000xf32, #tpu.memory_space<hbm>> -> memref<8x64xf32, #tpu.memory_space<hbm>>
          tpu.enqueue_dma source(%dma_start3A_196 : memref<8x64xf32, #tpu.memory_space<hbm>>) target(%dma_start3A_194 : memref<8x64xf32, #tpu.memory_space<vmem>>) target_semaphore(%arg12 : memref<!tpu.dma_semaphore, #tpu.memory_space<semaphore_mem>>)
        } else {
        }
      } else {
      }
      %mul3A_59 = arith.constant 4 : i32
      %mul3A_60 = arith.muli %scan3A_50, %mul3A_59 : i32
      %add3A_61 = arith.constant 1 : i32
      %add3A_62 = arith.addi %mul3A_60, %add3A_61 : i32
      %lt3A_63 = arith.cmpi slt, %add3A_62, %add3A_7 : i32
      %convert_element_type3A_64 = arith.extui %lt3A_63 : i1 to i32
      %cond3A_65 = arith.constant 0 : i32
      %cond3A_66 = arith.cmpi ne, %convert_element_type3A_64, %cond3A_65 : i32
      scf.if %cond3A_66 {
        %add3A_83 = arith.addi %add3A_4, %add3A_62 : i32
        %dma_wait3A = arith.constant 0 : i32
        %dma_wait3A_84 = arith.constant 0 : i32
        %dma_wait3A_85 = tpu.memref_slice %arg5[%dma_wait3A, %dma_wait3A_84] : memref<32x128xf32, #tpu.memory_space<vmem>> -> memref<8x64xf32, #tpu.memory_space<vmem>>
        %dma_wait3A_86 = arith.constant 0 : i32
        %dma_wait3A_87 = arith.constant 0 : i32
        %dma_wait3A_88 = tpu.memref_slice %arg2[%dma_wait3A_86, %dma_wait3A_87] : memref<32x1000000xf32, #tpu.memory_space<hbm>> -> memref<8x64xf32, #tpu.memory_space<hbm>>
        %dma_wait3A_89 = arith.constant 0 : i32
        %dma_wait3A_90 = arith.constant 0 : i32
        %dma_wait3A_91 = tpu.memref_slice %arg5[%dma_wait3A_89, %dma_wait3A_90] : memref<32x128xf32, #tpu.memory_space<vmem>> -> memref<8x64xf32, #tpu.memory_space<vmem>>
        %dma_wait3A_92 = arith.constant 0 : i32
        %dma_wait3A_93 = arith.constant 0 : i32
        %dma_wait3A_94 = tpu.memref_slice %arg2[%dma_wait3A_92, %dma_wait3A_93] : memref<32x1000000xf32, #tpu.memory_space<hbm>> -> memref<8x64xf32, #tpu.memory_space<hbm>>
        tpu.wait_dma2 semaphore(%arg13 : memref<!tpu.dma_semaphore, #tpu.memory_space<semaphore_mem>>) src(%dma_wait3A_94 : memref<8x64xf32, #tpu.memory_space<hbm>>) dst(%dma_wait3A_91 : memref<8x64xf32, #tpu.memory_space<vmem>>)
        %dma_wait3A_95 = arith.constant 8 : i32
        %dma_wait3A_96 = arith.constant 0 : i32
        %dma_wait3A_97 = tpu.memref_slice %arg5[%dma_wait3A_95, %dma_wait3A_96] : memref<32x128xf32, #tpu.memory_space<vmem>> -> memref<8x64xf32, #tpu.memory_space<vmem>>
        %dma_wait3A_98 = arith.constant 0 : i32
        %dma_wait3A_99 = arith.constant 0 : i32
        %dma_wait3A_100 = tpu.memref_slice %arg2[%dma_wait3A_98, %dma_wait3A_99] : memref<32x1000000xf32, #tpu.memory_space<hbm>> -> memref<8x64xf32, #tpu.memory_space<hbm>>
        %dma_wait3A_101 = arith.constant 8 : i32
        %dma_wait3A_102 = arith.constant 0 : i32
        %dma_wait3A_103 = tpu.memref_slice %arg5[%dma_wait3A_101, %dma_wait3A_102] : memref<32x128xf32, #tpu.memory_space<vmem>> -> memref<8x64xf32, #tpu.memory_space<vmem>>
        %dma_wait3A_104 = arith.constant 0 : i32
        %dma_wait3A_105 = arith.constant 0 : i32
        %dma_wait3A_106 = tpu.memref_slice %arg2[%dma_wait3A_104, %dma_wait3A_105] : memref<32x1000000xf32, #tpu.memory_space<hbm>> -> memref<8x64xf32, #tpu.memory_space<hbm>>
        tpu.wait_dma2 semaphore(%arg13 : memref<!tpu.dma_semaphore, #tpu.memory_space<semaphore_mem>>) src(%dma_wait3A_106 : memref<8x64xf32, #tpu.memory_space<hbm>>) dst(%dma_wait3A_103 : memref<8x64xf32, #tpu.memory_space<vmem>>)
        %dma_wait3A_107 = arith.constant 16 : i32
        %dma_wait3A_108 = arith.constant 0 : i32
        %dma_wait3A_109 = tpu.memref_slice %arg5[%dma_wait3A_107, %dma_wait3A_108] : memref<32x128xf32, #tpu.memory_space<vmem>> -> memref<8x64xf32, #tpu.memory_space<vmem>>
        %dma_wait3A_110 = arith.constant 0 : i32
        %dma_wait3A_111 = arith.constant 0 : i32
        %dma_wait3A_112 = tpu.memref_slice %arg2[%dma_wait3A_110, %dma_wait3A_111] : memref<32x1000000xf32, #tpu.memory_space<hbm>> -> memref<8x64xf32, #tpu.memory_space<hbm>>
        %dma_wait3A_113 = arith.constant 16 : i32
        %dma_wait3A_114 = arith.constant 0 : i32
        %dma_wait3A_115 = tpu.memref_slice %arg5[%dma_wait3A_113, %dma_wait3A_114] : memref<32x128xf32, #tpu.memory_space<vmem>> -> memref<8x64xf32, #tpu.memory_space<vmem>>
        %dma_wait3A_116 = arith.constant 0 : i32
        %dma_wait3A_117 = arith.constant 0 : i32
        %dma_wait3A_118 = tpu.memref_slice %arg2[%dma_wait3A_116, %dma_wait3A_117] : memref<32x1000000xf32, #tpu.memory_space<hbm>> -> memref<8x64xf32, #tpu.memory_space<hbm>>
        tpu.wait_dma2 semaphore(%arg13 : memref<!tpu.dma_semaphore, #tpu.memory_space<semaphore_mem>>) src(%dma_wait3A_118 : memref<8x64xf32, #tpu.memory_space<hbm>>) dst(%dma_wait3A_115 : memref<8x64xf32, #tpu.memory_space<vmem>>)
        %dma_wait3A_119 = arith.constant 24 : i32
        %dma_wait3A_120 = arith.constant 0 : i32
        %dma_wait3A_121 = tpu.memref_slice %arg5[%dma_wait3A_119, %dma_wait3A_120] : memref<32x128xf32, #tpu.memory_space<vmem>> -> memref<8x64xf32, #tpu.memory_space<vmem>>
        %dma_wait3A_122 = arith.constant 0 : i32
        %dma_wait3A_123 = arith.constant 0 : i32
        %dma_wait3A_124 = tpu.memref_slice %arg2[%dma_wait3A_122, %dma_wait3A_123] : memref<32x1000000xf32, #tpu.memory_space<hbm>> -> memref<8x64xf32, #tpu.memory_space<hbm>>
        %dma_wait3A_125 = arith.constant 24 : i32
        %dma_wait3A_126 = arith.constant 0 : i32
        %dma_wait3A_127 = tpu.memref_slice %arg5[%dma_wait3A_125, %dma_wait3A_126] : memref<32x128xf32, #tpu.memory_space<vmem>> -> memref<8x64xf32, #tpu.memory_space<vmem>>
        %dma_wait3A_128 = arith.constant 0 : i32
        %dma_wait3A_129 = arith.constant 0 : i32
        %dma_wait3A_130 = tpu.memref_slice %arg2[%dma_wait3A_128, %dma_wait3A_129] : memref<32x1000000xf32, #tpu.memory_space<hbm>> -> memref<8x64xf32, #tpu.memory_space<hbm>>
        tpu.wait_dma2 semaphore(%arg13 : memref<!tpu.dma_semaphore, #tpu.memory_space<semaphore_mem>>) src(%dma_wait3A_130 : memref<8x64xf32, #tpu.memory_space<hbm>>) dst(%dma_wait3A_127 : memref<8x64xf32, #tpu.memory_space<vmem>>)
        %ge3A_131 = arith.constant 4 : i32
        %ge3A_132 = arith.cmpi sge, %add3A_62, %ge3A_131 : i32
        %convert_element_type3A_133 = arith.extui %ge3A_132 : i1 to i32
        %cond3A_134 = arith.constant 0 : i32
        %cond3A_135 = arith.cmpi ne, %convert_element_type3A_133, %cond3A_134 : i32
        scf.if %cond3A_135 {
          %mul3A_153 = arith.constant 64 : i32
          %mul3A_154 = arith.muli %add3A_83, %mul3A_153 : i32
          %mul3A_155 = arith.constant 32 : i32
          %mul3A_156 = arith.muli %mul3A_154, %mul3A_155 : i32
          %dma_wait3A_157 = tpu.memref_slice %arg3[%mul3A_156] : memref<32000000xf32, #tpu.memory_space<hbm>> -> memref<2048xf32, #tpu.memory_space<hbm>>
          %dma_wait3A_158 = tpu.memref_slice %arg3[%mul3A_156] : memref<32000000xf32, #tpu.memory_space<hbm>> -> memref<2048xf32, #tpu.memory_space<hbm>>
          tpu.wait_dma2 semaphore(%arg17 : memref<!tpu.dma_semaphore, #tpu.memory_space<semaphore_mem>>) src(%arg9 : memref<2048xf32, #tpu.memory_space<vmem>>) dst(%dma_wait3A_158 : memref<2048xf32, #tpu.memory_space<hbm>>)
        } else {
        }
        %scan3A_136 = arith.constant 0 : i32
        %scan3A_137 = arith.constant 0 : i32
        %scan3A_138 = arith.constant 16 : i32
        %scan3A_139 = arith.addi %scan3A_137, %scan3A_138 : i32
        %scan3A_140 = arith.constant 2 : i32
        scf.for %scan3A_153 = %scan3A_137 to %scan3A_139 step %scan3A_140  : i32 {
          %add3A_154 = vector.broadcast %scan3A_153 : i32 to vector<16xi32>
          %add3A_155 = arith.addi %iota3A, %add3A_154 : vector<16xi32>
          %and3A = arith.constant 15 : i32
          %and3A_156 = vector.broadcast %and3A : i32 to vector<16xi32>
          %and3A_157 = arith.andi %add3A_155, %and3A_156 : vector<16xi32>
          %add3A_158 = arith.constant 0 : i32
          %add3A_159 = vector.broadcast %add3A_158 : i32 to vector<16xi32>
          %add3A_160 = arith.addi %add3A_159, %iota3A : vector<16xi32>
          %add3A_161 = arith.constant 0 : i32
          %add3A_162 = vector.broadcast %add3A_161 : i32 to vector<16xi32>
          %add3A_163 = arith.addi %add3A_162, %and3A_157 : vector<16xi32>
          %gather3A = tpu.vector_load_idx %arg5[%add3A_163, %add3A_160] : memref<32x128xf32, #tpu.memory_space<vmem>>[vector<16xi32>, vector<16xi32>], vector<16xf32>,
          %mul3A_164 = arith.constant 32 : i32
          %mul3A_165 = vector.broadcast %mul3A_164 : i32 to vector<16xi32>
          %mul3A_166 = arith.muli %add3A_160, %mul3A_165 : vector<16xi32>
          %add3A_167 = arith.addi %mul3A_166, %add3A_163 : vector<16xi32>
          %mul3A_168 = arith.constant 5.65685415 : f32
          %mul3A_169 = vector.broadcast %mul3A_168 : f32 to vector<16xf32>
          %mul3A_170 = arith.mulf %gather3A, %mul3A_169 : vector<16xf32>
          tpu.vector_store_idx %arg9[%add3A_167], %mul3A_170 : memref<2048xf32, #tpu.memory_space<vmem>>[vector<16xi32>], vector<16xf32>,
          %add3A_171 = arith.constant 16 : i32
          %add3A_172 = vector.broadcast %add3A_171 : i32 to vector<16xi32>
          %add3A_173 = arith.addi %add3A_172, %iota3A : vector<16xi32>
          %add3A_174 = arith.constant 0 : i32
          %add3A_175 = vector.broadcast %add3A_174 : i32 to vector<16xi32>
          %add3A_176 = arith.addi %add3A_175, %and3A_157 : vector<16xi32>
          %gather3A_177 = tpu.vector_load_idx %arg5[%add3A_176, %add3A_173] : memref<32x128xf32, #tpu.memory_space<vmem>>[vector<16xi32>, vector<16xi32>], vector<16xf32>,
          %mul3A_178 = arith.constant 32 : i32
          %mul3A_179 = vector.broadcast %mul3A_178 : i32 to vector<16xi32>
          %mul3A_180 = arith.muli %add3A_173, %mul3A_179 : vector<16xi32>
          %add3A_181 = arith.addi %mul3A_180, %add3A_176 : vector<16xi32>
          %mul3A_182 = arith.constant 5.65685415 : f32
          %mul3A_183 = vector.broadcast %mul3A_182 : f32 to vector<16xf32>
          %mul3A_184 = arith.mulf %gather3A_177, %mul3A_183 : vector<16xf32>
          tpu.vector_store_idx %arg9[%add3A_181], %mul3A_184 : memref<2048xf32, #tpu.memory_space<vmem>>[vector<16xi32>], vector<16xf32>,
          %add3A_185 = arith.constant 32 : i32
          %add3A_186 = vector.broadcast %add3A_185 : i32 to vector<16xi32>
          %add3A_187 = arith.addi %add3A_186, %iota3A : vector<16xi32>
          %add3A_188 = arith.constant 0 : i32
          %add3A_189 = vector.broadcast %add3A_188 : i32 to vector<16xi32>
          %add3A_190 = arith.addi %add3A_189, %and3A_157 : vector<16xi32>
          %gather3A_191 = tpu.vector_load_idx %arg5[%add3A_190, %add3A_187] : memref<32x128xf32, #tpu.memory_space<vmem>>[vector<16xi32>, vector<16xi32>], vector<16xf32>,
          %mul3A_192 = arith.constant 32 : i32
          %mul3A_193 = vector.broadcast %mul3A_192 : i32 to vector<16xi32>
          %mul3A_194 = arith.muli %add3A_187, %mul3A_193 : vector<16xi32>
          %add3A_195 = arith.addi %mul3A_194, %add3A_190 : vector<16xi32>
          %mul3A_196 = arith.constant 5.65685415 : f32
          %mul3A_197 = vector.broadcast %mul3A_196 : f32 to vector<16xf32>
          %mul3A_198 = arith.mulf %gather3A_191, %mul3A_197 : vector<16xf32>
          tpu.vector_store_idx %arg9[%add3A_195], %mul3A_198 : memref<2048xf32, #tpu.memory_space<vmem>>[vector<16xi32>], vector<16xf32>,
          %add3A_199 = arith.constant 48 : i32
          %add3A_200 = vector.broadcast %add3A_199 : i32 to vector<16xi32>
          %add3A_201 = arith.addi %add3A_200, %iota3A : vector<16xi32>
          %add3A_202 = arith.constant 0 : i32
          %add3A_203 = vector.broadcast %add3A_202 : i32 to vector<16xi32>
          %add3A_204 = arith.addi %add3A_203, %and3A_157 : vector<16xi32>
          %gather3A_205 = tpu.vector_load_idx %arg5[%add3A_204, %add3A_201] : memref<32x128xf32, #tpu.memory_space<vmem>>[vector<16xi32>, vector<16xi32>], vector<16xf32>,
          %mul3A_206 = arith.constant 32 : i32
          %mul3A_207 = vector.broadcast %mul3A_206 : i32 to vector<16xi32>
          %mul3A_208 = arith.muli %add3A_201, %mul3A_207 : vector<16xi32>
          %add3A_209 = arith.addi %mul3A_208, %add3A_204 : vector<16xi32>
          %mul3A_210 = arith.constant 5.65685415 : f32
          %mul3A_211 = vector.broadcast %mul3A_210 : f32 to vector<16xf32>
          %mul3A_212 = arith.mulf %gather3A_205, %mul3A_211 : vector<16xf32>
          tpu.vector_store_idx %arg9[%add3A_209], %mul3A_212 : memref<2048xf32, #tpu.memory_space<vmem>>[vector<16xi32>], vector<16xf32>,
          %add3A_213 = arith.constant 0 : i32
          %add3A_214 = vector.broadcast %add3A_213 : i32 to vector<16xi32>
          %add3A_215 = arith.addi %add3A_214, %iota3A : vector<16xi32>
          %add3A_216 = arith.constant 16 : i32
          %add3A_217 = vector.broadcast %add3A_216 : i32 to vector<16xi32>
          %add3A_218 = arith.addi %add3A_217, %and3A_157 : vector<16xi32>
          %gather3A_219 = tpu.vector_load_idx %arg5[%add3A_218, %add3A_215] : memref<32x128xf32, #tpu.memory_space<vmem>>[vector<16xi32>, vector<16xi32>], vector<16xf32>,
          %mul3A_220 = arith.constant 32 : i32
          %mul3A_221 = vector.broadcast %mul3A_220 : i32 to vector<16xi32>
          %mul3A_222 = arith.muli %add3A_215, %mul3A_221 : vector<16xi32>
          %add3A_223 = arith.addi %mul3A_222, %add3A_218 : vector<16xi32>
          %mul3A_224 = arith.constant 5.65685415 : f32
          %mul3A_225 = vector.broadcast %mul3A_224 : f32 to vector<16xf32>
          %mul3A_226 = arith.mulf %gather3A_219, %mul3A_225 : vector<16xf32>
          tpu.vector_store_idx %arg9[%add3A_223], %mul3A_226 : memref<2048xf32, #tpu.memory_space<vmem>>[vector<16xi32>], vector<16xf32>,
          %add3A_227 = arith.constant 16 : i32
          %add3A_228 = vector.broadcast %add3A_227 : i32 to vector<16xi32>
          %add3A_229 = arith.addi %add3A_228, %iota3A : vector<16xi32>
          %add3A_230 = arith.constant 16 : i32
          %add3A_231 = vector.broadcast %add3A_230 : i32 to vector<16xi32>
          %add3A_232 = arith.addi %add3A_231, %and3A_157 : vector<16xi32>
          %gather3A_233 = tpu.vector_load_idx %arg5[%add3A_232, %add3A_229] : memref<32x128xf32, #tpu.memory_space<vmem>>[vector<16xi32>, vector<16xi32>], vector<16xf32>,
          %mul3A_234 = arith.constant 32 : i32
          %mul3A_235 = vector.broadcast %mul3A_234 : i32 to vector<16xi32>
          %mul3A_236 = arith.muli %add3A_229, %mul3A_235 : vector<16xi32>
          %add3A_237 = arith.addi %mul3A_236, %add3A_232 : vector<16xi32>
          %mul3A_238 = arith.constant 5.65685415 : f32
          %mul3A_239 = vector.broadcast %mul3A_238 : f32 to vector<16xf32>
          %mul3A_240 = arith.mulf %gather3A_233, %mul3A_239 : vector<16xf32>
          tpu.vector_store_idx %arg9[%add3A_237], %mul3A_240 : memref<2048xf32, #tpu.memory_space<vmem>>[vector<16xi32>], vector<16xf32>,
          %add3A_241 = arith.constant 32 : i32
          %add3A_242 = vector.broadcast %add3A_241 : i32 to vector<16xi32>
          %add3A_243 = arith.addi %add3A_242, %iota3A : vector<16xi32>
          %add3A_244 = arith.constant 16 : i32
          %add3A_245 = vector.broadcast %add3A_244 : i32 to vector<16xi32>
          %add3A_246 = arith.addi %add3A_245, %and3A_157 : vector<16xi32>
          %gather3A_247 = tpu.vector_load_idx %arg5[%add3A_246, %add3A_243] : memref<32x128xf32, #tpu.memory_space<vmem>>[vector<16xi32>, vector<16xi32>], vector<16xf32>,
          %mul3A_248 = arith.constant 32 : i32
          %mul3A_249 = vector.broadcast %mul3A_248 : i32 to vector<16xi32>
          %mul3A_250 = arith.muli %add3A_243, %mul3A_249 : vector<16xi32>
          %add3A_251 = arith.addi %mul3A_250, %add3A_246 : vector<16xi32>
          %mul3A_252 = arith.constant 5.65685415 : f32
          %mul3A_253 = vector.broadcast %mul3A_252 : f32 to vector<16xf32>
          %mul3A_254 = arith.mulf %gather3A_247, %mul3A_253 : vector<16xf32>
          tpu.vector_store_idx %arg9[%add3A_251], %mul3A_254 : memref<2048xf32, #tpu.memory_space<vmem>>[vector<16xi32>], vector<16xf32>,
          %add3A_255 = arith.constant 48 : i32
          %add3A_256 = vector.broadcast %add3A_255 : i32 to vector<16xi32>
          %add3A_257 = arith.addi %add3A_256, %iota3A : vector<16xi32>
          %add3A_258 = arith.constant 16 : i32
          %add3A_259 = vector.broadcast %add3A_258 : i32 to vector<16xi32>
          %add3A_260 = arith.addi %add3A_259, %and3A_157 : vector<16xi32>
          %gather3A_261 = tpu.vector_load_idx %arg5[%add3A_260, %add3A_257] : memref<32x128xf32, #tpu.memory_space<vmem>>[vector<16xi32>, vector<16xi32>], vector<16xf32>,
          %mul3A_262 = arith.constant 32 : i32
          %mul3A_263 = vector.broadcast %mul3A_262 : i32 to vector<16xi32>
          %mul3A_264 = arith.muli %add3A_257, %mul3A_263 : vector<16xi32>
          %add3A_265 = arith.addi %mul3A_264, %add3A_260 : vector<16xi32>
          %mul3A_266 = arith.constant 5.65685415 : f32
          %mul3A_267 = vector.broadcast %mul3A_266 : f32 to vector<16xf32>
          %mul3A_268 = arith.mulf %gather3A_261, %mul3A_267 : vector<16xf32>
          tpu.vector_store_idx %arg9[%add3A_265], %mul3A_268 : memref<2048xf32, #tpu.memory_space<vmem>>[vector<16xi32>], vector<16xf32>,
          %scan3A_269 = arith.constant 1 : i32
          %scan3A_270 = arith.addi %scan3A_153, %scan3A_269 : i32
          %add3A_271 = vector.broadcast %scan3A_270 : i32 to vector<16xi32>
          %add3A_272 = arith.addi %iota3A, %add3A_271 : vector<16xi32>
          %and3A_273 = arith.constant 15 : i32
          %and3A_274 = vector.broadcast %and3A_273 : i32 to vector<16xi32>
          %and3A_275 = arith.andi %add3A_272, %and3A_274 : vector<16xi32>
          %add3A_276 = arith.constant 0 : i32
          %add3A_277 = vector.broadcast %add3A_276 : i32 to vector<16xi32>
          %add3A_278 = arith.addi %add3A_277, %iota3A : vector<16xi32>
          %add3A_279 = arith.constant 0 : i32
          %add3A_280 = vector.broadcast %add3A_279 : i32 to vector<16xi32>
          %add3A_281 = arith.addi %add3A_280, %and3A_275 : vector<16xi32>
          %gather3A_282 = tpu.vector_load_idx %arg5[%add3A_281, %add3A_278] : memref<32x128xf32, #tpu.memory_space<vmem>>[vector<16xi32>, vector<16xi32>], vector<16xf32>,
          %mul3A_283 = arith.constant 32 : i32
          %mul3A_284 = vector.broadcast %mul3A_283 : i32 to vector<16xi32>
          %mul3A_285 = arith.muli %add3A_278, %mul3A_284 : vector<16xi32>
          %add3A_286 = arith.addi %mul3A_285, %add3A_281 : vector<16xi32>
          %mul3A_287 = arith.constant 5.65685415 : f32
          %mul3A_288 = vector.broadcast %mul3A_287 : f32 to vector<16xf32>
          %mul3A_289 = arith.mulf %gather3A_282, %mul3A_288 : vector<16xf32>
          tpu.vector_store_idx %arg9[%add3A_286], %mul3A_289 : memref<2048xf32, #tpu.memory_space<vmem>>[vector<16xi32>], vector<16xf32>,
          %add3A_290 = arith.constant 16 : i32
          %add3A_291 = vector.broadcast %add3A_290 : i32 to vector<16xi32>
          %add3A_292 = arith.addi %add3A_291, %iota3A : vector<16xi32>
          %add3A_293 = arith.constant 0 : i32
          %add3A_294 = vector.broadcast %add3A_293 : i32 to vector<16xi32>
          %add3A_295 = arith.addi %add3A_294, %and3A_275 : vector<16xi32>
          %gather3A_296 = tpu.vector_load_idx %arg5[%add3A_295, %add3A_292] : memref<32x128xf32, #tpu.memory_space<vmem>>[vector<16xi32>, vector<16xi32>], vector<16xf32>,
          %mul3A_297 = arith.constant 32 : i32
          %mul3A_298 = vector.broadcast %mul3A_297 : i32 to vector<16xi32>
          %mul3A_299 = arith.muli %add3A_292, %mul3A_298 : vector<16xi32>
          %add3A_300 = arith.addi %mul3A_299, %add3A_295 : vector<16xi32>
          %mul3A_301 = arith.constant 5.65685415 : f32
          %mul3A_302 = vector.broadcast %mul3A_301 : f32 to vector<16xf32>
          %mul3A_303 = arith.mulf %gather3A_296, %mul3A_302 : vector<16xf32>
          tpu.vector_store_idx %arg9[%add3A_300], %mul3A_303 : memref<2048xf32, #tpu.memory_space<vmem>>[vector<16xi32>], vector<16xf32>,
          %add3A_304 = arith.constant 32 : i32
          %add3A_305 = vector.broadcast %add3A_304 : i32 to vector<16xi32>
          %add3A_306 = arith.addi %add3A_305, %iota3A : vector<16xi32>
          %add3A_307 = arith.constant 0 : i32
          %add3A_308 = vector.broadcast %add3A_307 : i32 to vector<16xi32>
          %add3A_309 = arith.addi %add3A_308, %and3A_275 : vector<16xi32>
          %gather3A_310 = tpu.vector_load_idx %arg5[%add3A_309, %add3A_306] : memref<32x128xf32, #tpu.memory_space<vmem>>[vector<16xi32>, vector<16xi32>], vector<16xf32>,
          %mul3A_311 = arith.constant 32 : i32
          %mul3A_312 = vector.broadcast %mul3A_311 : i32 to vector<16xi32>
          %mul3A_313 = arith.muli %add3A_306, %mul3A_312 : vector<16xi32>
          %add3A_314 = arith.addi %mul3A_313, %add3A_309 : vector<16xi32>
          %mul3A_315 = arith.constant 5.65685415 : f32
          %mul3A_316 = vector.broadcast %mul3A_315 : f32 to vector<16xf32>
          %mul3A_317 = arith.mulf %gather3A_310, %mul3A_316 : vector<16xf32>
          tpu.vector_store_idx %arg9[%add3A_314], %mul3A_317 : memref<2048xf32, #tpu.memory_space<vmem>>[vector<16xi32>], vector<16xf32>,
          %add3A_318 = arith.constant 48 : i32
          %add3A_319 = vector.broadcast %add3A_318 : i32 to vector<16xi32>
          %add3A_320 = arith.addi %add3A_319, %iota3A : vector<16xi32>
          %add3A_321 = arith.constant 0 : i32
          %add3A_322 = vector.broadcast %add3A_321 : i32 to vector<16xi32>
          %add3A_323 = arith.addi %add3A_322, %and3A_275 : vector<16xi32>
          %gather3A_324 = tpu.vector_load_idx %arg5[%add3A_323, %add3A_320] : memref<32x128xf32, #tpu.memory_space<vmem>>[vector<16xi32>, vector<16xi32>], vector<16xf32>,
          %mul3A_325 = arith.constant 32 : i32
          %mul3A_326 = vector.broadcast %mul3A_325 : i32 to vector<16xi32>
          %mul3A_327 = arith.muli %add3A_320, %mul3A_326 : vector<16xi32>
          %add3A_328 = arith.addi %mul3A_327, %add3A_323 : vector<16xi32>
          %mul3A_329 = arith.constant 5.65685415 : f32
          %mul3A_330 = vector.broadcast %mul3A_329 : f32 to vector<16xf32>
          %mul3A_331 = arith.mulf %gather3A_324, %mul3A_330 : vector<16xf32>
          tpu.vector_store_idx %arg9[%add3A_328], %mul3A_331 : memref<2048xf32, #tpu.memory_space<vmem>>[vector<16xi32>], vector<16xf32>,
          %add3A_332 = arith.constant 0 : i32
          %add3A_333 = vector.broadcast %add3A_332 : i32 to vector<16xi32>
          %add3A_334 = arith.addi %add3A_333, %iota3A : vector<16xi32>
          %add3A_335 = arith.constant 16 : i32
          %add3A_336 = vector.broadcast %add3A_335 : i32 to vector<16xi32>
          %add3A_337 = arith.addi %add3A_336, %and3A_275 : vector<16xi32>
          %gather3A_338 = tpu.vector_load_idx %arg5[%add3A_337, %add3A_334] : memref<32x128xf32, #tpu.memory_space<vmem>>[vector<16xi32>, vector<16xi32>], vector<16xf32>,
          %mul3A_339 = arith.constant 32 : i32
          %mul3A_340 = vector.broadcast %mul3A_339 : i32 to vector<16xi32>
          %mul3A_341 = arith.muli %add3A_334, %mul3A_340 : vector<16xi32>
          %add3A_342 = arith.addi %mul3A_341, %add3A_337 : vector<16xi32>
          %mul3A_343 = arith.constant 5.65685415 : f32
          %mul3A_344 = vector.broadcast %mul3A_343 : f32 to vector<16xf32>
          %mul3A_345 = arith.mulf %gather3A_338, %mul3A_344 : vector<16xf32>
          tpu.vector_store_idx %arg9[%add3A_342], %mul3A_345 : memref<2048xf32, #tpu.memory_space<vmem>>[vector<16xi32>], vector<16xf32>,
          %add3A_346 = arith.constant 16 : i32
          %add3A_347 = vector.broadcast %add3A_346 : i32 to vector<16xi32>
          %add3A_348 = arith.addi %add3A_347, %iota3A : vector<16xi32>
          %add3A_349 = arith.constant 16 : i32
          %add3A_350 = vector.broadcast %add3A_349 : i32 to vector<16xi32>
          %add3A_351 = arith.addi %add3A_350, %and3A_275 : vector<16xi32>
          %gather3A_352 = tpu.vector_load_idx %arg5[%add3A_351, %add3A_348] : memref<32x128xf32, #tpu.memory_space<vmem>>[vector<16xi32>, vector<16xi32>], vector<16xf32>,
          %mul3A_353 = arith.constant 32 : i32
          %mul3A_354 = vector.broadcast %mul3A_353 : i32 to vector<16xi32>
          %mul3A_355 = arith.muli %add3A_348, %mul3A_354 : vector<16xi32>
          %add3A_356 = arith.addi %mul3A_355, %add3A_351 : vector<16xi32>
          %mul3A_357 = arith.constant 5.65685415 : f32
          %mul3A_358 = vector.broadcast %mul3A_357 : f32 to vector<16xf32>
          %mul3A_359 = arith.mulf %gather3A_352, %mul3A_358 : vector<16xf32>
          tpu.vector_store_idx %arg9[%add3A_356], %mul3A_359 : memref<2048xf32, #tpu.memory_space<vmem>>[vector<16xi32>], vector<16xf32>,
          %add3A_360 = arith.constant 32 : i32
          %add3A_361 = vector.broadcast %add3A_360 : i32 to vector<16xi32>
          %add3A_362 = arith.addi %add3A_361, %iota3A : vector<16xi32>
          %add3A_363 = arith.constant 16 : i32
          %add3A_364 = vector.broadcast %add3A_363 : i32 to vector<16xi32>
          %add3A_365 = arith.addi %add3A_364, %and3A_275 : vector<16xi32>
          %gather3A_366 = tpu.vector_load_idx %arg5[%add3A_365, %add3A_362] : memref<32x128xf32, #tpu.memory_space<vmem>>[vector<16xi32>, vector<16xi32>], vector<16xf32>,
          %mul3A_367 = arith.constant 32 : i32
          %mul3A_368 = vector.broadcast %mul3A_367 : i32 to vector<16xi32>
          %mul3A_369 = arith.muli %add3A_362, %mul3A_368 : vector<16xi32>
          %add3A_370 = arith.addi %mul3A_369, %add3A_365 : vector<16xi32>
          %mul3A_371 = arith.constant 5.65685415 : f32
          %mul3A_372 = vector.broadcast %mul3A_371 : f32 to vector<16xf32>
          %mul3A_373 = arith.mulf %gather3A_366, %mul3A_372 : vector<16xf32>
          tpu.vector_store_idx %arg9[%add3A_370], %mul3A_373 : memref<2048xf32, #tpu.memory_space<vmem>>[vector<16xi32>], vector<16xf32>,
          %add3A_374 = arith.constant 48 : i32
          %add3A_375 = vector.broadcast %add3A_374 : i32 to vector<16xi32>
          %add3A_376 = arith.addi %add3A_375, %iota3A : vector<16xi32>
          %add3A_377 = arith.constant 16 : i32
          %add3A_378 = vector.broadcast %add3A_377 : i32 to vector<16xi32>
          %add3A_379 = arith.addi %add3A_378, %and3A_275 : vector<16xi32>
          %gather3A_380 = tpu.vector_load_idx %arg5[%add3A_379, %add3A_376] : memref<32x128xf32, #tpu.memory_space<vmem>>[vector<16xi32>, vector<16xi32>], vector<16xf32>,
          %mul3A_381 = arith.constant 32 : i32
          %mul3A_382 = vector.broadcast %mul3A_381 : i32 to vector<16xi32>
          %mul3A_383 = arith.muli %add3A_376, %mul3A_382 : vector<16xi32>
          %add3A_384 = arith.addi %mul3A_383, %add3A_379 : vector<16xi32>
          %mul3A_385 = arith.constant 5.65685415 : f32
          %mul3A_386 = vector.broadcast %mul3A_385 : f32 to vector<16xf32>
          %mul3A_387 = arith.mulf %gather3A_380, %mul3A_386 : vector<16xf32>
          tpu.vector_store_idx %arg9[%add3A_384], %mul3A_387 : memref<2048xf32, #tpu.memory_space<vmem>>[vector<16xi32>], vector<16xf32>,
        }
        %scan3A_141 = arith.constant 16 : i32
        %mul3A_142 = arith.constant 64 : i32
        %mul3A_143 = arith.muli %add3A_83, %mul3A_142 : i32
        %mul3A_144 = arith.constant 32 : i32
        %mul3A_145 = arith.muli %mul3A_143, %mul3A_144 : i32
        %dma_start3A = tpu.memref_slice %arg3[%mul3A_145] : memref<32000000xf32, #tpu.memory_space<hbm>> -> memref<2048xf32, #tpu.memory_space<hbm>>
        %dma_start3A_146 = tpu.memref_slice %arg3[%mul3A_145] : memref<32000000xf32, #tpu.memory_space<hbm>> -> memref<2048xf32, #tpu.memory_space<hbm>>
        tpu.enqueue_dma source(%arg9 : memref<2048xf32, #tpu.memory_space<vmem>>) target(%dma_start3A_146 : memref<2048xf32, #tpu.memory_space<hbm>>) target_semaphore(%arg17 : memref<!tpu.dma_semaphore, #tpu.memory_space<semaphore_mem>>)
        %add3A_147 = arith.constant 4 : i32
        %add3A_148 = arith.addi %add3A_62, %add3A_147 : i32
        %lt3A_149 = arith.cmpi slt, %add3A_148, %add3A_7 : i32
        %convert_element_type3A_150 = arith.extui %lt3A_149 : i1 to i32
        %cond3A_151 = arith.constant 0 : i32
        %cond3A_152 = arith.cmpi ne, %convert_element_type3A_150, %cond3A_151 : i32
        scf.if %cond3A_152 {
          %add3A_153 = arith.constant 4 : i32
          %add3A_154 = arith.addi %add3A_83, %add3A_153 : i32
          %mul3A_155 = arith.constant 64 : i32
          %mul3A_156 = arith.muli %add3A_154, %mul3A_155 : i32
          %dma_start3A_157 = arith.constant 0 : i32
          %dma_start3A_158 = arith.constant 0 : i32
          %dma_start3A_159 = tpu.memref_slice %arg5[%dma_start3A_157, %dma_start3A_158] : memref<32x128xf32, #tpu.memory_space<vmem>> -> memref<8x64xf32, #tpu.memory_space<vmem>>
          %dma_start3A_160 = arith.constant 0 : i32
          %dma_start3A_161 = tpu.memref_slice %arg2[%dma_start3A_160, %mul3A_156] : memref<32x1000000xf32, #tpu.memory_space<hbm>> -> memref<8x64xf32, #tpu.memory_space<hbm>>
          %dma_start3A_162 = arith.constant 0 : i32
          %dma_start3A_163 = arith.constant 0 : i32
          %dma_start3A_164 = tpu.memref_slice %arg5[%dma_start3A_162, %dma_start3A_163] : memref<32x128xf32, #tpu.memory_space<vmem>> -> memref<8x64xf32, #tpu.memory_space<vmem>>
          %dma_start3A_165 = arith.constant 0 : i32
          %dma_start3A_166 = tpu.memref_slice %arg2[%dma_start3A_165, %mul3A_156] : memref<32x1000000xf32, #tpu.memory_space<hbm>> -> memref<8x64xf32, #tpu.memory_space<hbm>>
          tpu.enqueue_dma source(%dma_start3A_166 : memref<8x64xf32, #tpu.memory_space<hbm>>) target(%dma_start3A_164 : memref<8x64xf32, #tpu.memory_space<vmem>>) target_semaphore(%arg13 : memref<!tpu.dma_semaphore, #tpu.memory_space<semaphore_mem>>)
          %dma_start3A_167 = arith.constant 8 : i32
          %dma_start3A_168 = arith.constant 0 : i32
          %dma_start3A_169 = tpu.memref_slice %arg5[%dma_start3A_167, %dma_start3A_168] : memref<32x128xf32, #tpu.memory_space<vmem>> -> memref<8x64xf32, #tpu.memory_space<vmem>>
          %dma_start3A_170 = arith.constant 8 : i32
          %dma_start3A_171 = tpu.memref_slice %arg2[%dma_start3A_170, %mul3A_156] : memref<32x1000000xf32, #tpu.memory_space<hbm>> -> memref<8x64xf32, #tpu.memory_space<hbm>>
          %dma_start3A_172 = arith.constant 8 : i32
          %dma_start3A_173 = arith.constant 0 : i32
          %dma_start3A_174 = tpu.memref_slice %arg5[%dma_start3A_172, %dma_start3A_173] : memref<32x128xf32, #tpu.memory_space<vmem>> -> memref<8x64xf32, #tpu.memory_space<vmem>>
          %dma_start3A_175 = arith.constant 8 : i32
          %dma_start3A_176 = tpu.memref_slice %arg2[%dma_start3A_175, %mul3A_156] : memref<32x1000000xf32, #tpu.memory_space<hbm>> -> memref<8x64xf32, #tpu.memory_space<hbm>>
          tpu.enqueue_dma source(%dma_start3A_176 : memref<8x64xf32, #tpu.memory_space<hbm>>) target(%dma_start3A_174 : memref<8x64xf32, #tpu.memory_space<vmem>>) target_semaphore(%arg13 : memref<!tpu.dma_semaphore, #tpu.memory_space<semaphore_mem>>)
          %dma_start3A_177 = arith.constant 16 : i32
          %dma_start3A_178 = arith.constant 0 : i32
          %dma_start3A_179 = tpu.memref_slice %arg5[%dma_start3A_177, %dma_start3A_178] : memref<32x128xf32, #tpu.memory_space<vmem>> -> memref<8x64xf32, #tpu.memory_space<vmem>>
          %dma_start3A_180 = arith.constant 16 : i32
          %dma_start3A_181 = tpu.memref_slice %arg2[%dma_start3A_180, %mul3A_156] : memref<32x1000000xf32, #tpu.memory_space<hbm>> -> memref<8x64xf32, #tpu.memory_space<hbm>>
          %dma_start3A_182 = arith.constant 16 : i32
          %dma_start3A_183 = arith.constant 0 : i32
          %dma_start3A_184 = tpu.memref_slice %arg5[%dma_start3A_182, %dma_start3A_183] : memref<32x128xf32, #tpu.memory_space<vmem>> -> memref<8x64xf32, #tpu.memory_space<vmem>>
          %dma_start3A_185 = arith.constant 16 : i32
          %dma_start3A_186 = tpu.memref_slice %arg2[%dma_start3A_185, %mul3A_156] : memref<32x1000000xf32, #tpu.memory_space<hbm>> -> memref<8x64xf32, #tpu.memory_space<hbm>>
          tpu.enqueue_dma source(%dma_start3A_186 : memref<8x64xf32, #tpu.memory_space<hbm>>) target(%dma_start3A_184 : memref<8x64xf32, #tpu.memory_space<vmem>>) target_semaphore(%arg13 : memref<!tpu.dma_semaphore, #tpu.memory_space<semaphore_mem>>)
          %dma_start3A_187 = arith.constant 24 : i32
          %dma_start3A_188 = arith.constant 0 : i32
          %dma_start3A_189 = tpu.memref_slice %arg5[%dma_start3A_187, %dma_start3A_188] : memref<32x128xf32, #tpu.memory_space<vmem>> -> memref<8x64xf32, #tpu.memory_space<vmem>>
          %dma_start3A_190 = arith.constant 24 : i32
          %dma_start3A_191 = tpu.memref_slice %arg2[%dma_start3A_190, %mul3A_156] : memref<32x1000000xf32, #tpu.memory_space<hbm>> -> memref<8x64xf32, #tpu.memory_space<hbm>>
          %dma_start3A_192 = arith.constant 24 : i32
          %dma_start3A_193 = arith.constant 0 : i32
          %dma_start3A_194 = tpu.memref_slice %arg5[%dma_start3A_192, %dma_start3A_193] : memref<32x128xf32, #tpu.memory_space<vmem>> -> memref<8x64xf32, #tpu.memory_space<vmem>>
          %dma_start3A_195 = arith.constant 24 : i32
          %dma_start3A_196 = tpu.memref_slice %arg2[%dma_start3A_195, %mul3A_156] : memref<32x1000000xf32, #tpu.memory_space<hbm>> -> memref<8x64xf32, #tpu.memory_space<hbm>>
          tpu.enqueue_dma source(%dma_start3A_196 : memref<8x64xf32, #tpu.memory_space<hbm>>) target(%dma_start3A_194 : memref<8x64xf32, #tpu.memory_space<vmem>>) target_semaphore(%arg13 : memref<!tpu.dma_semaphore, #tpu.memory_space<semaphore_mem>>)
        } else {
        }
      } else {
      }
      %mul3A_67 = arith.constant 4 : i32
      %mul3A_68 = arith.muli %scan3A_50, %mul3A_67 : i32
      %add3A_69 = arith.constant 2 : i32
      %add3A_70 = arith.addi %mul3A_68, %add3A_69 : i32
      %lt3A_71 = arith.cmpi slt, %add3A_70, %add3A_7 : i32
      %convert_element_type3A_72 = arith.extui %lt3A_71 : i1 to i32
      %cond3A_73 = arith.constant 0 : i32
      %cond3A_74 = arith.cmpi ne, %convert_element_type3A_72, %cond3A_73 : i32
      scf.if %cond3A_74 {
        %add3A_83 = arith.addi %add3A_4, %add3A_70 : i32
        %dma_wait3A = arith.constant 0 : i32
        %dma_wait3A_84 = arith.constant 0 : i32
        %dma_wait3A_85 = tpu.memref_slice %arg6[%dma_wait3A, %dma_wait3A_84] : memref<32x128xf32, #tpu.memory_space<vmem>> -> memref<8x64xf32, #tpu.memory_space<vmem>>
        %dma_wait3A_86 = arith.constant 0 : i32
        %dma_wait3A_87 = arith.constant 0 : i32
        %dma_wait3A_88 = tpu.memref_slice %arg2[%dma_wait3A_86, %dma_wait3A_87] : memref<32x1000000xf32, #tpu.memory_space<hbm>> -> memref<8x64xf32, #tpu.memory_space<hbm>>
        %dma_wait3A_89 = arith.constant 0 : i32
        %dma_wait3A_90 = arith.constant 0 : i32
        %dma_wait3A_91 = tpu.memref_slice %arg6[%dma_wait3A_89, %dma_wait3A_90] : memref<32x128xf32, #tpu.memory_space<vmem>> -> memref<8x64xf32, #tpu.memory_space<vmem>>
        %dma_wait3A_92 = arith.constant 0 : i32
        %dma_wait3A_93 = arith.constant 0 : i32
        %dma_wait3A_94 = tpu.memref_slice %arg2[%dma_wait3A_92, %dma_wait3A_93] : memref<32x1000000xf32, #tpu.memory_space<hbm>> -> memref<8x64xf32, #tpu.memory_space<hbm>>
        tpu.wait_dma2 semaphore(%arg14 : memref<!tpu.dma_semaphore, #tpu.memory_space<semaphore_mem>>) src(%dma_wait3A_94 : memref<8x64xf32, #tpu.memory_space<hbm>>) dst(%dma_wait3A_91 : memref<8x64xf32, #tpu.memory_space<vmem>>)
        %dma_wait3A_95 = arith.constant 8 : i32
        %dma_wait3A_96 = arith.constant 0 : i32
        %dma_wait3A_97 = tpu.memref_slice %arg6[%dma_wait3A_95, %dma_wait3A_96] : memref<32x128xf32, #tpu.memory_space<vmem>> -> memref<8x64xf32, #tpu.memory_space<vmem>>
        %dma_wait3A_98 = arith.constant 0 : i32
        %dma_wait3A_99 = arith.constant 0 : i32
        %dma_wait3A_100 = tpu.memref_slice %arg2[%dma_wait3A_98, %dma_wait3A_99] : memref<32x1000000xf32, #tpu.memory_space<hbm>> -> memref<8x64xf32, #tpu.memory_space<hbm>>
        %dma_wait3A_101 = arith.constant 8 : i32
        %dma_wait3A_102 = arith.constant 0 : i32
        %dma_wait3A_103 = tpu.memref_slice %arg6[%dma_wait3A_101, %dma_wait3A_102] : memref<32x128xf32, #tpu.memory_space<vmem>> -> memref<8x64xf32, #tpu.memory_space<vmem>>
        %dma_wait3A_104 = arith.constant 0 : i32
        %dma_wait3A_105 = arith.constant 0 : i32
        %dma_wait3A_106 = tpu.memref_slice %arg2[%dma_wait3A_104, %dma_wait3A_105] : memref<32x1000000xf32, #tpu.memory_space<hbm>> -> memref<8x64xf32, #tpu.memory_space<hbm>>
        tpu.wait_dma2 semaphore(%arg14 : memref<!tpu.dma_semaphore, #tpu.memory_space<semaphore_mem>>) src(%dma_wait3A_106 : memref<8x64xf32, #tpu.memory_space<hbm>>) dst(%dma_wait3A_103 : memref<8x64xf32, #tpu.memory_space<vmem>>)
        %dma_wait3A_107 = arith.constant 16 : i32
        %dma_wait3A_108 = arith.constant 0 : i32
        %dma_wait3A_109 = tpu.memref_slice %arg6[%dma_wait3A_107, %dma_wait3A_108] : memref<32x128xf32, #tpu.memory_space<vmem>> -> memref<8x64xf32, #tpu.memory_space<vmem>>
        %dma_wait3A_110 = arith.constant 0 : i32
        %dma_wait3A_111 = arith.constant 0 : i32
        %dma_wait3A_112 = tpu.memref_slice %arg2[%dma_wait3A_110, %dma_wait3A_111] : memref<32x1000000xf32, #tpu.memory_space<hbm>> -> memref<8x64xf32, #tpu.memory_space<hbm>>
        %dma_wait3A_113 = arith.constant 16 : i32
        %dma_wait3A_114 = arith.constant 0 : i32
        %dma_wait3A_115 = tpu.memref_slice %arg6[%dma_wait3A_113, %dma_wait3A_114] : memref<32x128xf32, #tpu.memory_space<vmem>> -> memref<8x64xf32, #tpu.memory_space<vmem>>
        %dma_wait3A_116 = arith.constant 0 : i32
        %dma_wait3A_117 = arith.constant 0 : i32
        %dma_wait3A_118 = tpu.memref_slice %arg2[%dma_wait3A_116, %dma_wait3A_117] : memref<32x1000000xf32, #tpu.memory_space<hbm>> -> memref<8x64xf32, #tpu.memory_space<hbm>>
        tpu.wait_dma2 semaphore(%arg14 : memref<!tpu.dma_semaphore, #tpu.memory_space<semaphore_mem>>) src(%dma_wait3A_118 : memref<8x64xf32, #tpu.memory_space<hbm>>) dst(%dma_wait3A_115 : memref<8x64xf32, #tpu.memory_space<vmem>>)
        %dma_wait3A_119 = arith.constant 24 : i32
        %dma_wait3A_120 = arith.constant 0 : i32
        %dma_wait3A_121 = tpu.memref_slice %arg6[%dma_wait3A_119, %dma_wait3A_120] : memref<32x128xf32, #tpu.memory_space<vmem>> -> memref<8x64xf32, #tpu.memory_space<vmem>>
        %dma_wait3A_122 = arith.constant 0 : i32
        %dma_wait3A_123 = arith.constant 0 : i32
        %dma_wait3A_124 = tpu.memref_slice %arg2[%dma_wait3A_122, %dma_wait3A_123] : memref<32x1000000xf32, #tpu.memory_space<hbm>> -> memref<8x64xf32, #tpu.memory_space<hbm>>
        %dma_wait3A_125 = arith.constant 24 : i32
        %dma_wait3A_126 = arith.constant 0 : i32
        %dma_wait3A_127 = tpu.memref_slice %arg6[%dma_wait3A_125, %dma_wait3A_126] : memref<32x128xf32, #tpu.memory_space<vmem>> -> memref<8x64xf32, #tpu.memory_space<vmem>>
        %dma_wait3A_128 = arith.constant 0 : i32
        %dma_wait3A_129 = arith.constant 0 : i32
        %dma_wait3A_130 = tpu.memref_slice %arg2[%dma_wait3A_128, %dma_wait3A_129] : memref<32x1000000xf32, #tpu.memory_space<hbm>> -> memref<8x64xf32, #tpu.memory_space<hbm>>
        tpu.wait_dma2 semaphore(%arg14 : memref<!tpu.dma_semaphore, #tpu.memory_space<semaphore_mem>>) src(%dma_wait3A_130 : memref<8x64xf32, #tpu.memory_space<hbm>>) dst(%dma_wait3A_127 : memref<8x64xf32, #tpu.memory_space<vmem>>)
        %ge3A_131 = arith.constant 4 : i32
        %ge3A_132 = arith.cmpi sge, %add3A_70, %ge3A_131 : i32
        %convert_element_type3A_133 = arith.extui %ge3A_132 : i1 to i32
        %cond3A_134 = arith.constant 0 : i32
        %cond3A_135 = arith.cmpi ne, %convert_element_type3A_133, %cond3A_134 : i32
        scf.if %cond3A_135 {
          %mul3A_153 = arith.constant 64 : i32
          %mul3A_154 = arith.muli %add3A_83, %mul3A_153 : i32
          %mul3A_155 = arith.constant 32 : i32
          %mul3A_156 = arith.muli %mul3A_154, %mul3A_155 : i32
          %dma_wait3A_157 = tpu.memref_slice %arg3[%mul3A_156] : memref<32000000xf32, #tpu.memory_space<hbm>> -> memref<2048xf32, #tpu.memory_space<hbm>>
          %dma_wait3A_158 = tpu.memref_slice %arg3[%mul3A_156] : memref<32000000xf32, #tpu.memory_space<hbm>> -> memref<2048xf32, #tpu.memory_space<hbm>>
          tpu.wait_dma2 semaphore(%arg18 : memref<!tpu.dma_semaphore, #tpu.memory_space<semaphore_mem>>) src(%arg10 : memref<2048xf32, #tpu.memory_space<vmem>>) dst(%dma_wait3A_158 : memref<2048xf32, #tpu.memory_space<hbm>>)
        } else {
        }
        %scan3A_136 = arith.constant 0 : i32
        %scan3A_137 = arith.constant 0 : i32
        %scan3A_138 = arith.constant 16 : i32
        %scan3A_139 = arith.addi %scan3A_137, %scan3A_138 : i32
        %scan3A_140 = arith.constant 2 : i32
        scf.for %scan3A_153 = %scan3A_137 to %scan3A_139 step %scan3A_140  : i32 {
          %add3A_154 = vector.broadcast %scan3A_153 : i32 to vector<16xi32>
          %add3A_155 = arith.addi %iota3A, %add3A_154 : vector<16xi32>
          %and3A = arith.constant 15 : i32
          %and3A_156 = vector.broadcast %and3A : i32 to vector<16xi32>
          %and3A_157 = arith.andi %add3A_155, %and3A_156 : vector<16xi32>
          %add3A_158 = arith.constant 0 : i32
          %add3A_159 = vector.broadcast %add3A_158 : i32 to vector<16xi32>
          %add3A_160 = arith.addi %add3A_159, %iota3A : vector<16xi32>
          %add3A_161 = arith.constant 0 : i32
          %add3A_162 = vector.broadcast %add3A_161 : i32 to vector<16xi32>
          %add3A_163 = arith.addi %add3A_162, %and3A_157 : vector<16xi32>
          %gather3A = tpu.vector_load_idx %arg6[%add3A_163, %add3A_160] : memref<32x128xf32, #tpu.memory_space<vmem>>[vector<16xi32>, vector<16xi32>], vector<16xf32>,
          %mul3A_164 = arith.constant 32 : i32
          %mul3A_165 = vector.broadcast %mul3A_164 : i32 to vector<16xi32>
          %mul3A_166 = arith.muli %add3A_160, %mul3A_165 : vector<16xi32>
          %add3A_167 = arith.addi %mul3A_166, %add3A_163 : vector<16xi32>
          %mul3A_168 = arith.constant 5.65685415 : f32
          %mul3A_169 = vector.broadcast %mul3A_168 : f32 to vector<16xf32>
          %mul3A_170 = arith.mulf %gather3A, %mul3A_169 : vector<16xf32>
          tpu.vector_store_idx %arg10[%add3A_167], %mul3A_170 : memref<2048xf32, #tpu.memory_space<vmem>>[vector<16xi32>], vector<16xf32>,
          %add3A_171 = arith.constant 16 : i32
          %add3A_172 = vector.broadcast %add3A_171 : i32 to vector<16xi32>
          %add3A_173 = arith.addi %add3A_172, %iota3A : vector<16xi32>
          %add3A_174 = arith.constant 0 : i32
          %add3A_175 = vector.broadcast %add3A_174 : i32 to vector<16xi32>
          %add3A_176 = arith.addi %add3A_175, %and3A_157 : vector<16xi32>
          %gather3A_177 = tpu.vector_load_idx %arg6[%add3A_176, %add3A_173] : memref<32x128xf32, #tpu.memory_space<vmem>>[vector<16xi32>, vector<16xi32>], vector<16xf32>,
          %mul3A_178 = arith.constant 32 : i32
          %mul3A_179 = vector.broadcast %mul3A_178 : i32 to vector<16xi32>
          %mul3A_180 = arith.muli %add3A_173, %mul3A_179 : vector<16xi32>
          %add3A_181 = arith.addi %mul3A_180, %add3A_176 : vector<16xi32>
          %mul3A_182 = arith.constant 5.65685415 : f32
          %mul3A_183 = vector.broadcast %mul3A_182 : f32 to vector<16xf32>
          %mul3A_184 = arith.mulf %gather3A_177, %mul3A_183 : vector<16xf32>
          tpu.vector_store_idx %arg10[%add3A_181], %mul3A_184 : memref<2048xf32, #tpu.memory_space<vmem>>[vector<16xi32>], vector<16xf32>,
          %add3A_185 = arith.constant 32 : i32
          %add3A_186 = vector.broadcast %add3A_185 : i32 to vector<16xi32>
          %add3A_187 = arith.addi %add3A_186, %iota3A : vector<16xi32>
          %add3A_188 = arith.constant 0 : i32
          %add3A_189 = vector.broadcast %add3A_188 : i32 to vector<16xi32>
          %add3A_190 = arith.addi %add3A_189, %and3A_157 : vector<16xi32>
          %gather3A_191 = tpu.vector_load_idx %arg6[%add3A_190, %add3A_187] : memref<32x128xf32, #tpu.memory_space<vmem>>[vector<16xi32>, vector<16xi32>], vector<16xf32>,
          %mul3A_192 = arith.constant 32 : i32
          %mul3A_193 = vector.broadcast %mul3A_192 : i32 to vector<16xi32>
          %mul3A_194 = arith.muli %add3A_187, %mul3A_193 : vector<16xi32>
          %add3A_195 = arith.addi %mul3A_194, %add3A_190 : vector<16xi32>
          %mul3A_196 = arith.constant 5.65685415 : f32
          %mul3A_197 = vector.broadcast %mul3A_196 : f32 to vector<16xf32>
          %mul3A_198 = arith.mulf %gather3A_191, %mul3A_197 : vector<16xf32>
          tpu.vector_store_idx %arg10[%add3A_195], %mul3A_198 : memref<2048xf32, #tpu.memory_space<vmem>>[vector<16xi32>], vector<16xf32>,
          %add3A_199 = arith.constant 48 : i32
          %add3A_200 = vector.broadcast %add3A_199 : i32 to vector<16xi32>
          %add3A_201 = arith.addi %add3A_200, %iota3A : vector<16xi32>
          %add3A_202 = arith.constant 0 : i32
          %add3A_203 = vector.broadcast %add3A_202 : i32 to vector<16xi32>
          %add3A_204 = arith.addi %add3A_203, %and3A_157 : vector<16xi32>
          %gather3A_205 = tpu.vector_load_idx %arg6[%add3A_204, %add3A_201] : memref<32x128xf32, #tpu.memory_space<vmem>>[vector<16xi32>, vector<16xi32>], vector<16xf32>,
          %mul3A_206 = arith.constant 32 : i32
          %mul3A_207 = vector.broadcast %mul3A_206 : i32 to vector<16xi32>
          %mul3A_208 = arith.muli %add3A_201, %mul3A_207 : vector<16xi32>
          %add3A_209 = arith.addi %mul3A_208, %add3A_204 : vector<16xi32>
          %mul3A_210 = arith.constant 5.65685415 : f32
          %mul3A_211 = vector.broadcast %mul3A_210 : f32 to vector<16xf32>
          %mul3A_212 = arith.mulf %gather3A_205, %mul3A_211 : vector<16xf32>
          tpu.vector_store_idx %arg10[%add3A_209], %mul3A_212 : memref<2048xf32, #tpu.memory_space<vmem>>[vector<16xi32>], vector<16xf32>,
          %add3A_213 = arith.constant 0 : i32
          %add3A_214 = vector.broadcast %add3A_213 : i32 to vector<16xi32>
          %add3A_215 = arith.addi %add3A_214, %iota3A : vector<16xi32>
          %add3A_216 = arith.constant 16 : i32
          %add3A_217 = vector.broadcast %add3A_216 : i32 to vector<16xi32>
          %add3A_218 = arith.addi %add3A_217, %and3A_157 : vector<16xi32>
          %gather3A_219 = tpu.vector_load_idx %arg6[%add3A_218, %add3A_215] : memref<32x128xf32, #tpu.memory_space<vmem>>[vector<16xi32>, vector<16xi32>], vector<16xf32>,
          %mul3A_220 = arith.constant 32 : i32
          %mul3A_221 = vector.broadcast %mul3A_220 : i32 to vector<16xi32>
          %mul3A_222 = arith.muli %add3A_215, %mul3A_221 : vector<16xi32>
          %add3A_223 = arith.addi %mul3A_222, %add3A_218 : vector<16xi32>
          %mul3A_224 = arith.constant 5.65685415 : f32
          %mul3A_225 = vector.broadcast %mul3A_224 : f32 to vector<16xf32>
          %mul3A_226 = arith.mulf %gather3A_219, %mul3A_225 : vector<16xf32>
          tpu.vector_store_idx %arg10[%add3A_223], %mul3A_226 : memref<2048xf32, #tpu.memory_space<vmem>>[vector<16xi32>], vector<16xf32>,
          %add3A_227 = arith.constant 16 : i32
          %add3A_228 = vector.broadcast %add3A_227 : i32 to vector<16xi32>
          %add3A_229 = arith.addi %add3A_228, %iota3A : vector<16xi32>
          %add3A_230 = arith.constant 16 : i32
          %add3A_231 = vector.broadcast %add3A_230 : i32 to vector<16xi32>
          %add3A_232 = arith.addi %add3A_231, %and3A_157 : vector<16xi32>
          %gather3A_233 = tpu.vector_load_idx %arg6[%add3A_232, %add3A_229] : memref<32x128xf32, #tpu.memory_space<vmem>>[vector<16xi32>, vector<16xi32>], vector<16xf32>,
          %mul3A_234 = arith.constant 32 : i32
          %mul3A_235 = vector.broadcast %mul3A_234 : i32 to vector<16xi32>
          %mul3A_236 = arith.muli %add3A_229, %mul3A_235 : vector<16xi32>
          %add3A_237 = arith.addi %mul3A_236, %add3A_232 : vector<16xi32>
          %mul3A_238 = arith.constant 5.65685415 : f32
          %mul3A_239 = vector.broadcast %mul3A_238 : f32 to vector<16xf32>
          %mul3A_240 = arith.mulf %gather3A_233, %mul3A_239 : vector<16xf32>
          tpu.vector_store_idx %arg10[%add3A_237], %mul3A_240 : memref<2048xf32, #tpu.memory_space<vmem>>[vector<16xi32>], vector<16xf32>,
          %add3A_241 = arith.constant 32 : i32
          %add3A_242 = vector.broadcast %add3A_241 : i32 to vector<16xi32>
          %add3A_243 = arith.addi %add3A_242, %iota3A : vector<16xi32>
          %add3A_244 = arith.constant 16 : i32
          %add3A_245 = vector.broadcast %add3A_244 : i32 to vector<16xi32>
          %add3A_246 = arith.addi %add3A_245, %and3A_157 : vector<16xi32>
          %gather3A_247 = tpu.vector_load_idx %arg6[%add3A_246, %add3A_243] : memref<32x128xf32, #tpu.memory_space<vmem>>[vector<16xi32>, vector<16xi32>], vector<16xf32>,
          %mul3A_248 = arith.constant 32 : i32
          %mul3A_249 = vector.broadcast %mul3A_248 : i32 to vector<16xi32>
          %mul3A_250 = arith.muli %add3A_243, %mul3A_249 : vector<16xi32>
          %add3A_251 = arith.addi %mul3A_250, %add3A_246 : vector<16xi32>
          %mul3A_252 = arith.constant 5.65685415 : f32
          %mul3A_253 = vector.broadcast %mul3A_252 : f32 to vector<16xf32>
          %mul3A_254 = arith.mulf %gather3A_247, %mul3A_253 : vector<16xf32>
          tpu.vector_store_idx %arg10[%add3A_251], %mul3A_254 : memref<2048xf32, #tpu.memory_space<vmem>>[vector<16xi32>], vector<16xf32>,
          %add3A_255 = arith.constant 48 : i32
          %add3A_256 = vector.broadcast %add3A_255 : i32 to vector<16xi32>
          %add3A_257 = arith.addi %add3A_256, %iota3A : vector<16xi32>
          %add3A_258 = arith.constant 16 : i32
          %add3A_259 = vector.broadcast %add3A_258 : i32 to vector<16xi32>
          %add3A_260 = arith.addi %add3A_259, %and3A_157 : vector<16xi32>
          %gather3A_261 = tpu.vector_load_idx %arg6[%add3A_260, %add3A_257] : memref<32x128xf32, #tpu.memory_space<vmem>>[vector<16xi32>, vector<16xi32>], vector<16xf32>,
          %mul3A_262 = arith.constant 32 : i32
          %mul3A_263 = vector.broadcast %mul3A_262 : i32 to vector<16xi32>
          %mul3A_264 = arith.muli %add3A_257, %mul3A_263 : vector<16xi32>
          %add3A_265 = arith.addi %mul3A_264, %add3A_260 : vector<16xi32>
          %mul3A_266 = arith.constant 5.65685415 : f32
          %mul3A_267 = vector.broadcast %mul3A_266 : f32 to vector<16xf32>
          %mul3A_268 = arith.mulf %gather3A_261, %mul3A_267 : vector<16xf32>
          tpu.vector_store_idx %arg10[%add3A_265], %mul3A_268 : memref<2048xf32, #tpu.memory_space<vmem>>[vector<16xi32>], vector<16xf32>,
          %scan3A_269 = arith.constant 1 : i32
          %scan3A_270 = arith.addi %scan3A_153, %scan3A_269 : i32
          %add3A_271 = vector.broadcast %scan3A_270 : i32 to vector<16xi32>
          %add3A_272 = arith.addi %iota3A, %add3A_271 : vector<16xi32>
          %and3A_273 = arith.constant 15 : i32
          %and3A_274 = vector.broadcast %and3A_273 : i32 to vector<16xi32>
          %and3A_275 = arith.andi %add3A_272, %and3A_274 : vector<16xi32>
          %add3A_276 = arith.constant 0 : i32
          %add3A_277 = vector.broadcast %add3A_276 : i32 to vector<16xi32>
          %add3A_278 = arith.addi %add3A_277, %iota3A : vector<16xi32>
          %add3A_279 = arith.constant 0 : i32
          %add3A_280 = vector.broadcast %add3A_279 : i32 to vector<16xi32>
          %add3A_281 = arith.addi %add3A_280, %and3A_275 : vector<16xi32>
          %gather3A_282 = tpu.vector_load_idx %arg6[%add3A_281, %add3A_278] : memref<32x128xf32, #tpu.memory_space<vmem>>[vector<16xi32>, vector<16xi32>], vector<16xf32>,
          %mul3A_283 = arith.constant 32 : i32
          %mul3A_284 = vector.broadcast %mul3A_283 : i32 to vector<16xi32>
          %mul3A_285 = arith.muli %add3A_278, %mul3A_284 : vector<16xi32>
          %add3A_286 = arith.addi %mul3A_285, %add3A_281 : vector<16xi32>
          %mul3A_287 = arith.constant 5.65685415 : f32
          %mul3A_288 = vector.broadcast %mul3A_287 : f32 to vector<16xf32>
          %mul3A_289 = arith.mulf %gather3A_282, %mul3A_288 : vector<16xf32>
          tpu.vector_store_idx %arg10[%add3A_286], %mul3A_289 : memref<2048xf32, #tpu.memory_space<vmem>>[vector<16xi32>], vector<16xf32>,
          %add3A_290 = arith.constant 16 : i32
          %add3A_291 = vector.broadcast %add3A_290 : i32 to vector<16xi32>
          %add3A_292 = arith.addi %add3A_291, %iota3A : vector<16xi32>
          %add3A_293 = arith.constant 0 : i32
          %add3A_294 = vector.broadcast %add3A_293 : i32 to vector<16xi32>
          %add3A_295 = arith.addi %add3A_294, %and3A_275 : vector<16xi32>
          %gather3A_296 = tpu.vector_load_idx %arg6[%add3A_295, %add3A_292] : memref<32x128xf32, #tpu.memory_space<vmem>>[vector<16xi32>, vector<16xi32>], vector<16xf32>,
          %mul3A_297 = arith.constant 32 : i32
          %mul3A_298 = vector.broadcast %mul3A_297 : i32 to vector<16xi32>
          %mul3A_299 = arith.muli %add3A_292, %mul3A_298 : vector<16xi32>
          %add3A_300 = arith.addi %mul3A_299, %add3A_295 : vector<16xi32>
          %mul3A_301 = arith.constant 5.65685415 : f32
          %mul3A_302 = vector.broadcast %mul3A_301 : f32 to vector<16xf32>
          %mul3A_303 = arith.mulf %gather3A_296, %mul3A_302 : vector<16xf32>
          tpu.vector_store_idx %arg10[%add3A_300], %mul3A_303 : memref<2048xf32, #tpu.memory_space<vmem>>[vector<16xi32>], vector<16xf32>,
          %add3A_304 = arith.constant 32 : i32
          %add3A_305 = vector.broadcast %add3A_304 : i32 to vector<16xi32>
          %add3A_306 = arith.addi %add3A_305, %iota3A : vector<16xi32>
          %add3A_307 = arith.constant 0 : i32
          %add3A_308 = vector.broadcast %add3A_307 : i32 to vector<16xi32>
          %add3A_309 = arith.addi %add3A_308, %and3A_275 : vector<16xi32>
          %gather3A_310 = tpu.vector_load_idx %arg6[%add3A_309, %add3A_306] : memref<32x128xf32, #tpu.memory_space<vmem>>[vector<16xi32>, vector<16xi32>], vector<16xf32>,
          %mul3A_311 = arith.constant 32 : i32
          %mul3A_312 = vector.broadcast %mul3A_311 : i32 to vector<16xi32>
          %mul3A_313 = arith.muli %add3A_306, %mul3A_312 : vector<16xi32>
          %add3A_314 = arith.addi %mul3A_313, %add3A_309 : vector<16xi32>
          %mul3A_315 = arith.constant 5.65685415 : f32
          %mul3A_316 = vector.broadcast %mul3A_315 : f32 to vector<16xf32>
          %mul3A_317 = arith.mulf %gather3A_310, %mul3A_316 : vector<16xf32>
          tpu.vector_store_idx %arg10[%add3A_314], %mul3A_317 : memref<2048xf32, #tpu.memory_space<vmem>>[vector<16xi32>], vector<16xf32>,
          %add3A_318 = arith.constant 48 : i32
          %add3A_319 = vector.broadcast %add3A_318 : i32 to vector<16xi32>
          %add3A_320 = arith.addi %add3A_319, %iota3A : vector<16xi32>
          %add3A_321 = arith.constant 0 : i32
          %add3A_322 = vector.broadcast %add3A_321 : i32 to vector<16xi32>
          %add3A_323 = arith.addi %add3A_322, %and3A_275 : vector<16xi32>
          %gather3A_324 = tpu.vector_load_idx %arg6[%add3A_323, %add3A_320] : memref<32x128xf32, #tpu.memory_space<vmem>>[vector<16xi32>, vector<16xi32>], vector<16xf32>,
          %mul3A_325 = arith.constant 32 : i32
          %mul3A_326 = vector.broadcast %mul3A_325 : i32 to vector<16xi32>
          %mul3A_327 = arith.muli %add3A_320, %mul3A_326 : vector<16xi32>
          %add3A_328 = arith.addi %mul3A_327, %add3A_323 : vector<16xi32>
          %mul3A_329 = arith.constant 5.65685415 : f32
          %mul3A_330 = vector.broadcast %mul3A_329 : f32 to vector<16xf32>
          %mul3A_331 = arith.mulf %gather3A_324, %mul3A_330 : vector<16xf32>
          tpu.vector_store_idx %arg10[%add3A_328], %mul3A_331 : memref<2048xf32, #tpu.memory_space<vmem>>[vector<16xi32>], vector<16xf32>,
          %add3A_332 = arith.constant 0 : i32
          %add3A_333 = vector.broadcast %add3A_332 : i32 to vector<16xi32>
          %add3A_334 = arith.addi %add3A_333, %iota3A : vector<16xi32>
          %add3A_335 = arith.constant 16 : i32
          %add3A_336 = vector.broadcast %add3A_335 : i32 to vector<16xi32>
          %add3A_337 = arith.addi %add3A_336, %and3A_275 : vector<16xi32>
          %gather3A_338 = tpu.vector_load_idx %arg6[%add3A_337, %add3A_334] : memref<32x128xf32, #tpu.memory_space<vmem>>[vector<16xi32>, vector<16xi32>], vector<16xf32>,
          %mul3A_339 = arith.constant 32 : i32
          %mul3A_340 = vector.broadcast %mul3A_339 : i32 to vector<16xi32>
          %mul3A_341 = arith.muli %add3A_334, %mul3A_340 : vector<16xi32>
          %add3A_342 = arith.addi %mul3A_341, %add3A_337 : vector<16xi32>
          %mul3A_343 = arith.constant 5.65685415 : f32
          %mul3A_344 = vector.broadcast %mul3A_343 : f32 to vector<16xf32>
          %mul3A_345 = arith.mulf %gather3A_338, %mul3A_344 : vector<16xf32>
          tpu.vector_store_idx %arg10[%add3A_342], %mul3A_345 : memref<2048xf32, #tpu.memory_space<vmem>>[vector<16xi32>], vector<16xf32>,
          %add3A_346 = arith.constant 16 : i32
          %add3A_347 = vector.broadcast %add3A_346 : i32 to vector<16xi32>
          %add3A_348 = arith.addi %add3A_347, %iota3A : vector<16xi32>
          %add3A_349 = arith.constant 16 : i32
          %add3A_350 = vector.broadcast %add3A_349 : i32 to vector<16xi32>
          %add3A_351 = arith.addi %add3A_350, %and3A_275 : vector<16xi32>
          %gather3A_352 = tpu.vector_load_idx %arg6[%add3A_351, %add3A_348] : memref<32x128xf32, #tpu.memory_space<vmem>>[vector<16xi32>, vector<16xi32>], vector<16xf32>,
          %mul3A_353 = arith.constant 32 : i32
          %mul3A_354 = vector.broadcast %mul3A_353 : i32 to vector<16xi32>
          %mul3A_355 = arith.muli %add3A_348, %mul3A_354 : vector<16xi32>
          %add3A_356 = arith.addi %mul3A_355, %add3A_351 : vector<16xi32>
          %mul3A_357 = arith.constant 5.65685415 : f32
          %mul3A_358 = vector.broadcast %mul3A_357 : f32 to vector<16xf32>
          %mul3A_359 = arith.mulf %gather3A_352, %mul3A_358 : vector<16xf32>
          tpu.vector_store_idx %arg10[%add3A_356], %mul3A_359 : memref<2048xf32, #tpu.memory_space<vmem>>[vector<16xi32>], vector<16xf32>,
          %add3A_360 = arith.constant 32 : i32
          %add3A_361 = vector.broadcast %add3A_360 : i32 to vector<16xi32>
          %add3A_362 = arith.addi %add3A_361, %iota3A : vector<16xi32>
          %add3A_363 = arith.constant 16 : i32
          %add3A_364 = vector.broadcast %add3A_363 : i32 to vector<16xi32>
          %add3A_365 = arith.addi %add3A_364, %and3A_275 : vector<16xi32>
          %gather3A_366 = tpu.vector_load_idx %arg6[%add3A_365, %add3A_362] : memref<32x128xf32, #tpu.memory_space<vmem>>[vector<16xi32>, vector<16xi32>], vector<16xf32>,
          %mul3A_367 = arith.constant 32 : i32
          %mul3A_368 = vector.broadcast %mul3A_367 : i32 to vector<16xi32>
          %mul3A_369 = arith.muli %add3A_362, %mul3A_368 : vector<16xi32>
          %add3A_370 = arith.addi %mul3A_369, %add3A_365 : vector<16xi32>
          %mul3A_371 = arith.constant 5.65685415 : f32
          %mul3A_372 = vector.broadcast %mul3A_371 : f32 to vector<16xf32>
          %mul3A_373 = arith.mulf %gather3A_366, %mul3A_372 : vector<16xf32>
          tpu.vector_store_idx %arg10[%add3A_370], %mul3A_373 : memref<2048xf32, #tpu.memory_space<vmem>>[vector<16xi32>], vector<16xf32>,
          %add3A_374 = arith.constant 48 : i32
          %add3A_375 = vector.broadcast %add3A_374 : i32 to vector<16xi32>
          %add3A_376 = arith.addi %add3A_375, %iota3A : vector<16xi32>
          %add3A_377 = arith.constant 16 : i32
          %add3A_378 = vector.broadcast %add3A_377 : i32 to vector<16xi32>
          %add3A_379 = arith.addi %add3A_378, %and3A_275 : vector<16xi32>
          %gather3A_380 = tpu.vector_load_idx %arg6[%add3A_379, %add3A_376] : memref<32x128xf32, #tpu.memory_space<vmem>>[vector<16xi32>, vector<16xi32>], vector<16xf32>,
          %mul3A_381 = arith.constant 32 : i32
          %mul3A_382 = vector.broadcast %mul3A_381 : i32 to vector<16xi32>
          %mul3A_383 = arith.muli %add3A_376, %mul3A_382 : vector<16xi32>
          %add3A_384 = arith.addi %mul3A_383, %add3A_379 : vector<16xi32>
          %mul3A_385 = arith.constant 5.65685415 : f32
          %mul3A_386 = vector.broadcast %mul3A_385 : f32 to vector<16xf32>
          %mul3A_387 = arith.mulf %gather3A_380, %mul3A_386 : vector<16xf32>
          tpu.vector_store_idx %arg10[%add3A_384], %mul3A_387 : memref<2048xf32, #tpu.memory_space<vmem>>[vector<16xi32>], vector<16xf32>,
        }
        %scan3A_141 = arith.constant 16 : i32
        %mul3A_142 = arith.constant 64 : i32
        %mul3A_143 = arith.muli %add3A_83, %mul3A_142 : i32
        %mul3A_144 = arith.constant 32 : i32
        %mul3A_145 = arith.muli %mul3A_143, %mul3A_144 : i32
        %dma_start3A = tpu.memref_slice %arg3[%mul3A_145] : memref<32000000xf32, #tpu.memory_space<hbm>> -> memref<2048xf32, #tpu.memory_space<hbm>>
        %dma_start3A_146 = tpu.memref_slice %arg3[%mul3A_145] : memref<32000000xf32, #tpu.memory_space<hbm>> -> memref<2048xf32, #tpu.memory_space<hbm>>
        tpu.enqueue_dma source(%arg10 : memref<2048xf32, #tpu.memory_space<vmem>>) target(%dma_start3A_146 : memref<2048xf32, #tpu.memory_space<hbm>>) target_semaphore(%arg18 : memref<!tpu.dma_semaphore, #tpu.memory_space<semaphore_mem>>)
        %add3A_147 = arith.constant 4 : i32
        %add3A_148 = arith.addi %add3A_70, %add3A_147 : i32
        %lt3A_149 = arith.cmpi slt, %add3A_148, %add3A_7 : i32
        %convert_element_type3A_150 = arith.extui %lt3A_149 : i1 to i32
        %cond3A_151 = arith.constant 0 : i32
        %cond3A_152 = arith.cmpi ne, %convert_element_type3A_150, %cond3A_151 : i32
        scf.if %cond3A_152 {
          %add3A_153 = arith.constant 4 : i32
          %add3A_154 = arith.addi %add3A_83, %add3A_153 : i32
          %mul3A_155 = arith.constant 64 : i32
          %mul3A_156 = arith.muli %add3A_154, %mul3A_155 : i32
          %dma_start3A_157 = arith.constant 0 : i32
          %dma_start3A_158 = arith.constant 0 : i32
          %dma_start3A_159 = tpu.memref_slice %arg6[%dma_start3A_157, %dma_start3A_158] : memref<32x128xf32, #tpu.memory_space<vmem>> -> memref<8x64xf32, #tpu.memory_space<vmem>>
          %dma_start3A_160 = arith.constant 0 : i32
          %dma_start3A_161 = tpu.memref_slice %arg2[%dma_start3A_160, %mul3A_156] : memref<32x1000000xf32, #tpu.memory_space<hbm>> -> memref<8x64xf32, #tpu.memory_space<hbm>>
          %dma_start3A_162 = arith.constant 0 : i32
          %dma_start3A_163 = arith.constant 0 : i32
          %dma_start3A_164 = tpu.memref_slice %arg6[%dma_start3A_162, %dma_start3A_163] : memref<32x128xf32, #tpu.memory_space<vmem>> -> memref<8x64xf32, #tpu.memory_space<vmem>>
          %dma_start3A_165 = arith.constant 0 : i32
          %dma_start3A_166 = tpu.memref_slice %arg2[%dma_start3A_165, %mul3A_156] : memref<32x1000000xf32, #tpu.memory_space<hbm>> -> memref<8x64xf32, #tpu.memory_space<hbm>>
          tpu.enqueue_dma source(%dma_start3A_166 : memref<8x64xf32, #tpu.memory_space<hbm>>) target(%dma_start3A_164 : memref<8x64xf32, #tpu.memory_space<vmem>>) target_semaphore(%arg14 : memref<!tpu.dma_semaphore, #tpu.memory_space<semaphore_mem>>)
          %dma_start3A_167 = arith.constant 8 : i32
          %dma_start3A_168 = arith.constant 0 : i32
          %dma_start3A_169 = tpu.memref_slice %arg6[%dma_start3A_167, %dma_start3A_168] : memref<32x128xf32, #tpu.memory_space<vmem>> -> memref<8x64xf32, #tpu.memory_space<vmem>>
          %dma_start3A_170 = arith.constant 8 : i32
          %dma_start3A_171 = tpu.memref_slice %arg2[%dma_start3A_170, %mul3A_156] : memref<32x1000000xf32, #tpu.memory_space<hbm>> -> memref<8x64xf32, #tpu.memory_space<hbm>>
          %dma_start3A_172 = arith.constant 8 : i32
          %dma_start3A_173 = arith.constant 0 : i32
          %dma_start3A_174 = tpu.memref_slice %arg6[%dma_start3A_172, %dma_start3A_173] : memref<32x128xf32, #tpu.memory_space<vmem>> -> memref<8x64xf32, #tpu.memory_space<vmem>>
          %dma_start3A_175 = arith.constant 8 : i32
          %dma_start3A_176 = tpu.memref_slice %arg2[%dma_start3A_175, %mul3A_156] : memref<32x1000000xf32, #tpu.memory_space<hbm>> -> memref<8x64xf32, #tpu.memory_space<hbm>>
          tpu.enqueue_dma source(%dma_start3A_176 : memref<8x64xf32, #tpu.memory_space<hbm>>) target(%dma_start3A_174 : memref<8x64xf32, #tpu.memory_space<vmem>>) target_semaphore(%arg14 : memref<!tpu.dma_semaphore, #tpu.memory_space<semaphore_mem>>)
          %dma_start3A_177 = arith.constant 16 : i32
          %dma_start3A_178 = arith.constant 0 : i32
          %dma_start3A_179 = tpu.memref_slice %arg6[%dma_start3A_177, %dma_start3A_178] : memref<32x128xf32, #tpu.memory_space<vmem>> -> memref<8x64xf32, #tpu.memory_space<vmem>>
          %dma_start3A_180 = arith.constant 16 : i32
          %dma_start3A_181 = tpu.memref_slice %arg2[%dma_start3A_180, %mul3A_156] : memref<32x1000000xf32, #tpu.memory_space<hbm>> -> memref<8x64xf32, #tpu.memory_space<hbm>>
          %dma_start3A_182 = arith.constant 16 : i32
          %dma_start3A_183 = arith.constant 0 : i32
          %dma_start3A_184 = tpu.memref_slice %arg6[%dma_start3A_182, %dma_start3A_183] : memref<32x128xf32, #tpu.memory_space<vmem>> -> memref<8x64xf32, #tpu.memory_space<vmem>>
          %dma_start3A_185 = arith.constant 16 : i32
          %dma_start3A_186 = tpu.memref_slice %arg2[%dma_start3A_185, %mul3A_156] : memref<32x1000000xf32, #tpu.memory_space<hbm>> -> memref<8x64xf32, #tpu.memory_space<hbm>>
          tpu.enqueue_dma source(%dma_start3A_186 : memref<8x64xf32, #tpu.memory_space<hbm>>) target(%dma_start3A_184 : memref<8x64xf32, #tpu.memory_space<vmem>>) target_semaphore(%arg14 : memref<!tpu.dma_semaphore, #tpu.memory_space<semaphore_mem>>)
          %dma_start3A_187 = arith.constant 24 : i32
          %dma_start3A_188 = arith.constant 0 : i32
          %dma_start3A_189 = tpu.memref_slice %arg6[%dma_start3A_187, %dma_start3A_188] : memref<32x128xf32, #tpu.memory_space<vmem>> -> memref<8x64xf32, #tpu.memory_space<vmem>>
          %dma_start3A_190 = arith.constant 24 : i32
          %dma_start3A_191 = tpu.memref_slice %arg2[%dma_start3A_190, %mul3A_156] : memref<32x1000000xf32, #tpu.memory_space<hbm>> -> memref<8x64xf32, #tpu.memory_space<hbm>>
          %dma_start3A_192 = arith.constant 24 : i32
          %dma_start3A_193 = arith.constant 0 : i32
          %dma_start3A_194 = tpu.memref_slice %arg6[%dma_start3A_192, %dma_start3A_193] : memref<32x128xf32, #tpu.memory_space<vmem>> -> memref<8x64xf32, #tpu.memory_space<vmem>>
          %dma_start3A_195 = arith.constant 24 : i32
          %dma_start3A_196 = tpu.memref_slice %arg2[%dma_start3A_195, %mul3A_156] : memref<32x1000000xf32, #tpu.memory_space<hbm>> -> memref<8x64xf32, #tpu.memory_space<hbm>>
          tpu.enqueue_dma source(%dma_start3A_196 : memref<8x64xf32, #tpu.memory_space<hbm>>) target(%dma_start3A_194 : memref<8x64xf32, #tpu.memory_space<vmem>>) target_semaphore(%arg14 : memref<!tpu.dma_semaphore, #tpu.memory_space<semaphore_mem>>)
        } else {
        }
      } else {
      }
      %mul3A_75 = arith.constant 4 : i32
      %mul3A_76 = arith.muli %scan3A_50, %mul3A_75 : i32
      %add3A_77 = arith.constant 3 : i32
      %add3A_78 = arith.addi %mul3A_76, %add3A_77 : i32
      %lt3A_79 = arith.cmpi slt, %add3A_78, %add3A_7 : i32
      %convert_element_type3A_80 = arith.extui %lt3A_79 : i1 to i32
      %cond3A_81 = arith.constant 0 : i32
      %cond3A_82 = arith.cmpi ne, %convert_element_type3A_80, %cond3A_81 : i32
      scf.if %cond3A_82 {
        %add3A_83 = arith.addi %add3A_4, %add3A_78 : i32
        %dma_wait3A = arith.constant 0 : i32
        %dma_wait3A_84 = arith.constant 0 : i32
        %dma_wait3A_85 = tpu.memref_slice %arg7[%dma_wait3A, %dma_wait3A_84] : memref<32x128xf32, #tpu.memory_space<vmem>> -> memref<8x64xf32, #tpu.memory_space<vmem>>
        %dma_wait3A_86 = arith.constant 0 : i32
        %dma_wait3A_87 = arith.constant 0 : i32
        %dma_wait3A_88 = tpu.memref_slice %arg2[%dma_wait3A_86, %dma_wait3A_87] : memref<32x1000000xf32, #tpu.memory_space<hbm>> -> memref<8x64xf32, #tpu.memory_space<hbm>>
        %dma_wait3A_89 = arith.constant 0 : i32
        %dma_wait3A_90 = arith.constant 0 : i32
        %dma_wait3A_91 = tpu.memref_slice %arg7[%dma_wait3A_89, %dma_wait3A_90] : memref<32x128xf32, #tpu.memory_space<vmem>> -> memref<8x64xf32, #tpu.memory_space<vmem>>
        %dma_wait3A_92 = arith.constant 0 : i32
        %dma_wait3A_93 = arith.constant 0 : i32
        %dma_wait3A_94 = tpu.memref_slice %arg2[%dma_wait3A_92, %dma_wait3A_93] : memref<32x1000000xf32, #tpu.memory_space<hbm>> -> memref<8x64xf32, #tpu.memory_space<hbm>>
        tpu.wait_dma2 semaphore(%arg15 : memref<!tpu.dma_semaphore, #tpu.memory_space<semaphore_mem>>) src(%dma_wait3A_94 : memref<8x64xf32, #tpu.memory_space<hbm>>) dst(%dma_wait3A_91 : memref<8x64xf32, #tpu.memory_space<vmem>>)
        %dma_wait3A_95 = arith.constant 8 : i32
        %dma_wait3A_96 = arith.constant 0 : i32
        %dma_wait3A_97 = tpu.memref_slice %arg7[%dma_wait3A_95, %dma_wait3A_96] : memref<32x128xf32, #tpu.memory_space<vmem>> -> memref<8x64xf32, #tpu.memory_space<vmem>>
        %dma_wait3A_98 = arith.constant 0 : i32
        %dma_wait3A_99 = arith.constant 0 : i32
        %dma_wait3A_100 = tpu.memref_slice %arg2[%dma_wait3A_98, %dma_wait3A_99] : memref<32x1000000xf32, #tpu.memory_space<hbm>> -> memref<8x64xf32, #tpu.memory_space<hbm>>
        %dma_wait3A_101 = arith.constant 8 : i32
        %dma_wait3A_102 = arith.constant 0 : i32
        %dma_wait3A_103 = tpu.memref_slice %arg7[%dma_wait3A_101, %dma_wait3A_102] : memref<32x128xf32, #tpu.memory_space<vmem>> -> memref<8x64xf32, #tpu.memory_space<vmem>>
        %dma_wait3A_104 = arith.constant 0 : i32
        %dma_wait3A_105 = arith.constant 0 : i32
        %dma_wait3A_106 = tpu.memref_slice %arg2[%dma_wait3A_104, %dma_wait3A_105] : memref<32x1000000xf32, #tpu.memory_space<hbm>> -> memref<8x64xf32, #tpu.memory_space<hbm>>
        tpu.wait_dma2 semaphore(%arg15 : memref<!tpu.dma_semaphore, #tpu.memory_space<semaphore_mem>>) src(%dma_wait3A_106 : memref<8x64xf32, #tpu.memory_space<hbm>>) dst(%dma_wait3A_103 : memref<8x64xf32, #tpu.memory_space<vmem>>)
        %dma_wait3A_107 = arith.constant 16 : i32
        %dma_wait3A_108 = arith.constant 0 : i32
        %dma_wait3A_109 = tpu.memref_slice %arg7[%dma_wait3A_107, %dma_wait3A_108] : memref<32x128xf32, #tpu.memory_space<vmem>> -> memref<8x64xf32, #tpu.memory_space<vmem>>
        %dma_wait3A_110 = arith.constant 0 : i32
        %dma_wait3A_111 = arith.constant 0 : i32
        %dma_wait3A_112 = tpu.memref_slice %arg2[%dma_wait3A_110, %dma_wait3A_111] : memref<32x1000000xf32, #tpu.memory_space<hbm>> -> memref<8x64xf32, #tpu.memory_space<hbm>>
        %dma_wait3A_113 = arith.constant 16 : i32
        %dma_wait3A_114 = arith.constant 0 : i32
        %dma_wait3A_115 = tpu.memref_slice %arg7[%dma_wait3A_113, %dma_wait3A_114] : memref<32x128xf32, #tpu.memory_space<vmem>> -> memref<8x64xf32, #tpu.memory_space<vmem>>
        %dma_wait3A_116 = arith.constant 0 : i32
        %dma_wait3A_117 = arith.constant 0 : i32
        %dma_wait3A_118 = tpu.memref_slice %arg2[%dma_wait3A_116, %dma_wait3A_117] : memref<32x1000000xf32, #tpu.memory_space<hbm>> -> memref<8x64xf32, #tpu.memory_space<hbm>>
        tpu.wait_dma2 semaphore(%arg15 : memref<!tpu.dma_semaphore, #tpu.memory_space<semaphore_mem>>) src(%dma_wait3A_118 : memref<8x64xf32, #tpu.memory_space<hbm>>) dst(%dma_wait3A_115 : memref<8x64xf32, #tpu.memory_space<vmem>>)
        %dma_wait3A_119 = arith.constant 24 : i32
        %dma_wait3A_120 = arith.constant 0 : i32
        %dma_wait3A_121 = tpu.memref_slice %arg7[%dma_wait3A_119, %dma_wait3A_120] : memref<32x128xf32, #tpu.memory_space<vmem>> -> memref<8x64xf32, #tpu.memory_space<vmem>>
        %dma_wait3A_122 = arith.constant 0 : i32
        %dma_wait3A_123 = arith.constant 0 : i32
        %dma_wait3A_124 = tpu.memref_slice %arg2[%dma_wait3A_122, %dma_wait3A_123] : memref<32x1000000xf32, #tpu.memory_space<hbm>> -> memref<8x64xf32, #tpu.memory_space<hbm>>
        %dma_wait3A_125 = arith.constant 24 : i32
        %dma_wait3A_126 = arith.constant 0 : i32
        %dma_wait3A_127 = tpu.memref_slice %arg7[%dma_wait3A_125, %dma_wait3A_126] : memref<32x128xf32, #tpu.memory_space<vmem>> -> memref<8x64xf32, #tpu.memory_space<vmem>>
        %dma_wait3A_128 = arith.constant 0 : i32
        %dma_wait3A_129 = arith.constant 0 : i32
        %dma_wait3A_130 = tpu.memref_slice %arg2[%dma_wait3A_128, %dma_wait3A_129] : memref<32x1000000xf32, #tpu.memory_space<hbm>> -> memref<8x64xf32, #tpu.memory_space<hbm>>
        tpu.wait_dma2 semaphore(%arg15 : memref<!tpu.dma_semaphore, #tpu.memory_space<semaphore_mem>>) src(%dma_wait3A_130 : memref<8x64xf32, #tpu.memory_space<hbm>>) dst(%dma_wait3A_127 : memref<8x64xf32, #tpu.memory_space<vmem>>)
        %ge3A_131 = arith.constant 4 : i32
        %ge3A_132 = arith.cmpi sge, %add3A_78, %ge3A_131 : i32
        %convert_element_type3A_133 = arith.extui %ge3A_132 : i1 to i32
        %cond3A_134 = arith.constant 0 : i32
        %cond3A_135 = arith.cmpi ne, %convert_element_type3A_133, %cond3A_134 : i32
        scf.if %cond3A_135 {
          %mul3A_153 = arith.constant 64 : i32
          %mul3A_154 = arith.muli %add3A_83, %mul3A_153 : i32
          %mul3A_155 = arith.constant 32 : i32
          %mul3A_156 = arith.muli %mul3A_154, %mul3A_155 : i32
          %dma_wait3A_157 = tpu.memref_slice %arg3[%mul3A_156] : memref<32000000xf32, #tpu.memory_space<hbm>> -> memref<2048xf32, #tpu.memory_space<hbm>>
          %dma_wait3A_158 = tpu.memref_slice %arg3[%mul3A_156] : memref<32000000xf32, #tpu.memory_space<hbm>> -> memref<2048xf32, #tpu.memory_space<hbm>>
          tpu.wait_dma2 semaphore(%arg19 : memref<!tpu.dma_semaphore, #tpu.memory_space<semaphore_mem>>) src(%arg11 : memref<2048xf32, #tpu.memory_space<vmem>>) dst(%dma_wait3A_158 : memref<2048xf32, #tpu.memory_space<hbm>>)
        } else {
        }
        %scan3A_136 = arith.constant 0 : i32
        %scan3A_137 = arith.constant 0 : i32
        %scan3A_138 = arith.constant 16 : i32
        %scan3A_139 = arith.addi %scan3A_137, %scan3A_138 : i32
        %scan3A_140 = arith.constant 2 : i32
        scf.for %scan3A_153 = %scan3A_137 to %scan3A_139 step %scan3A_140  : i32 {
          %add3A_154 = vector.broadcast %scan3A_153 : i32 to vector<16xi32>
          %add3A_155 = arith.addi %iota3A, %add3A_154 : vector<16xi32>
          %and3A = arith.constant 15 : i32
          %and3A_156 = vector.broadcast %and3A : i32 to vector<16xi32>
          %and3A_157 = arith.andi %add3A_155, %and3A_156 : vector<16xi32>
          %add3A_158 = arith.constant 0 : i32
          %add3A_159 = vector.broadcast %add3A_158 : i32 to vector<16xi32>
          %add3A_160 = arith.addi %add3A_159, %iota3A : vector<16xi32>
          %add3A_161 = arith.constant 0 : i32
          %add3A_162 = vector.broadcast %add3A_161 : i32 to vector<16xi32>
          %add3A_163 = arith.addi %add3A_162, %and3A_157 : vector<16xi32>
          %gather3A = tpu.vector_load_idx %arg7[%add3A_163, %add3A_160] : memref<32x128xf32, #tpu.memory_space<vmem>>[vector<16xi32>, vector<16xi32>], vector<16xf32>,
          %mul3A_164 = arith.constant 32 : i32
          %mul3A_165 = vector.broadcast %mul3A_164 : i32 to vector<16xi32>
          %mul3A_166 = arith.muli %add3A_160, %mul3A_165 : vector<16xi32>
          %add3A_167 = arith.addi %mul3A_166, %add3A_163 : vector<16xi32>
          %mul3A_168 = arith.constant 5.65685415 : f32
          %mul3A_169 = vector.broadcast %mul3A_168 : f32 to vector<16xf32>
          %mul3A_170 = arith.mulf %gather3A, %mul3A_169 : vector<16xf32>
          tpu.vector_store_idx %arg11[%add3A_167], %mul3A_170 : memref<2048xf32, #tpu.memory_space<vmem>>[vector<16xi32>], vector<16xf32>,
          %add3A_171 = arith.constant 16 : i32
          %add3A_172 = vector.broadcast %add3A_171 : i32 to vector<16xi32>
          %add3A_173 = arith.addi %add3A_172, %iota3A : vector<16xi32>
          %add3A_174 = arith.constant 0 : i32
          %add3A_175 = vector.broadcast %add3A_174 : i32 to vector<16xi32>
          %add3A_176 = arith.addi %add3A_175, %and3A_157 : vector<16xi32>
          %gather3A_177 = tpu.vector_load_idx %arg7[%add3A_176, %add3A_173] : memref<32x128xf32, #tpu.memory_space<vmem>>[vector<16xi32>, vector<16xi32>], vector<16xf32>,
          %mul3A_178 = arith.constant 32 : i32
          %mul3A_179 = vector.broadcast %mul3A_178 : i32 to vector<16xi32>
          %mul3A_180 = arith.muli %add3A_173, %mul3A_179 : vector<16xi32>
          %add3A_181 = arith.addi %mul3A_180, %add3A_176 : vector<16xi32>
          %mul3A_182 = arith.constant 5.65685415 : f32
          %mul3A_183 = vector.broadcast %mul3A_182 : f32 to vector<16xf32>
          %mul3A_184 = arith.mulf %gather3A_177, %mul3A_183 : vector<16xf32>
          tpu.vector_store_idx %arg11[%add3A_181], %mul3A_184 : memref<2048xf32, #tpu.memory_space<vmem>>[vector<16xi32>], vector<16xf32>,
          %add3A_185 = arith.constant 32 : i32
          %add3A_186 = vector.broadcast %add3A_185 : i32 to vector<16xi32>
          %add3A_187 = arith.addi %add3A_186, %iota3A : vector<16xi32>
          %add3A_188 = arith.constant 0 : i32
          %add3A_189 = vector.broadcast %add3A_188 : i32 to vector<16xi32>
          %add3A_190 = arith.addi %add3A_189, %and3A_157 : vector<16xi32>
          %gather3A_191 = tpu.vector_load_idx %arg7[%add3A_190, %add3A_187] : memref<32x128xf32, #tpu.memory_space<vmem>>[vector<16xi32>, vector<16xi32>], vector<16xf32>,
          %mul3A_192 = arith.constant 32 : i32
          %mul3A_193 = vector.broadcast %mul3A_192 : i32 to vector<16xi32>
          %mul3A_194 = arith.muli %add3A_187, %mul3A_193 : vector<16xi32>
          %add3A_195 = arith.addi %mul3A_194, %add3A_190 : vector<16xi32>
          %mul3A_196 = arith.constant 5.65685415 : f32
          %mul3A_197 = vector.broadcast %mul3A_196 : f32 to vector<16xf32>
          %mul3A_198 = arith.mulf %gather3A_191, %mul3A_197 : vector<16xf32>
          tpu.vector_store_idx %arg11[%add3A_195], %mul3A_198 : memref<2048xf32, #tpu.memory_space<vmem>>[vector<16xi32>], vector<16xf32>,
          %add3A_199 = arith.constant 48 : i32
          %add3A_200 = vector.broadcast %add3A_199 : i32 to vector<16xi32>
          %add3A_201 = arith.addi %add3A_200, %iota3A : vector<16xi32>
          %add3A_202 = arith.constant 0 : i32
          %add3A_203 = vector.broadcast %add3A_202 : i32 to vector<16xi32>
          %add3A_204 = arith.addi %add3A_203, %and3A_157 : vector<16xi32>
          %gather3A_205 = tpu.vector_load_idx %arg7[%add3A_204, %add3A_201] : memref<32x128xf32, #tpu.memory_space<vmem>>[vector<16xi32>, vector<16xi32>], vector<16xf32>,
          %mul3A_206 = arith.constant 32 : i32
          %mul3A_207 = vector.broadcast %mul3A_206 : i32 to vector<16xi32>
          %mul3A_208 = arith.muli %add3A_201, %mul3A_207 : vector<16xi32>
          %add3A_209 = arith.addi %mul3A_208, %add3A_204 : vector<16xi32>
          %mul3A_210 = arith.constant 5.65685415 : f32
          %mul3A_211 = vector.broadcast %mul3A_210 : f32 to vector<16xf32>
          %mul3A_212 = arith.mulf %gather3A_205, %mul3A_211 : vector<16xf32>
          tpu.vector_store_idx %arg11[%add3A_209], %mul3A_212 : memref<2048xf32, #tpu.memory_space<vmem>>[vector<16xi32>], vector<16xf32>,
          %add3A_213 = arith.constant 0 : i32
          %add3A_214 = vector.broadcast %add3A_213 : i32 to vector<16xi32>
          %add3A_215 = arith.addi %add3A_214, %iota3A : vector<16xi32>
          %add3A_216 = arith.constant 16 : i32
          %add3A_217 = vector.broadcast %add3A_216 : i32 to vector<16xi32>
          %add3A_218 = arith.addi %add3A_217, %and3A_157 : vector<16xi32>
          %gather3A_219 = tpu.vector_load_idx %arg7[%add3A_218, %add3A_215] : memref<32x128xf32, #tpu.memory_space<vmem>>[vector<16xi32>, vector<16xi32>], vector<16xf32>,
          %mul3A_220 = arith.constant 32 : i32
          %mul3A_221 = vector.broadcast %mul3A_220 : i32 to vector<16xi32>
          %mul3A_222 = arith.muli %add3A_215, %mul3A_221 : vector<16xi32>
          %add3A_223 = arith.addi %mul3A_222, %add3A_218 : vector<16xi32>
          %mul3A_224 = arith.constant 5.65685415 : f32
          %mul3A_225 = vector.broadcast %mul3A_224 : f32 to vector<16xf32>
          %mul3A_226 = arith.mulf %gather3A_219, %mul3A_225 : vector<16xf32>
          tpu.vector_store_idx %arg11[%add3A_223], %mul3A_226 : memref<2048xf32, #tpu.memory_space<vmem>>[vector<16xi32>], vector<16xf32>,
          %add3A_227 = arith.constant 16 : i32
          %add3A_228 = vector.broadcast %add3A_227 : i32 to vector<16xi32>
          %add3A_229 = arith.addi %add3A_228, %iota3A : vector<16xi32>
          %add3A_230 = arith.constant 16 : i32
          %add3A_231 = vector.broadcast %add3A_230 : i32 to vector<16xi32>
          %add3A_232 = arith.addi %add3A_231, %and3A_157 : vector<16xi32>
          %gather3A_233 = tpu.vector_load_idx %arg7[%add3A_232, %add3A_229] : memref<32x128xf32, #tpu.memory_space<vmem>>[vector<16xi32>, vector<16xi32>], vector<16xf32>,
          %mul3A_234 = arith.constant 32 : i32
          %mul3A_235 = vector.broadcast %mul3A_234 : i32 to vector<16xi32>
          %mul3A_236 = arith.muli %add3A_229, %mul3A_235 : vector<16xi32>
          %add3A_237 = arith.addi %mul3A_236, %add3A_232 : vector<16xi32>
          %mul3A_238 = arith.constant 5.65685415 : f32
          %mul3A_239 = vector.broadcast %mul3A_238 : f32 to vector<16xf32>
          %mul3A_240 = arith.mulf %gather3A_233, %mul3A_239 : vector<16xf32>
          tpu.vector_store_idx %arg11[%add3A_237], %mul3A_240 : memref<2048xf32, #tpu.memory_space<vmem>>[vector<16xi32>], vector<16xf32>,
          %add3A_241 = arith.constant 32 : i32
          %add3A_242 = vector.broadcast %add3A_241 : i32 to vector<16xi32>
          %add3A_243 = arith.addi %add3A_242, %iota3A : vector<16xi32>
          %add3A_244 = arith.constant 16 : i32
          %add3A_245 = vector.broadcast %add3A_244 : i32 to vector<16xi32>
          %add3A_246 = arith.addi %add3A_245, %and3A_157 : vector<16xi32>
          %gather3A_247 = tpu.vector_load_idx %arg7[%add3A_246, %add3A_243] : memref<32x128xf32, #tpu.memory_space<vmem>>[vector<16xi32>, vector<16xi32>], vector<16xf32>,
          %mul3A_248 = arith.constant 32 : i32
          %mul3A_249 = vector.broadcast %mul3A_248 : i32 to vector<16xi32>
          %mul3A_250 = arith.muli %add3A_243, %mul3A_249 : vector<16xi32>
          %add3A_251 = arith.addi %mul3A_250, %add3A_246 : vector<16xi32>
          %mul3A_252 = arith.constant 5.65685415 : f32
          %mul3A_253 = vector.broadcast %mul3A_252 : f32 to vector<16xf32>
          %mul3A_254 = arith.mulf %gather3A_247, %mul3A_253 : vector<16xf32>
          tpu.vector_store_idx %arg11[%add3A_251], %mul3A_254 : memref<2048xf32, #tpu.memory_space<vmem>>[vector<16xi32>], vector<16xf32>,
          %add3A_255 = arith.constant 48 : i32
          %add3A_256 = vector.broadcast %add3A_255 : i32 to vector<16xi32>
          %add3A_257 = arith.addi %add3A_256, %iota3A : vector<16xi32>
          %add3A_258 = arith.constant 16 : i32
          %add3A_259 = vector.broadcast %add3A_258 : i32 to vector<16xi32>
          %add3A_260 = arith.addi %add3A_259, %and3A_157 : vector<16xi32>
          %gather3A_261 = tpu.vector_load_idx %arg7[%add3A_260, %add3A_257] : memref<32x128xf32, #tpu.memory_space<vmem>>[vector<16xi32>, vector<16xi32>], vector<16xf32>,
          %mul3A_262 = arith.constant 32 : i32
          %mul3A_263 = vector.broadcast %mul3A_262 : i32 to vector<16xi32>
          %mul3A_264 = arith.muli %add3A_257, %mul3A_263 : vector<16xi32>
          %add3A_265 = arith.addi %mul3A_264, %add3A_260 : vector<16xi32>
          %mul3A_266 = arith.constant 5.65685415 : f32
          %mul3A_267 = vector.broadcast %mul3A_266 : f32 to vector<16xf32>
          %mul3A_268 = arith.mulf %gather3A_261, %mul3A_267 : vector<16xf32>
          tpu.vector_store_idx %arg11[%add3A_265], %mul3A_268 : memref<2048xf32, #tpu.memory_space<vmem>>[vector<16xi32>], vector<16xf32>,
          %scan3A_269 = arith.constant 1 : i32
          %scan3A_270 = arith.addi %scan3A_153, %scan3A_269 : i32
          %add3A_271 = vector.broadcast %scan3A_270 : i32 to vector<16xi32>
          %add3A_272 = arith.addi %iota3A, %add3A_271 : vector<16xi32>
          %and3A_273 = arith.constant 15 : i32
          %and3A_274 = vector.broadcast %and3A_273 : i32 to vector<16xi32>
          %and3A_275 = arith.andi %add3A_272, %and3A_274 : vector<16xi32>
          %add3A_276 = arith.constant 0 : i32
          %add3A_277 = vector.broadcast %add3A_276 : i32 to vector<16xi32>
          %add3A_278 = arith.addi %add3A_277, %iota3A : vector<16xi32>
          %add3A_279 = arith.constant 0 : i32
          %add3A_280 = vector.broadcast %add3A_279 : i32 to vector<16xi32>
          %add3A_281 = arith.addi %add3A_280, %and3A_275 : vector<16xi32>
          %gather3A_282 = tpu.vector_load_idx %arg7[%add3A_281, %add3A_278] : memref<32x128xf32, #tpu.memory_space<vmem>>[vector<16xi32>, vector<16xi32>], vector<16xf32>,
          %mul3A_283 = arith.constant 32 : i32
          %mul3A_284 = vector.broadcast %mul3A_283 : i32 to vector<16xi32>
          %mul3A_285 = arith.muli %add3A_278, %mul3A_284 : vector<16xi32>
          %add3A_286 = arith.addi %mul3A_285, %add3A_281 : vector<16xi32>
          %mul3A_287 = arith.constant 5.65685415 : f32
          %mul3A_288 = vector.broadcast %mul3A_287 : f32 to vector<16xf32>
          %mul3A_289 = arith.mulf %gather3A_282, %mul3A_288 : vector<16xf32>
          tpu.vector_store_idx %arg11[%add3A_286], %mul3A_289 : memref<2048xf32, #tpu.memory_space<vmem>>[vector<16xi32>], vector<16xf32>,
          %add3A_290 = arith.constant 16 : i32
          %add3A_291 = vector.broadcast %add3A_290 : i32 to vector<16xi32>
          %add3A_292 = arith.addi %add3A_291, %iota3A : vector<16xi32>
          %add3A_293 = arith.constant 0 : i32
          %add3A_294 = vector.broadcast %add3A_293 : i32 to vector<16xi32>
          %add3A_295 = arith.addi %add3A_294, %and3A_275 : vector<16xi32>
          %gather3A_296 = tpu.vector_load_idx %arg7[%add3A_295, %add3A_292] : memref<32x128xf32, #tpu.memory_space<vmem>>[vector<16xi32>, vector<16xi32>], vector<16xf32>,
          %mul3A_297 = arith.constant 32 : i32
          %mul3A_298 = vector.broadcast %mul3A_297 : i32 to vector<16xi32>
          %mul3A_299 = arith.muli %add3A_292, %mul3A_298 : vector<16xi32>
          %add3A_300 = arith.addi %mul3A_299, %add3A_295 : vector<16xi32>
          %mul3A_301 = arith.constant 5.65685415 : f32
          %mul3A_302 = vector.broadcast %mul3A_301 : f32 to vector<16xf32>
          %mul3A_303 = arith.mulf %gather3A_296, %mul3A_302 : vector<16xf32>
          tpu.vector_store_idx %arg11[%add3A_300], %mul3A_303 : memref<2048xf32, #tpu.memory_space<vmem>>[vector<16xi32>], vector<16xf32>,
          %add3A_304 = arith.constant 32 : i32
          %add3A_305 = vector.broadcast %add3A_304 : i32 to vector<16xi32>
          %add3A_306 = arith.addi %add3A_305, %iota3A : vector<16xi32>
          %add3A_307 = arith.constant 0 : i32
          %add3A_308 = vector.broadcast %add3A_307 : i32 to vector<16xi32>
          %add3A_309 = arith.addi %add3A_308, %and3A_275 : vector<16xi32>
          %gather3A_310 = tpu.vector_load_idx %arg7[%add3A_309, %add3A_306] : memref<32x128xf32, #tpu.memory_space<vmem>>[vector<16xi32>, vector<16xi32>], vector<16xf32>,
          %mul3A_311 = arith.constant 32 : i32
          %mul3A_312 = vector.broadcast %mul3A_311 : i32 to vector<16xi32>
          %mul3A_313 = arith.muli %add3A_306, %mul3A_312 : vector<16xi32>
          %add3A_314 = arith.addi %mul3A_313, %add3A_309 : vector<16xi32>
          %mul3A_315 = arith.constant 5.65685415 : f32
          %mul3A_316 = vector.broadcast %mul3A_315 : f32 to vector<16xf32>
          %mul3A_317 = arith.mulf %gather3A_310, %mul3A_316 : vector<16xf32>
          tpu.vector_store_idx %arg11[%add3A_314], %mul3A_317 : memref<2048xf32, #tpu.memory_space<vmem>>[vector<16xi32>], vector<16xf32>,
          %add3A_318 = arith.constant 48 : i32
          %add3A_319 = vector.broadcast %add3A_318 : i32 to vector<16xi32>
          %add3A_320 = arith.addi %add3A_319, %iota3A : vector<16xi32>
          %add3A_321 = arith.constant 0 : i32
          %add3A_322 = vector.broadcast %add3A_321 : i32 to vector<16xi32>
          %add3A_323 = arith.addi %add3A_322, %and3A_275 : vector<16xi32>
          %gather3A_324 = tpu.vector_load_idx %arg7[%add3A_323, %add3A_320] : memref<32x128xf32, #tpu.memory_space<vmem>>[vector<16xi32>, vector<16xi32>], vector<16xf32>,
          %mul3A_325 = arith.constant 32 : i32
          %mul3A_326 = vector.broadcast %mul3A_325 : i32 to vector<16xi32>
          %mul3A_327 = arith.muli %add3A_320, %mul3A_326 : vector<16xi32>
          %add3A_328 = arith.addi %mul3A_327, %add3A_323 : vector<16xi32>
          %mul3A_329 = arith.constant 5.65685415 : f32
          %mul3A_330 = vector.broadcast %mul3A_329 : f32 to vector<16xf32>
          %mul3A_331 = arith.mulf %gather3A_324, %mul3A_330 : vector<16xf32>
          tpu.vector_store_idx %arg11[%add3A_328], %mul3A_331 : memref<2048xf32, #tpu.memory_space<vmem>>[vector<16xi32>], vector<16xf32>,
          %add3A_332 = arith.constant 0 : i32
          %add3A_333 = vector.broadcast %add3A_332 : i32 to vector<16xi32>
          %add3A_334 = arith.addi %add3A_333, %iota3A : vector<16xi32>
          %add3A_335 = arith.constant 16 : i32
          %add3A_336 = vector.broadcast %add3A_335 : i32 to vector<16xi32>
          %add3A_337 = arith.addi %add3A_336, %and3A_275 : vector<16xi32>
          %gather3A_338 = tpu.vector_load_idx %arg7[%add3A_337, %add3A_334] : memref<32x128xf32, #tpu.memory_space<vmem>>[vector<16xi32>, vector<16xi32>], vector<16xf32>,
          %mul3A_339 = arith.constant 32 : i32
          %mul3A_340 = vector.broadcast %mul3A_339 : i32 to vector<16xi32>
          %mul3A_341 = arith.muli %add3A_334, %mul3A_340 : vector<16xi32>
          %add3A_342 = arith.addi %mul3A_341, %add3A_337 : vector<16xi32>
          %mul3A_343 = arith.constant 5.65685415 : f32
          %mul3A_344 = vector.broadcast %mul3A_343 : f32 to vector<16xf32>
          %mul3A_345 = arith.mulf %gather3A_338, %mul3A_344 : vector<16xf32>
          tpu.vector_store_idx %arg11[%add3A_342], %mul3A_345 : memref<2048xf32, #tpu.memory_space<vmem>>[vector<16xi32>], vector<16xf32>,
          %add3A_346 = arith.constant 16 : i32
          %add3A_347 = vector.broadcast %add3A_346 : i32 to vector<16xi32>
          %add3A_348 = arith.addi %add3A_347, %iota3A : vector<16xi32>
          %add3A_349 = arith.constant 16 : i32
          %add3A_350 = vector.broadcast %add3A_349 : i32 to vector<16xi32>
          %add3A_351 = arith.addi %add3A_350, %and3A_275 : vector<16xi32>
          %gather3A_352 = tpu.vector_load_idx %arg7[%add3A_351, %add3A_348] : memref<32x128xf32, #tpu.memory_space<vmem>>[vector<16xi32>, vector<16xi32>], vector<16xf32>,
          %mul3A_353 = arith.constant 32 : i32
          %mul3A_354 = vector.broadcast %mul3A_353 : i32 to vector<16xi32>
          %mul3A_355 = arith.muli %add3A_348, %mul3A_354 : vector<16xi32>
          %add3A_356 = arith.addi %mul3A_355, %add3A_351 : vector<16xi32>
          %mul3A_357 = arith.constant 5.65685415 : f32
          %mul3A_358 = vector.broadcast %mul3A_357 : f32 to vector<16xf32>
          %mul3A_359 = arith.mulf %gather3A_352, %mul3A_358 : vector<16xf32>
          tpu.vector_store_idx %arg11[%add3A_356], %mul3A_359 : memref<2048xf32, #tpu.memory_space<vmem>>[vector<16xi32>], vector<16xf32>,
          %add3A_360 = arith.constant 32 : i32
          %add3A_361 = vector.broadcast %add3A_360 : i32 to vector<16xi32>
          %add3A_362 = arith.addi %add3A_361, %iota3A : vector<16xi32>
          %add3A_363 = arith.constant 16 : i32
          %add3A_364 = vector.broadcast %add3A_363 : i32 to vector<16xi32>
          %add3A_365 = arith.addi %add3A_364, %and3A_275 : vector<16xi32>
          %gather3A_366 = tpu.vector_load_idx %arg7[%add3A_365, %add3A_362] : memref<32x128xf32, #tpu.memory_space<vmem>>[vector<16xi32>, vector<16xi32>], vector<16xf32>,
          %mul3A_367 = arith.constant 32 : i32
          %mul3A_368 = vector.broadcast %mul3A_367 : i32 to vector<16xi32>
          %mul3A_369 = arith.muli %add3A_362, %mul3A_368 : vector<16xi32>
          %add3A_370 = arith.addi %mul3A_369, %add3A_365 : vector<16xi32>
          %mul3A_371 = arith.constant 5.65685415 : f32
          %mul3A_372 = vector.broadcast %mul3A_371 : f32 to vector<16xf32>
          %mul3A_373 = arith.mulf %gather3A_366, %mul3A_372 : vector<16xf32>
          tpu.vector_store_idx %arg11[%add3A_370], %mul3A_373 : memref<2048xf32, #tpu.memory_space<vmem>>[vector<16xi32>], vector<16xf32>,
          %add3A_374 = arith.constant 48 : i32
          %add3A_375 = vector.broadcast %add3A_374 : i32 to vector<16xi32>
          %add3A_376 = arith.addi %add3A_375, %iota3A : vector<16xi32>
          %add3A_377 = arith.constant 16 : i32
          %add3A_378 = vector.broadcast %add3A_377 : i32 to vector<16xi32>
          %add3A_379 = arith.addi %add3A_378, %and3A_275 : vector<16xi32>
          %gather3A_380 = tpu.vector_load_idx %arg7[%add3A_379, %add3A_376] : memref<32x128xf32, #tpu.memory_space<vmem>>[vector<16xi32>, vector<16xi32>], vector<16xf32>,
          %mul3A_381 = arith.constant 32 : i32
          %mul3A_382 = vector.broadcast %mul3A_381 : i32 to vector<16xi32>
          %mul3A_383 = arith.muli %add3A_376, %mul3A_382 : vector<16xi32>
          %add3A_384 = arith.addi %mul3A_383, %add3A_379 : vector<16xi32>
          %mul3A_385 = arith.constant 5.65685415 : f32
          %mul3A_386 = vector.broadcast %mul3A_385 : f32 to vector<16xf32>
          %mul3A_387 = arith.mulf %gather3A_380, %mul3A_386 : vector<16xf32>
          tpu.vector_store_idx %arg11[%add3A_384], %mul3A_387 : memref<2048xf32, #tpu.memory_space<vmem>>[vector<16xi32>], vector<16xf32>,
        }
        %scan3A_141 = arith.constant 16 : i32
        %mul3A_142 = arith.constant 64 : i32
        %mul3A_143 = arith.muli %add3A_83, %mul3A_142 : i32
        %mul3A_144 = arith.constant 32 : i32
        %mul3A_145 = arith.muli %mul3A_143, %mul3A_144 : i32
        %dma_start3A = tpu.memref_slice %arg3[%mul3A_145] : memref<32000000xf32, #tpu.memory_space<hbm>> -> memref<2048xf32, #tpu.memory_space<hbm>>
        %dma_start3A_146 = tpu.memref_slice %arg3[%mul3A_145] : memref<32000000xf32, #tpu.memory_space<hbm>> -> memref<2048xf32, #tpu.memory_space<hbm>>
        tpu.enqueue_dma source(%arg11 : memref<2048xf32, #tpu.memory_space<vmem>>) target(%dma_start3A_146 : memref<2048xf32, #tpu.memory_space<hbm>>) target_semaphore(%arg19 : memref<!tpu.dma_semaphore, #tpu.memory_space<semaphore_mem>>)
        %add3A_147 = arith.constant 4 : i32
        %add3A_148 = arith.addi %add3A_78, %add3A_147 : i32
        %lt3A_149 = arith.cmpi slt, %add3A_148, %add3A_7 : i32
        %convert_element_type3A_150 = arith.extui %lt3A_149 : i1 to i32
        %cond3A_151 = arith.constant 0 : i32
        %cond3A_152 = arith.cmpi ne, %convert_element_type3A_150, %cond3A_151 : i32
        scf.if %cond3A_152 {
          %add3A_153 = arith.constant 4 : i32
          %add3A_154 = arith.addi %add3A_83, %add3A_153 : i32
          %mul3A_155 = arith.constant 64 : i32
          %mul3A_156 = arith.muli %add3A_154, %mul3A_155 : i32
          %dma_start3A_157 = arith.constant 0 : i32
          %dma_start3A_158 = arith.constant 0 : i32
          %dma_start3A_159 = tpu.memref_slice %arg7[%dma_start3A_157, %dma_start3A_158] : memref<32x128xf32, #tpu.memory_space<vmem>> -> memref<8x64xf32, #tpu.memory_space<vmem>>
          %dma_start3A_160 = arith.constant 0 : i32
          %dma_start3A_161 = tpu.memref_slice %arg2[%dma_start3A_160, %mul3A_156] : memref<32x1000000xf32, #tpu.memory_space<hbm>> -> memref<8x64xf32, #tpu.memory_space<hbm>>
          %dma_start3A_162 = arith.constant 0 : i32
          %dma_start3A_163 = arith.constant 0 : i32
          %dma_start3A_164 = tpu.memref_slice %arg7[%dma_start3A_162, %dma_start3A_163] : memref<32x128xf32, #tpu.memory_space<vmem>> -> memref<8x64xf32, #tpu.memory_space<vmem>>
          %dma_start3A_165 = arith.constant 0 : i32
          %dma_start3A_166 = tpu.memref_slice %arg2[%dma_start3A_165, %mul3A_156] : memref<32x1000000xf32, #tpu.memory_space<hbm>> -> memref<8x64xf32, #tpu.memory_space<hbm>>
          tpu.enqueue_dma source(%dma_start3A_166 : memref<8x64xf32, #tpu.memory_space<hbm>>) target(%dma_start3A_164 : memref<8x64xf32, #tpu.memory_space<vmem>>) target_semaphore(%arg15 : memref<!tpu.dma_semaphore, #tpu.memory_space<semaphore_mem>>)
          %dma_start3A_167 = arith.constant 8 : i32
          %dma_start3A_168 = arith.constant 0 : i32
          %dma_start3A_169 = tpu.memref_slice %arg7[%dma_start3A_167, %dma_start3A_168] : memref<32x128xf32, #tpu.memory_space<vmem>> -> memref<8x64xf32, #tpu.memory_space<vmem>>
          %dma_start3A_170 = arith.constant 8 : i32
          %dma_start3A_171 = tpu.memref_slice %arg2[%dma_start3A_170, %mul3A_156] : memref<32x1000000xf32, #tpu.memory_space<hbm>> -> memref<8x64xf32, #tpu.memory_space<hbm>>
          %dma_start3A_172 = arith.constant 8 : i32
          %dma_start3A_173 = arith.constant 0 : i32
          %dma_start3A_174 = tpu.memref_slice %arg7[%dma_start3A_172, %dma_start3A_173] : memref<32x128xf32, #tpu.memory_space<vmem>> -> memref<8x64xf32, #tpu.memory_space<vmem>>
          %dma_start3A_175 = arith.constant 8 : i32
          %dma_start3A_176 = tpu.memref_slice %arg2[%dma_start3A_175, %mul3A_156] : memref<32x1000000xf32, #tpu.memory_space<hbm>> -> memref<8x64xf32, #tpu.memory_space<hbm>>
          tpu.enqueue_dma source(%dma_start3A_176 : memref<8x64xf32, #tpu.memory_space<hbm>>) target(%dma_start3A_174 : memref<8x64xf32, #tpu.memory_space<vmem>>) target_semaphore(%arg15 : memref<!tpu.dma_semaphore, #tpu.memory_space<semaphore_mem>>)
          %dma_start3A_177 = arith.constant 16 : i32
          %dma_start3A_178 = arith.constant 0 : i32
          %dma_start3A_179 = tpu.memref_slice %arg7[%dma_start3A_177, %dma_start3A_178] : memref<32x128xf32, #tpu.memory_space<vmem>> -> memref<8x64xf32, #tpu.memory_space<vmem>>
          %dma_start3A_180 = arith.constant 16 : i32
          %dma_start3A_181 = tpu.memref_slice %arg2[%dma_start3A_180, %mul3A_156] : memref<32x1000000xf32, #tpu.memory_space<hbm>> -> memref<8x64xf32, #tpu.memory_space<hbm>>
          %dma_start3A_182 = arith.constant 16 : i32
          %dma_start3A_183 = arith.constant 0 : i32
          %dma_start3A_184 = tpu.memref_slice %arg7[%dma_start3A_182, %dma_start3A_183] : memref<32x128xf32, #tpu.memory_space<vmem>> -> memref<8x64xf32, #tpu.memory_space<vmem>>
          %dma_start3A_185 = arith.constant 16 : i32
          %dma_start3A_186 = tpu.memref_slice %arg2[%dma_start3A_185, %mul3A_156] : memref<32x1000000xf32, #tpu.memory_space<hbm>> -> memref<8x64xf32, #tpu.memory_space<hbm>>
          tpu.enqueue_dma source(%dma_start3A_186 : memref<8x64xf32, #tpu.memory_space<hbm>>) target(%dma_start3A_184 : memref<8x64xf32, #tpu.memory_space<vmem>>) target_semaphore(%arg15 : memref<!tpu.dma_semaphore, #tpu.memory_space<semaphore_mem>>)
          %dma_start3A_187 = arith.constant 24 : i32
          %dma_start3A_188 = arith.constant 0 : i32
          %dma_start3A_189 = tpu.memref_slice %arg7[%dma_start3A_187, %dma_start3A_188] : memref<32x128xf32, #tpu.memory_space<vmem>> -> memref<8x64xf32, #tpu.memory_space<vmem>>
          %dma_start3A_190 = arith.constant 24 : i32
          %dma_start3A_191 = tpu.memref_slice %arg2[%dma_start3A_190, %mul3A_156] : memref<32x1000000xf32, #tpu.memory_space<hbm>> -> memref<8x64xf32, #tpu.memory_space<hbm>>
          %dma_start3A_192 = arith.constant 24 : i32
          %dma_start3A_193 = arith.constant 0 : i32
          %dma_start3A_194 = tpu.memref_slice %arg7[%dma_start3A_192, %dma_start3A_193] : memref<32x128xf32, #tpu.memory_space<vmem>> -> memref<8x64xf32, #tpu.memory_space<vmem>>
          %dma_start3A_195 = arith.constant 24 : i32
          %dma_start3A_196 = tpu.memref_slice %arg2[%dma_start3A_195, %mul3A_156] : memref<32x1000000xf32, #tpu.memory_space<hbm>> -> memref<8x64xf32, #tpu.memory_space<hbm>>
          tpu.enqueue_dma source(%dma_start3A_196 : memref<8x64xf32, #tpu.memory_space<hbm>>) target(%dma_start3A_194 : memref<8x64xf32, #tpu.memory_space<vmem>>) target_semaphore(%arg15 : memref<!tpu.dma_semaphore, #tpu.memory_space<semaphore_mem>>)
        } else {
        }
      } else {
      }
    }
    %scan3A_30 = arith.constant 123 : i32
    %ge3A = arith.constant 4 : i32
    %ge3A_31 = arith.cmpi sge, %add3A_7, %ge3A : i32
    %convert_element_type3A_32 = arith.extui %ge3A_31 : i1 to i32
    %cond3A_33 = arith.constant 0 : i32
    %cond3A_34 = arith.cmpi ne, %convert_element_type3A_32, %cond3A_33 : i32
    scf.if %cond3A_34 {
      %mul3A_50 = arith.constant 64 : i32
      %mul3A_51 = arith.muli %add3A_4, %mul3A_50 : i32
      %mul3A_52 = arith.constant 32 : i32
      %mul3A_53 = arith.muli %mul3A_51, %mul3A_52 : i32
      %dma_wait3A = tpu.memref_slice %arg3[%mul3A_53] : memref<32000000xf32, #tpu.memory_space<hbm>> -> memref<2048xf32, #tpu.memory_space<hbm>>
      %dma_wait3A_54 = tpu.memref_slice %arg3[%mul3A_53] : memref<32000000xf32, #tpu.memory_space<hbm>> -> memref<2048xf32, #tpu.memory_space<hbm>>
      tpu.wait_dma2 semaphore(%arg16 : memref<!tpu.dma_semaphore, #tpu.memory_space<semaphore_mem>>) src(%arg8 : memref<2048xf32, #tpu.memory_space<vmem>>) dst(%dma_wait3A_54 : memref<2048xf32, #tpu.memory_space<hbm>>)
    } else {
    }
    %ge3A_35 = arith.constant 3 : i32
    %ge3A_36 = arith.cmpi sge, %add3A_7, %ge3A_35 : i32
    %convert_element_type3A_37 = arith.extui %ge3A_36 : i1 to i32
    %cond3A_38 = arith.constant 0 : i32
    %cond3A_39 = arith.cmpi ne, %convert_element_type3A_37, %cond3A_38 : i32
    scf.if %cond3A_39 {
      %mul3A_50 = arith.constant 64 : i32
      %mul3A_51 = arith.muli %add3A_4, %mul3A_50 : i32
      %mul3A_52 = arith.constant 32 : i32
      %mul3A_53 = arith.muli %mul3A_51, %mul3A_52 : i32
      %dma_wait3A = tpu.memref_slice %arg3[%mul3A_53] : memref<32000000xf32, #tpu.memory_space<hbm>> -> memref<2048xf32, #tpu.memory_space<hbm>>
      %dma_wait3A_54 = tpu.memref_slice %arg3[%mul3A_53] : memref<32000000xf32, #tpu.memory_space<hbm>> -> memref<2048xf32, #tpu.memory_space<hbm>>
      tpu.wait_dma2 semaphore(%arg17 : memref<!tpu.dma_semaphore, #tpu.memory_space<semaphore_mem>>) src(%arg9 : memref<2048xf32, #tpu.memory_space<vmem>>) dst(%dma_wait3A_54 : memref<2048xf32, #tpu.memory_space<hbm>>)
    } else {
    }
    %ge3A_40 = arith.constant 2 : i32
    %ge3A_41 = arith.cmpi sge, %add3A_7, %ge3A_40 : i32
    %convert_element_type3A_42 = arith.extui %ge3A_41 : i1 to i32
    %cond3A_43 = arith.constant 0 : i32
    %cond3A_44 = arith.cmpi ne, %convert_element_type3A_42, %cond3A_43 : i32
    scf.if %cond3A_44 {
      %mul3A_50 = arith.constant 64 : i32
      %mul3A_51 = arith.muli %add3A_4, %mul3A_50 : i32
      %mul3A_52 = arith.constant 32 : i32
      %mul3A_53 = arith.muli %mul3A_51, %mul3A_52 : i32
      %dma_wait3A = tpu.memref_slice %arg3[%mul3A_53] : memref<32000000xf32, #tpu.memory_space<hbm>> -> memref<2048xf32, #tpu.memory_space<hbm>>
      %dma_wait3A_54 = tpu.memref_slice %arg3[%mul3A_53] : memref<32000000xf32, #tpu.memory_space<hbm>> -> memref<2048xf32, #tpu.memory_space<hbm>>
      tpu.wait_dma2 semaphore(%arg18 : memref<!tpu.dma_semaphore, #tpu.memory_space<semaphore_mem>>) src(%arg10 : memref<2048xf32, #tpu.memory_space<vmem>>) dst(%dma_wait3A_54 : memref<2048xf32, #tpu.memory_space<hbm>>)
    } else {
    }
    %ge3A_45 = arith.constant 1 : i32
    %ge3A_46 = arith.cmpi sge, %add3A_7, %ge3A_45 : i32
    %convert_element_type3A_47 = arith.extui %ge3A_46 : i1 to i32
    %cond3A_48 = arith.constant 0 : i32
    %cond3A_49 = arith.cmpi ne, %convert_element_type3A_47, %cond3A_48 : i32
    scf.if %cond3A_49 {
      %mul3A_50 = arith.constant 64 : i32
      %mul3A_51 = arith.muli %add3A_4, %mul3A_50 : i32
      %mul3A_52 = arith.constant 32 : i32
      %mul3A_53 = arith.muli %mul3A_51, %mul3A_52 : i32
      %dma_wait3A = tpu.memref_slice %arg3[%mul3A_53] : memref<32000000xf32, #tpu.memory_space<hbm>> -> memref<2048xf32, #tpu.memory_space<hbm>>
      %dma_wait3A_54 = tpu.memref_slice %arg3[%mul3A_53] : memref<32000000xf32, #tpu.memory_space<hbm>> -> memref<2048xf32, #tpu.memory_space<hbm>>
      tpu.wait_dma2 semaphore(%arg19 : memref<!tpu.dma_semaphore, #tpu.memory_space<semaphore_mem>>) src(%arg11 : memref<2048xf32, #tpu.memory_space<vmem>>) dst(%dma_wait3A_54 : memref<2048xf32, #tpu.memory_space<hbm>>)
    } else {
    }
    return
  }
}

</mosaic_0001>

<sc_bundles>
// kernel: _detile.3.cloned.1.call-start
scs
__scs_entry_jumppad:
0x0: {  	(pc) =	sbr.rel $0x88, $3  }
0x1: {  	(tag) =	ssettag $0x0;
	lr =	simm.s32 $0x1  }
0x2: {  	[smem:$0x3FA0] =	sst lr;
	_ =	strace $0xD0000000  }
0x3: {  	_ = 	snop  }
0x4: {  	_ = 	snop  }
0x5: {  	_ = 	snop  }
0x6: {  	_ = 	snop  }
0x7: {  	_ = 	snop  }
__scs_overlays_trampoline_lowered:
0x8: {  	[smem:$0x3FAF] =	sst s0  }
0x9: {  	[smem:$0x3FB0] =	sst s1  }
0xa: {  	[smem:$0x3FB1] =	sst s2  }
0xb: {  	[smem:$0x3FB2] =	sst s3  }
0xc: {  	[smem:$0x3FB3] =	sst s4  }
0xd: {  	[smem:$0x3FB4] =	sst s5  }
0xe: {  	[smem:$0x3FB5] =	sst s6  }
0xf: {  	[smem:$0x3FB6] =	sst s7  }
0x10: {  	[smem:$0x3FB7] =	sst s8  }
0x11: {  	[smem:$0x3FB8] =	sst s9;
	s0 =	simm.s32 @!p0 $0x0  }
0x12: {  	s1 =	sld [smem:$0x3F9E];
	s0 =	simm.s32 @p0 $0x1  }
0x13: {  	[smem:$0x3FB9] =	sst s0;
	s0 =	simm.s32 @!p1 $0x0  }
0x14: {  	s2 =	sld [smem:$0x3F9D];
	s0 =	simm.s32 @p1 $0x1  }
0x15: {  	[smem:$0x3FBA] =	sst s0;
	s0 =	simm.s32 @!p2 $0x0  }
0x16: {  	s3 =	sld [smem:$0x3FDB];
	s0 =	simm.s32 @p2 $0x1  }
0x17: {  	s4 =	simm.s32 $0x1BF5;
	[smem:$0x3FBC] =	sst s0  }
0x18: {  	s0 =	sld [smem:$0x3F9F];
	_ =	swait.ge [sflag:s4], $0x0  }
0x19: {  	s7 =	sld [smem:$0x3FA0]  }
0x1a: {  	s8 =	sadd.s32 $0xFFFFE003, lr  }
0x1b: {  	s9 =	sadd.s32 $0xFFFFFEF7, lr;
	s5 =	simm.s32 $0xFFFFFFFF;
	p2 =	slt.u32 s8, $0xFFFFF086  }
0x1c: {  	p1 =	slt.u32 s9, $0xF7A;
	s5 =	simm.s32 @!p2 $0x0  }
0x1d: {  	s5 =	simm.s32 @p1 $0x1;
	p0 =	seq.s32 s7, s2  }
0x1e: {  	s7 =	smul.u32 @!p0 $0xF7A, s2;
	p2 =	seq.s32 @!p0 s5, $0x0  }
0x1f: {  	s9 =	smul.u32 $0xF7A, s1;
	s8 =	simm.s32 @!p0 $0x1BF5;
	p2 =	por !p2, p0  }
0x20: {  	[sflag:s8] =	ssyncset.s32 @!p0 $0xFFFFF086;
	s6 =	sadd.s32 @!p0 s3, s7;
	s7 =	simm.s32 @!p0 $0x108  }
0x21: {  	s3 =	sadd.s32 s3, s9;
	s6 =	sadd.s32 @!p0 $0x88, s6;
	s7 =	simm.s32 @p2 $0x1082  }
0x22: {  	[simem:s7], [sflag:s8] =	dma.local @!p0 [hbm:s6], $0xF7A  }
0x23: {  	s9 =	sor.u32 $0xD0000000, s2;
	s6 =	simm.s32 $0x108;
	_ =	swait.ge @!p0 [sflag:s8], $0x0  }
0x24: {  	s3 =	sadd.s32 $0x88, s3;
	s6 =	simm.s32 @!p1 $0x1082;
	[sflag:s4] =	ssyncset.s32 $0xFFFFF086  }
0x25: {  	[simem:s6], [sflag:s4] =	dma.local [hbm:s3], $0xF7A  }
0x26: {  	[smem:$0x3FA0] =	sst s1;
	(tag) =	ssettag s2;
	_ =	strace s9  }
0x27: {  	s1 =	sld [smem:$0x3FB0]  }
0x28: {  	s2 =	sld [smem:$0x3FB1]  }
0x29: {  	s4 =	sld [smem:$0x3FB3]  }
0x2a: {  	p0 =	seq.s32 s5, $0x0;
	s5 =	sld [smem:$0x3FB4]  }
0x2b: {  	s6 =	sld [smem:$0x3FB5]  }
0x2c: {  	s7 =	sld [smem:$0x3FB6]  }
0x2d: {  	s3 =	simm.s32 $0x108;
	s8 =	sld [smem:$0x3FB7]  }
0x2e: {  	s3 =	simm.s32 @!p0 $0x1082;
	s9 =	sld [smem:$0x3FB8]  }
0x2f: {  	lr =	sadd.s32 s0, s3;
	s0 =	sld [smem:$0x3FAF]  }
0x30: {  	s3 =	sld [smem:$0x3FB2]  }
0x31: {  	[smem:$0x3FBB] =	sst s10  }
0x32: {  	s10 =	sld [smem:$0x3FB9];
	_ =	sdelay $0x3  }
0x33: {  	p0 =	seq.s32 s10, $0x1;
	s10 =	sld [smem:$0x3FBB];
	_ =	sdelay $0x3  }
0x34: {  	[smem:$0x3FBB] =	sst s10  }
0x35: {  	s10 =	sld [smem:$0x3FBA];
	_ =	sdelay $0x3  }
0x36: {  	p1 =	seq.s32 s10, $0x1;
	s10 =	sld [smem:$0x3FBB];
	_ =	sdelay $0x3  }
0x37: {  	[smem:$0x3FBB] =	sst s10  }
0x38: {  	s10 =	sld [smem:$0x3FBC]  }
0x39: {  	_ = 	snop;
	(pc) =	sbr.ind lr, $3  }
0x3a: {  	_ = 	snop  }
0x3b: {  	_ = 	snop  }
0x3c: {  	p2 =	seq.s32 s10, $0x1;
	s10 =	sld [smem:$0x3FBB]  }
0x3d: {  	_ =	shalt  }
0x3e: {  	_ =	shalt  }
0x3f: {  	_ =	shalt  }
0x40: {  	_ =	shalt  }
0x41: {  	_ =	shalt  }
0x42: {  	_ =	shalt  }
0x43: {  	_ =	shalt  }
0x44: {  	_ =	shalt  }
0x45: {  	_ =	shalt  }
0x46: {  	_ =	shalt  }
0x47: {  	_ =	shalt  }
0x48: {  	_ =	shalt  }
0x49: {  	_ =	shalt  }
0x4a: {  	_ =	shalt  }
0x4b: {  	_ =	shalt  }
0x4c: {  	_ =	shalt  }
0x4d: {  	_ =	shalt  }
0x4e: {  	_ =	shalt  }
0x4f: {  	_ =	shalt  }
0x50: {  	_ =	shalt  }
0x51: {  	_ =	shalt  }
0x52: {  	_ =	shalt  }
0x53: {  	_ =	shalt  }
0x54: {  	_ =	shalt  }
0x55: {  	_ =	shalt  }
0x56: {  	_ =	shalt  }
0x57: {  	_ =	shalt  }
0x58: {  	_ =	shalt  }
0x59: {  	_ =	shalt  }
0x5a: {  	_ =	shalt  }
0x5b: {  	_ =	shalt  }
0x5c: {  	_ =	shalt  }
0x5d: {  	_ =	shalt  }
0x5e: {  	_ =	shalt  }
0x5f: {  	_ =	shalt  }
0x60: {  	_ =	shalt  }
0x61: {  	_ =	shalt  }
0x62: {  	_ =	shalt  }
0x63: {  	_ =	shalt  }
0x64: {  	_ =	shalt  }
0x65: {  	_ =	shalt  }
0x66: {  	_ =	shalt  }
0x67: {  	_ =	shalt  }
0x68: {  	_ =	shalt  }
0x69: {  	_ =	shalt  }
0x6a: {  	_ =	shalt  }
0x6b: {  	_ =	shalt  }
0x6c: {  	_ =	shalt  }
0x6d: {  	_ =	shalt  }
0x6e: {  	_ =	shalt  }
0x6f: {  	_ =	shalt  }
0x70: {  	_ =	shalt  }
0x71: {  	_ =	shalt  }
0x72: {  	_ =	shalt  }
0x73: {  	_ =	shalt  }
0x74: {  	_ =	shalt  }
0x75: {  	_ =	shalt  }
0x76: {  	_ =	shalt  }
0x77: {  	_ =	shalt  }
0x78: {  	_ =	shalt  }
0x79: {  	_ =	shalt  }
0x7a: {  	_ =	shalt  }
0x7b: {  	_ =	shalt  }
0x7c: {  	_ =	shalt  }
0x7d: {  	_ =	shalt  }
0x7e: {  	_ =	shalt  }
0x7f: {  	_ =	shalt  }
0x80: {  	_ =	shalt  }
0x81: {  	_ =	shalt  }
0x82: {  	_ =	shalt  }
0x83: {  	_ =	shalt  }
0x84: {  	_ =	shalt  }
0x85: {  	_ =	shalt  }
0x86: {  	_ =	shalt  }
0x87: {  	_ =	shalt  }
.Lfunc_end0:
.L_simem_size_0:
called_computation_lowered:
.L_overlay_start_0:
0x88: {  	s2 =	sld [smem:$0x3FD9]  }
0x89: {  	s3 =	sld [smem:$0x3FFE];
	_ =	sdelay $0x1  }
0x8a: {  	s1 =	srdreg.scid  }
0x8b: {  	s0 =	sand.u32 $0x1, s1  }
0x8c: {  	s18 =	sshll.u32 s0, $0xA;
	s2 =	sadd.s32 s3, s2  }
0x8d: {  	s2 =	sadd.s32 s2, s18  }
0x8e: {  	[smem:$0x3FC7] =	sst s2  }
0x8f: {  	_ = 	snop  }
0x90: {  	s2 =	sld [smem:$0x3FC9]  }
0x91: {  	s19 =	sld [smem:$0x3FD0];
	(tm) =	ssettm $0x1  }
0x92: {  	s4 =	sld [smem:$0x3FFB];
	_ =	sdelay $0x3  }
0x93: {  	_ =	strace s4  }
0x94: {  	s4 =	sld [smem:$0x3FFC];
	_ =	sdelay $0x3  }
0x95: {  	_ =	strace s4  }
0x96: {  	s4 =	sld [smem:$0x3FFD];
	_ =	sdelay $0x3  }
0x97: {  	_ =	strace s4  }
0x98: {  	_ =	strace $0x8FFFFFFF  }
0x99: {  	s20 =	sld [smem:$0x3FDB];
	_ =	sdelay $0x1  }
0x9a: {  	s5 =	simm.s32 $_scs_section_size  }
0x9b: {  	s6 =	simm.s32 $_size__tile_overlayer_lowered;
	s7 =	simm.s32 $_tile_overlayer_lowered  }
0x9c: {  	s23 =	simm.s32 $0x1BFF;
	s22 =	sshll.u32 s7, $0x1;
	s4 =	sadd.s32 s5, s20  }
0x9d: {  	s8 =	simm.s32 $0x0;
	s21 =	sshll.u32 s6, $0x1;
	s6 =	sadd.s32 s22, s4  }
0x9e: {  	[timem:s8], [sflag:s23] =	dma.local [hbm:s6], s21  }
0x9f: {  	_ =	swait.ge [sflag:s23], s21  }
0xa0: {  	s5 =	ssub.s32 $0x0, s21;
	[sflag:s23] =	ssyncset.done $0x0  }
0xa1: {  	[sflag:s23] =	ssyncadd.s32 s5;
	_ =	sdelay $0x1  }
0xa2: {  	s24 =	simm.s32 $0x1B8B  }
0xa3: {  	_ =	swait.ge [sflag:s24], $0x1  }
0xa4: {  	[sflag:s24] =	ssyncset.done $0x0  }
0xa5: {  	s25 =	simm.s32 $0x1B8E;
	[sflag:s24] =	ssyncadd.s32 $0xFFFFFFFF  }
0xa6: {  	s26 =	simm.s32 $execute0_lowered;
	[smem:$0x3FD2] =	sst s25  }
0xa7: {  	s5 =	sshll.u32 s26, $0x1;
	_ =	strace $0x80000046;
	[dreg:$0x1] =	wrdreg $0xFFFFFFFF  }
0xa8: {  	s28 =	simm.s32 $_size_execute0_lowered;
	s4 =	sadd.s32 s4, s5;
	[dreg:$0x0] =	wrdreg $0x0  }
0xa9: {  	s5 =	sshll.u32 s28, $0x1;
	[dreg:$0x2] =	wrdreg s4  }
0xaa: {  	[dreg:$0x3] =	wrdreg s5  }
0xab: {  	[dreg:$0x4] =	wrdreg $0xC0  }
0xac: {  	_ =	task [dreg:s8], $0x5FFFF  }
0xad: {  	[dreg:$0x1] =	wrdreg $0xFFFFFFFF  }
0xae: {  	[dreg:$0x0] =	wrdreg $0x60  }
0xaf: {  	[dreg:$0x2] =	wrdreg s2  }
0xb0: {  	[dreg:$0x3] =	wrdreg s19  }
0xb1: {  	[dreg:$0x4] =	wrdreg $0x9  }
0xb2: {  	_ =	task.clear_ibuf [dreg:s8], $0x5FFFF;
	_ =	strace $0x90000046  }
0xb3: {  	s29 =	simm.s32 $0x9;
	_ =	strace $0x80000048  }
0xb4: {  	_ =	swait.ge [sflag:s29], $0x1  }
0xb5: {  	[sflag:s29] =	ssyncadd.s32 $0xFFFFFFFF  }
0xb6: {  	_ =	strace $0x90000048  }
0xb7: {  	_ =	sfence  }
0xb8: {  	s30 =	sld [smem:$0x0];
	_ =	sdelay $0x2  }
0xb9: {  	s31 =	sshll.u32 s1, $0xD;
	s1 =	sshrl.u32 s1, $0x2  }
0xba: {  	s3 =	sand.u32 $0x4000, s31;
	s1 =	sadd.s32 s1, s30  }
0xbb: {  	s0 =	sor.u32 s3, s0;
	s1 =	sshll.u32 s1, $0x11  }
0xbc: {  	s0 =	sor.u32 s1, s0  }
0xbd: {  	s0 =	sadd.s32 $0x8F2B, s0  }
0xbe: {  	[sflag:s0] =	ssyncadd.remote.s32 $0x1  }
0xbf: {  	_ =	sfence.sel $0xFFFF  }
0xc0: {  	[dreg:$0x0] =	wrdreg $0xFFFFFFFF;
	(pc) =	sbr.abs _section_cstart, $3  }
0xc1: {  	[dreg:$0x1] =	wrdreg $0xFFFFFFFF  }
0xc2: {  	_ =	task.clear_ibuf [dreg:s8], $0x2FFFF;
	_ =	strace $0x9FFFFFFF  }
0xc3: {  	(tm) =	ssettm $0x7FFFFFFF  }
tec
execute0_lowered:
.L_overlay_start_1:
0x0: {  	(tag) =	ssettag $0x1  }
0x1: {  	s0 =	srdreg.scid;
	s1 =	stileid.u32  }
0x2: {  	s2 =	rddreg [dreg:$0x0];
	s0 =	sand.u32 $0x1, s0;
	s1 =	sshll.u32 s1, $0x1  }
0x3: {  	s3 =	rddreg [dreg:$0x1];
	s4 =	simm.s32 $0x0;
	s1 =	sor.u32 s0, s1  }
0x4: {  	[smem:$0x7FF] =	sst s4;
	s0 =	ssub.s32 $0x2, s0;
	s5 =	smul.u32 $0x1E8, s1  }
0x5: {  	_ =	strace $0x80000047;
	s6 =	smin.u32 s1, $0x9;
	s7 =	sshrl.u32 s0, $0x1  }
0x6: {  	p0 =	slt.u32 s1, $0x9;
	s8 =	sshll.u32 s6, $0x6;
	s5 =	sadd.s32 s6, s5  }
0x7: {  	s0 =	ssub.s32 s0, s7;
	s7 =	sand.u32 $0x40, s8;
	s9 =	sshll.u32 s5, $0x9  }
0x8: {  	s0 =	smax.u32 s0, $0x1;
	s19 =	sor.u32 s8, s9;
	s9 =	sshll.u32 s5, $0x6  }
0x9: {  	[dreg:$0x13] =	wrdreg s0;
	s1 =	sand.u32 $0x7FFFFC40, s19;
	s11 =	sadd.s32 $0x40, s9  }
0xa: {  	s9 =	sadd.s32 $0xC0, s9;
	s20 =	sadd.s32 $0x7A1400, s1;
	s10 =	sshrl.u32 s1, $0x3  }
0xb: {  	s21 =	sshll.u32 s11, $0x3;
	s22 =	sadd.s32 $0xF42800, s1;
	s11 =	sand.u32 $0x40, s11  }
0xc: {  	s12 =	sadd.s32 $0x16E3C00, s1;
	s26 =	sadd.s32 $0x400, s1;
	s8 =	sshrl.u32 s20, $0x3  }
0xd: {  	s13 =	sadd.s32 s2, s10;
	s10 =	sshrl.u32 s22, $0x3;
	s23 =	sshrl.u32 s12, $0x3  }
0xe: {  	s19 =	sshrl.u32 s26, $0x3;
	s20 =	sadd.s32 $0x7A1800, s1;
	s14 =	sadd.s32 s2, s8  }
0xf: {  	s8 =	sand.u32 $0x7FFFFC00, s21;
	s15 =	sadd.s32 s2, s10;
	s12 =	sadd.s32 s2, s23  }
0x10: {  	s19 =	sadd.s32 s2, s19;
	s21 =	sadd.s32 $0xF42C00, s1;
	[dreg:$0x3] =	wrdreg s13  }
0x11: {  	s23 =	sshll.u32 s9, $0x3;
	s1 =	sadd.s32 $0x16E4000, s1;
	[dreg:$0x4] =	wrdreg s14  }
0x12: {  	s9 =	sand.u32 $0x40, s9;
	s8 =	sor.u32 s11, s8;
	[dreg:$0x5] =	wrdreg s15  }
0x13: {  	s22 =	sshrl.u32 s21, $0x3;
	s1 =	sshrl.u32 s1, $0x3;
	[dreg:$0x6] =	wrdreg s12  }
0x14: {  	[dreg:$0xb] =	wrdreg s19;
	s11 =	sadd.s32 $0x7A1400, s8;
	s24 =	sshrl.u32 s8, $0x3  }
0x15: {  	s25 =	sadd.s32 $0xF42800, s8;
	s8 =	sadd.s32 $0x16E3C00, s8;
	s21 =	sadd.s32 s2, s22  }
0x16: {  	s11 =	sshrl.u32 s11, $0x3;
	s16 =	sadd.s32 s2, s24;
	s10 =	sshrl.u32 s25, $0x3  }
0x17: {  	s8 =	sshrl.u32 s8, $0x3;
	[dreg:$0xd] =	wrdreg s21;
	s17 =	sadd.s32 s2, s11  }
0x18: {  	s18 =	sadd.s32 s2, s10;
	s11 =	sadd.s32 s2, s8;
	[dreg:$0x7] =	wrdreg s16  }
0x19: {  	s8 =	sshrl.u32 s20, $0x3;
	s10 =	sand.u32 $0x7FFFFC00, s23;
	[dreg:$0x8] =	wrdreg s17  }
0x1a: {  	s23 =	sor.u32 $0x800, s7;
	s20 =	sadd.s32 s2, s8;
	[dreg:$0x9] =	wrdreg s18  }
0x1b: {  	s24 =	sor.u32 s9, s10;
	s10 =	sadd.s32 s2, s1;
	[dreg:$0xa] =	wrdreg s11  }
0x1c: {  	s25 =	sshrl.u32 s24, $0x3;
	s9 =	sadd.s32 $0x7A1400, s24;
	s26 =	sadd.s32 $0xF42800, s24  }
0x1d: {  	s8 =	sadd.s32 $0x16E3C00, s24;
	s24 =	sor.u32 $0x7A1C00, s7;
	[dreg:$0xc] =	wrdreg s20  }
0x1e: {  	[dreg:$0xe] =	wrdreg s10;
	s22 =	sadd.s32 s2, s25;
	s1 =	sshrl.u32 s26, $0x3  }
0x1f: {  	s25 =	sor.u32 $0xF43000, s7;
	s26 =	sor.u32 $0x16E4400, s7;
	s7 =	sadd.s32 $0x10, s13  }
0x20: {  	[dreg:$0x14] =	wrdreg s7  }
0x21: {  	s9 =	sshrl.u32 s9, $0x3;
	s7 =	sadd.s32 $0x20, s13;
	[dreg:$0xf] =	wrdreg s22  }
0x22: {  	s9 =	sadd.s32 s2, s9;
	[dreg:$0x15] =	wrdreg s7  }
0x23: {  	s8 =	sshrl.u32 s8, $0x3;
	s28 =	sadd.s32 s2, s1;
	[dreg:$0x10] =	wrdreg s9  }
0x24: {  	s8 =	sadd.s32 s2, s8;
	[dreg:$0x11] =	wrdreg s28  }
0x25: {  	s7 =	sadd.s32 $0x30, s13;
	[dreg:$0x12] =	wrdreg s8  }
0x26: {  	[dreg:$0x16] =	wrdreg s7;
	s7 =	sadd.s32 $0x40, s13  }
0x27: {  	[dreg:$0x17] =	wrdreg s7;
	s7 =	sadd.s32 $0x50, s13  }
0x28: {  	[dreg:$0x18] =	wrdreg s7;
	s7 =	sadd.s32 $0x60, s13  }
0x29: {  	[dreg:$0x19] =	wrdreg s7;
	s7 =	sadd.s32 $0x70, s13  }
0x2a: {  	s13 =	sadd.s32 $0x10, s14;
	[dreg:$0x1a] =	wrdreg s7  }
0x2b: {  	[dreg:$0x1b] =	wrdreg s13;
	s7 =	sadd.s32 $0x20, s14  }
0x2c: {  	s13 =	sadd.s32 $0x30, s14;
	[dreg:$0x1c] =	wrdreg s7  }
0x2d: {  	[dreg:$0x1d] =	wrdreg s13;
	s7 =	sadd.s32 $0x40, s14  }
0x2e: {  	s13 =	sadd.s32 $0x50, s14;
	[dreg:$0x1e] =	wrdreg s7  }
0x2f: {  	[dreg:$0x1f] =	wrdreg s13;
	s7 =	sadd.s32 $0x60, s14  }
0x30: {  	s13 =	sadd.s32 $0x70, s14;
	[smem:$0x79A] =	sst s7  }
0x31: {  	s14 =	sadd.s32 $0x10, s15;
	[smem:$0x79B] =	sst s13  }
0x32: {  	[smem:$0x79C] =	sst s14;
	s7 =	sadd.s32 $0x20, s15  }
0x33: {  	s13 =	sadd.s32 $0x30, s15;
	[smem:$0x79D] =	sst s7  }
0x34: {  	s14 =	sadd.s32 $0x40, s15;
	[smem:$0x79E] =	sst s13  }
0x35: {  	[smem:$0x79F] =	sst s14;
	s7 =	sadd.s32 $0x50, s15  }
0x36: {  	s13 =	sadd.s32 $0x60, s15;
	[smem:$0x7A0] =	sst s7  }
0x37: {  	s14 =	sadd.s32 $0x70, s15;
	[smem:$0x7A1] =	sst s13  }
0x38: {  	s15 =	sadd.s32 $0x10, s12;
	[smem:$0x7A2] =	sst s14  }
0x39: {  	[smem:$0x7A3] =	sst s15;
	s7 =	sadd.s32 $0x20, s12  }
0x3a: {  	s13 =	sadd.s32 $0x30, s12;
	[smem:$0x7A4] =	sst s7  }
0x3b: {  	s14 =	sadd.s32 $0x40, s12;
	[smem:$0x7A5] =	sst s13  }
0x3c: {  	s15 =	sadd.s32 $0x50, s12;
	[smem:$0x7A6] =	sst s14  }
0x3d: {  	[smem:$0x7A7] =	sst s15;
	s7 =	sadd.s32 $0x60, s12  }
0x3e: {  	s12 =	sadd.s32 $0x70, s12;
	[smem:$0x7A8] =	sst s7  }
0x3f: {  	s13 =	sadd.s32 $0x10, s16;
	[smem:$0x7A9] =	sst s12  }
0x40: {  	s14 =	sadd.s32 $0x20, s16;
	[smem:$0x7AA] =	sst s13  }
0x41: {  	s15 =	sadd.s32 $0x30, s16;
	[smem:$0x7AB] =	sst s14  }
0x42: {  	[smem:$0x7AC] =	sst s15;
	s7 =	sadd.s32 $0x40, s16  }
0x43: {  	s12 =	sadd.s32 $0x50, s16;
	[smem:$0x7AD] =	sst s7  }
0x44: {  	s13 =	sadd.s32 $0x60, s16;
	[smem:$0x7AE] =	sst s12  }
0x45: {  	s14 =	sadd.s32 $0x70, s16;
	[smem:$0x7AF] =	sst s13  }
0x46: {  	s15 =	sadd.s32 $0x10, s17;
	[smem:$0x7B0] =	sst s14  }
0x47: {  	s16 =	sadd.s32 $0x20, s17;
	[smem:$0x7B1] =	sst s15  }
0x48: {  	[smem:$0x7B2] =	sst s16;
	s7 =	sadd.s32 $0x30, s17  }
0x49: {  	s12 =	sadd.s32 $0x40, s17;
	[smem:$0x7B3] =	sst s7  }
0x4a: {  	s13 =	sadd.s32 $0x50, s17;
	[smem:$0x7B4] =	sst s12  }
0x4b: {  	s14 =	sadd.s32 $0x60, s17;
	[smem:$0x7B5] =	sst s13  }
0x4c: {  	s15 =	sadd.s32 $0x70, s17;
	[smem:$0x7B6] =	sst s14  }
0x4d: {  	s16 =	sadd.s32 $0x10, s18;
	[smem:$0x7B7] =	sst s15  }
0x4e: {  	s17 =	sadd.s32 $0x20, s18;
	[smem:$0x7B8] =	sst s16  }
0x4f: {  	[smem:$0x7B9] =	sst s17;
	s7 =	sadd.s32 $0x30, s18  }
0x50: {  	s12 =	sadd.s32 $0x40, s18;
	[smem:$0x7BA] =	sst s7  }
0x51: {  	s13 =	sadd.s32 $0x50, s18;
	[smem:$0x7BB] =	sst s12  }
0x52: {  	s14 =	sadd.s32 $0x60, s18;
	[smem:$0x7BC] =	sst s13  }
0x53: {  	s15 =	sadd.s32 $0x70, s18;
	[smem:$0x7BD] =	sst s14  }
0x54: {  	s16 =	sadd.s32 $0x10, s11;
	[smem:$0x7BE] =	sst s15  }
0x55: {  	s17 =	sadd.s32 $0x20, s11;
	[smem:$0x7BF] =	sst s16  }
0x56: {  	s18 =	sadd.s32 $0x30, s11;
	[smem:$0x7C0] =	sst s17  }
0x57: {  	[smem:$0x7C1] =	sst s18;
	s7 =	sadd.s32 $0x40, s11  }
0x58: {  	s12 =	sadd.s32 $0x50, s11;
	[smem:$0x7C2] =	sst s7  }
0x59: {  	s13 =	sadd.s32 $0x60, s11;
	[smem:$0x7C3] =	sst s12  }
0x5a: {  	s14 =	sadd.s32 $0x70, s11;
	[smem:$0x7C4] =	sst s13  }
0x5b: {  	s15 =	sadd.s32 $0x10, s19;
	[smem:$0x7C5] =	sst s14  }
0x5c: {  	s16 =	sadd.s32 $0x20, s19;
	[smem:$0x7C6] =	sst s15  }
0x5d: {  	s17 =	sadd.s32 $0x30, s19;
	[smem:$0x7C7] =	sst s16  }
0x5e: {  	s18 =	sadd.s32 $0x40, s19;
	[smem:$0x7C8] =	sst s17  }
0x5f: {  	s11 =	sadd.s32 $0x60, s19;
	[smem:$0x7C9] =	sst s18  }
0x60: {  	s7 =	sadd.s32 $0x50, s19;
	[smem:$0x7CB] =	sst s11  }
0x61: {  	s12 =	sadd.s32 $0x70, s19;
	[smem:$0x7CA] =	sst s7  }
0x62: {  	s13 =	sadd.s32 $0x10, s20;
	[smem:$0x7CC] =	sst s12  }
0x63: {  	s14 =	sadd.s32 $0x20, s20;
	[smem:$0x7CD] =	sst s13  }
0x64: {  	s15 =	sadd.s32 $0x30, s20;
	[smem:$0x7CE] =	sst s14  }
0x65: {  	s16 =	sadd.s32 $0x40, s20;
	[smem:$0x7CF] =	sst s15  }
0x66: {  	s17 =	sadd.s32 $0x50, s20;
	[smem:$0x7D0] =	sst s16  }
0x67: {  	s18 =	sadd.s32 $0x60, s20;
	[smem:$0x7D1] =	sst s17  }
0x68: {  	s19 =	sadd.s32 $0x70, s20;
	[smem:$0x7D2] =	sst s18  }
0x69: {  	s20 =	sadd.s32 $0x10, s21;
	[smem:$0x7D3] =	sst s19  }
0x6a: {  	s11 =	sadd.s32 $0x30, s21;
	[smem:$0x7D4] =	sst s20  }
0x6b: {  	s7 =	sadd.s32 $0x20, s21;
	[smem:$0x7D6] =	sst s11  }
0x6c: {  	s12 =	sadd.s32 $0x40, s21;
	[smem:$0x7D5] =	sst s7  }
0x6d: {  	s13 =	sadd.s32 $0x50, s21;
	[smem:$0x7D7] =	sst s12  }
0x6e: {  	s14 =	sadd.s32 $0x60, s21;
	[smem:$0x7D8] =	sst s13  }
0x6f: {  	s15 =	sadd.s32 $0x70, s21;
	[smem:$0x7D9] =	sst s14  }
0x70: {  	s16 =	sadd.s32 $0x10, s10;
	[smem:$0x7DA] =	sst s15  }
0x71: {  	s17 =	sadd.s32 $0x20, s10;
	[smem:$0x7DB] =	sst s16  }
0x72: {  	s18 =	sadd.s32 $0x30, s10;
	[smem:$0x7DC] =	sst s17  }
0x73: {  	s19 =	sadd.s32 $0x40, s10;
	[smem:$0x7DD] =	sst s18  }
0x74: {  	s20 =	sadd.s32 $0x50, s10;
	[smem:$0x7DE] =	sst s19  }
0x75: {  	s21 =	sadd.s32 $0x60, s10;
	[smem:$0x7DF] =	sst s20  }
0x76: {  	s11 =	sadd.s32 $0x20, s22;
	[smem:$0x7E0] =	sst s21  }
0x77: {  	s7 =	sadd.s32 $0x70, s10;
	[smem:$0x7E3] =	sst s11  }
0x78: {  	s10 =	sadd.s32 $0x10, s22;
	[smem:$0x7E1] =	sst s7  }
0x79: {  	s12 =	sadd.s32 $0x30, s22;
	[smem:$0x7E2] =	sst s10  }
0x7a: {  	s13 =	sadd.s32 $0x40, s22;
	[smem:$0x7E4] =	sst s12  }
0x7b: {  	s14 =	sadd.s32 $0x50, s22;
	[smem:$0x7E5] =	sst s13  }
0x7c: {  	s15 =	sadd.s32 $0x60, s22;
	[smem:$0x7E6] =	sst s14  }
0x7d: {  	s16 =	sadd.s32 $0x70, s22;
	[smem:$0x7E7] =	sst s15  }
0x7e: {  	s17 =	sadd.s32 $0x10, s9;
	[smem:$0x7E8] =	sst s16  }
0x7f: {  	s18 =	sadd.s32 $0x20, s9;
	[smem:$0x7E9] =	sst s17  }
0x80: {  	s19 =	sadd.s32 $0x30, s9;
	[smem:$0x7EA] =	sst s18  }
0x81: {  	s20 =	sadd.s32 $0x40, s9;
	[smem:$0x7EB] =	sst s19  }
0x82: {  	s21 =	sadd.s32 $0x50, s9;
	[smem:$0x7EC] =	sst s20  }
0x83: {  	s22 =	sadd.s32 $0x60, s9;
	[smem:$0x7ED] =	sst s21  }
0x84: {  	s11 =	sadd.s32 $0x30, s28;
	[smem:$0x7EE] =	sst s22  }
0x85: {  	s7 =	sadd.s32 $0x70, s9;
	[smem:$0x7F2] =	sst s11  }
0x86: {  	s9 =	sadd.s32 $0x10, s28;
	[smem:$0x7EF] =	sst s7  }
0x87: {  	s10 =	sadd.s32 $0x20, s28;
	[smem:$0x7F0] =	sst s9  }
0x88: {  	s12 =	sadd.s32 $0x40, s28;
	[smem:$0x7F1] =	sst s10  }
0x89: {  	s13 =	sadd.s32 $0x50, s28;
	[smem:$0x7F3] =	sst s12  }
0x8a: {  	s14 =	sadd.s32 $0x60, s28;
	[smem:$0x7F4] =	sst s13  }
0x8b: {  	s6 =	simm.s32 $0x1E9;
	s15 =	sadd.s32 $0x70, s28;
	[smem:$0x7F5] =	sst s14  }
0x8c: {  	s6 =	simm.s32 @!p0 $0x1E8;
	s16 =	sadd.s32 $0x10, s8;
	[smem:$0x7F6] =	sst s15  }
0x8d: {  	s0 =	simm.s32 $0x5000;
	s17 =	sadd.s32 $0x20, s8;
	[smem:$0x7F7] =	sst s16  }
0x8e: {  	s29 =	sadd.s32 $0xFFFFFFFC, s6;
	s18 =	sadd.s32 $0x30, s8;
	[smem:$0x7F8] =	sst s17  }
0x8f: {  	s30 =	sadd.s32 $0xFFFFFFFB, s6;
	s19 =	sadd.s32 $0x40, s8;
	[smem:$0x7F9] =	sst s18  }
0x90: {  	s31 =	sadd.s32 $0xFFFFFFFA, s6;
	s20 =	sadd.s32 $0x50, s8;
	[smem:$0x7FA] =	sst s19  }
0x91: {  	v0 =	vlaneseq.u32;
	s1 =	sadd.s32 $0xFFFFFFF9, s6;
	s21 =	sadd.s32 $0x60, s8;
	[smem:$0x7FB] =	sst s20  }
.Ltmp0:
0x92: {  	v1 =	vmul.u32 $0x20, v0;
	v2 =	vor.u32 $0x10, v0;
	v4 =	vor.u32 $0x20, v0;
	s22 =	sadd.s32 $0x70, s8;
	[smem:$0x7FC] =	sst s21;
	(pc) =	sbr.rel .LBB2_1-.Ltmp0, $4  }
0x93: {  	v6 =	vor.u32 $0x30, v0;
	v8 =	vor.u32 $0x800, v0;
	v10 =	vor.u32 $0x810, v0;
	s28 =	simm.s32 $0x4;
	[smem:$0x7FD] =	sst s22;
	s18 =	simm.s32 $0x1000  }
0x94: {  	v12 =	vor.u32 $0x820, v0;
	v14 =	vor.u32 $0x830, v0;
	v3 =	vor.u32 $0x200, v1;
	s15 =	simm.s32 $0x2000;
	s14 =	simm.s32 $0x3000;
	s17 =	simm.s32 $0x1  }
0x95: {  	v5 =	vor.u32 $0x400, v1;
	v7 =	vor.u32 $0x600, v1;
	v9 =	vor.u32 $0x10, v1;
	s19 =	simm.s32 $0x4000;
	s20 =	simm.s32 $0x2;
	s21 =	simm.s32 $0x4800  }
0x96: {  	v11 =	vor.u32 $0x210, v1;
	v13 =	vor.u32 $0x410, v1;
	v15 =	vor.u32 $0x610, v1;
	s22 =	simm.s32 $0x3;
	s7 =	simm.s32 $0x5800;
	s10 =	simm.s32 $0x0  }
.LBB2_23:
0x97: {  	s8 =	simm.s32 $0x5  }
0x98: {  	_ =	swait.ge [sflag:s8], $0x800  }
0x99: {  	[sflag:s8] =	ssyncset.done $0x0  }
0x9a: {  	s12 =	simm.s32 $0x6;
	[sflag:s8] =	ssyncadd.s32 $0xFFFFF800  }
0x9b: {  	_ =	swait.ge [sflag:s12], $0x800  }
0x9c: {  	[sflag:s12] =	ssyncset.done $0x0  }
0x9d: {  	s13 =	simm.s32 $0x7;
	[sflag:s12] =	ssyncadd.s32 $0xFFFFF800  }
0x9e: {  	_ =	swait.ge [sflag:s13], $0x800  }
0x9f: {  	[sflag:s13] =	ssyncset.done $0x0  }
0xa0: {  	s9 =	simm.s32 $0x8;
	[sflag:s13] =	ssyncadd.s32 $0xFFFFF800  }
0xa1: {  	_ =	swait.ge [sflag:s9], $0x800  }
0xa2: {  	s10 =	sld [smem:$0x799];
	_ =	sdelay $0x2  }
0xa3: {  	s16 =	rddreg [dreg:$0x13];
	s10 =	sadd.s32 $0x1, s10  }
0xa4: {  	p0 =	sne.s32 s10, s16  }
.Ltmp1:
0xa5: {  	_ = 	snop;
	(pc) =	sbr.rel @!p0 .LBB2_24-.Ltmp1, $3  }
0xa6: {  	_ =	sdelay $0x1  }
0xa7: {  	[sflag:s9] =	ssyncset.done $0x0  }
0xa8: {  	[sflag:s9] =	ssyncadd.s32 $0xFFFFF800  }
.LBB2_1:
0xa9: {  	[smem:$0x799] =	sst s10  }
0xaa: {  	s8 =	rddreg [dreg:$0x3]  }
0xab: {  	s16 =	rddreg [dreg:$0x14]  }
0xac: {  	[tilespmem:s4], [sflag:$0x1] =	stream.linear.gather [hbm4b:s8+s4], $0x40, $0x38;
	[tilespmem:$0x6000] =	vst v63  }
0xad: {  	s9 =	simm.s32 $0x80;
	s11 =	rddreg [dreg:$0x16]  }
0xae: {  	[tilespmem:s9], [sflag:$0x1] =	stream.linear.gather [hbm4b:s16+s4], $0x40, $0x38;
	[tilespmem:$0x6000] =	vst v63  }
0xaf: {  	s10 =	simm.s32 $0x100;
	s9 =	rddreg [dreg:$0x15]  }
0xb0: {  	[tilespmem:s10], [sflag:$0x1] =	stream.linear.gather [hbm4b:s9+s4], $0x40, $0x38;
	[tilespmem:$0x6000] =	vst v63  }
0xb1: {  	s12 =	simm.s32 $0x180;
	s13 =	rddreg [dreg:$0x17]  }
0xb2: {  	[tilespmem:s12], [sflag:$0x1] =	stream.linear.gather [hbm4b:s11+s4], $0x40, $0x38;
	[tilespmem:$0x6000] =	vst v63  }
0xb3: {  	s16 =	simm.s32 $0x200;
	s9 =	rddreg [dreg:$0x18]  }
0xb4: {  	[tilespmem:s16], [sflag:$0x1] =	stream.linear.gather [hbm4b:s13+s4], $0x40, $0x38;
	[tilespmem:$0x6000] =	vst v63  }
0xb5: {  	s10 =	simm.s32 $0x280;
	s11 =	rddreg [dreg:$0x19]  }
0xb6: {  	[tilespmem:s10], [sflag:$0x1] =	stream.linear.gather [hbm4b:s9+s4], $0x40, $0x38;
	[tilespmem:$0x6000] =	vst v63  }
0xb7: {  	s12 =	simm.s32 $0x300;
	s13 =	rddreg [dreg:$0x1a]  }
0xb8: {  	[tilespmem:s12], [sflag:$0x1] =	stream.linear.gather [hbm4b:s11+s4], $0x40, $0x38;
	[tilespmem:$0x6000] =	vst v63  }
0xb9: {  	s16 =	simm.s32 $0x380;
	s9 =	rddreg [dreg:$0x4]  }
0xba: {  	[tilespmem:s16], [sflag:$0x1] =	stream.linear.gather [hbm4b:s13+s4], $0x40, $0x38;
	[tilespmem:$0x6000] =	vst v63  }
0xbb: {  	s10 =	simm.s32 $0x400;
	s11 =	rddreg [dreg:$0x1b]  }
0xbc: {  	[tilespmem:s10], [sflag:$0x1] =	stream.linear.gather [hbm4b:s9+s4], $0x40, $0x38;
	[tilespmem:$0x6000] =	vst v63  }
0xbd: {  	s12 =	simm.s32 $0x480;
	s13 =	rddreg [dreg:$0x1c]  }
0xbe: {  	[tilespmem:s12], [sflag:$0x1] =	stream.linear.gather [hbm4b:s11+s4], $0x40, $0x38;
	[tilespmem:$0x6000] =	vst v63  }
0xbf: {  	s16 =	simm.s32 $0x500;
	s9 =	rddreg [dreg:$0x1d]  }
0xc0: {  	[tilespmem:s16], [sflag:$0x1] =	stream.linear.gather [hbm4b:s13+s4], $0x40, $0x38;
	[tilespmem:$0x6000] =	vst v63  }
0xc1: {  	s10 =	simm.s32 $0x580;
	s11 =	rddreg [dreg:$0x1e]  }
0xc2: {  	[tilespmem:s10], [sflag:$0x1] =	stream.linear.gather [hbm4b:s9+s4], $0x40, $0x38;
	[tilespmem:$0x6000] =	vst v63  }
0xc3: {  	s12 =	simm.s32 $0x600;
	s13 =	rddreg [dreg:$0x1f]  }
0xc4: {  	[tilespmem:s12], [sflag:$0x1] =	stream.linear.gather [hbm4b:s11+s4], $0x40, $0x38;
	[tilespmem:$0x6000] =	vst v63  }
0xc5: {  	s16 =	simm.s32 $0x680;
	s9 =	sld [smem:$0x79A]  }
0xc6: {  	[tilespmem:s16], [sflag:$0x1] =	stream.linear.gather [hbm4b:s13+s4], $0x40, $0x38;
	[tilespmem:$0x6000] =	vst v63  }
0xc7: {  	s10 =	simm.s32 $0x700;
	s11 =	sld [smem:$0x79B]  }
0xc8: {  	[tilespmem:s10], [sflag:$0x1] =	stream.linear.gather [hbm4b:s9+s4], $0x40, $0x38;
	[tilespmem:$0x6000] =	vst v63  }
0xc9: {  	s12 =	simm.s32 $0x780;
	s13 =	rddreg [dreg:$0x5]  }
0xca: {  	[tilespmem:s12], [sflag:$0x1] =	stream.linear.gather [hbm4b:s11+s4], $0x40, $0x38;
	[tilespmem:$0x6000] =	vst v63  }
0xcb: {  	s16 =	simm.s32 $0x800;
	s9 =	sld [smem:$0x79C]  }
0xcc: {  	[tilespmem:s16], [sflag:$0x1] =	stream.linear.gather [hbm4b:s13+s4], $0x40, $0x38;
	[tilespmem:$0x6000] =	vst v63  }
0xcd: {  	s10 =	simm.s32 $0x880;
	s11 =	sld [smem:$0x79D]  }
0xce: {  	[tilespmem:s10], [sflag:$0x1] =	stream.linear.gather [hbm4b:s9+s4], $0x40, $0x38;
	[tilespmem:$0x6000] =	vst v63  }
0xcf: {  	s12 =	simm.s32 $0x900;
	s13 =	sld [smem:$0x79E]  }
0xd0: {  	[tilespmem:s12], [sflag:$0x1] =	stream.linear.gather [hbm4b:s11+s4], $0x40, $0x38;
	[tilespmem:$0x6000] =	vst v63  }
0xd1: {  	s16 =	simm.s32 $0x980;
	s9 =	sld [smem:$0x79F]  }
0xd2: {  	[tilespmem:s16], [sflag:$0x1] =	stream.linear.gather [hbm4b:s13+s4], $0x40, $0x38;
	[tilespmem:$0x6000] =	vst v63  }
0xd3: {  	s10 =	simm.s32 $0xA00;
	s11 =	sld [smem:$0x7A0]  }
0xd4: {  	[tilespmem:s10], [sflag:$0x1] =	stream.linear.gather [hbm4b:s9+s4], $0x40, $0x38;
	[tilespmem:$0x6000] =	vst v63  }
0xd5: {  	s12 =	simm.s32 $0xA80;
	s13 =	sld [smem:$0x7A1]  }
0xd6: {  	[tilespmem:s12], [sflag:$0x1] =	stream.linear.gather [hbm4b:s11+s4], $0x40, $0x38;
	[tilespmem:$0x6000] =	vst v63  }
0xd7: {  	s16 =	simm.s32 $0xB00;
	s9 =	sld [smem:$0x7A2]  }
0xd8: {  	[tilespmem:s16], [sflag:$0x1] =	stream.linear.gather [hbm4b:s13+s4], $0x40, $0x38;
	[tilespmem:$0x6000] =	vst v63  }
0xd9: {  	s10 =	simm.s32 $0xB80;
	s11 =	rddreg [dreg:$0x6]  }
0xda: {  	[tilespmem:s10], [sflag:$0x1] =	stream.linear.gather [hbm4b:s9+s4], $0x40, $0x38;
	[tilespmem:$0x6000] =	vst v63  }
0xdb: {  	s12 =	simm.s32 $0xC00;
	s13 =	sld [smem:$0x7A3]  }
0xdc: {  	[tilespmem:s12], [sflag:$0x1] =	stream.linear.gather [hbm4b:s11+s4], $0x40, $0x38;
	[tilespmem:$0x6000] =	vst v63  }
0xdd: {  	s16 =	simm.s32 $0xC80;
	s9 =	sld [smem:$0x7A4]  }
0xde: {  	[tilespmem:s16], [sflag:$0x1] =	stream.linear.gather [hbm4b:s13+s4], $0x40, $0x38;
	[tilespmem:$0x6000] =	vst v63  }
0xdf: {  	s10 =	simm.s32 $0xD00;
	s11 =	sld [smem:$0x7A5]  }
0xe0: {  	[tilespmem:s10], [sflag:$0x1] =	stream.linear.gather [hbm4b:s9+s4], $0x40, $0x38;
	[tilespmem:$0x6000] =	vst v63  }
0xe1: {  	s12 =	simm.s32 $0xD80;
	s13 =	sld [smem:$0x7A6]  }
0xe2: {  	[tilespmem:s12], [sflag:$0x1] =	stream.linear.gather [hbm4b:s11+s4], $0x40, $0x38;
	[tilespmem:$0x6000] =	vst v63  }
0xe3: {  	s16 =	simm.s32 $0xE00;
	s9 =	sld [smem:$0x7A7]  }
0xe4: {  	[tilespmem:s16], [sflag:$0x1] =	stream.linear.gather [hbm4b:s13+s4], $0x40, $0x38;
	[tilespmem:$0x6000] =	vst v63  }
0xe5: {  	s10 =	simm.s32 $0xE80;
	s11 =	sld [smem:$0x7A8]  }
0xe6: {  	[tilespmem:s10], [sflag:$0x1] =	stream.linear.gather [hbm4b:s9+s4], $0x40, $0x38;
	[tilespmem:$0x6000] =	vst v63  }
0xe7: {  	s12 =	simm.s32 $0xF00;
	s13 =	sld [smem:$0x7A9]  }
0xe8: {  	[tilespmem:s12], [sflag:$0x1] =	stream.linear.gather [hbm4b:s11+s4], $0x40, $0x38;
	[tilespmem:$0x6000] =	vst v63  }
0xe9: {  	s16 =	simm.s32 $0xF80;
	s10 =	rddreg [dreg:$0x7]  }
0xea: {  	[tilespmem:s16], [sflag:$0x1] =	stream.linear.gather [hbm4b:s13+s4], $0x40, $0x38;
	[tilespmem:$0x6000] =	vst v63  }
0xeb: {  	s11 =	sld [smem:$0x7AA]  }
0xec: {  	[tilespmem:s18], [sflag:$0x2] =	stream.linear.gather [hbm4b:s10+s4], $0x40, $0x38;
	[tilespmem:$0x6000] =	vst v63  }
0xed: {  	s12 =	simm.s32 $0x1080;
	s13 =	sld [smem:$0x7AB]  }
0xee: {  	[tilespmem:s12], [sflag:$0x2] =	stream.linear.gather [hbm4b:s11+s4], $0x40, $0x38;
	[tilespmem:$0x6000] =	vst v63  }
0xef: {  	s9 =	sld [smem:$0x7AC];
	s16 =	simm.s32 $0x1100  }
0xf0: {  	[tilespmem:s16], [sflag:$0x2] =	stream.linear.gather [hbm4b:s13+s4], $0x40, $0x38;
	[tilespmem:$0x6000] =	vst v63  }
0xf1: {  	s10 =	simm.s32 $0x1180;
	s11 =	sld [smem:$0x7AD]  }
0xf2: {  	[tilespmem:s10], [sflag:$0x2] =	stream.linear.gather [hbm4b:s9+s4], $0x40, $0x38;
	[tilespmem:$0x6000] =	vst v63  }
0xf3: {  	s12 =	simm.s32 $0x1200;
	s13 =	sld [smem:$0x7AE]  }
0xf4: {  	[tilespmem:s12], [sflag:$0x2] =	stream.linear.gather [hbm4b:s11+s4], $0x40, $0x38;
	[tilespmem:$0x6000] =	vst v63  }
0xf5: {  	s16 =	simm.s32 $0x1280;
	s9 =	sld [smem:$0x7AF]  }
0xf6: {  	[tilespmem:s16], [sflag:$0x2] =	stream.linear.gather [hbm4b:s13+s4], $0x40, $0x38;
	[tilespmem:$0x6000] =	vst v63  }
0xf7: {  	s10 =	simm.s32 $0x1300;
	s11 =	sld [smem:$0x7B0]  }
0xf8: {  	[tilespmem:s10], [sflag:$0x2] =	stream.linear.gather [hbm4b:s9+s4], $0x40, $0x38;
	[tilespmem:$0x6000] =	vst v63  }
0xf9: {  	s12 =	simm.s32 $0x1380;
	s13 =	rddreg [dreg:$0x8]  }
0xfa: {  	[tilespmem:s12], [sflag:$0x2] =	stream.linear.gather [hbm4b:s11+s4], $0x40, $0x38;
	[tilespmem:$0x6000] =	vst v63  }
0xfb: {  	s16 =	simm.s32 $0x1400;
	s9 =	sld [smem:$0x7B1]  }
0xfc: {  	[tilespmem:s16], [sflag:$0x2] =	stream.linear.gather [hbm4b:s13+s4], $0x40, $0x38;
	[tilespmem:$0x6000] =	vst v63  }
0xfd: {  	s10 =	simm.s32 $0x1480;
	s11 =	sld [smem:$0x7B2]  }
0xfe: {  	[tilespmem:s10], [sflag:$0x2] =	stream.linear.gather [hbm4b:s9+s4], $0x40, $0x38;
	[tilespmem:$0x6000] =	vst v63  }
0xff: {  	s12 =	simm.s32 $0x1500;
	s13 =	sld [smem:$0x7B3]  }
0x100: {  	[tilespmem:s12], [sflag:$0x2] =	stream.linear.gather [hbm4b:s11+s4], $0x40, $0x38;
	[tilespmem:$0x6000] =	vst v63  }
0x101: {  	s16 =	simm.s32 $0x1580;
	s9 =	sld [smem:$0x7B4]  }
0x102: {  	[tilespmem:s16], [sflag:$0x2] =	stream.linear.gather [hbm4b:s13+s4], $0x40, $0x38;
	[tilespmem:$0x6000] =	vst v63  }
0x103: {  	s10 =	simm.s32 $0x1600;
	s11 =	sld [smem:$0x7B5]  }
0x104: {  	[tilespmem:s10], [sflag:$0x2] =	stream.linear.gather [hbm4b:s9+s4], $0x40, $0x38;
	[tilespmem:$0x6000] =	vst v63  }
0x105: {  	s12 =	simm.s32 $0x1680;
	s13 =	sld [smem:$0x7B6]  }
0x106: {  	[tilespmem:s12], [sflag:$0x2] =	stream.linear.gather [hbm4b:s11+s4], $0x40, $0x38;
	[tilespmem:$0x6000] =	vst v63  }
0x107: {  	s16 =	simm.s32 $0x1700;
	s9 =	sld [smem:$0x7B7]  }
0x108: {  	[tilespmem:s16], [sflag:$0x2] =	stream.linear.gather [hbm4b:s13+s4], $0x40, $0x38;
	[tilespmem:$0x6000] =	vst v63  }
0x109: {  	s10 =	simm.s32 $0x1780;
	s11 =	rddreg [dreg:$0x9]  }
0x10a: {  	[tilespmem:s10], [sflag:$0x2] =	stream.linear.gather [hbm4b:s9+s4], $0x40, $0x38;
	[tilespmem:$0x6000] =	vst v63  }
0x10b: {  	s12 =	simm.s32 $0x1800;
	s13 =	sld [smem:$0x7B8]  }
0x10c: {  	[tilespmem:s12], [sflag:$0x2] =	stream.linear.gather [hbm4b:s11+s4], $0x40, $0x38;
	[tilespmem:$0x6000] =	vst v63  }
0x10d: {  	s16 =	simm.s32 $0x1880;
	s9 =	sld [smem:$0x7B9]  }
0x10e: {  	[tilespmem:s16], [sflag:$0x2] =	stream.linear.gather [hbm4b:s13+s4], $0x40, $0x38;
	[tilespmem:$0x6000] =	vst v63  }
0x10f: {  	s10 =	simm.s32 $0x1900;
	s11 =	sld [smem:$0x7BA]  }
0x110: {  	[tilespmem:s10], [sflag:$0x2] =	stream.linear.gather [hbm4b:s9+s4], $0x40, $0x38;
	[tilespmem:$0x6000] =	vst v63  }
0x111: {  	s12 =	simm.s32 $0x1980;
	s13 =	sld [smem:$0x7BB]  }
0x112: {  	[tilespmem:s12], [sflag:$0x2] =	stream.linear.gather [hbm4b:s11+s4], $0x40, $0x38;
	[tilespmem:$0x6000] =	vst v63  }
0x113: {  	s16 =	simm.s32 $0x1A00;
	s9 =	sld [smem:$0x7BC]  }
0x114: {  	[tilespmem:s16], [sflag:$0x2] =	stream.linear.gather [hbm4b:s13+s4], $0x40, $0x38;
	[tilespmem:$0x6000] =	vst v63  }
0x115: {  	s10 =	simm.s32 $0x1A80;
	s11 =	sld [smem:$0x7BD]  }
0x116: {  	[tilespmem:s10], [sflag:$0x2] =	stream.linear.gather [hbm4b:s9+s4], $0x40, $0x38;
	[tilespmem:$0x6000] =	vst v63  }
0x117: {  	s12 =	simm.s32 $0x1B00;
	s13 =	sld [smem:$0x7BE]  }
0x118: {  	[tilespmem:s12], [sflag:$0x2] =	stream.linear.gather [hbm4b:s11+s4], $0x40, $0x38;
	[tilespmem:$0x6000] =	vst v63  }
0x119: {  	s16 =	simm.s32 $0x1B80;
	s9 =	rddreg [dreg:$0xa]  }
0x11a: {  	[tilespmem:s16], [sflag:$0x2] =	stream.linear.gather [hbm4b:s13+s4], $0x40, $0x38;
	[tilespmem:$0x6000] =	vst v63  }
0x11b: {  	s10 =	simm.s32 $0x1C00;
	s11 =	sld [smem:$0x7BF]  }
0x11c: {  	[tilespmem:s10], [sflag:$0x2] =	stream.linear.gather [hbm4b:s9+s4], $0x40, $0x38;
	[tilespmem:$0x6000] =	vst v63  }
0x11d: {  	s12 =	simm.s32 $0x1C80;
	s13 =	sld [smem:$0x7C0]  }
0x11e: {  	[tilespmem:s12], [sflag:$0x2] =	stream.linear.gather [hbm4b:s11+s4], $0x40, $0x38;
	[tilespmem:$0x6000] =	vst v63  }
0x11f: {  	s16 =	simm.s32 $0x1D00;
	s9 =	sld [smem:$0x7C1]  }
0x120: {  	[tilespmem:s16], [sflag:$0x2] =	stream.linear.gather [hbm4b:s13+s4], $0x40, $0x38;
	[tilespmem:$0x6000] =	vst v63  }
0x121: {  	s10 =	simm.s32 $0x1D80;
	s11 =	sld [smem:$0x7C2]  }
0x122: {  	[tilespmem:s10], [sflag:$0x2] =	stream.linear.gather [hbm4b:s9+s4], $0x40, $0x38;
	[tilespmem:$0x6000] =	vst v63  }
0x123: {  	s12 =	simm.s32 $0x1E00;
	s13 =	sld [smem:$0x7C3]  }
0x124: {  	[tilespmem:s12], [sflag:$0x2] =	stream.linear.gather [hbm4b:s11+s4], $0x40, $0x38;
	[tilespmem:$0x6000] =	vst v63  }
0x125: {  	s16 =	simm.s32 $0x1E80;
	s10 =	sld [smem:$0x7C4]  }
0x126: {  	[tilespmem:s16], [sflag:$0x2] =	stream.linear.gather [hbm4b:s13+s4], $0x40, $0x38;
	[tilespmem:$0x6000] =	vst v63  }
0x127: {  	s11 =	simm.s32 $0x1F00;
	s12 =	sld [smem:$0x7C5]  }
0x128: {  	[tilespmem:s11], [sflag:$0x2] =	stream.linear.gather [hbm4b:s10+s4], $0x40, $0x38;
	[tilespmem:$0x6000] =	vst v63  }
0x129: {  	s9 =	sld [smem:$0x7C6];
	s13 =	simm.s32 $0x1F80  }
0x12a: {  	[tilespmem:s13], [sflag:$0x2] =	stream.linear.gather [hbm4b:s12+s4], $0x40, $0x38;
	[tilespmem:$0x6000] =	vst v63  }
0x12b: {  	s16 =	rddreg [dreg:$0xb]  }
0x12c: {  	[tilespmem:s15], [sflag:$0x3] =	stream.linear.gather [hbm4b:s16+s4], $0x40, $0x38;
	[tilespmem:$0x6000] =	vst v63  }
0x12d: {  	s10 =	simm.s32 $0x2080;
	s11 =	sld [smem:$0x7C7]  }
0x12e: {  	[tilespmem:s10], [sflag:$0x3] =	stream.linear.gather [hbm4b:s9+s4], $0x40, $0x38;
	[tilespmem:$0x6000] =	vst v63  }
0x12f: {  	s12 =	simm.s32 $0x2100;
	s13 =	sld [smem:$0x7C8]  }
0x130: {  	[tilespmem:s12], [sflag:$0x3] =	stream.linear.gather [hbm4b:s11+s4], $0x40, $0x38;
	[tilespmem:$0x6000] =	vst v63  }
0x131: {  	s16 =	simm.s32 $0x2180;
	s9 =	sld [smem:$0x7C9]  }
0x132: {  	[tilespmem:s16], [sflag:$0x3] =	stream.linear.gather [hbm4b:s13+s4], $0x40, $0x38;
	[tilespmem:$0x6000] =	vst v63  }
0x133: {  	s10 =	simm.s32 $0x2200;
	s11 =	sld [smem:$0x7CA]  }
0x134: {  	[tilespmem:s10], [sflag:$0x3] =	stream.linear.gather [hbm4b:s9+s4], $0x40, $0x38;
	[tilespmem:$0x6000] =	vst v63  }
0x135: {  	s12 =	simm.s32 $0x2280;
	s13 =	sld [smem:$0x7CB]  }
0x136: {  	[tilespmem:s12], [sflag:$0x3] =	stream.linear.gather [hbm4b:s11+s4], $0x40, $0x38;
	[tilespmem:$0x6000] =	vst v63  }
0x137: {  	s16 =	simm.s32 $0x2300;
	s9 =	sld [smem:$0x7CC]  }
0x138: {  	[tilespmem:s16], [sflag:$0x3] =	stream.linear.gather [hbm4b:s13+s4], $0x40, $0x38;
	[tilespmem:$0x6000] =	vst v63  }
0x139: {  	s10 =	simm.s32 $0x2380;
	s11 =	rddreg [dreg:$0xc]  }
0x13a: {  	[tilespmem:s10], [sflag:$0x3] =	stream.linear.gather [hbm4b:s9+s4], $0x40, $0x38;
	[tilespmem:$0x6000] =	vst v63  }
0x13b: {  	s12 =	simm.s32 $0x2400;
	s13 =	sld [smem:$0x7CD]  }
0x13c: {  	[tilespmem:s12], [sflag:$0x3] =	stream.linear.gather [hbm4b:s11+s4], $0x40, $0x38;
	[tilespmem:$0x6000] =	vst v63  }
0x13d: {  	s16 =	simm.s32 $0x2480;
	s9 =	sld [smem:$0x7CE]  }
0x13e: {  	[tilespmem:s16], [sflag:$0x3] =	stream.linear.gather [hbm4b:s13+s4], $0x40, $0x38;
	[tilespmem:$0x6000] =	vst v63  }
0x13f: {  	s10 =	simm.s32 $0x2500;
	s11 =	sld [smem:$0x7CF]  }
0x140: {  	[tilespmem:s10], [sflag:$0x3] =	stream.linear.gather [hbm4b:s9+s4], $0x40, $0x38;
	[tilespmem:$0x6000] =	vst v63  }
0x141: {  	s12 =	simm.s32 $0x2580;
	s13 =	sld [smem:$0x7D0]  }
0x142: {  	[tilespmem:s12], [sflag:$0x3] =	stream.linear.gather [hbm4b:s11+s4], $0x40, $0x38;
	[tilespmem:$0x6000] =	vst v63  }
0x143: {  	s16 =	simm.s32 $0x2600;
	s9 =	sld [smem:$0x7D1]  }
0x144: {  	[tilespmem:s16], [sflag:$0x3] =	stream.linear.gather [hbm4b:s13+s4], $0x40, $0x38;
	[tilespmem:$0x6000] =	vst v63  }
0x145: {  	s10 =	simm.s32 $0x2680;
	s11 =	sld [smem:$0x7D2]  }
0x146: {  	[tilespmem:s10], [sflag:$0x3] =	stream.linear.gather [hbm4b:s9+s4], $0x40, $0x38;
	[tilespmem:$0x6000] =	vst v63  }
0x147: {  	s12 =	simm.s32 $0x2700;
	s13 =	sld [smem:$0x7D3]  }
0x148: {  	[tilespmem:s12], [sflag:$0x3] =	stream.linear.gather [hbm4b:s11+s4], $0x40, $0x38;
	[tilespmem:$0x6000] =	vst v63  }
0x149: {  	s16 =	simm.s32 $0x2780;
	s9 =	rddreg [dreg:$0xd]  }
0x14a: {  	[tilespmem:s16], [sflag:$0x3] =	stream.linear.gather [hbm4b:s13+s4], $0x40, $0x38;
	[tilespmem:$0x6000] =	vst v63  }
0x14b: {  	s10 =	simm.s32 $0x2800;
	s11 =	sld [smem:$0x7D4]  }
0x14c: {  	[tilespmem:s10], [sflag:$0x3] =	stream.linear.gather [hbm4b:s9+s4], $0x40, $0x38;
	[tilespmem:$0x6000] =	vst v63  }
0x14d: {  	s12 =	simm.s32 $0x2880;
	s13 =	sld [smem:$0x7D5]  }
0x14e: {  	[tilespmem:s12], [sflag:$0x3] =	stream.linear.gather [hbm4b:s11+s4], $0x40, $0x38;
	[tilespmem:$0x6000] =	vst v63  }
0x14f: {  	s16 =	simm.s32 $0x2900;
	s9 =	sld [smem:$0x7D6]  }
0x150: {  	[tilespmem:s16], [sflag:$0x3] =	stream.linear.gather [hbm4b:s13+s4], $0x40, $0x38;
	[tilespmem:$0x6000] =	vst v63  }
0x151: {  	s10 =	simm.s32 $0x2980;
	s11 =	sld [smem:$0x7D7]  }
0x152: {  	[tilespmem:s10], [sflag:$0x3] =	stream.linear.gather [hbm4b:s9+s4], $0x40, $0x38;
	[tilespmem:$0x6000] =	vst v63  }
0x153: {  	s12 =	simm.s32 $0x2A00;
	s13 =	sld [smem:$0x7D8]  }
0x154: {  	[tilespmem:s12], [sflag:$0x3] =	stream.linear.gather [hbm4b:s11+s4], $0x40, $0x38;
	[tilespmem:$0x6000] =	vst v63  }
0x155: {  	s16 =	simm.s32 $0x2A80;
	s9 =	sld [smem:$0x7D9]  }
0x156: {  	[tilespmem:s16], [sflag:$0x3] =	stream.linear.gather [hbm4b:s13+s4], $0x40, $0x38;
	[tilespmem:$0x6000] =	vst v63  }
0x157: {  	s10 =	simm.s32 $0x2B00;
	s11 =	sld [smem:$0x7DA]  }
0x158: {  	[tilespmem:s10], [sflag:$0x3] =	stream.linear.gather [hbm4b:s9+s4], $0x40, $0x38;
	[tilespmem:$0x6000] =	vst v63  }
0x159: {  	s12 =	simm.s32 $0x2B80;
	s13 =	rddreg [dreg:$0xe]  }
0x15a: {  	[tilespmem:s12], [sflag:$0x3] =	stream.linear.gather [hbm4b:s11+s4], $0x40, $0x38;
	[tilespmem:$0x6000] =	vst v63  }
0x15b: {  	s16 =	simm.s32 $0x2C00;
	s9 =	sld [smem:$0x7DB]  }
0x15c: {  	[tilespmem:s16], [sflag:$0x3] =	stream.linear.gather [hbm4b:s13+s4], $0x40, $0x38;
	[tilespmem:$0x6000] =	vst v63  }
0x15d: {  	s10 =	simm.s32 $0x2C80;
	s11 =	sld [smem:$0x7DC]  }
0x15e: {  	[tilespmem:s10], [sflag:$0x3] =	stream.linear.gather [hbm4b:s9+s4], $0x40, $0x38;
	[tilespmem:$0x6000] =	vst v63  }
0x15f: {  	s12 =	simm.s32 $0x2D00;
	s13 =	sld [smem:$0x7DD]  }
0x160: {  	[tilespmem:s12], [sflag:$0x3] =	stream.linear.gather [hbm4b:s11+s4], $0x40, $0x38;
	[tilespmem:$0x6000] =	vst v63  }
0x161: {  	s16 =	simm.s32 $0x2D80;
	s9 =	sld [smem:$0x7DE]  }
0x162: {  	[tilespmem:s16], [sflag:$0x3] =	stream.linear.gather [hbm4b:s13+s4], $0x40, $0x38;
	[tilespmem:$0x6000] =	vst v63  }
0x163: {  	s10 =	simm.s32 $0x2E00;
	s11 =	sld [smem:$0x7DF]  }
0x164: {  	[tilespmem:s10], [sflag:$0x3] =	stream.linear.gather [hbm4b:s9+s4], $0x40, $0x38;
	[tilespmem:$0x6000] =	vst v63  }
0x165: {  	s12 =	simm.s32 $0x2E80;
	s13 =	sld [smem:$0x7E0]  }
0x166: {  	[tilespmem:s12], [sflag:$0x3] =	stream.linear.gather [hbm4b:s11+s4], $0x40, $0x38;
	[tilespmem:$0x6000] =	vst v63  }
0x167: {  	s16 =	simm.s32 $0x2F00;
	s10 =	sld [smem:$0x7E1]  }
0x168: {  	[tilespmem:s16], [sflag:$0x3] =	stream.linear.gather [hbm4b:s13+s4], $0x40, $0x38;
	[tilespmem:$0x6000] =	vst v63  }
0x169: {  	s11 =	simm.s32 $0x2F80;
	s12 =	rddreg [dreg:$0xf]  }
0x16a: {  	[tilespmem:s11], [sflag:$0x3] =	stream.linear.gather [hbm4b:s10+s4], $0x40, $0x38;
	[tilespmem:$0x6000] =	vst v63  }
0x16b: {  	s13 =	sld [smem:$0x7E2]  }
0x16c: {  	[tilespmem:s14], [sflag:$0x4] =	stream.linear.gather [hbm4b:s12+s4], $0x40, $0x38;
	[tilespmem:$0x6000] =	vst v63  }
0x16d: {  	s9 =	sld [smem:$0x7E3];
	s16 =	simm.s32 $0x3080  }
0x16e: {  	[tilespmem:s16], [sflag:$0x4] =	stream.linear.gather [hbm4b:s13+s4], $0x40, $0x38;
	[tilespmem:$0x6000] =	vst v63  }
0x16f: {  	s10 =	simm.s32 $0x3100;
	s11 =	sld [smem:$0x7E4]  }
0x170: {  	[tilespmem:s10], [sflag:$0x4] =	stream.linear.gather [hbm4b:s9+s4], $0x40, $0x38;
	[tilespmem:$0x6000] =	vst v63  }
0x171: {  	s12 =	simm.s32 $0x3180;
	s13 =	sld [smem:$0x7E5]  }
0x172: {  	[tilespmem:s12], [sflag:$0x4] =	stream.linear.gather [hbm4b:s11+s4], $0x40, $0x38;
	[tilespmem:$0x6000] =	vst v63  }
0x173: {  	s16 =	simm.s32 $0x3200;
	s9 =	sld [smem:$0x7E6]  }
0x174: {  	[tilespmem:s16], [sflag:$0x4] =	stream.linear.gather [hbm4b:s13+s4], $0x40, $0x38;
	[tilespmem:$0x6000] =	vst v63  }
0x175: {  	s10 =	simm.s32 $0x3280;
	s11 =	sld [smem:$0x7E7]  }
0x176: {  	[tilespmem:s10], [sflag:$0x4] =	stream.linear.gather [hbm4b:s9+s4], $0x40, $0x38;
	[tilespmem:$0x6000] =	vst v63  }
0x177: {  	s12 =	simm.s32 $0x3300;
	s13 =	sld [smem:$0x7E8]  }
0x178: {  	[tilespmem:s12], [sflag:$0x4] =	stream.linear.gather [hbm4b:s11+s4], $0x40, $0x38;
	[tilespmem:$0x6000] =	vst v63  }
0x179: {  	s16 =	simm.s32 $0x3380;
	s9 =	rddreg [dreg:$0x10]  }
0x17a: {  	[tilespmem:s16], [sflag:$0x4] =	stream.linear.gather [hbm4b:s13+s4], $0x40, $0x38;
	[tilespmem:$0x6000] =	vst v63  }
0x17b: {  	s10 =	simm.s32 $0x3400;
	s11 =	sld [smem:$0x7E9]  }
0x17c: {  	[tilespmem:s10], [sflag:$0x4] =	stream.linear.gather [hbm4b:s9+s4], $0x40, $0x38;
	[tilespmem:$0x6000] =	vst v63  }
0x17d: {  	s12 =	simm.s32 $0x3480;
	s13 =	sld [smem:$0x7EA]  }
0x17e: {  	[tilespmem:s12], [sflag:$0x4] =	stream.linear.gather [hbm4b:s11+s4], $0x40, $0x38;
	[tilespmem:$0x6000] =	vst v63  }
0x17f: {  	s16 =	simm.s32 $0x3500;
	s9 =	sld [smem:$0x7EB]  }
0x180: {  	[tilespmem:s16], [sflag:$0x4] =	stream.linear.gather [hbm4b:s13+s4], $0x40, $0x38;
	[tilespmem:$0x6000] =	vst v63  }
0x181: {  	s10 =	simm.s32 $0x3580;
	s11 =	sld [smem:$0x7EC]  }
0x182: {  	[tilespmem:s10], [sflag:$0x4] =	stream.linear.gather [hbm4b:s9+s4], $0x40, $0x38;
	[tilespmem:$0x6000] =	vst v63  }
0x183: {  	s12 =	simm.s32 $0x3600;
	s13 =	sld [smem:$0x7ED]  }
0x184: {  	[tilespmem:s12], [sflag:$0x4] =	stream.linear.gather [hbm4b:s11+s4], $0x40, $0x38;
	[tilespmem:$0x6000] =	vst v63  }
0x185: {  	s16 =	simm.s32 $0x3680;
	s9 =	sld [smem:$0x7EE]  }
0x186: {  	[tilespmem:s16], [sflag:$0x4] =	stream.linear.gather [hbm4b:s13+s4], $0x40, $0x38;
	[tilespmem:$0x6000] =	vst v63  }
0x187: {  	s10 =	simm.s32 $0x3700;
	s11 =	sld [smem:$0x7EF]  }
0x188: {  	[tilespmem:s10], [sflag:$0x4] =	stream.linear.gather [hbm4b:s9+s4], $0x40, $0x38;
	[tilespmem:$0x6000] =	vst v63  }
0x189: {  	s12 =	simm.s32 $0x3780;
	s13 =	rddreg [dreg:$0x11]  }
0x18a: {  	[tilespmem:s12], [sflag:$0x4] =	stream.linear.gather [hbm4b:s11+s4], $0x40, $0x38;
	[tilespmem:$0x6000] =	vst v63  }
0x18b: {  	s16 =	simm.s32 $0x3800;
	s9 =	sld [smem:$0x7F0]  }
0x18c: {  	[tilespmem:s16], [sflag:$0x4] =	stream.linear.gather [hbm4b:s13+s4], $0x40, $0x38;
	[tilespmem:$0x6000] =	vst v63  }
0x18d: {  	s10 =	simm.s32 $0x3880;
	s11 =	sld [smem:$0x7F1]  }
0x18e: {  	[tilespmem:s10], [sflag:$0x4] =	stream.linear.gather [hbm4b:s9+s4], $0x40, $0x38;
	[tilespmem:$0x6000] =	vst v63  }
0x18f: {  	s12 =	simm.s32 $0x3900;
	s13 =	sld [smem:$0x7F2]  }
0x190: {  	[tilespmem:s12], [sflag:$0x4] =	stream.linear.gather [hbm4b:s11+s4], $0x40, $0x38;
	[tilespmem:$0x6000] =	vst v63  }
0x191: {  	s16 =	simm.s32 $0x3980;
	s9 =	sld [smem:$0x7F3]  }
0x192: {  	[tilespmem:s16], [sflag:$0x4] =	stream.linear.gather [hbm4b:s13+s4], $0x40, $0x38;
	[tilespmem:$0x6000] =	vst v63  }
0x193: {  	s10 =	simm.s32 $0x3A00;
	s11 =	sld [smem:$0x7F4]  }
0x194: {  	[tilespmem:s10], [sflag:$0x4] =	stream.linear.gather [hbm4b:s9+s4], $0x40, $0x38;
	[tilespmem:$0x6000] =	vst v63  }
0x195: {  	s12 =	simm.s32 $0x3A80;
	s13 =	sld [smem:$0x7F5]  }
0x196: {  	[tilespmem:s12], [sflag:$0x4] =	stream.linear.gather [hbm4b:s11+s4], $0x40, $0x38;
	[tilespmem:$0x6000] =	vst v63  }
0x197: {  	s16 =	simm.s32 $0x3B00;
	s9 =	sld [smem:$0x7F6]  }
0x198: {  	[tilespmem:s16], [sflag:$0x4] =	stream.linear.gather [hbm4b:s13+s4], $0x40, $0x38;
	[tilespmem:$0x6000] =	vst v63  }
0x199: {  	s10 =	simm.s32 $0x3B80;
	s11 =	rddreg [dreg:$0x12]  }
0x19a: {  	[tilespmem:s10], [sflag:$0x4] =	stream.linear.gather [hbm4b:s9+s4], $0x40, $0x38;
	[tilespmem:$0x6000] =	vst v63  }
0x19b: {  	s12 =	simm.s32 $0x3C00;
	s13 =	sld [smem:$0x7F7]  }
0x19c: {  	[tilespmem:s12], [sflag:$0x4] =	stream.linear.gather [hbm4b:s11+s4], $0x40, $0x38;
	[tilespmem:$0x6000] =	vst v63  }
0x19d: {  	s16 =	simm.s32 $0x3C80;
	s9 =	sld [smem:$0x7F8]  }
0x19e: {  	[tilespmem:s16], [sflag:$0x4] =	stream.linear.gather [hbm4b:s13+s4], $0x40, $0x38;
	[tilespmem:$0x6000] =	vst v63  }
0x19f: {  	s10 =	simm.s32 $0x3D00;
	s11 =	sld [smem:$0x7F9]  }
0x1a0: {  	[tilespmem:s10], [sflag:$0x4] =	stream.linear.gather [hbm4b:s9+s4], $0x40, $0x38;
	[tilespmem:$0x6000] =	vst v63  }
0x1a1: {  	s12 =	simm.s32 $0x3D80;
	s13 =	sld [smem:$0x7FA]  }
0x1a2: {  	[tilespmem:s12], [sflag:$0x4] =	stream.linear.gather [hbm4b:s11+s4], $0x40, $0x38;
	[tilespmem:$0x6000] =	vst v63  }
0x1a3: {  	s16 =	simm.s32 $0x3E00;
	s9 =	sld [smem:$0x7FB]  }
0x1a4: {  	[tilespmem:s16], [sflag:$0x4] =	stream.linear.gather [hbm4b:s13+s4], $0x40, $0x38;
	[tilespmem:$0x6000] =	vst v63  }
0x1a5: {  	s10 =	simm.s32 $0x3E80;
	s11 =	sld [smem:$0x7FC]  }
0x1a6: {  	[tilespmem:s10], [sflag:$0x4] =	stream.linear.gather [hbm4b:s9+s4], $0x40, $0x38;
	[tilespmem:$0x6000] =	vst v63  }
.Ltmp2:
0x1a7: {  	_ = 	snop;
	(pc) =	sbr.rel .LBB2_2-.Ltmp2, $4  }
0x1a8: {  	s12 =	simm.s32 $0x3F00;
	s13 =	sld [smem:$0x7FD]  }
0x1a9: {  	[tilespmem:s12], [sflag:$0x4] =	stream.linear.gather [hbm4b:s11+s4], $0x40, $0x38;
	[tilespmem:$0x6000] =	vst v63  }
0x1aa: {  	s16 =	simm.s32 $0x3F80;
	s9 =	simm.s32 $0x0  }
0x1ab: {  	[tilespmem:s16], [sflag:$0x4] =	stream.linear.gather [hbm4b:s13+s4], $0x40, $0x38;
	[tilespmem:$0x6000] =	vst v63  }
.LBB2_22:
0x1ac: {  	s9 =	sadd.s32 $0x1, s9  }
0x1ad: {  	p0 =	sne.s32 s9, $0x7B  }
.Ltmp3:
0x1ae: {  	_ = 	snop;
	(pc) =	sbr.rel @!p0 .LBB2_23-.Ltmp3, $1  }
0x1af: {  	_ =	sdelay $0x3  }
.LBB2_2:
0x1b0: {  	s10 =	sshll.u32 s9, $0x2  }
0x1b1: {  	p0 =	sge.u32 s10, s6  }
.Ltmp4:
0x1b2: {  	_ = 	snop;
	(pc) =	sbr.rel @p0 .LBB2_7-.Ltmp4, $1  }
0x1b3: {  	_ =	sdelay $0x3  }
0x1b4: {  	_ =	swait.ge [sflag:s17], $0x200  }
0x1b5: {  	[sflag:s17] =	ssyncset.done $0x0  }
0x1b6: {  	[sflag:s17] =	ssyncadd.s32 $0xFFFFFE00  }
0x1b7: {  	_ =	swait.ge [sflag:s17], $0x200  }
0x1b8: {  	[sflag:s17] =	ssyncset.done $0x0  }
0x1b9: {  	[sflag:s17] =	ssyncadd.s32 $0xFFFFFE00  }
0x1ba: {  	s11 =	simm.s32 $0x0;
	_ =	swait.ge [sflag:s17], $0x200  }
0x1bb: {  	v16 =	vadd.s32 s11, v0;
	[sflag:s17] =	ssyncset.done $0x0  }
0x1bc: {  	v17 =	vand.u32 $0xF, v16;
	[sflag:s17] =	ssyncadd.s32 $0xFFFFFE00  }
0x1bd: {  	v18 =	vshll.u32 v17, $0x7;
	_ =	swait.ge [sflag:s17], $0x200  }
0x1be: {  	p0 =	seq.s32 s9, $0x0;
	v19 =	vor.u32 v0, v18;
	[sflag:s17] =	ssyncset.done $0x0  }
0x1bf: {  	s11 =	simm.s32 @!p0 $0x5;
	[sflag:s17] =	ssyncadd.s32 $0xFFFFFE00  }
0x1c0: {  	_ =	swait.ge @!p0 [sflag:s11], $0x800  }
0x1c1: {  	[sflag:s11] =	ssyncset.done @!p0 $0x0  }
0x1c2: {  	[sflag:s11] =	ssyncadd.s32 @!p0 $0xFFFFF800  }
0x1c3: {  	v19 =	vld.idx.msk [tilespmem:v19+s4+$0x0], $0xffff;
	_ =	sdelay $0x1  }
0x1c4: {  	v20 =	vor.u32 v1, v17  }
0x1c5: {  	v21 =	vor.u32 v2, v18;
	_ =	sdelay $0x1  }
0x1c6: {  	v19 =	vmul.f32 $5.656854150e+00, v19;
	_ =	sdelay $0x1  }
0x1c7: {  	[tilespmem:v20+s19+$0x0] =	vst.idx.msk $0xffff, v19  }
0x1c8: {  	v19 =	vld.idx.msk [tilespmem:v21+s4+$0x0], $0xffff;
	_ =	sdelay $0x1  }
0x1c9: {  	v20 =	vor.u32 v3, v17  }
0x1ca: {  	v21 =	vor.u32 v4, v18;
	_ =	sdelay $0x1  }
0x1cb: {  	v19 =	vmul.f32 $5.656854150e+00, v19;
	_ =	sdelay $0x1  }
0x1cc: {  	[tilespmem:v20+s19+$0x0] =	vst.idx.msk $0xffff, v19  }
0x1cd: {  	v19 =	vld.idx.msk [tilespmem:v21+s4+$0x0], $0xffff;
	_ =	sdelay $0x1  }
0x1ce: {  	v20 =	vor.u32 v5, v17  }
0x1cf: {  	v21 =	vor.u32 v6, v18;
	_ =	sdelay $0x1  }
0x1d0: {  	v19 =	vmul.f32 $5.656854150e+00, v19;
	_ =	sdelay $0x1  }
0x1d1: {  	[tilespmem:v20+s19+$0x0] =	vst.idx.msk $0xffff, v19  }
0x1d2: {  	v19 =	vld.idx.msk [tilespmem:v21+s4+$0x0], $0xffff;
	_ =	sdelay $0x1  }
0x1d3: {  	v17 =	vor.u32 v7, v17  }
0x1d4: {  	v20 =	vor.u32 v8, v18;
	_ =	sdelay $0x1  }
0x1d5: {  	v19 =	vmul.f32 $5.656854150e+00, v19;
	_ =	sdelay $0x1  }
0x1d6: {  	[tilespmem:v17+s19+$0x0] =	vst.idx.msk $0xffff, v19  }
0x1d7: {  	v17 =	vld.idx.msk [tilespmem:v20+s4+$0x0], $0xffff;
	_ =	sdelay $0x1  }
0x1d8: {  	v19 =	vor.u32 v9, v16  }
0x1d9: {  	v20 =	vor.u32 v10, v18;
	_ =	sdelay $0x1  }
0x1da: {  	v17 =	vmul.f32 $5.656854150e+00, v17;
	_ =	sdelay $0x1  }
0x1db: {  	[tilespmem:v19+s19+$0x0] =	vst.idx.msk $0xffff, v17  }
0x1dc: {  	v17 =	vld.idx.msk [tilespmem:v20+s4+$0x0], $0xffff;
	_ =	sdelay $0x1  }
0x1dd: {  	v19 =	vor.u32 v11, v16  }
0x1de: {  	v20 =	vor.u32 v12, v18;
	_ =	sdelay $0x1  }
0x1df: {  	v17 =	vmul.f32 $5.656854150e+00, v17;
	_ =	sdelay $0x1  }
0x1e0: {  	[tilespmem:v19+s19+$0x0] =	vst.idx.msk $0xffff, v17  }
0x1e1: {  	v17 =	vld.idx.msk [tilespmem:v20+s4+$0x0], $0xffff;
	_ =	sdelay $0x1  }
0x1e2: {  	v19 =	vor.u32 v13, v16  }
0x1e3: {  	v18 =	vor.u32 v14, v18;
	_ =	sdelay $0x1  }
0x1e4: {  	v17 =	vmul.f32 $5.656854150e+00, v17;
	_ =	sdelay $0x1  }
0x1e5: {  	s16 =	simm.s32 $0x1;
	[tilespmem:v19+s19+$0x0] =	vst.idx.msk $0xffff, v17  }
0x1e6: {  	v19 =	vadd.s32 s16, v0;
	v17 =	vld.idx.msk [tilespmem:v18+s4+$0x0], $0xffff  }
0x1e7: {  	v18 =	vand.u32 $0xF, v19  }
0x1e8: {  	v16 =	vor.u32 v15, v16;
	v20 =	vshll.u32 v18, $0x7  }
0x1e9: {  	v21 =	vor.u32 v0, v20;
	_ =	sdelay $0x1  }
0x1ea: {  	v17 =	vmul.f32 $5.656854150e+00, v17;
	_ =	sdelay $0x1  }
0x1eb: {  	[tilespmem:v16+s19+$0x0] =	vst.idx.msk $0xffff, v17  }
0x1ec: {  	v16 =	vld.idx.msk [tilespmem:v21+s4+$0x0], $0xffff;
	_ =	sdelay $0x1  }
0x1ed: {  	v17 =	vor.u32 v1, v18  }
0x1ee: {  	v21 =	vor.u32 v2, v20;
	_ =	sdelay $0x1  }
0x1ef: {  	v16 =	vmul.f32 $5.656854150e+00, v16;
	_ =	sdelay $0x1  }
0x1f0: {  	[tilespmem:v17+s19+$0x0] =	vst.idx.msk $0xffff, v16  }
0x1f1: {  	v16 =	vld.idx.msk [tilespmem:v21+s4+$0x0], $0xffff;
	_ =	sdelay $0x1  }
0x1f2: {  	v17 =	vor.u32 v3, v18  }
0x1f3: {  	v21 =	vor.u32 v4, v20;
	_ =	sdelay $0x1  }
0x1f4: {  	v16 =	vmul.f32 $5.656854150e+00, v16;
	_ =	sdelay $0x1  }
0x1f5: {  	[tilespmem:v17+s19+$0x0] =	vst.idx.msk $0xffff, v16  }
0x1f6: {  	v16 =	vld.idx.msk [tilespmem:v21+s4+$0x0], $0xffff;
	_ =	sdelay $0x1  }
0x1f7: {  	v17 =	vor.u32 v5, v18  }
0x1f8: {  	v21 =	vor.u32 v6, v20;
	_ =	sdelay $0x1  }
0x1f9: {  	v16 =	vmul.f32 $5.656854150e+00, v16;
	_ =	sdelay $0x1  }
0x1fa: {  	[tilespmem:v17+s19+$0x0] =	vst.idx.msk $0xffff, v16  }
0x1fb: {  	v16 =	vld.idx.msk [tilespmem:v21+s4+$0x0], $0xffff;
	_ =	sdelay $0x1  }
0x1fc: {  	v17 =	vor.u32 v7, v18  }
0x1fd: {  	v18 =	vor.u32 v8, v20;
	_ =	sdelay $0x1  }
0x1fe: {  	v16 =	vmul.f32 $5.656854150e+00, v16;
	_ =	sdelay $0x1  }
0x1ff: {  	[tilespmem:v17+s19+$0x0] =	vst.idx.msk $0xffff, v16  }
0x200: {  	v16 =	vld.idx.msk [tilespmem:v18+s4+$0x0], $0xffff;
	_ =	sdelay $0x1  }
0x201: {  	v17 =	vor.u32 v9, v19  }
0x202: {  	v18 =	vor.u32 v10, v20;
	_ =	sdelay $0x1  }
0x203: {  	v16 =	vmul.f32 $5.656854150e+00, v16;
	_ =	sdelay $0x1  }
0x204: {  	[tilespmem:v17+s19+$0x0] =	vst.idx.msk $0xffff, v16  }
0x205: {  	v16 =	vld.idx.msk [tilespmem:v18+s4+$0x0], $0xffff;
	_ =	sdelay $0x1  }
0x206: {  	v17 =	vor.u32 v11, v19  }
0x207: {  	v18 =	vor.u32 v12, v20;
	_ =	sdelay $0x1  }
0x208: {  	v16 =	vmul.f32 $5.656854150e+00, v16;
	_ =	sdelay $0x1  }
0x209: {  	[tilespmem:v17+s19+$0x0] =	vst.idx.msk $0xffff, v16  }
0x20a: {  	v16 =	vld.idx.msk [tilespmem:v18+s4+$0x0], $0xffff;
	_ =	sdelay $0x1  }
0x20b: {  	v17 =	vor.u32 v13, v19  }
0x20c: {  	v18 =	vor.u32 v14, v20;
	_ =	sdelay $0x1  }
0x20d: {  	v16 =	vmul.f32 $5.656854150e+00, v16;
	_ =	sdelay $0x1  }
0x20e: {  	s12 =	simm.s32 $0x2;
	[tilespmem:v17+s19+$0x0] =	vst.idx.msk $0xffff, v16  }
0x20f: {  	v16 =	vadd.s32 s12, v0;
	v21 =	vld.idx.msk [tilespmem:v18+s4+$0x0], $0xffff  }
0x210: {  	v18 =	vand.u32 $0xF, v16  }
0x211: {  	v20 =	vor.u32 v15, v19;
	v17 =	vshll.u32 v18, $0x7  }
0x212: {  	v19 =	vor.u32 v0, v17;
	_ =	sdelay $0x1  }
0x213: {  	s13 =	simm.s32 $0x4;
	s11 =	sadd.s32 s5, s10;
	v21 =	vmul.f32 $5.656854150e+00, v21  }
.LBB2_4:
0x214: {  	_ = 	snop  }
0x215: {  	p0 =	slt.u32 s13, $0xE;
	s16 =	smov.u32 s13;
	s13 =	sadd.s32 $0x2, s13;
	[tilespmem:v20+s19+$0x0] =	vst.idx.msk $0xffff, v21  }
0x216: {  	v19 =	vld.idx.msk [tilespmem:v19+s4+$0x0], $0xffff;
	_ =	sdelay $0x2  }
0x217: {  	v20 =	vor.u32 v1, v18  }
0x218: {  	v21 =	vor.u32 v2, v17;
	_ =	sdelay $0x1  }
0x219: {  	v19 =	vmul.f32 $5.656854150e+00, v19;
	_ =	sdelay $0x1  }
0x21a: {  	[tilespmem:v20+s19+$0x0] =	vst.idx.msk $0xffff, v19  }
0x21b: {  	v19 =	vld.idx.msk [tilespmem:v21+s4+$0x0], $0xffff;
	_ =	sdelay $0x2  }
0x21c: {  	v20 =	vor.u32 v3, v18  }
0x21d: {  	v21 =	vor.u32 v4, v17;
	_ =	sdelay $0x1  }
0x21e: {  	v19 =	vmul.f32 $5.656854150e+00, v19;
	_ =	sdelay $0x1  }
0x21f: {  	[tilespmem:v20+s19+$0x0] =	vst.idx.msk $0xffff, v19  }
0x220: {  	v19 =	vld.idx.msk [tilespmem:v21+s4+$0x0], $0xffff;
	_ =	sdelay $0x2  }
0x221: {  	v20 =	vor.u32 v5, v18  }
0x222: {  	v21 =	vor.u32 v6, v17;
	_ =	sdelay $0x1  }
0x223: {  	v19 =	vmul.f32 $5.656854150e+00, v19;
	_ =	sdelay $0x1  }
0x224: {  	[tilespmem:v20+s19+$0x0] =	vst.idx.msk $0xffff, v19  }
0x225: {  	v19 =	vld.idx.msk [tilespmem:v21+s4+$0x0], $0xffff;
	_ =	sdelay $0x2  }
0x226: {  	v18 =	vor.u32 v7, v18  }
0x227: {  	v20 =	vor.u32 v8, v17;
	_ =	sdelay $0x1  }
0x228: {  	v19 =	vmul.f32 $5.656854150e+00, v19;
	_ =	sdelay $0x1  }
0x229: {  	[tilespmem:v18+s19+$0x0] =	vst.idx.msk $0xffff, v19  }
0x22a: {  	v18 =	vld.idx.msk [tilespmem:v20+s4+$0x0], $0xffff;
	_ =	sdelay $0x2  }
0x22b: {  	v19 =	vor.u32 v9, v16  }
0x22c: {  	v20 =	vor.u32 v10, v17;
	_ =	sdelay $0x1  }
0x22d: {  	v18 =	vmul.f32 $5.656854150e+00, v18;
	_ =	sdelay $0x1  }
0x22e: {  	[tilespmem:v19+s19+$0x0] =	vst.idx.msk $0xffff, v18  }
0x22f: {  	v18 =	vld.idx.msk [tilespmem:v20+s4+$0x0], $0xffff;
	_ =	sdelay $0x2  }
0x230: {  	v19 =	vor.u32 v11, v16  }
0x231: {  	v20 =	vor.u32 v12, v17;
	_ =	sdelay $0x1  }
0x232: {  	v18 =	vmul.f32 $5.656854150e+00, v18;
	_ =	sdelay $0x1  }
0x233: {  	[tilespmem:v19+s19+$0x0] =	vst.idx.msk $0xffff, v18  }
0x234: {  	v18 =	vld.idx.msk [tilespmem:v20+s4+$0x0], $0xffff;
	_ =	sdelay $0x2  }
0x235: {  	v19 =	vor.u32 v13, v16  }
0x236: {  	v17 =	vor.u32 v14, v17;
	_ =	sdelay $0x1  }
0x237: {  	v18 =	vmul.f32 $5.656854150e+00, v18;
	_ =	sdelay $0x1  }
0x238: {  	[tilespmem:v19+s19+$0x0] =	vst.idx.msk $0xffff, v18  }
0x239: {  	s8 =	sadd.s32 $0x1, s12;
	s12 =	smov.u32 s16;
	v17 =	vld.idx.msk [tilespmem:v17+s4+$0x0], $0xffff  }
0x23a: {  	v19 =	vadd.s32 s8, v0  }
0x23b: {  	v18 =	vand.u32 $0xF, v19  }
0x23c: {  	v16 =	vor.u32 v15, v16;
	v20 =	vshll.u32 v18, $0x7  }
0x23d: {  	v21 =	vor.u32 v0, v20;
	_ =	sdelay $0x1  }
0x23e: {  	v17 =	vmul.f32 $5.656854150e+00, v17;
	_ =	sdelay $0x1  }
0x23f: {  	[tilespmem:v16+s19+$0x0] =	vst.idx.msk $0xffff, v17  }
0x240: {  	v16 =	vld.idx.msk [tilespmem:v21+s4+$0x0], $0xffff;
	_ =	sdelay $0x2  }
0x241: {  	v17 =	vor.u32 v1, v18  }
0x242: {  	v21 =	vor.u32 v2, v20;
	_ =	sdelay $0x1  }
0x243: {  	v16 =	vmul.f32 $5.656854150e+00, v16;
	_ =	sdelay $0x1  }
0x244: {  	[tilespmem:v17+s19+$0x0] =	vst.idx.msk $0xffff, v16  }
0x245: {  	v16 =	vld.idx.msk [tilespmem:v21+s4+$0x0], $0xffff;
	_ =	sdelay $0x2  }
0x246: {  	v17 =	vor.u32 v3, v18  }
0x247: {  	v21 =	vor.u32 v4, v20;
	_ =	sdelay $0x1  }
0x248: {  	v16 =	vmul.f32 $5.656854150e+00, v16;
	_ =	sdelay $0x1  }
0x249: {  	[tilespmem:v17+s19+$0x0] =	vst.idx.msk $0xffff, v16  }
0x24a: {  	v16 =	vld.idx.msk [tilespmem:v21+s4+$0x0], $0xffff;
	_ =	sdelay $0x2  }
0x24b: {  	v17 =	vor.u32 v5, v18  }
0x24c: {  	v21 =	vor.u32 v6, v20;
	_ =	sdelay $0x1  }
0x24d: {  	v16 =	vmul.f32 $5.656854150e+00, v16;
	_ =	sdelay $0x1  }
0x24e: {  	[tilespmem:v17+s19+$0x0] =	vst.idx.msk $0xffff, v16  }
0x24f: {  	v16 =	vld.idx.msk [tilespmem:v21+s4+$0x0], $0xffff;
	_ =	sdelay $0x2  }
0x250: {  	v17 =	vor.u32 v7, v18  }
0x251: {  	v18 =	vor.u32 v8, v20;
	_ =	sdelay $0x1  }
0x252: {  	v16 =	vmul.f32 $5.656854150e+00, v16;
	_ =	sdelay $0x1  }
0x253: {  	[tilespmem:v17+s19+$0x0] =	vst.idx.msk $0xffff, v16  }
0x254: {  	v16 =	vld.idx.msk [tilespmem:v18+s4+$0x0], $0xffff;
	_ =	sdelay $0x2  }
0x255: {  	v17 =	vor.u32 v9, v19  }
0x256: {  	v18 =	vor.u32 v10, v20;
	_ =	sdelay $0x1  }
0x257: {  	v16 =	vmul.f32 $5.656854150e+00, v16;
	_ =	sdelay $0x1  }
0x258: {  	[tilespmem:v17+s19+$0x0] =	vst.idx.msk $0xffff, v16  }
0x259: {  	v16 =	vld.idx.msk [tilespmem:v18+s4+$0x0], $0xffff;
	_ =	sdelay $0x2  }
0x25a: {  	v17 =	vor.u32 v11, v19  }
0x25b: {  	v18 =	vor.u32 v12, v20;
	_ =	sdelay $0x1  }
0x25c: {  	v16 =	vmul.f32 $5.656854150e+00, v16;
	_ =	sdelay $0x1  }
0x25d: {  	[tilespmem:v17+s19+$0x0] =	vst.idx.msk $0xffff, v16  }
0x25e: {  	v16 =	vld.idx.msk [tilespmem:v18+s4+$0x0], $0xffff;
	_ =	sdelay $0x2  }
0x25f: {  	v17 =	vor.u32 v13, v19  }
0x260: {  	v18 =	vor.u32 v14, v20;
	_ =	sdelay $0x1  }
0x261: {  	v16 =	vmul.f32 $5.656854150e+00, v16;
	_ =	sdelay $0x1  }
0x262: {  	[tilespmem:v17+s19+$0x0] =	vst.idx.msk $0xffff, v16  }
0x263: {  	v21 =	vld.idx.msk [tilespmem:v18+s4+$0x0], $0xffff  }
0x264: {  	v16 =	vadd.s32 s12, v0  }
.Ltmp5:
0x265: {  	v18 =	vand.u32 $0xF, v16;
	(pc) =	sbr.rel @p0 .LBB2_4-.Ltmp5, $3  }
0x266: {  	v20 =	vor.u32 v15, v19;
	v17 =	vshll.u32 v18, $0x7  }
0x267: {  	v19 =	vor.u32 v0, v17;
	_ =	sdelay $0x1  }
0x268: {  	v21 =	vmul.f32 $5.656854150e+00, v21  }
0x269: {  	_ =	sdelay $0x3  }
0x26a: {  	[tilespmem:v20+s19+$0x0] =	vst.idx.msk $0xffff, v21  }
0x26b: {  	v19 =	vld.idx.msk [tilespmem:v19+s4+$0x0], $0xffff;
	_ =	sdelay $0x1  }
0x26c: {  	v40 =	vor.u32 v1, v18  }
0x26d: {  	v41 =	vor.u32 v2, v17;
	_ =	sdelay $0x1  }
0x26e: {  	v19 =	vmul.f32 $5.656854150e+00, v19;
	_ =	sdelay $0x1  }
0x26f: {  	[tilespmem:v40+s19+$0x0] =	vst.idx.msk $0xffff, v19  }
0x270: {  	v19 =	vld.idx.msk [tilespmem:v41+s4+$0x0], $0xffff;
	_ =	sdelay $0x1  }
0x271: {  	v42 =	vor.u32 v3, v18  }
0x272: {  	v43 =	vor.u32 v4, v17;
	_ =	sdelay $0x1  }
0x273: {  	v19 =	vmul.f32 $5.656854150e+00, v19;
	_ =	sdelay $0x1  }
0x274: {  	[tilespmem:v42+s19+$0x0] =	vst.idx.msk $0xffff, v19  }
0x275: {  	v19 =	vld.idx.msk [tilespmem:v43+s4+$0x0], $0xffff;
	_ =	sdelay $0x1  }
0x276: {  	v44 =	vor.u32 v5, v18  }
0x277: {  	v45 =	vor.u32 v6, v17;
	_ =	sdelay $0x1  }
0x278: {  	v19 =	vmul.f32 $5.656854150e+00, v19;
	_ =	sdelay $0x1  }
0x279: {  	[tilespmem:v44+s19+$0x0] =	vst.idx.msk $0xffff, v19  }
0x27a: {  	v19 =	vld.idx.msk [tilespmem:v45+s4+$0x0], $0xffff;
	_ =	sdelay $0x1  }
0x27b: {  	v46 =	vor.u32 v7, v18  }
0x27c: {  	v47 =	vor.u32 v8, v17;
	_ =	sdelay $0x1  }
0x27d: {  	v19 =	vmul.f32 $5.656854150e+00, v19;
	_ =	sdelay $0x1  }
0x27e: {  	[tilespmem:v46+s19+$0x0] =	vst.idx.msk $0xffff, v19  }
0x27f: {  	v18 =	vld.idx.msk [tilespmem:v47+s4+$0x0], $0xffff;
	_ =	sdelay $0x1  }
0x280: {  	v48 =	vor.u32 v9, v16  }
0x281: {  	v49 =	vor.u32 v10, v17;
	_ =	sdelay $0x1  }
0x282: {  	v18 =	vmul.f32 $5.656854150e+00, v18;
	_ =	sdelay $0x1  }
0x283: {  	[tilespmem:v48+s19+$0x0] =	vst.idx.msk $0xffff, v18  }
0x284: {  	v18 =	vld.idx.msk [tilespmem:v49+s4+$0x0], $0xffff;
	_ =	sdelay $0x1  }
0x285: {  	v50 =	vor.u32 v11, v16  }
0x286: {  	v51 =	vor.u32 v12, v17;
	_ =	sdelay $0x1  }
0x287: {  	v18 =	vmul.f32 $5.656854150e+00, v18;
	_ =	sdelay $0x1  }
0x288: {  	[tilespmem:v50+s19+$0x0] =	vst.idx.msk $0xffff, v18  }
0x289: {  	v18 =	vld.idx.msk [tilespmem:v51+s4+$0x0], $0xffff;
	_ =	sdelay $0x1  }
0x28a: {  	v52 =	vor.u32 v13, v16  }
0x28b: {  	v17 =	vor.u32 v14, v17;
	_ =	sdelay $0x1  }
0x28c: {  	v18 =	vmul.f32 $5.656854150e+00, v18;
	_ =	sdelay $0x1  }
0x28d: {  	s8 =	sadd.s32 $0x1, s12;
	[tilespmem:v52+s19+$0x0] =	vst.idx.msk $0xffff, v18  }
0x28e: {  	v53 =	vadd.s32 s8, v0;
	v17 =	vld.idx.msk [tilespmem:v17+s4+$0x0], $0xffff  }
0x28f: {  	v54 =	vand.u32 $0xF, v53  }
0x290: {  	v16 =	vor.u32 v15, v16;
	v55 =	vshll.u32 v54, $0x7  }
0x291: {  	v56 =	vor.u32 v0, v55;
	_ =	sdelay $0x1  }
0x292: {  	v17 =	vmul.f32 $5.656854150e+00, v17;
	_ =	sdelay $0x1  }
0x293: {  	[tilespmem:v16+s19+$0x0] =	vst.idx.msk $0xffff, v17  }
0x294: {  	v16 =	vld.idx.msk [tilespmem:v56+s4+$0x0], $0xffff;
	_ =	sdelay $0x1  }
0x295: {  	v17 =	vor.u32 v1, v54  }
0x296: {  	v57 =	vor.u32 v2, v55;
	_ =	sdelay $0x1  }
0x297: {  	v16 =	vmul.f32 $5.656854150e+00, v16;
	_ =	sdelay $0x1  }
0x298: {  	[tilespmem:v17+s19+$0x0] =	vst.idx.msk $0xffff, v16  }
0x299: {  	v16 =	vld.idx.msk [tilespmem:v57+s4+$0x0], $0xffff;
	_ =	sdelay $0x1  }
0x29a: {  	v17 =	vor.u32 v3, v54  }
0x29b: {  	v58 =	vor.u32 v4, v55;
	_ =	sdelay $0x1  }
0x29c: {  	v16 =	vmul.f32 $5.656854150e+00, v16;
	_ =	sdelay $0x1  }
0x29d: {  	[tilespmem:v17+s19+$0x0] =	vst.idx.msk $0xffff, v16  }
0x29e: {  	v16 =	vld.idx.msk [tilespmem:v58+s4+$0x0], $0xffff;
	_ =	sdelay $0x1  }
0x29f: {  	v17 =	vor.u32 v5, v54  }
0x2a0: {  	v59 =	vor.u32 v6, v55;
	_ =	sdelay $0x1  }
0x2a1: {  	v16 =	vmul.f32 $5.656854150e+00, v16;
	_ =	sdelay $0x1  }
0x2a2: {  	[tilespmem:v17+s19+$0x0] =	vst.idx.msk $0xffff, v16  }
0x2a3: {  	v16 =	vld.idx.msk [tilespmem:v59+s4+$0x0], $0xffff;
	_ =	sdelay $0x1  }
0x2a4: {  	v17 =	vor.u32 v7, v54  }
0x2a5: {  	v60 =	vor.u32 v8, v55;
	_ =	sdelay $0x1  }
0x2a6: {  	v16 =	vmul.f32 $5.656854150e+00, v16;
	_ =	sdelay $0x1  }
0x2a7: {  	[tilespmem:v17+s19+$0x0] =	vst.idx.msk $0xffff, v16  }
0x2a8: {  	v16 =	vld.idx.msk [tilespmem:v60+s4+$0x0], $0xffff;
	_ =	sdelay $0x1  }
0x2a9: {  	v17 =	vor.u32 v9, v53  }
0x2aa: {  	v61 =	vor.u32 v10, v55;
	_ =	sdelay $0x1  }
0x2ab: {  	v16 =	vmul.f32 $5.656854150e+00, v16;
	_ =	sdelay $0x1  }
0x2ac: {  	[tilespmem:v17+s19+$0x0] =	vst.idx.msk $0xffff, v16  }
0x2ad: {  	v16 =	vld.idx.msk [tilespmem:v61+s4+$0x0], $0xffff;
	_ =	sdelay $0x1  }
0x2ae: {  	v17 =	vor.u32 v11, v53  }
0x2af: {  	v62 =	vor.u32 v12, v55;
	_ =	sdelay $0x1  }
0x2b0: {  	v16 =	vmul.f32 $5.656854150e+00, v16;
	_ =	sdelay $0x1  }
0x2b1: {  	[tilespmem:v17+s19+$0x0] =	vst.idx.msk $0xffff, v16  }
0x2b2: {  	v16 =	vld.idx.msk [tilespmem:v62+s4+$0x0], $0xffff;
	_ =	sdelay $0x1  }
0x2b3: {  	v17 =	vor.u32 v13, v53  }
0x2b4: {  	v63 =	vor.u32 v14, v55;
	_ =	sdelay $0x1  }
0x2b5: {  	v16 =	vmul.f32 $5.656854150e+00, v16;
	_ =	sdelay $0x1  }
0x2b6: {  	[tilespmem:v17+s19+$0x0] =	vst.idx.msk $0xffff, v16  }
0x2b7: {  	v16 =	vld.idx.msk [tilespmem:v63+s4+$0x0], $0xffff;
	_ =	sdelay $0x1  }
0x2b8: {  	v17 =	vor.u32 v15, v53  }
0x2b9: {  	p0 =	sge.u32 s10, s29  }
.Ltmp6:
0x2ba: {  	_ = 	snop;
	(pc) =	sbr.rel @p0 .LBB2_7-.Ltmp6, $4  }
0x2bb: {  	s16 =	sshll.u32 s11, $0x8;
	v16 =	vmul.f32 $5.656854150e+00, v16  }
0x2bc: {  	s8 =	sand.u32 $0x1FFFFF00, s16  }
0x2bd: {  	s8 =	sadd.s32 s3, s8;
	[tilespmem:v17+s19+$0x0] =	vst.idx.msk $0xffff, v16  }
0x2be: {  	[hbm4b:s8+s4] =	stream.linear.scatter [tilespmem:s19], [sflag:$0x5], $0x800, $0x38;
	[tilespmem:$0x6000] =	vst v63  }
0x2bf: {  	s8 =	sshll.u32 s11, $0x9  }
0x2c0: {  	s8 =	sand.u32 $0x7FFFFC00, s8  }
0x2c1: {  	s12 =	sadd.s32 s23, s8  }
0x2c2: {  	s11 =	sshrl.u32 s12, $0x3  }
0x2c3: {  	s11 =	sadd.s32 s2, s11  }
0x2c4: {  	[tilespmem:s4], [sflag:$0x1] =	stream.linear.gather [hbm4b:s11+s4], $0x40, $0x38;
	[tilespmem:$0x6000] =	vst v63  }
0x2c5: {  	s13 =	simm.s32 $0x80;
	s12 =	sadd.s32 $0x10, s11  }
0x2c6: {  	[tilespmem:s13], [sflag:$0x1] =	stream.linear.gather [hbm4b:s12+s4], $0x40, $0x38;
	[tilespmem:$0x6000] =	vst v63  }
0x2c7: {  	s16 =	simm.s32 $0x100;
	s13 =	sadd.s32 $0x20, s11  }
0x2c8: {  	[tilespmem:s16], [sflag:$0x1] =	stream.linear.gather [hbm4b:s13+s4], $0x40, $0x38;
	[tilespmem:$0x6000] =	vst v63  }
0x2c9: {  	s13 =	sadd.s32 $0x30, s11;
	s16 =	simm.s32 $0x180  }
0x2ca: {  	[tilespmem:s16], [sflag:$0x1] =	stream.linear.gather [hbm4b:s13+s4], $0x40, $0x38;
	[tilespmem:$0x6000] =	vst v63  }
0x2cb: {  	s13 =	sadd.s32 $0x40, s11;
	s16 =	simm.s32 $0x200  }
0x2cc: {  	[tilespmem:s16], [sflag:$0x1] =	stream.linear.gather [hbm4b:s13+s4], $0x40, $0x38;
	[tilespmem:$0x6000] =	vst v63  }
0x2cd: {  	s13 =	sadd.s32 $0x50, s11;
	s16 =	simm.s32 $0x280  }
0x2ce: {  	[tilespmem:s16], [sflag:$0x1] =	stream.linear.gather [hbm4b:s13+s4], $0x40, $0x38;
	[tilespmem:$0x6000] =	vst v63  }
0x2cf: {  	s13 =	sadd.s32 $0x60, s11;
	s16 =	simm.s32 $0x300  }
0x2d0: {  	[tilespmem:s16], [sflag:$0x1] =	stream.linear.gather [hbm4b:s13+s4], $0x40, $0x38;
	[tilespmem:$0x6000] =	vst v63  }
0x2d1: {  	s11 =	sadd.s32 $0x70, s11;
	s16 =	simm.s32 $0x380;
	s13 =	sadd.s32 s24, s8  }
0x2d2: {  	[tilespmem:s16], [sflag:$0x1] =	stream.linear.gather [hbm4b:s11+s4], $0x40, $0x38;
	[tilespmem:$0x6000] =	vst v63  }
0x2d3: {  	s11 =	sshrl.u32 s13, $0x3  }
0x2d4: {  	s16 =	simm.s32 $0x400;
	s11 =	sadd.s32 s2, s11  }
0x2d5: {  	[tilespmem:s16], [sflag:$0x1] =	stream.linear.gather [hbm4b:s11+s4], $0x40, $0x38;
	[tilespmem:$0x6000] =	vst v63  }
0x2d6: {  	s13 =	sadd.s32 $0x10, s11;
	s16 =	simm.s32 $0x480  }
0x2d7: {  	[tilespmem:s16], [sflag:$0x1] =	stream.linear.gather [hbm4b:s13+s4], $0x40, $0x38;
	[tilespmem:$0x6000] =	vst v63  }
0x2d8: {  	s13 =	sadd.s32 $0x20, s11;
	s16 =	simm.s32 $0x500  }
0x2d9: {  	[tilespmem:s16], [sflag:$0x1] =	stream.linear.gather [hbm4b:s13+s4], $0x40, $0x38;
	[tilespmem:$0x6000] =	vst v63  }
0x2da: {  	s13 =	sadd.s32 $0x30, s11;
	s16 =	simm.s32 $0x580  }
0x2db: {  	[tilespmem:s16], [sflag:$0x1] =	stream.linear.gather [hbm4b:s13+s4], $0x40, $0x38;
	[tilespmem:$0x6000] =	vst v63  }
0x2dc: {  	s13 =	sadd.s32 $0x40, s11;
	s16 =	simm.s32 $0x600  }
0x2dd: {  	[tilespmem:s16], [sflag:$0x1] =	stream.linear.gather [hbm4b:s13+s4], $0x40, $0x38;
	[tilespmem:$0x6000] =	vst v63  }
0x2de: {  	s13 =	sadd.s32 $0x50, s11;
	s16 =	simm.s32 $0x680  }
0x2df: {  	[tilespmem:s16], [sflag:$0x1] =	stream.linear.gather [hbm4b:s13+s4], $0x40, $0x38;
	[tilespmem:$0x6000] =	vst v63  }
0x2e0: {  	s13 =	sadd.s32 $0x60, s11;
	s16 =	simm.s32 $0x700  }
0x2e1: {  	[tilespmem:s16], [sflag:$0x1] =	stream.linear.gather [hbm4b:s13+s4], $0x40, $0x38;
	[tilespmem:$0x6000] =	vst v63  }
0x2e2: {  	s11 =	sadd.s32 $0x70, s11;
	s16 =	simm.s32 $0x780;
	s13 =	sadd.s32 s25, s8  }
0x2e3: {  	[tilespmem:s16], [sflag:$0x1] =	stream.linear.gather [hbm4b:s11+s4], $0x40, $0x38;
	[tilespmem:$0x6000] =	vst v63  }
0x2e4: {  	s11 =	sshrl.u32 s13, $0x3  }
0x2e5: {  	s16 =	simm.s32 $0x800;
	s11 =	sadd.s32 s2, s11  }
0x2e6: {  	[tilespmem:s16], [sflag:$0x1] =	stream.linear.gather [hbm4b:s11+s4], $0x40, $0x38;
	[tilespmem:$0x6000] =	vst v63  }
0x2e7: {  	s13 =	sadd.s32 $0x10, s11;
	s16 =	simm.s32 $0x880  }
0x2e8: {  	[tilespmem:s16], [sflag:$0x1] =	stream.linear.gather [hbm4b:s13+s4], $0x40, $0x38;
	[tilespmem:$0x6000] =	vst v63  }
0x2e9: {  	s13 =	sadd.s32 $0x20, s11;
	s16 =	simm.s32 $0x900  }
0x2ea: {  	[tilespmem:s16], [sflag:$0x1] =	stream.linear.gather [hbm4b:s13+s4], $0x40, $0x38;
	[tilespmem:$0x6000] =	vst v63  }
0x2eb: {  	s13 =	sadd.s32 $0x30, s11;
	s16 =	simm.s32 $0x980  }
0x2ec: {  	[tilespmem:s16], [sflag:$0x1] =	stream.linear.gather [hbm4b:s13+s4], $0x40, $0x38;
	[tilespmem:$0x6000] =	vst v63  }
0x2ed: {  	s13 =	sadd.s32 $0x40, s11;
	s16 =	simm.s32 $0xA00  }
0x2ee: {  	[tilespmem:s16], [sflag:$0x1] =	stream.linear.gather [hbm4b:s13+s4], $0x40, $0x38;
	[tilespmem:$0x6000] =	vst v63  }
0x2ef: {  	s13 =	sadd.s32 $0x50, s11;
	s16 =	simm.s32 $0xA80  }
0x2f0: {  	[tilespmem:s16], [sflag:$0x1] =	stream.linear.gather [hbm4b:s13+s4], $0x40, $0x38;
	[tilespmem:$0x6000] =	vst v63  }
0x2f1: {  	s8 =	sadd.s32 s26, s8;
	s13 =	sadd.s32 $0x60, s11;
	s16 =	simm.s32 $0xB00  }
0x2f2: {  	[tilespmem:s16], [sflag:$0x1] =	stream.linear.gather [hbm4b:s13+s4], $0x40, $0x38;
	[tilespmem:$0x6000] =	vst v63  }
0x2f3: {  	s8 =	sshrl.u32 s8, $0x3;
	s11 =	sadd.s32 $0x70, s11;
	s16 =	simm.s32 $0xB80  }
0x2f4: {  	[tilespmem:s16], [sflag:$0x1] =	stream.linear.gather [hbm4b:s11+s4], $0x40, $0x38;
	[tilespmem:$0x6000] =	vst v63  }
0x2f5: {  	s12 =	simm.s32 $0xC00;
	s8 =	sadd.s32 s2, s8  }
0x2f6: {  	[tilespmem:s12], [sflag:$0x1] =	stream.linear.gather [hbm4b:s8+s4], $0x40, $0x38;
	[tilespmem:$0x6000] =	vst v63  }
0x2f7: {  	s13 =	sadd.s32 $0x10, s8;
	s16 =	simm.s32 $0xC80  }
0x2f8: {  	[tilespmem:s16], [sflag:$0x1] =	stream.linear.gather [hbm4b:s13+s4], $0x40, $0x38;
	[tilespmem:$0x6000] =	vst v63  }
0x2f9: {  	s13 =	sadd.s32 $0x20, s8;
	s16 =	simm.s32 $0xD00  }
0x2fa: {  	[tilespmem:s16], [sflag:$0x1] =	stream.linear.gather [hbm4b:s13+s4], $0x40, $0x38;
	[tilespmem:$0x6000] =	vst v63  }
0x2fb: {  	s13 =	sadd.s32 $0x30, s8;
	s16 =	simm.s32 $0xD80  }
0x2fc: {  	[tilespmem:s16], [sflag:$0x1] =	stream.linear.gather [hbm4b:s13+s4], $0x40, $0x38;
	[tilespmem:$0x6000] =	vst v63  }
0x2fd: {  	s13 =	sadd.s32 $0x40, s8;
	s16 =	simm.s32 $0xE00  }
0x2fe: {  	[tilespmem:s16], [sflag:$0x1] =	stream.linear.gather [hbm4b:s13+s4], $0x40, $0x38;
	[tilespmem:$0x6000] =	vst v63  }
0x2ff: {  	s13 =	sadd.s32 $0x50, s8;
	s16 =	simm.s32 $0xE80  }
0x300: {  	[tilespmem:s16], [sflag:$0x1] =	stream.linear.gather [hbm4b:s13+s4], $0x40, $0x38;
	[tilespmem:$0x6000] =	vst v63  }
0x301: {  	s12 =	sadd.s32 $0x60, s8;
	s13 =	simm.s32 $0xF00  }
0x302: {  	[tilespmem:s13], [sflag:$0x1] =	stream.linear.gather [hbm4b:s12+s4], $0x40, $0x38;
	[tilespmem:$0x6000] =	vst v63  }
0x303: {  	s8 =	sadd.s32 $0x70, s8;
	s16 =	simm.s32 $0xF80  }
0x304: {  	[tilespmem:s16], [sflag:$0x1] =	stream.linear.gather [hbm4b:s8+s4], $0x40, $0x38;
	[tilespmem:$0x6000] =	vst v63  }
.LBB2_7:
0x305: {  	s11 =	sor.u32 $0x1, s10  }
0x306: {  	p0 =	sge.u32 s11, s6  }
.Ltmp7:
0x307: {  	_ = 	snop;
	(pc) =	sbr.rel @p0 .LBB2_12-.Ltmp7, $1  }
0x308: {  	_ =	sdelay $0x3  }
0x309: {  	_ =	swait.ge [sflag:s20], $0x200  }
0x30a: {  	[sflag:s20] =	ssyncset.done $0x0  }
0x30b: {  	[sflag:s20] =	ssyncadd.s32 $0xFFFFFE00  }
0x30c: {  	_ =	swait.ge [sflag:s20], $0x200  }
0x30d: {  	[sflag:s20] =	ssyncset.done $0x0  }
0x30e: {  	[sflag:s20] =	ssyncadd.s32 $0xFFFFFE00  }
0x30f: {  	s8 =	simm.s32 $0x0;
	_ =	swait.ge [sflag:s20], $0x200  }
0x310: {  	v16 =	vadd.s32 s8, v0;
	[sflag:s20] =	ssyncset.done $0x0  }
0x311: {  	v17 =	vand.u32 $0xF, v16;
	[sflag:s20] =	ssyncadd.s32 $0xFFFFFE00  }
0x312: {  	v18 =	vshll.u32 v17, $0x7;
	_ =	swait.ge [sflag:s20], $0x200  }
0x313: {  	p0 =	seq.s32 s9, $0x0;
	v19 =	vor.u32 v0, v18;
	[sflag:s20] =	ssyncset.done $0x0  }
0x314: {  	s8 =	simm.s32 @!p0 $0x6;
	[sflag:s20] =	ssyncadd.s32 $0xFFFFFE00  }
0x315: {  	_ =	swait.ge @!p0 [sflag:s8], $0x800  }
0x316: {  	[sflag:s8] =	ssyncset.done @!p0 $0x0  }
0x317: {  	[sflag:s8] =	ssyncadd.s32 @!p0 $0xFFFFF800  }
0x318: {  	v19 =	vld.idx.msk [tilespmem:v19+s18+$0x0], $0xffff;
	_ =	sdelay $0x1  }
0x319: {  	v20 =	vor.u32 v1, v17  }
0x31a: {  	v21 =	vor.u32 v2, v18;
	_ =	sdelay $0x1  }
0x31b: {  	v19 =	vmul.f32 $5.656854150e+00, v19;
	_ =	sdelay $0x1  }
0x31c: {  	[tilespmem:v20+s21+$0x0] =	vst.idx.msk $0xffff, v19  }
0x31d: {  	v19 =	vld.idx.msk [tilespmem:v21+s18+$0x0], $0xffff;
	_ =	sdelay $0x1  }
0x31e: {  	v20 =	vor.u32 v3, v17  }
0x31f: {  	v21 =	vor.u32 v4, v18;
	_ =	sdelay $0x1  }
0x320: {  	v19 =	vmul.f32 $5.656854150e+00, v19;
	_ =	sdelay $0x1  }
0x321: {  	[tilespmem:v20+s21+$0x0] =	vst.idx.msk $0xffff, v19  }
0x322: {  	v19 =	vld.idx.msk [tilespmem:v21+s18+$0x0], $0xffff;
	_ =	sdelay $0x1  }
0x323: {  	v20 =	vor.u32 v5, v17  }
0x324: {  	v21 =	vor.u32 v6, v18;
	_ =	sdelay $0x1  }
0x325: {  	v19 =	vmul.f32 $5.656854150e+00, v19;
	_ =	sdelay $0x1  }
0x326: {  	[tilespmem:v20+s21+$0x0] =	vst.idx.msk $0xffff, v19  }
0x327: {  	v19 =	vld.idx.msk [tilespmem:v21+s18+$0x0], $0xffff;
	_ =	sdelay $0x1  }
0x328: {  	v17 =	vor.u32 v7, v17  }
0x329: {  	v20 =	vor.u32 v8, v18;
	_ =	sdelay $0x1  }
0x32a: {  	v19 =	vmul.f32 $5.656854150e+00, v19;
	_ =	sdelay $0x1  }
0x32b: {  	[tilespmem:v17+s21+$0x0] =	vst.idx.msk $0xffff, v19  }
0x32c: {  	v17 =	vld.idx.msk [tilespmem:v20+s18+$0x0], $0xffff;
	_ =	sdelay $0x1  }
0x32d: {  	v19 =	vor.u32 v9, v16  }
0x32e: {  	v20 =	vor.u32 v10, v18;
	_ =	sdelay $0x1  }
0x32f: {  	v17 =	vmul.f32 $5.656854150e+00, v17;
	_ =	sdelay $0x1  }
0x330: {  	[tilespmem:v19+s21+$0x0] =	vst.idx.msk $0xffff, v17  }
0x331: {  	v17 =	vld.idx.msk [tilespmem:v20+s18+$0x0], $0xffff;
	_ =	sdelay $0x1  }
0x332: {  	v19 =	vor.u32 v11, v16  }
0x333: {  	v20 =	vor.u32 v12, v18;
	_ =	sdelay $0x1  }
0x334: {  	v17 =	vmul.f32 $5.656854150e+00, v17;
	_ =	sdelay $0x1  }
0x335: {  	[tilespmem:v19+s21+$0x0] =	vst.idx.msk $0xffff, v17  }
0x336: {  	v17 =	vld.idx.msk [tilespmem:v20+s18+$0x0], $0xffff;
	_ =	sdelay $0x1  }
0x337: {  	v19 =	vor.u32 v13, v16  }
0x338: {  	v18 =	vor.u32 v14, v18;
	_ =	sdelay $0x1  }
0x339: {  	v17 =	vmul.f32 $5.656854150e+00, v17;
	_ =	sdelay $0x1  }
0x33a: {  	s16 =	simm.s32 $0x1;
	[tilespmem:v19+s21+$0x0] =	vst.idx.msk $0xffff, v17  }
0x33b: {  	v19 =	vadd.s32 s16, v0;
	v17 =	vld.idx.msk [tilespmem:v18+s18+$0x0], $0xffff  }
0x33c: {  	v18 =	vand.u32 $0xF, v19  }
0x33d: {  	v16 =	vor.u32 v15, v16;
	v20 =	vshll.u32 v18, $0x7  }
0x33e: {  	v21 =	vor.u32 v0, v20;
	_ =	sdelay $0x1  }
0x33f: {  	v17 =	vmul.f32 $5.656854150e+00, v17;
	_ =	sdelay $0x1  }
0x340: {  	[tilespmem:v16+s21+$0x0] =	vst.idx.msk $0xffff, v17  }
0x341: {  	v16 =	vld.idx.msk [tilespmem:v21+s18+$0x0], $0xffff;
	_ =	sdelay $0x1  }
0x342: {  	v17 =	vor.u32 v1, v18  }
0x343: {  	v21 =	vor.u32 v2, v20;
	_ =	sdelay $0x1  }
0x344: {  	v16 =	vmul.f32 $5.656854150e+00, v16;
	_ =	sdelay $0x1  }
0x345: {  	[tilespmem:v17+s21+$0x0] =	vst.idx.msk $0xffff, v16  }
0x346: {  	v16 =	vld.idx.msk [tilespmem:v21+s18+$0x0], $0xffff;
	_ =	sdelay $0x1  }
0x347: {  	v17 =	vor.u32 v3, v18  }
0x348: {  	v21 =	vor.u32 v4, v20;
	_ =	sdelay $0x1  }
0x349: {  	v16 =	vmul.f32 $5.656854150e+00, v16;
	_ =	sdelay $0x1  }
0x34a: {  	[tilespmem:v17+s21+$0x0] =	vst.idx.msk $0xffff, v16  }
0x34b: {  	v16 =	vld.idx.msk [tilespmem:v21+s18+$0x0], $0xffff;
	_ =	sdelay $0x1  }
0x34c: {  	v17 =	vor.u32 v5, v18  }
0x34d: {  	v21 =	vor.u32 v6, v20;
	_ =	sdelay $0x1  }
0x34e: {  	v16 =	vmul.f32 $5.656854150e+00, v16;
	_ =	sdelay $0x1  }
0x34f: {  	[tilespmem:v17+s21+$0x0] =	vst.idx.msk $0xffff, v16  }
0x350: {  	v16 =	vld.idx.msk [tilespmem:v21+s18+$0x0], $0xffff;
	_ =	sdelay $0x1  }
0x351: {  	v17 =	vor.u32 v7, v18  }
0x352: {  	v18 =	vor.u32 v8, v20;
	_ =	sdelay $0x1  }
0x353: {  	v16 =	vmul.f32 $5.656854150e+00, v16;
	_ =	sdelay $0x1  }
0x354: {  	[tilespmem:v17+s21+$0x0] =	vst.idx.msk $0xffff, v16  }
0x355: {  	v16 =	vld.idx.msk [tilespmem:v18+s18+$0x0], $0xffff;
	_ =	sdelay $0x1  }
0x356: {  	v17 =	vor.u32 v9, v19  }
0x357: {  	v18 =	vor.u32 v10, v20;
	_ =	sdelay $0x1  }
0x358: {  	v16 =	vmul.f32 $5.656854150e+00, v16;
	_ =	sdelay $0x1  }
0x359: {  	[tilespmem:v17+s21+$0x0] =	vst.idx.msk $0xffff, v16  }
0x35a: {  	v16 =	vld.idx.msk [tilespmem:v18+s18+$0x0], $0xffff;
	_ =	sdelay $0x1  }
0x35b: {  	v17 =	vor.u32 v11, v19  }
0x35c: {  	v18 =	vor.u32 v12, v20;
	_ =	sdelay $0x1  }
0x35d: {  	v16 =	vmul.f32 $5.656854150e+00, v16;
	_ =	sdelay $0x1  }
0x35e: {  	[tilespmem:v17+s21+$0x0] =	vst.idx.msk $0xffff, v16  }
0x35f: {  	v16 =	vld.idx.msk [tilespmem:v18+s18+$0x0], $0xffff;
	_ =	sdelay $0x1  }
0x360: {  	v17 =	vor.u32 v13, v19  }
0x361: {  	v18 =	vor.u32 v14, v20;
	_ =	sdelay $0x1  }
0x362: {  	v16 =	vmul.f32 $5.656854150e+00, v16;
	_ =	sdelay $0x1  }
0x363: {  	s12 =	simm.s32 $0x2;
	[tilespmem:v17+s21+$0x0] =	vst.idx.msk $0xffff, v16  }
0x364: {  	v16 =	vadd.s32 s12, v0;
	v21 =	vld.idx.msk [tilespmem:v18+s18+$0x0], $0xffff  }
0x365: {  	v18 =	vand.u32 $0xF, v16  }
0x366: {  	v20 =	vor.u32 v15, v19;
	v17 =	vshll.u32 v18, $0x7  }
0x367: {  	v19 =	vor.u32 v0, v17;
	_ =	sdelay $0x1  }
0x368: {  	s11 =	sadd.s32 s5, s11;
	s13 =	simm.s32 $0x4;
	v21 =	vmul.f32 $5.656854150e+00, v21  }
.LBB2_9:
0x369: {  	_ = 	snop  }
0x36a: {  	p0 =	slt.u32 s13, $0xE;
	s16 =	smov.u32 s13;
	s13 =	sadd.s32 $0x2, s13;
	[tilespmem:v20+s21+$0x0] =	vst.idx.msk $0xffff, v21  }
0x36b: {  	v19 =	vld.idx.msk [tilespmem:v19+s18+$0x0], $0xffff;
	_ =	sdelay $0x2  }
0x36c: {  	v20 =	vor.u32 v1, v18  }
0x36d: {  	v21 =	vor.u32 v2, v17;
	_ =	sdelay $0x1  }
0x36e: {  	v19 =	vmul.f32 $5.656854150e+00, v19;
	_ =	sdelay $0x1  }
0x36f: {  	[tilespmem:v20+s21+$0x0] =	vst.idx.msk $0xffff, v19  }
0x370: {  	v19 =	vld.idx.msk [tilespmem:v21+s18+$0x0], $0xffff;
	_ =	sdelay $0x2  }
0x371: {  	v20 =	vor.u32 v3, v18  }
0x372: {  	v21 =	vor.u32 v4, v17;
	_ =	sdelay $0x1  }
0x373: {  	v19 =	vmul.f32 $5.656854150e+00, v19;
	_ =	sdelay $0x1  }
0x374: {  	[tilespmem:v20+s21+$0x0] =	vst.idx.msk $0xffff, v19  }
0x375: {  	v19 =	vld.idx.msk [tilespmem:v21+s18+$0x0], $0xffff;
	_ =	sdelay $0x2  }
0x376: {  	v20 =	vor.u32 v5, v18  }
0x377: {  	v21 =	vor.u32 v6, v17;
	_ =	sdelay $0x1  }
0x378: {  	v19 =	vmul.f32 $5.656854150e+00, v19;
	_ =	sdelay $0x1  }
0x379: {  	[tilespmem:v20+s21+$0x0] =	vst.idx.msk $0xffff, v19  }
0x37a: {  	v19 =	vld.idx.msk [tilespmem:v21+s18+$0x0], $0xffff;
	_ =	sdelay $0x2  }
0x37b: {  	v18 =	vor.u32 v7, v18  }
0x37c: {  	v20 =	vor.u32 v8, v17;
	_ =	sdelay $0x1  }
0x37d: {  	v19 =	vmul.f32 $5.656854150e+00, v19;
	_ =	sdelay $0x1  }
0x37e: {  	[tilespmem:v18+s21+$0x0] =	vst.idx.msk $0xffff, v19  }
0x37f: {  	v18 =	vld.idx.msk [tilespmem:v20+s18+$0x0], $0xffff;
	_ =	sdelay $0x2  }
0x380: {  	v19 =	vor.u32 v9, v16  }
0x381: {  	v20 =	vor.u32 v10, v17;
	_ =	sdelay $0x1  }
0x382: {  	v18 =	vmul.f32 $5.656854150e+00, v18;
	_ =	sdelay $0x1  }
0x383: {  	[tilespmem:v19+s21+$0x0] =	vst.idx.msk $0xffff, v18  }
0x384: {  	v18 =	vld.idx.msk [tilespmem:v20+s18+$0x0], $0xffff;
	_ =	sdelay $0x2  }
0x385: {  	v19 =	vor.u32 v11, v16  }
0x386: {  	v20 =	vor.u32 v12, v17;
	_ =	sdelay $0x1  }
0x387: {  	v18 =	vmul.f32 $5.656854150e+00, v18;
	_ =	sdelay $0x1  }
0x388: {  	[tilespmem:v19+s21+$0x0] =	vst.idx.msk $0xffff, v18  }
0x389: {  	v18 =	vld.idx.msk [tilespmem:v20+s18+$0x0], $0xffff;
	_ =	sdelay $0x2  }
0x38a: {  	v19 =	vor.u32 v13, v16  }
0x38b: {  	v17 =	vor.u32 v14, v17;
	_ =	sdelay $0x1  }
0x38c: {  	v18 =	vmul.f32 $5.656854150e+00, v18;
	_ =	sdelay $0x1  }
0x38d: {  	[tilespmem:v19+s21+$0x0] =	vst.idx.msk $0xffff, v18  }
0x38e: {  	s8 =	sadd.s32 $0x1, s12;
	s12 =	smov.u32 s16;
	v17 =	vld.idx.msk [tilespmem:v17+s18+$0x0], $0xffff  }
0x38f: {  	v19 =	vadd.s32 s8, v0  }
0x390: {  	v18 =	vand.u32 $0xF, v19  }
0x391: {  	v16 =	vor.u32 v15, v16;
	v20 =	vshll.u32 v18, $0x7  }
0x392: {  	v21 =	vor.u32 v0, v20;
	_ =	sdelay $0x1  }
0x393: {  	v17 =	vmul.f32 $5.656854150e+00, v17;
	_ =	sdelay $0x1  }
0x394: {  	[tilespmem:v16+s21+$0x0] =	vst.idx.msk $0xffff, v17  }
0x395: {  	v16 =	vld.idx.msk [tilespmem:v21+s18+$0x0], $0xffff;
	_ =	sdelay $0x2  }
0x396: {  	v17 =	vor.u32 v1, v18  }
0x397: {  	v21 =	vor.u32 v2, v20;
	_ =	sdelay $0x1  }
0x398: {  	v16 =	vmul.f32 $5.656854150e+00, v16;
	_ =	sdelay $0x1  }
0x399: {  	[tilespmem:v17+s21+$0x0] =	vst.idx.msk $0xffff, v16  }
0x39a: {  	v16 =	vld.idx.msk [tilespmem:v21+s18+$0x0], $0xffff;
	_ =	sdelay $0x2  }
0x39b: {  	v17 =	vor.u32 v3, v18  }
0x39c: {  	v21 =	vor.u32 v4, v20;
	_ =	sdelay $0x1  }
0x39d: {  	v16 =	vmul.f32 $5.656854150e+00, v16;
	_ =	sdelay $0x1  }
0x39e: {  	[tilespmem:v17+s21+$0x0] =	vst.idx.msk $0xffff, v16  }
0x39f: {  	v16 =	vld.idx.msk [tilespmem:v21+s18+$0x0], $0xffff;
	_ =	sdelay $0x2  }
0x3a0: {  	v17 =	vor.u32 v5, v18  }
0x3a1: {  	v21 =	vor.u32 v6, v20;
	_ =	sdelay $0x1  }
0x3a2: {  	v16 =	vmul.f32 $5.656854150e+00, v16;
	_ =	sdelay $0x1  }
0x3a3: {  	[tilespmem:v17+s21+$0x0] =	vst.idx.msk $0xffff, v16  }
0x3a4: {  	v16 =	vld.idx.msk [tilespmem:v21+s18+$0x0], $0xffff;
	_ =	sdelay $0x2  }
0x3a5: {  	v17 =	vor.u32 v7, v18  }
0x3a6: {  	v18 =	vor.u32 v8, v20;
	_ =	sdelay $0x1  }
0x3a7: {  	v16 =	vmul.f32 $5.656854150e+00, v16;
	_ =	sdelay $0x1  }
0x3a8: {  	[tilespmem:v17+s21+$0x0] =	vst.idx.msk $0xffff, v16  }
0x3a9: {  	v16 =	vld.idx.msk [tilespmem:v18+s18+$0x0], $0xffff;
	_ =	sdelay $0x2  }
0x3aa: {  	v17 =	vor.u32 v9, v19  }
0x3ab: {  	v18 =	vor.u32 v10, v20;
	_ =	sdelay $0x1  }
0x3ac: {  	v16 =	vmul.f32 $5.656854150e+00, v16;
	_ =	sdelay $0x1  }
0x3ad: {  	[tilespmem:v17+s21+$0x0] =	vst.idx.msk $0xffff, v16  }
0x3ae: {  	v16 =	vld.idx.msk [tilespmem:v18+s18+$0x0], $0xffff;
	_ =	sdelay $0x2  }
0x3af: {  	v17 =	vor.u32 v11, v19  }
0x3b0: {  	v18 =	vor.u32 v12, v20;
	_ =	sdelay $0x1  }
0x3b1: {  	v16 =	vmul.f32 $5.656854150e+00, v16;
	_ =	sdelay $0x1  }
0x3b2: {  	[tilespmem:v17+s21+$0x0] =	vst.idx.msk $0xffff, v16  }
0x3b3: {  	v16 =	vld.idx.msk [tilespmem:v18+s18+$0x0], $0xffff;
	_ =	sdelay $0x2  }
0x3b4: {  	v17 =	vor.u32 v13, v19  }
0x3b5: {  	v18 =	vor.u32 v14, v20;
	_ =	sdelay $0x1  }
0x3b6: {  	v16 =	vmul.f32 $5.656854150e+00, v16;
	_ =	sdelay $0x1  }
0x3b7: {  	[tilespmem:v17+s21+$0x0] =	vst.idx.msk $0xffff, v16  }
0x3b8: {  	v21 =	vld.idx.msk [tilespmem:v18+s18+$0x0], $0xffff  }
0x3b9: {  	v16 =	vadd.s32 s12, v0  }
.Ltmp8:
0x3ba: {  	v18 =	vand.u32 $0xF, v16;
	(pc) =	sbr.rel @p0 .LBB2_9-.Ltmp8, $3  }
0x3bb: {  	v20 =	vor.u32 v15, v19;
	v17 =	vshll.u32 v18, $0x7  }
0x3bc: {  	v19 =	vor.u32 v0, v17;
	_ =	sdelay $0x1  }
0x3bd: {  	v21 =	vmul.f32 $5.656854150e+00, v21  }
0x3be: {  	_ =	sdelay $0x3  }
0x3bf: {  	[tilespmem:v20+s21+$0x0] =	vst.idx.msk $0xffff, v21  }
0x3c0: {  	v19 =	vld.idx.msk [tilespmem:v19+s18+$0x0], $0xffff;
	_ =	sdelay $0x1  }
0x3c1: {  	v40 =	vor.u32 v1, v18  }
0x3c2: {  	v41 =	vor.u32 v2, v17;
	_ =	sdelay $0x1  }
0x3c3: {  	v19 =	vmul.f32 $5.656854150e+00, v19;
	_ =	sdelay $0x1  }
0x3c4: {  	[tilespmem:v40+s21+$0x0] =	vst.idx.msk $0xffff, v19  }
0x3c5: {  	v19 =	vld.idx.msk [tilespmem:v41+s18+$0x0], $0xffff;
	_ =	sdelay $0x1  }
0x3c6: {  	v42 =	vor.u32 v3, v18  }
0x3c7: {  	v43 =	vor.u32 v4, v17;
	_ =	sdelay $0x1  }
0x3c8: {  	v19 =	vmul.f32 $5.656854150e+00, v19;
	_ =	sdelay $0x1  }
0x3c9: {  	[tilespmem:v42+s21+$0x0] =	vst.idx.msk $0xffff, v19  }
0x3ca: {  	v19 =	vld.idx.msk [tilespmem:v43+s18+$0x0], $0xffff;
	_ =	sdelay $0x1  }
0x3cb: {  	v44 =	vor.u32 v5, v18  }
0x3cc: {  	v45 =	vor.u32 v6, v17;
	_ =	sdelay $0x1  }
0x3cd: {  	v19 =	vmul.f32 $5.656854150e+00, v19;
	_ =	sdelay $0x1  }
0x3ce: {  	[tilespmem:v44+s21+$0x0] =	vst.idx.msk $0xffff, v19  }
0x3cf: {  	v19 =	vld.idx.msk [tilespmem:v45+s18+$0x0], $0xffff;
	_ =	sdelay $0x1  }
0x3d0: {  	v46 =	vor.u32 v7, v18  }
0x3d1: {  	v47 =	vor.u32 v8, v17;
	_ =	sdelay $0x1  }
0x3d2: {  	v19 =	vmul.f32 $5.656854150e+00, v19;
	_ =	sdelay $0x1  }
0x3d3: {  	[tilespmem:v46+s21+$0x0] =	vst.idx.msk $0xffff, v19  }
0x3d4: {  	v18 =	vld.idx.msk [tilespmem:v47+s18+$0x0], $0xffff;
	_ =	sdelay $0x1  }
0x3d5: {  	v48 =	vor.u32 v9, v16  }
0x3d6: {  	v49 =	vor.u32 v10, v17;
	_ =	sdelay $0x1  }
0x3d7: {  	v18 =	vmul.f32 $5.656854150e+00, v18;
	_ =	sdelay $0x1  }
0x3d8: {  	[tilespmem:v48+s21+$0x0] =	vst.idx.msk $0xffff, v18  }
0x3d9: {  	v18 =	vld.idx.msk [tilespmem:v49+s18+$0x0], $0xffff;
	_ =	sdelay $0x1  }
0x3da: {  	v50 =	vor.u32 v11, v16  }
0x3db: {  	v51 =	vor.u32 v12, v17;
	_ =	sdelay $0x1  }
0x3dc: {  	v18 =	vmul.f32 $5.656854150e+00, v18;
	_ =	sdelay $0x1  }
0x3dd: {  	[tilespmem:v50+s21+$0x0] =	vst.idx.msk $0xffff, v18  }
0x3de: {  	v18 =	vld.idx.msk [tilespmem:v51+s18+$0x0], $0xffff;
	_ =	sdelay $0x1  }
0x3df: {  	v52 =	vor.u32 v13, v16  }
0x3e0: {  	v17 =	vor.u32 v14, v17;
	_ =	sdelay $0x1  }
0x3e1: {  	v18 =	vmul.f32 $5.656854150e+00, v18;
	_ =	sdelay $0x1  }
0x3e2: {  	s8 =	sadd.s32 $0x1, s12;
	[tilespmem:v52+s21+$0x0] =	vst.idx.msk $0xffff, v18  }
0x3e3: {  	v53 =	vadd.s32 s8, v0;
	v17 =	vld.idx.msk [tilespmem:v17+s18+$0x0], $0xffff  }
0x3e4: {  	v54 =	vand.u32 $0xF, v53  }
0x3e5: {  	v16 =	vor.u32 v15, v16;
	v55 =	vshll.u32 v54, $0x7  }
0x3e6: {  	v56 =	vor.u32 v0, v55;
	_ =	sdelay $0x1  }
0x3e7: {  	v17 =	vmul.f32 $5.656854150e+00, v17;
	_ =	sdelay $0x1  }
0x3e8: {  	[tilespmem:v16+s21+$0x0] =	vst.idx.msk $0xffff, v17  }
0x3e9: {  	v16 =	vld.idx.msk [tilespmem:v56+s18+$0x0], $0xffff;
	_ =	sdelay $0x1  }
0x3ea: {  	v17 =	vor.u32 v1, v54  }
0x3eb: {  	v57 =	vor.u32 v2, v55;
	_ =	sdelay $0x1  }
0x3ec: {  	v16 =	vmul.f32 $5.656854150e+00, v16;
	_ =	sdelay $0x1  }
0x3ed: {  	[tilespmem:v17+s21+$0x0] =	vst.idx.msk $0xffff, v16  }
0x3ee: {  	v16 =	vld.idx.msk [tilespmem:v57+s18+$0x0], $0xffff;
	_ =	sdelay $0x1  }
0x3ef: {  	v17 =	vor.u32 v3, v54  }
0x3f0: {  	v58 =	vor.u32 v4, v55;
	_ =	sdelay $0x1  }
0x3f1: {  	v16 =	vmul.f32 $5.656854150e+00, v16;
	_ =	sdelay $0x1  }
0x3f2: {  	[tilespmem:v17+s21+$0x0] =	vst.idx.msk $0xffff, v16  }
0x3f3: {  	v16 =	vld.idx.msk [tilespmem:v58+s18+$0x0], $0xffff;
	_ =	sdelay $0x1  }
0x3f4: {  	v17 =	vor.u32 v5, v54  }
0x3f5: {  	v59 =	vor.u32 v6, v55;
	_ =	sdelay $0x1  }
0x3f6: {  	v16 =	vmul.f32 $5.656854150e+00, v16;
	_ =	sdelay $0x1  }
0x3f7: {  	[tilespmem:v17+s21+$0x0] =	vst.idx.msk $0xffff, v16  }
0x3f8: {  	v16 =	vld.idx.msk [tilespmem:v59+s18+$0x0], $0xffff;
	_ =	sdelay $0x1  }
0x3f9: {  	v17 =	vor.u32 v7, v54  }
0x3fa: {  	v60 =	vor.u32 v8, v55;
	_ =	sdelay $0x1  }
0x3fb: {  	v16 =	vmul.f32 $5.656854150e+00, v16;
	_ =	sdelay $0x1  }
0x3fc: {  	[tilespmem:v17+s21+$0x0] =	vst.idx.msk $0xffff, v16  }
0x3fd: {  	v16 =	vld.idx.msk [tilespmem:v60+s18+$0x0], $0xffff;
	_ =	sdelay $0x1  }
0x3fe: {  	v17 =	vor.u32 v9, v53  }
0x3ff: {  	v61 =	vor.u32 v10, v55;
	_ =	sdelay $0x1  }
0x400: {  	v16 =	vmul.f32 $5.656854150e+00, v16;
	_ =	sdelay $0x1  }
0x401: {  	[tilespmem:v17+s21+$0x0] =	vst.idx.msk $0xffff, v16  }
0x402: {  	v16 =	vld.idx.msk [tilespmem:v61+s18+$0x0], $0xffff;
	_ =	sdelay $0x1  }
0x403: {  	v17 =	vor.u32 v11, v53  }
0x404: {  	v62 =	vor.u32 v12, v55;
	_ =	sdelay $0x1  }
0x405: {  	v16 =	vmul.f32 $5.656854150e+00, v16;
	_ =	sdelay $0x1  }
0x406: {  	[tilespmem:v17+s21+$0x0] =	vst.idx.msk $0xffff, v16  }
0x407: {  	v16 =	vld.idx.msk [tilespmem:v62+s18+$0x0], $0xffff;
	_ =	sdelay $0x1  }
0x408: {  	v17 =	vor.u32 v13, v53  }
0x409: {  	v63 =	vor.u32 v14, v55;
	_ =	sdelay $0x1  }
0x40a: {  	v16 =	vmul.f32 $5.656854150e+00, v16;
	_ =	sdelay $0x1  }
0x40b: {  	[tilespmem:v17+s21+$0x0] =	vst.idx.msk $0xffff, v16  }
0x40c: {  	v16 =	vld.idx.msk [tilespmem:v63+s18+$0x0], $0xffff;
	_ =	sdelay $0x1  }
0x40d: {  	v17 =	vor.u32 v15, v53  }
0x40e: {  	p0 =	sge.u32 s10, s30  }
.Ltmp9:
0x40f: {  	_ = 	snop;
	(pc) =	sbr.rel @p0 .LBB2_12-.Ltmp9, $4  }
0x410: {  	s16 =	sshll.u32 s11, $0x8;
	v16 =	vmul.f32 $5.656854150e+00, v16  }
0x411: {  	s8 =	sand.u32 $0x1FFFFF00, s16  }
0x412: {  	s8 =	sadd.s32 s3, s8;
	[tilespmem:v17+s21+$0x0] =	vst.idx.msk $0xffff, v16  }
0x413: {  	[hbm4b:s8+s4] =	stream.linear.scatter [tilespmem:s21], [sflag:$0x6], $0x800, $0x38;
	[tilespmem:$0x6000] =	vst v63  }
0x414: {  	s8 =	sshll.u32 s11, $0x6;
	s12 =	sshll.u32 s11, $0x9  }
0x415: {  	s8 =	sand.u32 $0x40, s8;
	s11 =	sand.u32 $0x7FFFFC00, s12  }
0x416: {  	s8 =	sor.u32 s8, s11  }
0x417: {  	s11 =	sadd.s32 $0x800, s8  }
0x418: {  	s11 =	sshrl.u32 s11, $0x3  }
0x419: {  	s11 =	sadd.s32 s2, s11  }
0x41a: {  	[tilespmem:s18], [sflag:$0x2] =	stream.linear.gather [hbm4b:s11+s4], $0x40, $0x38;
	[tilespmem:$0x6000] =	vst v63  }
0x41b: {  	s13 =	simm.s32 $0x1080;
	s12 =	sadd.s32 $0x10, s11  }
0x41c: {  	[tilespmem:s13], [sflag:$0x2] =	stream.linear.gather [hbm4b:s12+s4], $0x40, $0x38;
	[tilespmem:$0x6000] =	vst v63  }
0x41d: {  	s16 =	simm.s32 $0x1100;
	s13 =	sadd.s32 $0x20, s11  }
0x41e: {  	[tilespmem:s16], [sflag:$0x2] =	stream.linear.gather [hbm4b:s13+s4], $0x40, $0x38;
	[tilespmem:$0x6000] =	vst v63  }
0x41f: {  	s13 =	sadd.s32 $0x30, s11;
	s16 =	simm.s32 $0x1180  }
0x420: {  	[tilespmem:s16], [sflag:$0x2] =	stream.linear.gather [hbm4b:s13+s4], $0x40, $0x38;
	[tilespmem:$0x6000] =	vst v63  }
0x421: {  	s13 =	sadd.s32 $0x40, s11;
	s16 =	simm.s32 $0x1200  }
0x422: {  	[tilespmem:s16], [sflag:$0x2] =	stream.linear.gather [hbm4b:s13+s4], $0x40, $0x38;
	[tilespmem:$0x6000] =	vst v63  }
0x423: {  	s13 =	sadd.s32 $0x50, s11;
	s16 =	simm.s32 $0x1280  }
0x424: {  	[tilespmem:s16], [sflag:$0x2] =	stream.linear.gather [hbm4b:s13+s4], $0x40, $0x38;
	[tilespmem:$0x6000] =	vst v63  }
0x425: {  	s13 =	sadd.s32 $0x60, s11;
	s16 =	simm.s32 $0x1300  }
0x426: {  	[tilespmem:s16], [sflag:$0x2] =	stream.linear.gather [hbm4b:s13+s4], $0x40, $0x38;
	[tilespmem:$0x6000] =	vst v63  }
0x427: {  	s11 =	sadd.s32 $0x70, s11;
	s16 =	simm.s32 $0x1380;
	s13 =	sadd.s32 $0x7A1C00, s8  }
0x428: {  	[tilespmem:s16], [sflag:$0x2] =	stream.linear.gather [hbm4b:s11+s4], $0x40, $0x38;
	[tilespmem:$0x6000] =	vst v63  }
0x429: {  	s11 =	sshrl.u32 s13, $0x3  }
0x42a: {  	s16 =	simm.s32 $0x1400;
	s11 =	sadd.s32 s2, s11  }
0x42b: {  	[tilespmem:s16], [sflag:$0x2] =	stream.linear.gather [hbm4b:s11+s4], $0x40, $0x38;
	[tilespmem:$0x6000] =	vst v63  }
0x42c: {  	s13 =	sadd.s32 $0x10, s11;
	s16 =	simm.s32 $0x1480  }
0x42d: {  	[tilespmem:s16], [sflag:$0x2] =	stream.linear.gather [hbm4b:s13+s4], $0x40, $0x38;
	[tilespmem:$0x6000] =	vst v63  }
0x42e: {  	s13 =	sadd.s32 $0x20, s11;
	s16 =	simm.s32 $0x1500  }
0x42f: {  	[tilespmem:s16], [sflag:$0x2] =	stream.linear.gather [hbm4b:s13+s4], $0x40, $0x38;
	[tilespmem:$0x6000] =	vst v63  }
0x430: {  	s13 =	sadd.s32 $0x30, s11;
	s16 =	simm.s32 $0x1580  }
0x431: {  	[tilespmem:s16], [sflag:$0x2] =	stream.linear.gather [hbm4b:s13+s4], $0x40, $0x38;
	[tilespmem:$0x6000] =	vst v63  }
0x432: {  	s13 =	sadd.s32 $0x40, s11;
	s16 =	simm.s32 $0x1600  }
0x433: {  	[tilespmem:s16], [sflag:$0x2] =	stream.linear.gather [hbm4b:s13+s4], $0x40, $0x38;
	[tilespmem:$0x6000] =	vst v63  }
0x434: {  	s13 =	sadd.s32 $0x50, s11;
	s16 =	simm.s32 $0x1680  }
0x435: {  	[tilespmem:s16], [sflag:$0x2] =	stream.linear.gather [hbm4b:s13+s4], $0x40, $0x38;
	[tilespmem:$0x6000] =	vst v63  }
0x436: {  	s13 =	sadd.s32 $0x60, s11;
	s16 =	simm.s32 $0x1700  }
0x437: {  	[tilespmem:s16], [sflag:$0x2] =	stream.linear.gather [hbm4b:s13+s4], $0x40, $0x38;
	[tilespmem:$0x6000] =	vst v63  }
0x438: {  	s11 =	sadd.s32 $0x70, s11;
	s16 =	simm.s32 $0x1780;
	s13 =	sadd.s32 $0xF43000, s8  }
0x439: {  	[tilespmem:s16], [sflag:$0x2] =	stream.linear.gather [hbm4b:s11+s4], $0x40, $0x38;
	[tilespmem:$0x6000] =	vst v63  }
0x43a: {  	s11 =	sshrl.u32 s13, $0x3  }
0x43b: {  	s16 =	simm.s32 $0x1800;
	s11 =	sadd.s32 s2, s11  }
0x43c: {  	[tilespmem:s16], [sflag:$0x2] =	stream.linear.gather [hbm4b:s11+s4], $0x40, $0x38;
	[tilespmem:$0x6000] =	vst v63  }
0x43d: {  	s13 =	sadd.s32 $0x10, s11;
	s16 =	simm.s32 $0x1880  }
0x43e: {  	[tilespmem:s16], [sflag:$0x2] =	stream.linear.gather [hbm4b:s13+s4], $0x40, $0x38;
	[tilespmem:$0x6000] =	vst v63  }
0x43f: {  	s13 =	sadd.s32 $0x20, s11;
	s16 =	simm.s32 $0x1900  }
0x440: {  	[tilespmem:s16], [sflag:$0x2] =	stream.linear.gather [hbm4b:s13+s4], $0x40, $0x38;
	[tilespmem:$0x6000] =	vst v63  }
0x441: {  	s13 =	sadd.s32 $0x30, s11;
	s16 =	simm.s32 $0x1980  }
0x442: {  	[tilespmem:s16], [sflag:$0x2] =	stream.linear.gather [hbm4b:s13+s4], $0x40, $0x38;
	[tilespmem:$0x6000] =	vst v63  }
0x443: {  	s13 =	sadd.s32 $0x40, s11;
	s16 =	simm.s32 $0x1A00  }
0x444: {  	[tilespmem:s16], [sflag:$0x2] =	stream.linear.gather [hbm4b:s13+s4], $0x40, $0x38;
	[tilespmem:$0x6000] =	vst v63  }
0x445: {  	s13 =	sadd.s32 $0x50, s11;
	s16 =	simm.s32 $0x1A80  }
0x446: {  	[tilespmem:s16], [sflag:$0x2] =	stream.linear.gather [hbm4b:s13+s4], $0x40, $0x38;
	[tilespmem:$0x6000] =	vst v63  }
0x447: {  	s8 =	sadd.s32 $0x16E4400, s8;
	s13 =	sadd.s32 $0x60, s11;
	s16 =	simm.s32 $0x1B00  }
0x448: {  	[tilespmem:s16], [sflag:$0x2] =	stream.linear.gather [hbm4b:s13+s4], $0x40, $0x38;
	[tilespmem:$0x6000] =	vst v63  }
0x449: {  	s8 =	sshrl.u32 s8, $0x3;
	s11 =	sadd.s32 $0x70, s11;
	s16 =	simm.s32 $0x1B80  }
0x44a: {  	[tilespmem:s16], [sflag:$0x2] =	stream.linear.gather [hbm4b:s11+s4], $0x40, $0x38;
	[tilespmem:$0x6000] =	vst v63  }
0x44b: {  	s12 =	simm.s32 $0x1C00;
	s8 =	sadd.s32 s2, s8  }
0x44c: {  	[tilespmem:s12], [sflag:$0x2] =	stream.linear.gather [hbm4b:s8+s4], $0x40, $0x38;
	[tilespmem:$0x6000] =	vst v63  }
0x44d: {  	s13 =	sadd.s32 $0x10, s8;
	s16 =	simm.s32 $0x1C80  }
0x44e: {  	[tilespmem:s16], [sflag:$0x2] =	stream.linear.gather [hbm4b:s13+s4], $0x40, $0x38;
	[tilespmem:$0x6000] =	vst v63  }
0x44f: {  	s13 =	sadd.s32 $0x20, s8;
	s16 =	simm.s32 $0x1D00  }
0x450: {  	[tilespmem:s16], [sflag:$0x2] =	stream.linear.gather [hbm4b:s13+s4], $0x40, $0x38;
	[tilespmem:$0x6000] =	vst v63  }
0x451: {  	s13 =	sadd.s32 $0x30, s8;
	s16 =	simm.s32 $0x1D80  }
0x452: {  	[tilespmem:s16], [sflag:$0x2] =	stream.linear.gather [hbm4b:s13+s4], $0x40, $0x38;
	[tilespmem:$0x6000] =	vst v63  }
0x453: {  	s13 =	sadd.s32 $0x40, s8;
	s16 =	simm.s32 $0x1E00  }
0x454: {  	[tilespmem:s16], [sflag:$0x2] =	stream.linear.gather [hbm4b:s13+s4], $0x40, $0x38;
	[tilespmem:$0x6000] =	vst v63  }
0x455: {  	s13 =	sadd.s32 $0x50, s8;
	s16 =	simm.s32 $0x1E80  }
0x456: {  	[tilespmem:s16], [sflag:$0x2] =	stream.linear.gather [hbm4b:s13+s4], $0x40, $0x38;
	[tilespmem:$0x6000] =	vst v63  }
0x457: {  	s12 =	sadd.s32 $0x60, s8;
	s13 =	simm.s32 $0x1F00  }
0x458: {  	[tilespmem:s13], [sflag:$0x2] =	stream.linear.gather [hbm4b:s12+s4], $0x40, $0x38;
	[tilespmem:$0x6000] =	vst v63  }
0x459: {  	s8 =	sadd.s32 $0x70, s8;
	s16 =	simm.s32 $0x1F80  }
0x45a: {  	[tilespmem:s16], [sflag:$0x2] =	stream.linear.gather [hbm4b:s8+s4], $0x40, $0x38;
	[tilespmem:$0x6000] =	vst v63  }
.LBB2_12:
0x45b: {  	s11 =	sor.u32 $0x2, s10  }
0x45c: {  	p0 =	sge.u32 s11, s6  }
.Ltmp10:
0x45d: {  	_ = 	snop;
	(pc) =	sbr.rel @p0 .LBB2_17-.Ltmp10, $1  }
0x45e: {  	_ =	sdelay $0x3  }
0x45f: {  	_ =	swait.ge [sflag:s22], $0x200  }
0x460: {  	[sflag:s22] =	ssyncset.done $0x0  }
0x461: {  	[sflag:s22] =	ssyncadd.s32 $0xFFFFFE00  }
0x462: {  	_ =	swait.ge [sflag:s22], $0x200  }
0x463: {  	[sflag:s22] =	ssyncset.done $0x0  }
0x464: {  	[sflag:s22] =	ssyncadd.s32 $0xFFFFFE00  }
0x465: {  	s8 =	simm.s32 $0x0;
	_ =	swait.ge [sflag:s22], $0x200  }
0x466: {  	v16 =	vadd.s32 s8, v0;
	[sflag:s22] =	ssyncset.done $0x0  }
0x467: {  	v17 =	vand.u32 $0xF, v16;
	[sflag:s22] =	ssyncadd.s32 $0xFFFFFE00  }
0x468: {  	v18 =	vshll.u32 v17, $0x7;
	_ =	swait.ge [sflag:s22], $0x200  }
0x469: {  	p0 =	seq.s32 s9, $0x0;
	v19 =	vor.u32 v0, v18;
	[sflag:s22] =	ssyncset.done $0x0  }
0x46a: {  	s8 =	simm.s32 @!p0 $0x7;
	[sflag:s22] =	ssyncadd.s32 $0xFFFFFE00  }
0x46b: {  	_ =	swait.ge @!p0 [sflag:s8], $0x800  }
0x46c: {  	[sflag:s8] =	ssyncset.done @!p0 $0x0  }
0x46d: {  	[sflag:s8] =	ssyncadd.s32 @!p0 $0xFFFFF800  }
0x46e: {  	v19 =	vld.idx.msk [tilespmem:v19+s15+$0x0], $0xffff;
	_ =	sdelay $0x1  }
0x46f: {  	v20 =	vor.u32 v1, v17  }
0x470: {  	v21 =	vor.u32 v2, v18;
	_ =	sdelay $0x1  }
0x471: {  	v19 =	vmul.f32 $5.656854150e+00, v19;
	_ =	sdelay $0x1  }
0x472: {  	[tilespmem:v20+s0+$0x0] =	vst.idx.msk $0xffff, v19  }
0x473: {  	v19 =	vld.idx.msk [tilespmem:v21+s15+$0x0], $0xffff;
	_ =	sdelay $0x1  }
0x474: {  	v20 =	vor.u32 v3, v17  }
0x475: {  	v21 =	vor.u32 v4, v18;
	_ =	sdelay $0x1  }
0x476: {  	v19 =	vmul.f32 $5.656854150e+00, v19;
	_ =	sdelay $0x1  }
0x477: {  	[tilespmem:v20+s0+$0x0] =	vst.idx.msk $0xffff, v19  }
0x478: {  	v19 =	vld.idx.msk [tilespmem:v21+s15+$0x0], $0xffff;
	_ =	sdelay $0x1  }
0x479: {  	v20 =	vor.u32 v5, v17  }
0x47a: {  	v21 =	vor.u32 v6, v18;
	_ =	sdelay $0x1  }
0x47b: {  	v19 =	vmul.f32 $5.656854150e+00, v19;
	_ =	sdelay $0x1  }
0x47c: {  	[tilespmem:v20+s0+$0x0] =	vst.idx.msk $0xffff, v19  }
0x47d: {  	v19 =	vld.idx.msk [tilespmem:v21+s15+$0x0], $0xffff;
	_ =	sdelay $0x1  }
0x47e: {  	v17 =	vor.u32 v7, v17  }
0x47f: {  	v20 =	vor.u32 v8, v18;
	_ =	sdelay $0x1  }
0x480: {  	v19 =	vmul.f32 $5.656854150e+00, v19;
	_ =	sdelay $0x1  }
0x481: {  	[tilespmem:v17+s0+$0x0] =	vst.idx.msk $0xffff, v19  }
0x482: {  	v17 =	vld.idx.msk [tilespmem:v20+s15+$0x0], $0xffff;
	_ =	sdelay $0x1  }
0x483: {  	v19 =	vor.u32 v9, v16  }
0x484: {  	v20 =	vor.u32 v10, v18;
	_ =	sdelay $0x1  }
0x485: {  	v17 =	vmul.f32 $5.656854150e+00, v17;
	_ =	sdelay $0x1  }
0x486: {  	[tilespmem:v19+s0+$0x0] =	vst.idx.msk $0xffff, v17  }
0x487: {  	v17 =	vld.idx.msk [tilespmem:v20+s15+$0x0], $0xffff;
	_ =	sdelay $0x1  }
0x488: {  	v19 =	vor.u32 v11, v16  }
0x489: {  	v20 =	vor.u32 v12, v18;
	_ =	sdelay $0x1  }
0x48a: {  	v17 =	vmul.f32 $5.656854150e+00, v17;
	_ =	sdelay $0x1  }
0x48b: {  	[tilespmem:v19+s0+$0x0] =	vst.idx.msk $0xffff, v17  }
0x48c: {  	v17 =	vld.idx.msk [tilespmem:v20+s15+$0x0], $0xffff;
	_ =	sdelay $0x1  }
0x48d: {  	v19 =	vor.u32 v13, v16  }
0x48e: {  	v18 =	vor.u32 v14, v18;
	_ =	sdelay $0x1  }
0x48f: {  	v17 =	vmul.f32 $5.656854150e+00, v17;
	_ =	sdelay $0x1  }
0x490: {  	s16 =	simm.s32 $0x1;
	[tilespmem:v19+s0+$0x0] =	vst.idx.msk $0xffff, v17  }
0x491: {  	v19 =	vadd.s32 s16, v0;
	v17 =	vld.idx.msk [tilespmem:v18+s15+$0x0], $0xffff  }
0x492: {  	v18 =	vand.u32 $0xF, v19  }
0x493: {  	v16 =	vor.u32 v15, v16;
	v20 =	vshll.u32 v18, $0x7  }
0x494: {  	v21 =	vor.u32 v0, v20;
	_ =	sdelay $0x1  }
0x495: {  	v17 =	vmul.f32 $5.656854150e+00, v17;
	_ =	sdelay $0x1  }
0x496: {  	[tilespmem:v16+s0+$0x0] =	vst.idx.msk $0xffff, v17  }
0x497: {  	v16 =	vld.idx.msk [tilespmem:v21+s15+$0x0], $0xffff;
	_ =	sdelay $0x1  }
0x498: {  	v17 =	vor.u32 v1, v18  }
0x499: {  	v21 =	vor.u32 v2, v20;
	_ =	sdelay $0x1  }
0x49a: {  	v16 =	vmul.f32 $5.656854150e+00, v16;
	_ =	sdelay $0x1  }
0x49b: {  	[tilespmem:v17+s0+$0x0] =	vst.idx.msk $0xffff, v16  }
0x49c: {  	v16 =	vld.idx.msk [tilespmem:v21+s15+$0x0], $0xffff;
	_ =	sdelay $0x1  }
0x49d: {  	v17 =	vor.u32 v3, v18  }
0x49e: {  	v21 =	vor.u32 v4, v20;
	_ =	sdelay $0x1  }
0x49f: {  	v16 =	vmul.f32 $5.656854150e+00, v16;
	_ =	sdelay $0x1  }
0x4a0: {  	[tilespmem:v17+s0+$0x0] =	vst.idx.msk $0xffff, v16  }
0x4a1: {  	v16 =	vld.idx.msk [tilespmem:v21+s15+$0x0], $0xffff;
	_ =	sdelay $0x1  }
0x4a2: {  	v17 =	vor.u32 v5, v18  }
0x4a3: {  	v21 =	vor.u32 v6, v20;
	_ =	sdelay $0x1  }
0x4a4: {  	v16 =	vmul.f32 $5.656854150e+00, v16;
	_ =	sdelay $0x1  }
0x4a5: {  	[tilespmem:v17+s0+$0x0] =	vst.idx.msk $0xffff, v16  }
0x4a6: {  	v16 =	vld.idx.msk [tilespmem:v21+s15+$0x0], $0xffff;
	_ =	sdelay $0x1  }
0x4a7: {  	v17 =	vor.u32 v7, v18  }
0x4a8: {  	v18 =	vor.u32 v8, v20;
	_ =	sdelay $0x1  }
0x4a9: {  	v16 =	vmul.f32 $5.656854150e+00, v16;
	_ =	sdelay $0x1  }
0x4aa: {  	[tilespmem:v17+s0+$0x0] =	vst.idx.msk $0xffff, v16  }
0x4ab: {  	v16 =	vld.idx.msk [tilespmem:v18+s15+$0x0], $0xffff;
	_ =	sdelay $0x1  }
0x4ac: {  	v17 =	vor.u32 v9, v19  }
0x4ad: {  	v18 =	vor.u32 v10, v20;
	_ =	sdelay $0x1  }
0x4ae: {  	v16 =	vmul.f32 $5.656854150e+00, v16;
	_ =	sdelay $0x1  }
0x4af: {  	[tilespmem:v17+s0+$0x0] =	vst.idx.msk $0xffff, v16  }
0x4b0: {  	v16 =	vld.idx.msk [tilespmem:v18+s15+$0x0], $0xffff;
	_ =	sdelay $0x1  }
0x4b1: {  	v17 =	vor.u32 v11, v19  }
0x4b2: {  	v18 =	vor.u32 v12, v20;
	_ =	sdelay $0x1  }
0x4b3: {  	v16 =	vmul.f32 $5.656854150e+00, v16;
	_ =	sdelay $0x1  }
0x4b4: {  	[tilespmem:v17+s0+$0x0] =	vst.idx.msk $0xffff, v16  }
0x4b5: {  	v16 =	vld.idx.msk [tilespmem:v18+s15+$0x0], $0xffff;
	_ =	sdelay $0x1  }
0x4b6: {  	v17 =	vor.u32 v13, v19  }
0x4b7: {  	v18 =	vor.u32 v14, v20;
	_ =	sdelay $0x1  }
0x4b8: {  	v16 =	vmul.f32 $5.656854150e+00, v16;
	_ =	sdelay $0x1  }
0x4b9: {  	s12 =	simm.s32 $0x2;
	[tilespmem:v17+s0+$0x0] =	vst.idx.msk $0xffff, v16  }
0x4ba: {  	v16 =	vadd.s32 s12, v0;
	v21 =	vld.idx.msk [tilespmem:v18+s15+$0x0], $0xffff  }
0x4bb: {  	v18 =	vand.u32 $0xF, v16  }
0x4bc: {  	v20 =	vor.u32 v15, v19;
	v17 =	vshll.u32 v18, $0x7  }
0x4bd: {  	v19 =	vor.u32 v0, v17;
	_ =	sdelay $0x1  }
0x4be: {  	s11 =	sadd.s32 s5, s11;
	s13 =	simm.s32 $0x4;
	v21 =	vmul.f32 $5.656854150e+00, v21  }
.LBB2_14:
0x4bf: {  	_ = 	snop  }
0x4c0: {  	p0 =	slt.u32 s13, $0xE;
	s16 =	smov.u32 s13;
	s13 =	sadd.s32 $0x2, s13;
	[tilespmem:v20+s0+$0x0] =	vst.idx.msk $0xffff, v21  }
0x4c1: {  	v19 =	vld.idx.msk [tilespmem:v19+s15+$0x0], $0xffff;
	_ =	sdelay $0x2  }
0x4c2: {  	v20 =	vor.u32 v1, v18  }
0x4c3: {  	v21 =	vor.u32 v2, v17;
	_ =	sdelay $0x1  }
0x4c4: {  	v19 =	vmul.f32 $5.656854150e+00, v19;
	_ =	sdelay $0x1  }
0x4c5: {  	[tilespmem:v20+s0+$0x0] =	vst.idx.msk $0xffff, v19  }
0x4c6: {  	v19 =	vld.idx.msk [tilespmem:v21+s15+$0x0], $0xffff;
	_ =	sdelay $0x2  }
0x4c7: {  	v20 =	vor.u32 v3, v18  }
0x4c8: {  	v21 =	vor.u32 v4, v17;
	_ =	sdelay $0x1  }
0x4c9: {  	v19 =	vmul.f32 $5.656854150e+00, v19;
	_ =	sdelay $0x1  }
0x4ca: {  	[tilespmem:v20+s0+$0x0] =	vst.idx.msk $0xffff, v19  }
0x4cb: {  	v19 =	vld.idx.msk [tilespmem:v21+s15+$0x0], $0xffff;
	_ =	sdelay $0x2  }
0x4cc: {  	v20 =	vor.u32 v5, v18  }
0x4cd: {  	v21 =	vor.u32 v6, v17;
	_ =	sdelay $0x1  }
0x4ce: {  	v19 =	vmul.f32 $5.656854150e+00, v19;
	_ =	sdelay $0x1  }
0x4cf: {  	[tilespmem:v20+s0+$0x0] =	vst.idx.msk $0xffff, v19  }
0x4d0: {  	v19 =	vld.idx.msk [tilespmem:v21+s15+$0x0], $0xffff;
	_ =	sdelay $0x2  }
0x4d1: {  	v18 =	vor.u32 v7, v18  }
0x4d2: {  	v20 =	vor.u32 v8, v17;
	_ =	sdelay $0x1  }
0x4d3: {  	v19 =	vmul.f32 $5.656854150e+00, v19;
	_ =	sdelay $0x1  }
0x4d4: {  	[tilespmem:v18+s0+$0x0] =	vst.idx.msk $0xffff, v19  }
0x4d5: {  	v18 =	vld.idx.msk [tilespmem:v20+s15+$0x0], $0xffff;
	_ =	sdelay $0x2  }
0x4d6: {  	v19 =	vor.u32 v9, v16  }
0x4d7: {  	v20 =	vor.u32 v10, v17;
	_ =	sdelay $0x1  }
0x4d8: {  	v18 =	vmul.f32 $5.656854150e+00, v18;
	_ =	sdelay $0x1  }
0x4d9: {  	[tilespmem:v19+s0+$0x0] =	vst.idx.msk $0xffff, v18  }
0x4da: {  	v18 =	vld.idx.msk [tilespmem:v20+s15+$0x0], $0xffff;
	_ =	sdelay $0x2  }
0x4db: {  	v19 =	vor.u32 v11, v16  }
0x4dc: {  	v20 =	vor.u32 v12, v17;
	_ =	sdelay $0x1  }
0x4dd: {  	v18 =	vmul.f32 $5.656854150e+00, v18;
	_ =	sdelay $0x1  }
0x4de: {  	[tilespmem:v19+s0+$0x0] =	vst.idx.msk $0xffff, v18  }
0x4df: {  	v18 =	vld.idx.msk [tilespmem:v20+s15+$0x0], $0xffff;
	_ =	sdelay $0x2  }
0x4e0: {  	v19 =	vor.u32 v13, v16  }
0x4e1: {  	v17 =	vor.u32 v14, v17;
	_ =	sdelay $0x1  }
0x4e2: {  	v18 =	vmul.f32 $5.656854150e+00, v18;
	_ =	sdelay $0x1  }
0x4e3: {  	[tilespmem:v19+s0+$0x0] =	vst.idx.msk $0xffff, v18  }
0x4e4: {  	s8 =	sadd.s32 $0x1, s12;
	s12 =	smov.u32 s16;
	v17 =	vld.idx.msk [tilespmem:v17+s15+$0x0], $0xffff  }
0x4e5: {  	v19 =	vadd.s32 s8, v0  }
0x4e6: {  	v18 =	vand.u32 $0xF, v19  }
0x4e7: {  	v16 =	vor.u32 v15, v16;
	v20 =	vshll.u32 v18, $0x7  }
0x4e8: {  	v21 =	vor.u32 v0, v20;
	_ =	sdelay $0x1  }
0x4e9: {  	v17 =	vmul.f32 $5.656854150e+00, v17;
	_ =	sdelay $0x1  }
0x4ea: {  	[tilespmem:v16+s0+$0x0] =	vst.idx.msk $0xffff, v17  }
0x4eb: {  	v16 =	vld.idx.msk [tilespmem:v21+s15+$0x0], $0xffff;
	_ =	sdelay $0x2  }
0x4ec: {  	v17 =	vor.u32 v1, v18  }
0x4ed: {  	v21 =	vor.u32 v2, v20;
	_ =	sdelay $0x1  }
0x4ee: {  	v16 =	vmul.f32 $5.656854150e+00, v16;
	_ =	sdelay $0x1  }
0x4ef: {  	[tilespmem:v17+s0+$0x0] =	vst.idx.msk $0xffff, v16  }
0x4f0: {  	v16 =	vld.idx.msk [tilespmem:v21+s15+$0x0], $0xffff;
	_ =	sdelay $0x2  }
0x4f1: {  	v17 =	vor.u32 v3, v18  }
0x4f2: {  	v21 =	vor.u32 v4, v20;
	_ =	sdelay $0x1  }
0x4f3: {  	v16 =	vmul.f32 $5.656854150e+00, v16;
	_ =	sdelay $0x1  }
0x4f4: {  	[tilespmem:v17+s0+$0x0] =	vst.idx.msk $0xffff, v16  }
0x4f5: {  	v16 =	vld.idx.msk [tilespmem:v21+s15+$0x0], $0xffff;
	_ =	sdelay $0x2  }
0x4f6: {  	v17 =	vor.u32 v5, v18  }
0x4f7: {  	v21 =	vor.u32 v6, v20;
	_ =	sdelay $0x1  }
0x4f8: {  	v16 =	vmul.f32 $5.656854150e+00, v16;
	_ =	sdelay $0x1  }
0x4f9: {  	[tilespmem:v17+s0+$0x0] =	vst.idx.msk $0xffff, v16  }
0x4fa: {  	v16 =	vld.idx.msk [tilespmem:v21+s15+$0x0], $0xffff;
	_ =	sdelay $0x2  }
0x4fb: {  	v17 =	vor.u32 v7, v18  }
0x4fc: {  	v18 =	vor.u32 v8, v20;
	_ =	sdelay $0x1  }
0x4fd: {  	v16 =	vmul.f32 $5.656854150e+00, v16;
	_ =	sdelay $0x1  }
0x4fe: {  	[tilespmem:v17+s0+$0x0] =	vst.idx.msk $0xffff, v16  }
0x4ff: {  	v16 =	vld.idx.msk [tilespmem:v18+s15+$0x0], $0xffff;
	_ =	sdelay $0x2  }
0x500: {  	v17 =	vor.u32 v9, v19  }
0x501: {  	v18 =	vor.u32 v10, v20;
	_ =	sdelay $0x1  }
0x502: {  	v16 =	vmul.f32 $5.656854150e+00, v16;
	_ =	sdelay $0x1  }
0x503: {  	[tilespmem:v17+s0+$0x0] =	vst.idx.msk $0xffff, v16  }
0x504: {  	v16 =	vld.idx.msk [tilespmem:v18+s15+$0x0], $0xffff;
	_ =	sdelay $0x2  }
0x505: {  	v17 =	vor.u32 v11, v19  }
0x506: {  	v18 =	vor.u32 v12, v20;
	_ =	sdelay $0x1  }
0x507: {  	v16 =	vmul.f32 $5.656854150e+00, v16;
	_ =	sdelay $0x1  }
0x508: {  	[tilespmem:v17+s0+$0x0] =	vst.idx.msk $0xffff, v16  }
0x509: {  	v16 =	vld.idx.msk [tilespmem:v18+s15+$0x0], $0xffff;
	_ =	sdelay $0x2  }
0x50a: {  	v17 =	vor.u32 v13, v19  }
0x50b: {  	v18 =	vor.u32 v14, v20;
	_ =	sdelay $0x1  }
0x50c: {  	v16 =	vmul.f32 $5.656854150e+00, v16;
	_ =	sdelay $0x1  }
0x50d: {  	[tilespmem:v17+s0+$0x0] =	vst.idx.msk $0xffff, v16  }
0x50e: {  	v21 =	vld.idx.msk [tilespmem:v18+s15+$0x0], $0xffff  }
0x50f: {  	v16 =	vadd.s32 s12, v0  }
.Ltmp11:
0x510: {  	v18 =	vand.u32 $0xF, v16;
	(pc) =	sbr.rel @p0 .LBB2_14-.Ltmp11, $3  }
0x511: {  	v20 =	vor.u32 v15, v19;
	v17 =	vshll.u32 v18, $0x7  }
0x512: {  	v19 =	vor.u32 v0, v17;
	_ =	sdelay $0x1  }
0x513: {  	v21 =	vmul.f32 $5.656854150e+00, v21  }
0x514: {  	_ =	sdelay $0x3  }
0x515: {  	[tilespmem:v20+s0+$0x0] =	vst.idx.msk $0xffff, v21  }
0x516: {  	v19 =	vld.idx.msk [tilespmem:v19+s15+$0x0], $0xffff;
	_ =	sdelay $0x1  }
0x517: {  	v40 =	vor.u32 v1, v18  }
0x518: {  	v41 =	vor.u32 v2, v17;
	_ =	sdelay $0x1  }
0x519: {  	v19 =	vmul.f32 $5.656854150e+00, v19;
	_ =	sdelay $0x1  }
0x51a: {  	[tilespmem:v40+s0+$0x0] =	vst.idx.msk $0xffff, v19  }
0x51b: {  	v19 =	vld.idx.msk [tilespmem:v41+s15+$0x0], $0xffff;
	_ =	sdelay $0x1  }
0x51c: {  	v42 =	vor.u32 v3, v18  }
0x51d: {  	v43 =	vor.u32 v4, v17;
	_ =	sdelay $0x1  }
0x51e: {  	v19 =	vmul.f32 $5.656854150e+00, v19;
	_ =	sdelay $0x1  }
0x51f: {  	[tilespmem:v42+s0+$0x0] =	vst.idx.msk $0xffff, v19  }
0x520: {  	v19 =	vld.idx.msk [tilespmem:v43+s15+$0x0], $0xffff;
	_ =	sdelay $0x1  }
0x521: {  	v44 =	vor.u32 v5, v18  }
0x522: {  	v45 =	vor.u32 v6, v17;
	_ =	sdelay $0x1  }
0x523: {  	v19 =	vmul.f32 $5.656854150e+00, v19;
	_ =	sdelay $0x1  }
0x524: {  	[tilespmem:v44+s0+$0x0] =	vst.idx.msk $0xffff, v19  }
0x525: {  	v19 =	vld.idx.msk [tilespmem:v45+s15+$0x0], $0xffff;
	_ =	sdelay $0x1  }
0x526: {  	v46 =	vor.u32 v7, v18  }
0x527: {  	v47 =	vor.u32 v8, v17;
	_ =	sdelay $0x1  }
0x528: {  	v19 =	vmul.f32 $5.656854150e+00, v19;
	_ =	sdelay $0x1  }
0x529: {  	[tilespmem:v46+s0+$0x0] =	vst.idx.msk $0xffff, v19  }
0x52a: {  	v18 =	vld.idx.msk [tilespmem:v47+s15+$0x0], $0xffff;
	_ =	sdelay $0x1  }
0x52b: {  	v48 =	vor.u32 v9, v16  }
0x52c: {  	v49 =	vor.u32 v10, v17;
	_ =	sdelay $0x1  }
0x52d: {  	v18 =	vmul.f32 $5.656854150e+00, v18;
	_ =	sdelay $0x1  }
0x52e: {  	[tilespmem:v48+s0+$0x0] =	vst.idx.msk $0xffff, v18  }
0x52f: {  	v18 =	vld.idx.msk [tilespmem:v49+s15+$0x0], $0xffff;
	_ =	sdelay $0x1  }
0x530: {  	v50 =	vor.u32 v11, v16  }
0x531: {  	v51 =	vor.u32 v12, v17;
	_ =	sdelay $0x1  }
0x532: {  	v18 =	vmul.f32 $5.656854150e+00, v18;
	_ =	sdelay $0x1  }
0x533: {  	[tilespmem:v50+s0+$0x0] =	vst.idx.msk $0xffff, v18  }
0x534: {  	v18 =	vld.idx.msk [tilespmem:v51+s15+$0x0], $0xffff;
	_ =	sdelay $0x1  }
0x535: {  	v52 =	vor.u32 v13, v16  }
0x536: {  	v17 =	vor.u32 v14, v17;
	_ =	sdelay $0x1  }
0x537: {  	v18 =	vmul.f32 $5.656854150e+00, v18;
	_ =	sdelay $0x1  }
0x538: {  	s8 =	sadd.s32 $0x1, s12;
	[tilespmem:v52+s0+$0x0] =	vst.idx.msk $0xffff, v18  }
0x539: {  	v53 =	vadd.s32 s8, v0;
	v17 =	vld.idx.msk [tilespmem:v17+s15+$0x0], $0xffff  }
0x53a: {  	v54 =	vand.u32 $0xF, v53  }
0x53b: {  	v16 =	vor.u32 v15, v16;
	v55 =	vshll.u32 v54, $0x7  }
0x53c: {  	v56 =	vor.u32 v0, v55;
	_ =	sdelay $0x1  }
0x53d: {  	v17 =	vmul.f32 $5.656854150e+00, v17;
	_ =	sdelay $0x1  }
0x53e: {  	[tilespmem:v16+s0+$0x0] =	vst.idx.msk $0xffff, v17  }
0x53f: {  	v16 =	vld.idx.msk [tilespmem:v56+s15+$0x0], $0xffff;
	_ =	sdelay $0x1  }
0x540: {  	v17 =	vor.u32 v1, v54  }
0x541: {  	v57 =	vor.u32 v2, v55;
	_ =	sdelay $0x1  }
0x542: {  	v16 =	vmul.f32 $5.656854150e+00, v16;
	_ =	sdelay $0x1  }
0x543: {  	[tilespmem:v17+s0+$0x0] =	vst.idx.msk $0xffff, v16  }
0x544: {  	v16 =	vld.idx.msk [tilespmem:v57+s15+$0x0], $0xffff;
	_ =	sdelay $0x1  }
0x545: {  	v17 =	vor.u32 v3, v54  }
0x546: {  	v58 =	vor.u32 v4, v55;
	_ =	sdelay $0x1  }
0x547: {  	v16 =	vmul.f32 $5.656854150e+00, v16;
	_ =	sdelay $0x1  }
0x548: {  	[tilespmem:v17+s0+$0x0] =	vst.idx.msk $0xffff, v16  }
0x549: {  	v16 =	vld.idx.msk [tilespmem:v58+s15+$0x0], $0xffff;
	_ =	sdelay $0x1  }
0x54a: {  	v17 =	vor.u32 v5, v54  }
0x54b: {  	v59 =	vor.u32 v6, v55;
	_ =	sdelay $0x1  }
0x54c: {  	v16 =	vmul.f32 $5.656854150e+00, v16;
	_ =	sdelay $0x1  }
0x54d: {  	[tilespmem:v17+s0+$0x0] =	vst.idx.msk $0xffff, v16  }
0x54e: {  	v16 =	vld.idx.msk [tilespmem:v59+s15+$0x0], $0xffff;
	_ =	sdelay $0x1  }
0x54f: {  	v17 =	vor.u32 v7, v54  }
0x550: {  	v60 =	vor.u32 v8, v55;
	_ =	sdelay $0x1  }
0x551: {  	v16 =	vmul.f32 $5.656854150e+00, v16;
	_ =	sdelay $0x1  }
0x552: {  	[tilespmem:v17+s0+$0x0] =	vst.idx.msk $0xffff, v16  }
0x553: {  	v16 =	vld.idx.msk [tilespmem:v60+s15+$0x0], $0xffff;
	_ =	sdelay $0x1  }
0x554: {  	v17 =	vor.u32 v9, v53  }
0x555: {  	v61 =	vor.u32 v10, v55;
	_ =	sdelay $0x1  }
0x556: {  	v16 =	vmul.f32 $5.656854150e+00, v16;
	_ =	sdelay $0x1  }
0x557: {  	[tilespmem:v17+s0+$0x0] =	vst.idx.msk $0xffff, v16  }
0x558: {  	v16 =	vld.idx.msk [tilespmem:v61+s15+$0x0], $0xffff;
	_ =	sdelay $0x1  }
0x559: {  	v17 =	vor.u32 v11, v53  }
0x55a: {  	v62 =	vor.u32 v12, v55;
	_ =	sdelay $0x1  }
0x55b: {  	v16 =	vmul.f32 $5.656854150e+00, v16;
	_ =	sdelay $0x1  }
0x55c: {  	[tilespmem:v17+s0+$0x0] =	vst.idx.msk $0xffff, v16  }
0x55d: {  	v16 =	vld.idx.msk [tilespmem:v62+s15+$0x0], $0xffff;
	_ =	sdelay $0x1  }
0x55e: {  	v17 =	vor.u32 v13, v53  }
0x55f: {  	v63 =	vor.u32 v14, v55;
	_ =	sdelay $0x1  }
0x560: {  	v16 =	vmul.f32 $5.656854150e+00, v16;
	_ =	sdelay $0x1  }
0x561: {  	[tilespmem:v17+s0+$0x0] =	vst.idx.msk $0xffff, v16  }
0x562: {  	v16 =	vld.idx.msk [tilespmem:v63+s15+$0x0], $0xffff;
	_ =	sdelay $0x1  }
0x563: {  	v17 =	vor.u32 v15, v53  }
0x564: {  	p0 =	sge.u32 s10, s31  }
.Ltmp12:
0x565: {  	_ = 	snop;
	(pc) =	sbr.rel @p0 .LBB2_17-.Ltmp12, $4  }
0x566: {  	s16 =	sshll.u32 s11, $0x8;
	v16 =	vmul.f32 $5.656854150e+00, v16  }
0x567: {  	s8 =	sand.u32 $0x1FFFFF00, s16  }
0x568: {  	s8 =	sadd.s32 s3, s8;
	[tilespmem:v17+s0+$0x0] =	vst.idx.msk $0xffff, v16  }
0x569: {  	[hbm4b:s8+s4] =	stream.linear.scatter [tilespmem:s0], [sflag:$0x7], $0x800, $0x38;
	[tilespmem:$0x6000] =	vst v63  }
0x56a: {  	s8 =	sshll.u32 s11, $0x9  }
0x56b: {  	s8 =	sand.u32 $0x7FFFFC00, s8  }
0x56c: {  	s12 =	sadd.s32 s23, s8  }
0x56d: {  	s11 =	sshrl.u32 s12, $0x3  }
0x56e: {  	s11 =	sadd.s32 s2, s11  }
0x56f: {  	[tilespmem:s15], [sflag:$0x3] =	stream.linear.gather [hbm4b:s11+s4], $0x40, $0x38;
	[tilespmem:$0x6000] =	vst v63  }
0x570: {  	s13 =	simm.s32 $0x2080;
	s12 =	sadd.s32 $0x10, s11  }
0x571: {  	[tilespmem:s13], [sflag:$0x3] =	stream.linear.gather [hbm4b:s12+s4], $0x40, $0x38;
	[tilespmem:$0x6000] =	vst v63  }
0x572: {  	s16 =	simm.s32 $0x2100;
	s13 =	sadd.s32 $0x20, s11  }
0x573: {  	[tilespmem:s16], [sflag:$0x3] =	stream.linear.gather [hbm4b:s13+s4], $0x40, $0x38;
	[tilespmem:$0x6000] =	vst v63  }
0x574: {  	s13 =	sadd.s32 $0x30, s11;
	s16 =	simm.s32 $0x2180  }
0x575: {  	[tilespmem:s16], [sflag:$0x3] =	stream.linear.gather [hbm4b:s13+s4], $0x40, $0x38;
	[tilespmem:$0x6000] =	vst v63  }
0x576: {  	s13 =	sadd.s32 $0x40, s11;
	s16 =	simm.s32 $0x2200  }
0x577: {  	[tilespmem:s16], [sflag:$0x3] =	stream.linear.gather [hbm4b:s13+s4], $0x40, $0x38;
	[tilespmem:$0x6000] =	vst v63  }
0x578: {  	s13 =	sadd.s32 $0x50, s11;
	s16 =	simm.s32 $0x2280  }
0x579: {  	[tilespmem:s16], [sflag:$0x3] =	stream.linear.gather [hbm4b:s13+s4], $0x40, $0x38;
	[tilespmem:$0x6000] =	vst v63  }
0x57a: {  	s13 =	sadd.s32 $0x60, s11;
	s16 =	simm.s32 $0x2300  }
0x57b: {  	[tilespmem:s16], [sflag:$0x3] =	stream.linear.gather [hbm4b:s13+s4], $0x40, $0x38;
	[tilespmem:$0x6000] =	vst v63  }
0x57c: {  	s11 =	sadd.s32 $0x70, s11;
	s16 =	simm.s32 $0x2380;
	s13 =	sadd.s32 s24, s8  }
0x57d: {  	[tilespmem:s16], [sflag:$0x3] =	stream.linear.gather [hbm4b:s11+s4], $0x40, $0x38;
	[tilespmem:$0x6000] =	vst v63  }
0x57e: {  	s11 =	sshrl.u32 s13, $0x3  }
0x57f: {  	s16 =	simm.s32 $0x2400;
	s11 =	sadd.s32 s2, s11  }
0x580: {  	[tilespmem:s16], [sflag:$0x3] =	stream.linear.gather [hbm4b:s11+s4], $0x40, $0x38;
	[tilespmem:$0x6000] =	vst v63  }
0x581: {  	s13 =	sadd.s32 $0x10, s11;
	s16 =	simm.s32 $0x2480  }
0x582: {  	[tilespmem:s16], [sflag:$0x3] =	stream.linear.gather [hbm4b:s13+s4], $0x40, $0x38;
	[tilespmem:$0x6000] =	vst v63  }
0x583: {  	s13 =	sadd.s32 $0x20, s11;
	s16 =	simm.s32 $0x2500  }
0x584: {  	[tilespmem:s16], [sflag:$0x3] =	stream.linear.gather [hbm4b:s13+s4], $0x40, $0x38;
	[tilespmem:$0x6000] =	vst v63  }
0x585: {  	s13 =	sadd.s32 $0x30, s11;
	s16 =	simm.s32 $0x2580  }
0x586: {  	[tilespmem:s16], [sflag:$0x3] =	stream.linear.gather [hbm4b:s13+s4], $0x40, $0x38;
	[tilespmem:$0x6000] =	vst v63  }
0x587: {  	s13 =	sadd.s32 $0x40, s11;
	s16 =	simm.s32 $0x2600  }
0x588: {  	[tilespmem:s16], [sflag:$0x3] =	stream.linear.gather [hbm4b:s13+s4], $0x40, $0x38;
	[tilespmem:$0x6000] =	vst v63  }
0x589: {  	s13 =	sadd.s32 $0x50, s11;
	s16 =	simm.s32 $0x2680  }
0x58a: {  	[tilespmem:s16], [sflag:$0x3] =	stream.linear.gather [hbm4b:s13+s4], $0x40, $0x38;
	[tilespmem:$0x6000] =	vst v63  }
0x58b: {  	s13 =	sadd.s32 $0x60, s11;
	s16 =	simm.s32 $0x2700  }
0x58c: {  	[tilespmem:s16], [sflag:$0x3] =	stream.linear.gather [hbm4b:s13+s4], $0x40, $0x38;
	[tilespmem:$0x6000] =	vst v63  }
0x58d: {  	s11 =	sadd.s32 $0x70, s11;
	s16 =	simm.s32 $0x2780;
	s13 =	sadd.s32 s25, s8  }
0x58e: {  	[tilespmem:s16], [sflag:$0x3] =	stream.linear.gather [hbm4b:s11+s4], $0x40, $0x38;
	[tilespmem:$0x6000] =	vst v63  }
0x58f: {  	s11 =	sshrl.u32 s13, $0x3  }
0x590: {  	s16 =	simm.s32 $0x2800;
	s11 =	sadd.s32 s2, s11  }
0x591: {  	[tilespmem:s16], [sflag:$0x3] =	stream.linear.gather [hbm4b:s11+s4], $0x40, $0x38;
	[tilespmem:$0x6000] =	vst v63  }
0x592: {  	s13 =	sadd.s32 $0x10, s11;
	s16 =	simm.s32 $0x2880  }
0x593: {  	[tilespmem:s16], [sflag:$0x3] =	stream.linear.gather [hbm4b:s13+s4], $0x40, $0x38;
	[tilespmem:$0x6000] =	vst v63  }
0x594: {  	s13 =	sadd.s32 $0x20, s11;
	s16 =	simm.s32 $0x2900  }
0x595: {  	[tilespmem:s16], [sflag:$0x3] =	stream.linear.gather [hbm4b:s13+s4], $0x40, $0x38;
	[tilespmem:$0x6000] =	vst v63  }
0x596: {  	s13 =	sadd.s32 $0x30, s11;
	s16 =	simm.s32 $0x2980  }
0x597: {  	[tilespmem:s16], [sflag:$0x3] =	stream.linear.gather [hbm4b:s13+s4], $0x40, $0x38;
	[tilespmem:$0x6000] =	vst v63  }
0x598: {  	s13 =	sadd.s32 $0x40, s11;
	s16 =	simm.s32 $0x2A00  }
0x599: {  	[tilespmem:s16], [sflag:$0x3] =	stream.linear.gather [hbm4b:s13+s4], $0x40, $0x38;
	[tilespmem:$0x6000] =	vst v63  }
0x59a: {  	s13 =	sadd.s32 $0x50, s11;
	s16 =	simm.s32 $0x2A80  }
0x59b: {  	[tilespmem:s16], [sflag:$0x3] =	stream.linear.gather [hbm4b:s13+s4], $0x40, $0x38;
	[tilespmem:$0x6000] =	vst v63  }
0x59c: {  	s8 =	sadd.s32 s26, s8;
	s13 =	sadd.s32 $0x60, s11;
	s16 =	simm.s32 $0x2B00  }
0x59d: {  	[tilespmem:s16], [sflag:$0x3] =	stream.linear.gather [hbm4b:s13+s4], $0x40, $0x38;
	[tilespmem:$0x6000] =	vst v63  }
0x59e: {  	s8 =	sshrl.u32 s8, $0x3;
	s11 =	sadd.s32 $0x70, s11;
	s16 =	simm.s32 $0x2B80  }
0x59f: {  	[tilespmem:s16], [sflag:$0x3] =	stream.linear.gather [hbm4b:s11+s4], $0x40, $0x38;
	[tilespmem:$0x6000] =	vst v63  }
0x5a0: {  	s12 =	simm.s32 $0x2C00;
	s8 =	sadd.s32 s2, s8  }
0x5a1: {  	[tilespmem:s12], [sflag:$0x3] =	stream.linear.gather [hbm4b:s8+s4], $0x40, $0x38;
	[tilespmem:$0x6000] =	vst v63  }
0x5a2: {  	s13 =	sadd.s32 $0x10, s8;
	s16 =	simm.s32 $0x2C80  }
0x5a3: {  	[tilespmem:s16], [sflag:$0x3] =	stream.linear.gather [hbm4b:s13+s4], $0x40, $0x38;
	[tilespmem:$0x6000] =	vst v63  }
0x5a4: {  	s13 =	sadd.s32 $0x20, s8;
	s16 =	simm.s32 $0x2D00  }
0x5a5: {  	[tilespmem:s16], [sflag:$0x3] =	stream.linear.gather [hbm4b:s13+s4], $0x40, $0x38;
	[tilespmem:$0x6000] =	vst v63  }
0x5a6: {  	s13 =	sadd.s32 $0x30, s8;
	s16 =	simm.s32 $0x2D80  }
0x5a7: {  	[tilespmem:s16], [sflag:$0x3] =	stream.linear.gather [hbm4b:s13+s4], $0x40, $0x38;
	[tilespmem:$0x6000] =	vst v63  }
0x5a8: {  	s13 =	sadd.s32 $0x40, s8;
	s16 =	simm.s32 $0x2E00  }
0x5a9: {  	[tilespmem:s16], [sflag:$0x3] =	stream.linear.gather [hbm4b:s13+s4], $0x40, $0x38;
	[tilespmem:$0x6000] =	vst v63  }
0x5aa: {  	s13 =	sadd.s32 $0x50, s8;
	s16 =	simm.s32 $0x2E80  }
0x5ab: {  	[tilespmem:s16], [sflag:$0x3] =	stream.linear.gather [hbm4b:s13+s4], $0x40, $0x38;
	[tilespmem:$0x6000] =	vst v63  }
0x5ac: {  	s12 =	sadd.s32 $0x60, s8;
	s13 =	simm.s32 $0x2F00  }
0x5ad: {  	[tilespmem:s13], [sflag:$0x3] =	stream.linear.gather [hbm4b:s12+s4], $0x40, $0x38;
	[tilespmem:$0x6000] =	vst v63  }
0x5ae: {  	s8 =	sadd.s32 $0x70, s8;
	s16 =	simm.s32 $0x2F80  }
0x5af: {  	[tilespmem:s16], [sflag:$0x3] =	stream.linear.gather [hbm4b:s8+s4], $0x40, $0x38;
	[tilespmem:$0x6000] =	vst v63  }
.LBB2_17:
0x5b0: {  	s11 =	sor.u32 $0x3, s10  }
0x5b1: {  	p0 =	sge.u32 s11, s6  }
.Ltmp13:
0x5b2: {  	_ = 	snop;
	(pc) =	sbr.rel @p0 .LBB2_22-.Ltmp13, $1  }
0x5b3: {  	_ =	sdelay $0x3  }
0x5b4: {  	_ =	swait.ge [sflag:s28], $0x200  }
0x5b5: {  	[sflag:s28] =	ssyncset.done $0x0  }
0x5b6: {  	[sflag:s28] =	ssyncadd.s32 $0xFFFFFE00  }
0x5b7: {  	_ =	swait.ge [sflag:s28], $0x200  }
0x5b8: {  	[sflag:s28] =	ssyncset.done $0x0  }
0x5b9: {  	[sflag:s28] =	ssyncadd.s32 $0xFFFFFE00  }
0x5ba: {  	s8 =	simm.s32 $0x0;
	_ =	swait.ge [sflag:s28], $0x200  }
0x5bb: {  	v16 =	vadd.s32 s8, v0;
	[sflag:s28] =	ssyncset.done $0x0  }
0x5bc: {  	v17 =	vand.u32 $0xF, v16;
	[sflag:s28] =	ssyncadd.s32 $0xFFFFFE00  }
0x5bd: {  	v18 =	vshll.u32 v17, $0x7;
	_ =	swait.ge [sflag:s28], $0x200  }
0x5be: {  	p0 =	seq.s32 s9, $0x0;
	v19 =	vor.u32 v0, v18;
	[sflag:s28] =	ssyncset.done $0x0  }
0x5bf: {  	s8 =	simm.s32 @!p0 $0x8;
	[sflag:s28] =	ssyncadd.s32 $0xFFFFFE00  }
0x5c0: {  	_ =	swait.ge @!p0 [sflag:s8], $0x800  }
0x5c1: {  	[sflag:s8] =	ssyncset.done @!p0 $0x0  }
0x5c2: {  	[sflag:s8] =	ssyncadd.s32 @!p0 $0xFFFFF800  }
0x5c3: {  	v19 =	vld.idx.msk [tilespmem:v19+s14+$0x0], $0xffff;
	_ =	sdelay $0x1  }
0x5c4: {  	v20 =	vor.u32 v1, v17  }
0x5c5: {  	v21 =	vor.u32 v2, v18;
	_ =	sdelay $0x1  }
0x5c6: {  	v19 =	vmul.f32 $5.656854150e+00, v19;
	_ =	sdelay $0x1  }
0x5c7: {  	[tilespmem:v20+s7+$0x0] =	vst.idx.msk $0xffff, v19  }
0x5c8: {  	v19 =	vld.idx.msk [tilespmem:v21+s14+$0x0], $0xffff;
	_ =	sdelay $0x1  }
0x5c9: {  	v20 =	vor.u32 v3, v17  }
0x5ca: {  	v21 =	vor.u32 v4, v18;
	_ =	sdelay $0x1  }
0x5cb: {  	v19 =	vmul.f32 $5.656854150e+00, v19;
	_ =	sdelay $0x1  }
0x5cc: {  	[tilespmem:v20+s7+$0x0] =	vst.idx.msk $0xffff, v19  }
0x5cd: {  	v19 =	vld.idx.msk [tilespmem:v21+s14+$0x0], $0xffff;
	_ =	sdelay $0x1  }
0x5ce: {  	v20 =	vor.u32 v5, v17  }
0x5cf: {  	v21 =	vor.u32 v6, v18;
	_ =	sdelay $0x1  }
0x5d0: {  	v19 =	vmul.f32 $5.656854150e+00, v19;
	_ =	sdelay $0x1  }
0x5d1: {  	[tilespmem:v20+s7+$0x0] =	vst.idx.msk $0xffff, v19  }
0x5d2: {  	v19 =	vld.idx.msk [tilespmem:v21+s14+$0x0], $0xffff;
	_ =	sdelay $0x1  }
0x5d3: {  	v17 =	vor.u32 v7, v17  }
0x5d4: {  	v20 =	vor.u32 v8, v18;
	_ =	sdelay $0x1  }
0x5d5: {  	v19 =	vmul.f32 $5.656854150e+00, v19;
	_ =	sdelay $0x1  }
0x5d6: {  	[tilespmem:v17+s7+$0x0] =	vst.idx.msk $0xffff, v19  }
0x5d7: {  	v17 =	vld.idx.msk [tilespmem:v20+s14+$0x0], $0xffff;
	_ =	sdelay $0x1  }
0x5d8: {  	v19 =	vor.u32 v9, v16  }
0x5d9: {  	v20 =	vor.u32 v10, v18;
	_ =	sdelay $0x1  }
0x5da: {  	v17 =	vmul.f32 $5.656854150e+00, v17;
	_ =	sdelay $0x1  }
0x5db: {  	[tilespmem:v19+s7+$0x0] =	vst.idx.msk $0xffff, v17  }
0x5dc: {  	v17 =	vld.idx.msk [tilespmem:v20+s14+$0x0], $0xffff;
	_ =	sdelay $0x1  }
0x5dd: {  	v19 =	vor.u32 v11, v16  }
0x5de: {  	v20 =	vor.u32 v12, v18;
	_ =	sdelay $0x1  }
0x5df: {  	v17 =	vmul.f32 $5.656854150e+00, v17;
	_ =	sdelay $0x1  }
0x5e0: {  	[tilespmem:v19+s7+$0x0] =	vst.idx.msk $0xffff, v17  }
0x5e1: {  	v17 =	vld.idx.msk [tilespmem:v20+s14+$0x0], $0xffff;
	_ =	sdelay $0x1  }
0x5e2: {  	v19 =	vor.u32 v13, v16  }
0x5e3: {  	v18 =	vor.u32 v14, v18;
	_ =	sdelay $0x1  }
0x5e4: {  	v17 =	vmul.f32 $5.656854150e+00, v17;
	_ =	sdelay $0x1  }
0x5e5: {  	s16 =	simm.s32 $0x1;
	[tilespmem:v19+s7+$0x0] =	vst.idx.msk $0xffff, v17  }
0x5e6: {  	v19 =	vadd.s32 s16, v0;
	v17 =	vld.idx.msk [tilespmem:v18+s14+$0x0], $0xffff  }
0x5e7: {  	v18 =	vand.u32 $0xF, v19  }
0x5e8: {  	v16 =	vor.u32 v15, v16;
	v20 =	vshll.u32 v18, $0x7  }
0x5e9: {  	v21 =	vor.u32 v0, v20;
	_ =	sdelay $0x1  }
0x5ea: {  	v17 =	vmul.f32 $5.656854150e+00, v17;
	_ =	sdelay $0x1  }
0x5eb: {  	[tilespmem:v16+s7+$0x0] =	vst.idx.msk $0xffff, v17  }
0x5ec: {  	v16 =	vld.idx.msk [tilespmem:v21+s14+$0x0], $0xffff;
	_ =	sdelay $0x1  }
0x5ed: {  	v17 =	vor.u32 v1, v18  }
0x5ee: {  	v21 =	vor.u32 v2, v20;
	_ =	sdelay $0x1  }
0x5ef: {  	v16 =	vmul.f32 $5.656854150e+00, v16;
	_ =	sdelay $0x1  }
0x5f0: {  	[tilespmem:v17+s7+$0x0] =	vst.idx.msk $0xffff, v16  }
0x5f1: {  	v16 =	vld.idx.msk [tilespmem:v21+s14+$0x0], $0xffff;
	_ =	sdelay $0x1  }
0x5f2: {  	v17 =	vor.u32 v3, v18  }
0x5f3: {  	v21 =	vor.u32 v4, v20;
	_ =	sdelay $0x1  }
0x5f4: {  	v16 =	vmul.f32 $5.656854150e+00, v16;
	_ =	sdelay $0x1  }
0x5f5: {  	[tilespmem:v17+s7+$0x0] =	vst.idx.msk $0xffff, v16  }
0x5f6: {  	v16 =	vld.idx.msk [tilespmem:v21+s14+$0x0], $0xffff;
	_ =	sdelay $0x1  }
0x5f7: {  	v17 =	vor.u32 v5, v18  }
0x5f8: {  	v21 =	vor.u32 v6, v20;
	_ =	sdelay $0x1  }
0x5f9: {  	v16 =	vmul.f32 $5.656854150e+00, v16;
	_ =	sdelay $0x1  }
0x5fa: {  	[tilespmem:v17+s7+$0x0] =	vst.idx.msk $0xffff, v16  }
0x5fb: {  	v16 =	vld.idx.msk [tilespmem:v21+s14+$0x0], $0xffff;
	_ =	sdelay $0x1  }
0x5fc: {  	v17 =	vor.u32 v7, v18  }
0x5fd: {  	v18 =	vor.u32 v8, v20;
	_ =	sdelay $0x1  }
0x5fe: {  	v16 =	vmul.f32 $5.656854150e+00, v16;
	_ =	sdelay $0x1  }
0x5ff: {  	[tilespmem:v17+s7+$0x0] =	vst.idx.msk $0xffff, v16  }
0x600: {  	v16 =	vld.idx.msk [tilespmem:v18+s14+$0x0], $0xffff;
	_ =	sdelay $0x1  }
0x601: {  	v17 =	vor.u32 v9, v19  }
0x602: {  	v18 =	vor.u32 v10, v20;
	_ =	sdelay $0x1  }
0x603: {  	v16 =	vmul.f32 $5.656854150e+00, v16;
	_ =	sdelay $0x1  }
0x604: {  	[tilespmem:v17+s7+$0x0] =	vst.idx.msk $0xffff, v16  }
0x605: {  	v16 =	vld.idx.msk [tilespmem:v18+s14+$0x0], $0xffff;
	_ =	sdelay $0x1  }
0x606: {  	v17 =	vor.u32 v11, v19  }
0x607: {  	v18 =	vor.u32 v12, v20;
	_ =	sdelay $0x1  }
0x608: {  	v16 =	vmul.f32 $5.656854150e+00, v16;
	_ =	sdelay $0x1  }
0x609: {  	[tilespmem:v17+s7+$0x0] =	vst.idx.msk $0xffff, v16  }
0x60a: {  	v16 =	vld.idx.msk [tilespmem:v18+s14+$0x0], $0xffff;
	_ =	sdelay $0x1  }
0x60b: {  	v17 =	vor.u32 v13, v19  }
0x60c: {  	v18 =	vor.u32 v14, v20;
	_ =	sdelay $0x1  }
0x60d: {  	v16 =	vmul.f32 $5.656854150e+00, v16;
	_ =	sdelay $0x1  }
0x60e: {  	s12 =	simm.s32 $0x2;
	[tilespmem:v17+s7+$0x0] =	vst.idx.msk $0xffff, v16  }
0x60f: {  	v16 =	vadd.s32 s12, v0;
	v21 =	vld.idx.msk [tilespmem:v18+s14+$0x0], $0xffff  }
0x610: {  	v18 =	vand.u32 $0xF, v16  }
0x611: {  	v20 =	vor.u32 v15, v19;
	v17 =	vshll.u32 v18, $0x7  }
0x612: {  	v19 =	vor.u32 v0, v17;
	_ =	sdelay $0x1  }
0x613: {  	s11 =	sadd.s32 s5, s11;
	s13 =	simm.s32 $0x4;
	v21 =	vmul.f32 $5.656854150e+00, v21  }
.LBB2_19:
0x614: {  	_ = 	snop  }
0x615: {  	p0 =	slt.u32 s13, $0xE;
	s16 =	smov.u32 s13;
	s13 =	sadd.s32 $0x2, s13;
	[tilespmem:v20+s7+$0x0] =	vst.idx.msk $0xffff, v21  }
0x616: {  	v19 =	vld.idx.msk [tilespmem:v19+s14+$0x0], $0xffff;
	_ =	sdelay $0x2  }
0x617: {  	v20 =	vor.u32 v1, v18  }
0x618: {  	v21 =	vor.u32 v2, v17;
	_ =	sdelay $0x1  }
0x619: {  	v19 =	vmul.f32 $5.656854150e+00, v19;
	_ =	sdelay $0x1  }
0x61a: {  	[tilespmem:v20+s7+$0x0] =	vst.idx.msk $0xffff, v19  }
0x61b: {  	v19 =	vld.idx.msk [tilespmem:v21+s14+$0x0], $0xffff;
	_ =	sdelay $0x2  }
0x61c: {  	v20 =	vor.u32 v3, v18  }
0x61d: {  	v21 =	vor.u32 v4, v17;
	_ =	sdelay $0x1  }
0x61e: {  	v19 =	vmul.f32 $5.656854150e+00, v19;
	_ =	sdelay $0x1  }
0x61f: {  	[tilespmem:v20+s7+$0x0] =	vst.idx.msk $0xffff, v19  }
0x620: {  	v19 =	vld.idx.msk [tilespmem:v21+s14+$0x0], $0xffff;
	_ =	sdelay $0x2  }
0x621: {  	v20 =	vor.u32 v5, v18  }
0x622: {  	v21 =	vor.u32 v6, v17;
	_ =	sdelay $0x1  }
0x623: {  	v19 =	vmul.f32 $5.656854150e+00, v19;
	_ =	sdelay $0x1  }
0x624: {  	[tilespmem:v20+s7+$0x0] =	vst.idx.msk $0xffff, v19  }
0x625: {  	v19 =	vld.idx.msk [tilespmem:v21+s14+$0x0], $0xffff;
	_ =	sdelay $0x2  }
0x626: {  	v18 =	vor.u32 v7, v18  }
0x627: {  	v20 =	vor.u32 v8, v17;
	_ =	sdelay $0x1  }
0x628: {  	v19 =	vmul.f32 $5.656854150e+00, v19;
	_ =	sdelay $0x1  }
0x629: {  	[tilespmem:v18+s7+$0x0] =	vst.idx.msk $0xffff, v19  }
0x62a: {  	v18 =	vld.idx.msk [tilespmem:v20+s14+$0x0], $0xffff;
	_ =	sdelay $0x2  }
0x62b: {  	v19 =	vor.u32 v9, v16  }
0x62c: {  	v20 =	vor.u32 v10, v17;
	_ =	sdelay $0x1  }
0x62d: {  	v18 =	vmul.f32 $5.656854150e+00, v18;
	_ =	sdelay $0x1  }
0x62e: {  	[tilespmem:v19+s7+$0x0] =	vst.idx.msk $0xffff, v18  }
0x62f: {  	v18 =	vld.idx.msk [tilespmem:v20+s14+$0x0], $0xffff;
	_ =	sdelay $0x2  }
0x630: {  	v19 =	vor.u32 v11, v16  }
0x631: {  	v20 =	vor.u32 v12, v17;
	_ =	sdelay $0x1  }
0x632: {  	v18 =	vmul.f32 $5.656854150e+00, v18;
	_ =	sdelay $0x1  }
0x633: {  	[tilespmem:v19+s7+$0x0] =	vst.idx.msk $0xffff, v18  }
0x634: {  	v18 =	vld.idx.msk [tilespmem:v20+s14+$0x0], $0xffff;
	_ =	sdelay $0x2  }
0x635: {  	v19 =	vor.u32 v13, v16  }
0x636: {  	v17 =	vor.u32 v14, v17;
	_ =	sdelay $0x1  }
0x637: {  	v18 =	vmul.f32 $5.656854150e+00, v18;
	_ =	sdelay $0x1  }
0x638: {  	[tilespmem:v19+s7+$0x0] =	vst.idx.msk $0xffff, v18  }
0x639: {  	s8 =	sadd.s32 $0x1, s12;
	s12 =	smov.u32 s16;
	v17 =	vld.idx.msk [tilespmem:v17+s14+$0x0], $0xffff  }
0x63a: {  	v19 =	vadd.s32 s8, v0  }
0x63b: {  	v18 =	vand.u32 $0xF, v19  }
0x63c: {  	v16 =	vor.u32 v15, v16;
	v20 =	vshll.u32 v18, $0x7  }
0x63d: {  	v21 =	vor.u32 v0, v20;
	_ =	sdelay $0x1  }
0x63e: {  	v17 =	vmul.f32 $5.656854150e+00, v17;
	_ =	sdelay $0x1  }
0x63f: {  	[tilespmem:v16+s7+$0x0] =	vst.idx.msk $0xffff, v17  }
0x640: {  	v16 =	vld.idx.msk [tilespmem:v21+s14+$0x0], $0xffff;
	_ =	sdelay $0x2  }
0x641: {  	v17 =	vor.u32 v1, v18  }
0x642: {  	v21 =	vor.u32 v2, v20;
	_ =	sdelay $0x1  }
0x643: {  	v16 =	vmul.f32 $5.656854150e+00, v16;
	_ =	sdelay $0x1  }
0x644: {  	[tilespmem:v17+s7+$0x0] =	vst.idx.msk $0xffff, v16  }
0x645: {  	v16 =	vld.idx.msk [tilespmem:v21+s14+$0x0], $0xffff;
	_ =	sdelay $0x2  }
0x646: {  	v17 =	vor.u32 v3, v18  }
0x647: {  	v21 =	vor.u32 v4, v20;
	_ =	sdelay $0x1  }
0x648: {  	v16 =	vmul.f32 $5.656854150e+00, v16;
	_ =	sdelay $0x1  }
0x649: {  	[tilespmem:v17+s7+$0x0] =	vst.idx.msk $0xffff, v16  }
0x64a: {  	v16 =	vld.idx.msk [tilespmem:v21+s14+$0x0], $0xffff;
	_ =	sdelay $0x2  }
0x64b: {  	v17 =	vor.u32 v5, v18  }
0x64c: {  	v21 =	vor.u32 v6, v20;
	_ =	sdelay $0x1  }
0x64d: {  	v16 =	vmul.f32 $5.656854150e+00, v16;
	_ =	sdelay $0x1  }
0x64e: {  	[tilespmem:v17+s7+$0x0] =	vst.idx.msk $0xffff, v16  }
0x64f: {  	v16 =	vld.idx.msk [tilespmem:v21+s14+$0x0], $0xffff;
	_ =	sdelay $0x2  }
0x650: {  	v17 =	vor.u32 v7, v18  }
0x651: {  	v18 =	vor.u32 v8, v20;
	_ =	sdelay $0x1  }
0x652: {  	v16 =	vmul.f32 $5.656854150e+00, v16;
	_ =	sdelay $0x1  }
0x653: {  	[tilespmem:v17+s7+$0x0] =	vst.idx.msk $0xffff, v16  }
0x654: {  	v16 =	vld.idx.msk [tilespmem:v18+s14+$0x0], $0xffff;
	_ =	sdelay $0x2  }
0x655: {  	v17 =	vor.u32 v9, v19  }
0x656: {  	v18 =	vor.u32 v10, v20;
	_ =	sdelay $0x1  }
0x657: {  	v16 =	vmul.f32 $5.656854150e+00, v16;
	_ =	sdelay $0x1  }
0x658: {  	[tilespmem:v17+s7+$0x0] =	vst.idx.msk $0xffff, v16  }
0x659: {  	v16 =	vld.idx.msk [tilespmem:v18+s14+$0x0], $0xffff;
	_ =	sdelay $0x2  }
0x65a: {  	v17 =	vor.u32 v11, v19  }
0x65b: {  	v18 =	vor.u32 v12, v20;
	_ =	sdelay $0x1  }
0x65c: {  	v16 =	vmul.f32 $5.656854150e+00, v16;
	_ =	sdelay $0x1  }
0x65d: {  	[tilespmem:v17+s7+$0x0] =	vst.idx.msk $0xffff, v16  }
0x65e: {  	v16 =	vld.idx.msk [tilespmem:v18+s14+$0x0], $0xffff;
	_ =	sdelay $0x2  }
0x65f: {  	v17 =	vor.u32 v13, v19  }
0x660: {  	v18 =	vor.u32 v14, v20;
	_ =	sdelay $0x1  }
0x661: {  	v16 =	vmul.f32 $5.656854150e+00, v16;
	_ =	sdelay $0x1  }
0x662: {  	[tilespmem:v17+s7+$0x0] =	vst.idx.msk $0xffff, v16  }
0x663: {  	v21 =	vld.idx.msk [tilespmem:v18+s14+$0x0], $0xffff  }
0x664: {  	v16 =	vadd.s32 s12, v0  }
.Ltmp14:
0x665: {  	v18 =	vand.u32 $0xF, v16;
	(pc) =	sbr.rel @p0 .LBB2_19-.Ltmp14, $3  }
0x666: {  	v20 =	vor.u32 v15, v19;
	v17 =	vshll.u32 v18, $0x7  }
0x667: {  	v19 =	vor.u32 v0, v17;
	_ =	sdelay $0x1  }
0x668: {  	v21 =	vmul.f32 $5.656854150e+00, v21  }
0x669: {  	_ =	sdelay $0x3  }
0x66a: {  	[tilespmem:v20+s7+$0x0] =	vst.idx.msk $0xffff, v21  }
0x66b: {  	v19 =	vld.idx.msk [tilespmem:v19+s14+$0x0], $0xffff;
	_ =	sdelay $0x1  }
0x66c: {  	v40 =	vor.u32 v1, v18  }
0x66d: {  	v41 =	vor.u32 v2, v17;
	_ =	sdelay $0x1  }
0x66e: {  	v19 =	vmul.f32 $5.656854150e+00, v19;
	_ =	sdelay $0x1  }
0x66f: {  	[tilespmem:v40+s7+$0x0] =	vst.idx.msk $0xffff, v19  }
0x670: {  	v19 =	vld.idx.msk [tilespmem:v41+s14+$0x0], $0xffff;
	_ =	sdelay $0x1  }
0x671: {  	v42 =	vor.u32 v3, v18  }
0x672: {  	v43 =	vor.u32 v4, v17;
	_ =	sdelay $0x1  }
0x673: {  	v19 =	vmul.f32 $5.656854150e+00, v19;
	_ =	sdelay $0x1  }
0x674: {  	[tilespmem:v42+s7+$0x0] =	vst.idx.msk $0xffff, v19  }
0x675: {  	v19 =	vld.idx.msk [tilespmem:v43+s14+$0x0], $0xffff;
	_ =	sdelay $0x1  }
0x676: {  	v44 =	vor.u32 v5, v18  }
0x677: {  	v45 =	vor.u32 v6, v17;
	_ =	sdelay $0x1  }
0x678: {  	v19 =	vmul.f32 $5.656854150e+00, v19;
	_ =	sdelay $0x1  }
0x679: {  	[tilespmem:v44+s7+$0x0] =	vst.idx.msk $0xffff, v19  }
0x67a: {  	v19 =	vld.idx.msk [tilespmem:v45+s14+$0x0], $0xffff;
	_ =	sdelay $0x1  }
0x67b: {  	v46 =	vor.u32 v7, v18  }
0x67c: {  	v47 =	vor.u32 v8, v17;
	_ =	sdelay $0x1  }
0x67d: {  	v19 =	vmul.f32 $5.656854150e+00, v19;
	_ =	sdelay $0x1  }
0x67e: {  	[tilespmem:v46+s7+$0x0] =	vst.idx.msk $0xffff, v19  }
0x67f: {  	v18 =	vld.idx.msk [tilespmem:v47+s14+$0x0], $0xffff;
	_ =	sdelay $0x1  }
0x680: {  	v48 =	vor.u32 v9, v16  }
0x681: {  	v49 =	vor.u32 v10, v17;
	_ =	sdelay $0x1  }
0x682: {  	v18 =	vmul.f32 $5.656854150e+00, v18;
	_ =	sdelay $0x1  }
0x683: {  	[tilespmem:v48+s7+$0x0] =	vst.idx.msk $0xffff, v18  }
0x684: {  	v18 =	vld.idx.msk [tilespmem:v49+s14+$0x0], $0xffff;
	_ =	sdelay $0x1  }
0x685: {  	v50 =	vor.u32 v11, v16  }
0x686: {  	v51 =	vor.u32 v12, v17;
	_ =	sdelay $0x1  }
0x687: {  	v18 =	vmul.f32 $5.656854150e+00, v18;
	_ =	sdelay $0x1  }
0x688: {  	[tilespmem:v50+s7+$0x0] =	vst.idx.msk $0xffff, v18  }
0x689: {  	v18 =	vld.idx.msk [tilespmem:v51+s14+$0x0], $0xffff;
	_ =	sdelay $0x1  }
0x68a: {  	v52 =	vor.u32 v13, v16  }
0x68b: {  	v17 =	vor.u32 v14, v17;
	_ =	sdelay $0x1  }
0x68c: {  	v18 =	vmul.f32 $5.656854150e+00, v18;
	_ =	sdelay $0x1  }
0x68d: {  	s8 =	sadd.s32 $0x1, s12;
	[tilespmem:v52+s7+$0x0] =	vst.idx.msk $0xffff, v18  }
0x68e: {  	v53 =	vadd.s32 s8, v0;
	v17 =	vld.idx.msk [tilespmem:v17+s14+$0x0], $0xffff  }
0x68f: {  	v54 =	vand.u32 $0xF, v53  }
0x690: {  	v16 =	vor.u32 v15, v16;
	v55 =	vshll.u32 v54, $0x7  }
0x691: {  	v56 =	vor.u32 v0, v55;
	_ =	sdelay $0x1  }
0x692: {  	v17 =	vmul.f32 $5.656854150e+00, v17;
	_ =	sdelay $0x1  }
0x693: {  	[tilespmem:v16+s7+$0x0] =	vst.idx.msk $0xffff, v17  }
0x694: {  	v16 =	vld.idx.msk [tilespmem:v56+s14+$0x0], $0xffff;
	_ =	sdelay $0x1  }
0x695: {  	v17 =	vor.u32 v1, v54  }
0x696: {  	v57 =	vor.u32 v2, v55;
	_ =	sdelay $0x1  }
0x697: {  	v16 =	vmul.f32 $5.656854150e+00, v16;
	_ =	sdelay $0x1  }
0x698: {  	[tilespmem:v17+s7+$0x0] =	vst.idx.msk $0xffff, v16  }
0x699: {  	v16 =	vld.idx.msk [tilespmem:v57+s14+$0x0], $0xffff;
	_ =	sdelay $0x1  }
0x69a: {  	v17 =	vor.u32 v3, v54  }
0x69b: {  	v58 =	vor.u32 v4, v55;
	_ =	sdelay $0x1  }
0x69c: {  	v16 =	vmul.f32 $5.656854150e+00, v16;
	_ =	sdelay $0x1  }
0x69d: {  	[tilespmem:v17+s7+$0x0] =	vst.idx.msk $0xffff, v16  }
0x69e: {  	v16 =	vld.idx.msk [tilespmem:v58+s14+$0x0], $0xffff;
	_ =	sdelay $0x1  }
0x69f: {  	v17 =	vor.u32 v5, v54  }
0x6a0: {  	v59 =	vor.u32 v6, v55;
	_ =	sdelay $0x1  }
0x6a1: {  	v16 =	vmul.f32 $5.656854150e+00, v16;
	_ =	sdelay $0x1  }
0x6a2: {  	[tilespmem:v17+s7+$0x0] =	vst.idx.msk $0xffff, v16  }
0x6a3: {  	v16 =	vld.idx.msk [tilespmem:v59+s14+$0x0], $0xffff;
	_ =	sdelay $0x1  }
0x6a4: {  	v17 =	vor.u32 v7, v54  }
0x6a5: {  	v60 =	vor.u32 v8, v55;
	_ =	sdelay $0x1  }
0x6a6: {  	v16 =	vmul.f32 $5.656854150e+00, v16;
	_ =	sdelay $0x1  }
0x6a7: {  	[tilespmem:v17+s7+$0x0] =	vst.idx.msk $0xffff, v16  }
0x6a8: {  	v16 =	vld.idx.msk [tilespmem:v60+s14+$0x0], $0xffff;
	_ =	sdelay $0x1  }
0x6a9: {  	v17 =	vor.u32 v9, v53  }
0x6aa: {  	v61 =	vor.u32 v10, v55;
	_ =	sdelay $0x1  }
0x6ab: {  	v16 =	vmul.f32 $5.656854150e+00, v16;
	_ =	sdelay $0x1  }
0x6ac: {  	[tilespmem:v17+s7+$0x0] =	vst.idx.msk $0xffff, v16  }
0x6ad: {  	v16 =	vld.idx.msk [tilespmem:v61+s14+$0x0], $0xffff;
	_ =	sdelay $0x1  }
0x6ae: {  	v17 =	vor.u32 v11, v53  }
0x6af: {  	v62 =	vor.u32 v12, v55;
	_ =	sdelay $0x1  }
0x6b0: {  	v16 =	vmul.f32 $5.656854150e+00, v16;
	_ =	sdelay $0x1  }
0x6b1: {  	[tilespmem:v17+s7+$0x0] =	vst.idx.msk $0xffff, v16  }
0x6b2: {  	v16 =	vld.idx.msk [tilespmem:v62+s14+$0x0], $0xffff;
	_ =	sdelay $0x1  }
0x6b3: {  	v17 =	vor.u32 v13, v53  }
0x6b4: {  	v63 =	vor.u32 v14, v55;
	_ =	sdelay $0x1  }
0x6b5: {  	v16 =	vmul.f32 $5.656854150e+00, v16;
	_ =	sdelay $0x1  }
0x6b6: {  	[tilespmem:v17+s7+$0x0] =	vst.idx.msk $0xffff, v16  }
0x6b7: {  	v16 =	vld.idx.msk [tilespmem:v63+s14+$0x0], $0xffff;
	_ =	sdelay $0x1  }
0x6b8: {  	v17 =	vor.u32 v15, v53  }
0x6b9: {  	p0 =	sge.u32 s10, s1  }
.Ltmp15:
0x6ba: {  	_ = 	snop;
	(pc) =	sbr.rel @p0 .LBB2_22-.Ltmp15, $4  }
0x6bb: {  	s16 =	sshll.u32 s11, $0x8;
	v16 =	vmul.f32 $5.656854150e+00, v16  }
0x6bc: {  	s8 =	sand.u32 $0x1FFFFF00, s16  }
0x6bd: {  	s8 =	sadd.s32 s3, s8;
	[tilespmem:v17+s7+$0x0] =	vst.idx.msk $0xffff, v16  }
0x6be: {  	[hbm4b:s8+s4] =	stream.linear.scatter [tilespmem:s7], [sflag:$0x8], $0x800, $0x38;
	[tilespmem:$0x6000] =	vst v63  }
0x6bf: {  	s8 =	sshll.u32 s11, $0x6;
	s10 =	sshll.u32 s11, $0x9  }
0x6c0: {  	s8 =	sand.u32 $0x40, s8;
	s10 =	sand.u32 $0x7FFFFC00, s10  }
0x6c1: {  	s8 =	sor.u32 s8, s10  }
0x6c2: {  	s10 =	sadd.s32 $0x800, s8  }
0x6c3: {  	s10 =	sshrl.u32 s10, $0x3  }
0x6c4: {  	s10 =	sadd.s32 s2, s10  }
0x6c5: {  	[tilespmem:s14], [sflag:$0x4] =	stream.linear.gather [hbm4b:s10+s4], $0x40, $0x38;
	[tilespmem:$0x6000] =	vst v63  }
0x6c6: {  	s12 =	simm.s32 $0x3080;
	s16 =	sadd.s32 $0x10, s10  }
0x6c7: {  	[tilespmem:s12], [sflag:$0x4] =	stream.linear.gather [hbm4b:s16+s4], $0x40, $0x38;
	[tilespmem:$0x6000] =	vst v63  }
0x6c8: {  	s13 =	sadd.s32 $0x20, s10;
	s16 =	simm.s32 $0x3100  }
0x6c9: {  	[tilespmem:s16], [sflag:$0x4] =	stream.linear.gather [hbm4b:s13+s4], $0x40, $0x38;
	[tilespmem:$0x6000] =	vst v63  }
0x6ca: {  	s13 =	sadd.s32 $0x30, s10;
	s16 =	simm.s32 $0x3180  }
0x6cb: {  	[tilespmem:s16], [sflag:$0x4] =	stream.linear.gather [hbm4b:s13+s4], $0x40, $0x38;
	[tilespmem:$0x6000] =	vst v63  }
0x6cc: {  	s13 =	sadd.s32 $0x40, s10;
	s16 =	simm.s32 $0x3200  }
0x6cd: {  	[tilespmem:s16], [sflag:$0x4] =	stream.linear.gather [hbm4b:s13+s4], $0x40, $0x38;
	[tilespmem:$0x6000] =	vst v63  }
0x6ce: {  	s13 =	sadd.s32 $0x50, s10;
	s16 =	simm.s32 $0x3280  }
0x6cf: {  	[tilespmem:s16], [sflag:$0x4] =	stream.linear.gather [hbm4b:s13+s4], $0x40, $0x38;
	[tilespmem:$0x6000] =	vst v63  }
0x6d0: {  	s12 =	sadd.s32 $0x60, s10;
	s13 =	simm.s32 $0x3300  }
0x6d1: {  	[tilespmem:s13], [sflag:$0x4] =	stream.linear.gather [hbm4b:s12+s4], $0x40, $0x38;
	[tilespmem:$0x6000] =	vst v63  }
0x6d2: {  	s11 =	sadd.s32 $0x7A1C00, s8;
	s10 =	sadd.s32 $0x70, s10;
	s16 =	simm.s32 $0x3380  }
0x6d3: {  	[tilespmem:s16], [sflag:$0x4] =	stream.linear.gather [hbm4b:s10+s4], $0x40, $0x38;
	[tilespmem:$0x6000] =	vst v63  }
0x6d4: {  	s10 =	sshrl.u32 s11, $0x3  }
0x6d5: {  	s12 =	simm.s32 $0x3400;
	s10 =	sadd.s32 s2, s10  }
0x6d6: {  	[tilespmem:s12], [sflag:$0x4] =	stream.linear.gather [hbm4b:s10+s4], $0x40, $0x38;
	[tilespmem:$0x6000] =	vst v63  }
0x6d7: {  	s16 =	simm.s32 $0x3480;
	s13 =	sadd.s32 $0x10, s10  }
0x6d8: {  	[tilespmem:s16], [sflag:$0x4] =	stream.linear.gather [hbm4b:s13+s4], $0x40, $0x38;
	[tilespmem:$0x6000] =	vst v63  }
0x6d9: {  	s13 =	sadd.s32 $0x20, s10;
	s16 =	simm.s32 $0x3500  }
0x6da: {  	[tilespmem:s16], [sflag:$0x4] =	stream.linear.gather [hbm4b:s13+s4], $0x40, $0x38;
	[tilespmem:$0x6000] =	vst v63  }
0x6db: {  	s13 =	sadd.s32 $0x30, s10;
	s16 =	simm.s32 $0x3580  }
0x6dc: {  	[tilespmem:s16], [sflag:$0x4] =	stream.linear.gather [hbm4b:s13+s4], $0x40, $0x38;
	[tilespmem:$0x6000] =	vst v63  }
0x6dd: {  	s13 =	sadd.s32 $0x40, s10;
	s16 =	simm.s32 $0x3600  }
0x6de: {  	[tilespmem:s16], [sflag:$0x4] =	stream.linear.gather [hbm4b:s13+s4], $0x40, $0x38;
	[tilespmem:$0x6000] =	vst v63  }
0x6df: {  	s13 =	sadd.s32 $0x50, s10;
	s16 =	simm.s32 $0x3680  }
0x6e0: {  	[tilespmem:s16], [sflag:$0x4] =	stream.linear.gather [hbm4b:s13+s4], $0x40, $0x38;
	[tilespmem:$0x6000] =	vst v63  }
0x6e1: {  	s12 =	sadd.s32 $0x60, s10;
	s13 =	simm.s32 $0x3700  }
0x6e2: {  	[tilespmem:s13], [sflag:$0x4] =	stream.linear.gather [hbm4b:s12+s4], $0x40, $0x38;
	[tilespmem:$0x6000] =	vst v63  }
0x6e3: {  	s11 =	sadd.s32 $0xF43000, s8;
	s10 =	sadd.s32 $0x70, s10;
	s16 =	simm.s32 $0x3780  }
0x6e4: {  	[tilespmem:s16], [sflag:$0x4] =	stream.linear.gather [hbm4b:s10+s4], $0x40, $0x38;
	[tilespmem:$0x6000] =	vst v63  }
0x6e5: {  	s10 =	sshrl.u32 s11, $0x3  }
0x6e6: {  	s12 =	simm.s32 $0x3800;
	s10 =	sadd.s32 s2, s10  }
0x6e7: {  	[tilespmem:s12], [sflag:$0x4] =	stream.linear.gather [hbm4b:s10+s4], $0x40, $0x38;
	[tilespmem:$0x6000] =	vst v63  }
0x6e8: {  	s16 =	simm.s32 $0x3880;
	s13 =	sadd.s32 $0x10, s10  }
0x6e9: {  	[tilespmem:s16], [sflag:$0x4] =	stream.linear.gather [hbm4b:s13+s4], $0x40, $0x38;
	[tilespmem:$0x6000] =	vst v63  }
0x6ea: {  	s13 =	sadd.s32 $0x20, s10;
	s16 =	simm.s32 $0x3900  }
0x6eb: {  	[tilespmem:s16], [sflag:$0x4] =	stream.linear.gather [hbm4b:s13+s4], $0x40, $0x38;
	[tilespmem:$0x6000] =	vst v63  }
0x6ec: {  	s13 =	sadd.s32 $0x30, s10;
	s16 =	simm.s32 $0x3980  }
0x6ed: {  	[tilespmem:s16], [sflag:$0x4] =	stream.linear.gather [hbm4b:s13+s4], $0x40, $0x38;
	[tilespmem:$0x6000] =	vst v63  }
0x6ee: {  	s13 =	sadd.s32 $0x40, s10;
	s16 =	simm.s32 $0x3A00  }
0x6ef: {  	[tilespmem:s16], [sflag:$0x4] =	stream.linear.gather [hbm4b:s13+s4], $0x40, $0x38;
	[tilespmem:$0x6000] =	vst v63  }
0x6f0: {  	s13 =	sadd.s32 $0x50, s10;
	s16 =	simm.s32 $0x3A80  }
0x6f1: {  	[tilespmem:s16], [sflag:$0x4] =	stream.linear.gather [hbm4b:s13+s4], $0x40, $0x38;
	[tilespmem:$0x6000] =	vst v63  }
0x6f2: {  	s8 =	sadd.s32 $0x16E4400, s8;
	s12 =	sadd.s32 $0x60, s10;
	s13 =	simm.s32 $0x3B00  }
0x6f3: {  	[tilespmem:s13], [sflag:$0x4] =	stream.linear.gather [hbm4b:s12+s4], $0x40, $0x38;
	[tilespmem:$0x6000] =	vst v63  }
0x6f4: {  	s8 =	sshrl.u32 s8, $0x3;
	s10 =	sadd.s32 $0x70, s10;
	s16 =	simm.s32 $0x3B80  }
0x6f5: {  	[tilespmem:s16], [sflag:$0x4] =	stream.linear.gather [hbm4b:s10+s4], $0x40, $0x38;
	[tilespmem:$0x6000] =	vst v63  }
0x6f6: {  	s8 =	sadd.s32 s2, s8;
	s12 =	simm.s32 $0x3C00  }
0x6f7: {  	[tilespmem:s12], [sflag:$0x4] =	stream.linear.gather [hbm4b:s8+s4], $0x40, $0x38;
	[tilespmem:$0x6000] =	vst v63  }
0x6f8: {  	s13 =	sadd.s32 $0x10, s8;
	s16 =	simm.s32 $0x3C80  }
0x6f9: {  	[tilespmem:s16], [sflag:$0x4] =	stream.linear.gather [hbm4b:s13+s4], $0x40, $0x38;
	[tilespmem:$0x6000] =	vst v63  }
0x6fa: {  	s11 =	sadd.s32 $0x20, s8;
	s12 =	simm.s32 $0x3D00  }
0x6fb: {  	[tilespmem:s12], [sflag:$0x4] =	stream.linear.gather [hbm4b:s11+s4], $0x40, $0x38;
	[tilespmem:$0x6000] =	vst v63  }
0x6fc: {  	s13 =	sadd.s32 $0x30, s8;
	s16 =	simm.s32 $0x3D80  }
0x6fd: {  	[tilespmem:s16], [sflag:$0x4] =	stream.linear.gather [hbm4b:s13+s4], $0x40, $0x38;
	[tilespmem:$0x6000] =	vst v63  }
0x6fe: {  	s11 =	sadd.s32 $0x40, s8;
	s12 =	simm.s32 $0x3E00  }
0x6ff: {  	[tilespmem:s12], [sflag:$0x4] =	stream.linear.gather [hbm4b:s11+s4], $0x40, $0x38;
	[tilespmem:$0x6000] =	vst v63  }
0x700: {  	s13 =	sadd.s32 $0x50, s8;
	s16 =	simm.s32 $0x3E80  }
0x701: {  	[tilespmem:s16], [sflag:$0x4] =	stream.linear.gather [hbm4b:s13+s4], $0x40, $0x38;
	[tilespmem:$0x6000] =	vst v63  }
.Ltmp16:
0x702: {  	_ = 	snop;
	(pc) =	sbr.rel .LBB2_22-.Ltmp16, $4  }
0x703: {  	s12 =	sadd.s32 $0x60, s8;
	s13 =	simm.s32 $0x3F00  }
0x704: {  	[tilespmem:s13], [sflag:$0x4] =	stream.linear.gather [hbm4b:s12+s4], $0x40, $0x38;
	[tilespmem:$0x6000] =	vst v63  }
0x705: {  	s8 =	sadd.s32 $0x70, s8;
	s16 =	simm.s32 $0x3F80  }
0x706: {  	[tilespmem:s16], [sflag:$0x4] =	stream.linear.gather [hbm4b:s8+s4], $0x40, $0x38;
	[tilespmem:$0x6000] =	vst v63  }
.LBB2_24:
0x707: {  	_ =	sfence.sel $0x180000  }
0x708: {  	[bflag:$0x0] =	sbarrier.arrive $0xFFFF  }
0x709: {  	_ =	strace $0x90000047  }
0x70a: {  	s0 =	stileid.u32;
	[bflag:$0x2] =	sbarrier.arrive $0xFFFF  }
0x70b: {  	p0 =	sne.s32 s0, $0x0;
	s0 =	rddreg [dreg:$0x2]  }
0x70c: {  	s0 =	sadd.s32 @!p0 $0x100000, s0  }
0x70d: {  	[sflag:s0] =	ssyncadd.tile.s32 @!p0 $0x1;
	_ =	shalt  }
.Lfunc_end2:
_tile_overlayer_lowered:
.L_overlay_start_2:
0x70e: {  	(tag) =	ssettag $0x2  }
0x70f: {  	s0 =	rddreg [dreg:$0x0];
	s2 =	stileid.u32  }
0x710: {  	s1 =	rddreg [dreg:$0x1];
	p0 =	sne.s32 s2, $0x0  }
0x711: {  	s3 =	rddreg [dreg:$0x2];
	[bflag:$0x3] =	sbarrier.arrive $0xFFFF;
	s2 =	simm.s32 @!p0 $0x1C09  }
0x712: {  	[timem:s3], [sflag:s2] =	dma.local @!p0 [hbm:s0], s1  }
0x713: {  	s0 =	simm.s32 @!p0 $0x9  }
0x714: {  	_ =	swait.ge @!p0 [sflag:s0], s1  }
0x715: {  	s1 =	ssub.s32 @!p0 $0x0, s1;
	[sflag:s0] =	ssyncset.done @!p0 $0x0  }
0x716: {  	[sflag:s0] =	ssyncadd.s32 @!p0 s1  }
0x717: {  	[bflag:$0x3] =	sbarrier.arrive $0xFFFF  }
0x718: {  	_ =	shalt  }

</sc_bundles>
